<compile_context>
chip_gen: v7x
topology: tpu7x:2x2x1
jax: 0.10.2.dev20260603
libtpu: 0.0.44.dev20260713+nightly
codegen_flags: <defaults>
</compile_context>

<pallas_src>
import functools

import jax
import jax.numpy as jnp
from jax import lax
from jax.experimental import pallas as pl
from jax.experimental.pallas import tpu as pltpu
from jax.experimental.pallas import tpu_sc as plsc

_B, _L, _D = 4, 2048, 1024
_E, _K, _KWIN = 16, 2, 25
_PAD = (_KWIN - 1) // 2
_NT = _B * _L
_NSUB = 16
_TPT = _NT // _NSUB
_CAP = 8.0
_ZR = 128


_CH = 512


def _ln(h, g, b):
    mu = jnp.mean(h, axis=1, keepdims=True)
    d = h - mu
    var = jnp.mean(d * d, axis=1, keepdims=True)
    return d * lax.rsqrt(var + 1e-5) * g + b


_MB = 128
_MBW = 160


def _band_mats():
    i = jnp.arange(_MB)[:, None]
    j = jnp.arange(_MBW)[None, :]
    d = j - i
    inv = 1.0 / _KWIN
    Am = jnp.where((d >= 4) & (d <= 28), inv, 0.0).astype(jnp.float32)
    A0 = (jnp.where(j == 0, jnp.maximum(13 - i, 0), 0.0)
          + jnp.where((j >= 1) & (d >= -12) & (d <= 12), 1.0, 0.0)) * inv
    Ab = (jnp.where((d >= 20) & (d <= 44) & (j <= 158), 1.0, 0.0)
          + jnp.where(j == 159, jnp.maximum(i - 114, 0), 0.0)) * inv
    return A0.astype(jnp.float32), Am, Ab.astype(jnp.float32)


def _fused_body(x_ref, Wt_ref, bt_ref, gt_ref, bet_ref, Ws_ref, bs_ref,
                gs_ref, bes_ref, W2_ref, b2_ref, A0_ref, Am_ref, Ab_ref,
                med_ref):
    xb = x_ref[0]
    bt = bt_ref[...]
    gt = gt_ref[...]
    bet = bet_ref[...]
    bs = bs_ref[...]
    gs = gs_ref[...]
    bes = bes_ref[...]
    W2 = W2_ref[...]
    b2 = b2_ref[...]
    A0 = A0_ref[...]
    Am = Am_ref[...]
    Ab = Ab_ref[...]
    nch = _L // _CH
    outs = []
    for c in range(nch):
        s0 = 0 if c == 0 else c * _CH - 16
        s1 = min((c + 1) * _CH + 16, _L)
        seg = xb[s0:s1]
        h1 = jnp.dot(seg, Wt_ref[...], preferred_element_type=jnp.float32)
        h2 = jnp.dot(seg, Ws_ref[...], preferred_element_type=jnp.float32)
        m1b, m2b = [], []
        for s in range(_CH // _MB):
            tok0 = c * _CH + s * _MB
            if c == 0 and s == 0:
                A, b0 = A0, 0
            elif c == nch - 1 and s == _CH // _MB - 1:
                A, b0 = Ab, _L - _MBW - s0
            else:
                A, b0 = Am, tok0 - 16 - s0
            m1b.append(jnp.dot(A, h1[b0:b0 + _MBW],
                               preferred_element_type=jnp.float32))
            m2b.append(jnp.dot(A, h2[b0:b0 + _MBW],
                               preferred_element_type=jnp.float32))
        m1 = jnp.concatenate(m1b, axis=0)
        m2 = jnp.concatenate(m2b, axis=0)
        t0 = c * _CH - s0
        ti = _ln(h1[t0:t0 + _CH] - m1 + bt, gt, bet)
        si = _ln(m2 + bs, gs, bes)
        a = jnp.maximum(ti + si, 0.0)
        outs.append(jnp.dot(a, W2, preferred_element_type=jnp.float32) + b2)
    med_ref[...] = jnp.concatenate(outs, axis=0)


def _fused_dense(x, Wt, bt, gt, bet, Ws, bs, gs, bes, W2, b2, interpret=False):
    full = lambda b: (0, 0)
    A0, Am, Ab = _band_mats()
    return pl.pallas_call(
        _fused_body,
        grid=(_B,),
        in_specs=[
            pl.BlockSpec((1, _L, _D), lambda b: (b, 0, 0)),
            pl.BlockSpec((_D, _D), full),
            pl.BlockSpec((1, _D), full),
            pl.BlockSpec((1, _D), full),
            pl.BlockSpec((1, _D), full),
            pl.BlockSpec((_D, _D), full),
            pl.BlockSpec((1, _D), full),
            pl.BlockSpec((1, _D), full),
            pl.BlockSpec((1, _D), full),
            pl.BlockSpec((_D, _E), full),
            pl.BlockSpec((1, _E), full),
            pl.BlockSpec((_MB, _MBW), full),
            pl.BlockSpec((_MB, _MBW), full),
            pl.BlockSpec((_MB, _MBW), full),
        ],
        out_specs=pl.BlockSpec((_L, _E), lambda b: (b, 0)),
        out_shape=jax.ShapeDtypeStruct((_NT, _E), jnp.float32),
        interpret=interpret,
    )(x, Wt, bt, gt, bet, Ws, bs, gs, bes, W2, b2, A0, Am, Ab)


@functools.cache
def _build_route_kernel():
    sc_mesh = plsc.VectorSubcoreMesh(
        core_axis_name="c", subcore_axis_name="s",
        num_cores=1, num_subcores=_NSUB)
    return functools.partial(
        pl.kernel,
        out_type=jax.ShapeDtypeStruct((_NT, _E), jnp.float32),
        mesh=sc_mesh,
        compiler_params=pltpu.CompilerParams(needs_layout_passes=False),
        scratch_types=[
        pltpu.VMEM((_TPT, _E), jnp.float32),
        pltpu.VMEM((2, _E), jnp.float32),
        pltpu.VMEM((_NSUB, 2, _E), jnp.float32),
        pltpu.VMEM((_E, _E), jnp.float32),
        pltpu.VMEM((_E, _E), jnp.float32),
        pltpu.VMEM((_E, _E), jnp.float32),
        pltpu.VMEM((_ZR, _E), jnp.float32),
        pltpu.VMEM_SHARED((_NSUB, 2, _E), jnp.float32),
        ],
    )(_route_body)


def _route_body(med_hbm, out_hbm, med_v, selp_v, comb_v, rows_v, g_v,
                ob_v, z_v, shared):
    wid = lax.axis_index("s")
    base = wid * _TPT
    pltpu.sync_copy(med_hbm.at[pl.ds(base, _TPT)], med_v)

    iota = lax.iota(jnp.int32, _E)
    zero = jnp.zeros((_E,), jnp.float32)
    neg = jnp.full((_E,), -3.4e38, jnp.float32)

    def tok(i, carry):
        s1, s2 = carry
        v = med_v[i]
        m1 = jnp.max(v)
        i1 = plsc.all_reduce_ffs(v == m1)
        oh1 = iota == i1
        v2 = jnp.where(oh1, neg, v)
        m2 = jnp.max(v2)
        i2 = plsc.all_reduce_ffs(v2 == m2)
        oh2 = iota == i2
        return jnp.where(oh1, 1.0, s1), jnp.where(oh2, 1.0, s2)

    s1, s2 = lax.fori_loop(0, _TPT, tok, (zero, zero), unroll=4)
    selp_v[0] = s1
    selp_v[1] = s2
    pltpu.sync_copy(selp_v, shared.at[wid])

    def zb(i, _):
        z_v[i] = zero
        return 0
    lax.fori_loop(0, _ZR, zb, 0, unroll=8)
    for k in range(_TPT // _ZR):
        pltpu.sync_copy(z_v, out_hbm.at[pl.ds(base + k * _ZR, _ZR)])

    plsc.subcore_barrier()

    @pl.when(wid == 0)
    def _finish():
        pltpu.sync_copy(shared, comb_v)
        tpb = _NSUB // _B
        den = [jnp.full((_E,), 1e-4, jnp.float32),
               jnp.full((_E,), 1e-4, jnp.float32)]
        ts = []
        for b in range(_B):
            sel = []
            for j in range(_K):
                acc = comb_v[b * tpb, j]
                for t in range(1, tpb):
                    acc = jnp.maximum(acc, comb_v[b * tpb + t, j])
                sel.append(acc)
            pltpu.sync_copy(med_hbm.at[pl.ds(b * _L, _E)], rows_v)
            for l in range(_E):
                v = rows_v[l]
                e = jnp.exp(v - jnp.max(v))
                g_v[l] = e / jnp.sum(e)
            tb = []
            for j in range(_K):
                colj = plsc.load_gather(
                    g_v, [iota, jnp.full((_E,), j, jnp.int32)])
                tj = colj * sel[j]
                den[j] = den[j] + tj
                tb.append(tj)
            ts.append(tb)
        for b in range(_B):
            for l in range(_E):
                ob_v[l] = zero
            for j in range(_K):
                oj = ts[b][j] / den[j] * _CAP
                plsc.store_scatter(
                    ob_v, [iota, jnp.full((_E,), j, jnp.int32)], oj)
            pltpu.sync_copy(ob_v, out_hbm.at[pl.ds(b * _L, _E)])


def kernel(x, Wt, bt, gt, bet, Ws, bs, gs, bes, W2, b2):
    med = _fused_dense(x, Wt, bt.reshape(1, _D), gt.reshape(1, _D),
                       bet.reshape(1, _D), Ws, bs.reshape(1, _D),
                       gs.reshape(1, _D), bes.reshape(1, _D), W2,
                       b2.reshape(1, _E))
    out2 = _build_route_kernel()(med)
    return out2.reshape(_B, _L, _E)

# --- scband reference (transcript-rebuilt; emitter-appended) ---
"""Pipeline reference for scband-gating-network-with-decomp-with-top-k-84765474554321 (READ-ONLY COPY).

The authoritative reference and input builder live on the scoring server;
editing this copy changes nothing except your own understanding.
"""

import jax, jax.numpy as jnp
import numpy as np

INPUT_SIZE = 1024
HIDDEN = 1024
NUM_EXPERTS = 16
K_VALUE = 2
KERNEL = 25
CAP_FACTOR = 2.0


def setup_inputs(seed: int = 0):
    key = jax.random.key(seed)
    ks = jax.random.split(key, 12)
    B, L = 4, 2048
    x = jax.random.normal(ks[0], (B, L, INPUT_SIZE), dtype=jnp.float32)
    s1 = 1.0 / np.sqrt(INPUT_SIZE)
    Wt = jax.random.uniform(ks[1], (INPUT_SIZE, HIDDEN), jnp.float32, -s1, s1)
    bt = jax.random.uniform(ks[2], (HIDDEN,), jnp.float32, -s1, s1)
    gt = jnp.ones((HIDDEN,), jnp.float32)
    bet = jnp.zeros((HIDDEN,), jnp.float32)
    Ws = jax.random.uniform(ks[3], (INPUT_SIZE, HIDDEN), jnp.float32, -s1, s1)
    bs = jax.random.uniform(ks[4], (HIDDEN,), jnp.float32, -s1, s1)
    gs = jnp.ones((HIDDEN,), jnp.float32)
    bes = jnp.zeros((HIDDEN,), jnp.float32)
    s2 = 1.0 / np.sqrt(HIDDEN)
    W2 = jax.random.uniform(ks[5], (HIDDEN, NUM_EXPERTS), jnp.float32, -s2, s2)
    b2 = jax.random.uniform(ks[6], (NUM_EXPERTS,), jnp.float32, -s2, s2)
    return {"x": x, "Wt": Wt, "bt": bt, "gt": gt, "bet": bet, "Ws": Ws, "bs": bs, "gs": gs, "bes": bes, "W2": W2, "b2": b2}


def _moving_avg(x, k):
    # faithful port of Autoformer moving_avg: edge-replication padding + AvgPool1d(kernel=k, stride=1)
    pad = (k - 1) // 2
    front = jnp.repeat(x[:, :1, :], pad, axis=1)
    end = jnp.repeat(x[:, -1:, :], pad, axis=1)
    xp = jnp.concatenate([front, x, end], axis=1)
    c = jnp.cumsum(xp, axis=1)
    c = jnp.concatenate([jnp.zeros_like(c[:, :1, :]), c], axis=1)
    return (c[:, k:, :] - c[:, :-k, :]) / float(k)


def _layer_norm(h, g, b):
    mu = jnp.mean(h, axis=-1, keepdims=True)
    var = jnp.var(h, axis=-1, keepdims=True)
    return (h - mu) / jnp.sqrt(var + 1e-5) * g + b


def reference(x, Wt, bt, gt, bet, Ws, bs, gs, bes, W2, b2):
    # series_decomp: returns (res, moving_mean); module assigns trend_init, seasonal_init = decom(x)
    moving_mean = _moving_avg(x, KERNEL)
    res = x - moving_mean
    trend_init, seasonal_init = res, moving_mean
    ti = _layer_norm(trend_init @ Wt + bt, gt, bet)
    si = _layer_norm(seasonal_init @ Ws + bs, gs, bes)
    med = jax.nn.relu(ti + si)
    med = med @ W2 + b2
    gate_scores = jax.nn.softmax(med, axis=-1)
    capacity = int(CAP_FACTOR * x.shape[0])
    top_v, top_i = jax.lax.top_k(gate_scores, K_VALUE)
    B, L, E = gate_scores.shape
    bidx = jnp.arange(B)[:, None, None]
    eidx = jnp.arange(K_VALUE)[None, None, :]
    # torch scatter_(dim=1, top_k_indices, 1): mask[b, idx[b,l,j], j] = 1
    mask = jnp.zeros_like(gate_scores).at[bidx, top_i, eidx].set(1.0)
    masked = gate_scores * mask
    denom = jnp.sum(masked, axis=0, keepdims=True) + 0.0001
    return masked / denom * capacity

if __name__ == "__main__":
    import jax
    _d = setup_inputs()
    print(jax.jit(kernel)(*tuple(_d.values())))

</pallas_src>

<mosaic_0001>
#map = affine_map<(d0, d1) -> (0, 0)>
module attributes {stable_mosaic.version = 14 : i64} {
  func.func @_route_body(%arg0: i32, %arg1: i32, %arg2: memref<8192x16xf32, #tpu.memory_space<hbm>>, %arg3: memref<8192x16xf32, #tpu.memory_space<hbm>>, %arg4: memref<512x16xf32, #tpu.memory_space<vmem>>, %arg5: memref<2x16xf32, #tpu.memory_space<vmem>>, %arg6: memref<16x2x16xf32, #tpu.memory_space<vmem>>, %arg7: memref<16x16xf32, #tpu.memory_space<vmem>>, %arg8: memref<16x16xf32, #tpu.memory_space<vmem>>, %arg9: memref<16x16xf32, #tpu.memory_space<vmem>>, %arg10: memref<128x16xf32, #tpu.memory_space<vmem>>, %arg11: memref<16x2x16xf32, #tpu.memory_space<vmem_shared>>) attributes {dimension_semantics = [#tpu.dimension_semantics<core_parallel>, #tpu.dimension_semantics<subcore_parallel>], iteration_bounds = array<i64: 1, 16>, scalar_prefetch = 0 : i64, scratch_operands = 8 : i64, tpu.core_type = #tpu.core_type<sc_vector_subcore>, window_params = [{transform_indices = #map}, {transform_indices = #map}]} {
    %mul3A = arith.constant 512 : i32
    %mul3A_0 = arith.muli %arg1, %mul3A : i32
    "tpu.region"() ({
      %run_scoped3A = tpu.sem_alloc : memref<!tpu.dma_semaphore, #tpu.memory_space<semaphore_mem>>
      %dma_start3A = arith.constant 0 : i32
      %dma_start3A_32 = tpu.memref_slice %arg2[%mul3A_0, %dma_start3A] : memref<8192x16xf32, #tpu.memory_space<hbm>> -> memref<512x16xf32, #tpu.memory_space<hbm>>
      %dma_start3A_33 = arith.constant 0 : i32
      %dma_start3A_34 = tpu.memref_slice %arg2[%mul3A_0, %dma_start3A_33] : memref<8192x16xf32, #tpu.memory_space<hbm>> -> memref<512x16xf32, #tpu.memory_space<hbm>>
      tpu.enqueue_dma source(%dma_start3A_34 : memref<512x16xf32, #tpu.memory_space<hbm>>) target(%arg4 : memref<512x16xf32, #tpu.memory_space<vmem>>) target_semaphore(%run_scoped3A : memref<!tpu.dma_semaphore, #tpu.memory_space<semaphore_mem>>)
      %dma_wait3A = arith.constant 0 : i32
      %dma_wait3A_35 = tpu.memref_slice %arg2[%mul3A_0, %dma_wait3A] : memref<8192x16xf32, #tpu.memory_space<hbm>> -> memref<512x16xf32, #tpu.memory_space<hbm>>
      %dma_wait3A_36 = arith.constant 0 : i32
      %dma_wait3A_37 = tpu.memref_slice %arg2[%mul3A_0, %dma_wait3A_36] : memref<8192x16xf32, #tpu.memory_space<hbm>> -> memref<512x16xf32, #tpu.memory_space<hbm>>
      tpu.wait_dma2 semaphore(%run_scoped3A : memref<!tpu.dma_semaphore, #tpu.memory_space<semaphore_mem>>) src(%dma_wait3A_37 : memref<512x16xf32, #tpu.memory_space<hbm>>) dst(%arg4 : memref<512x16xf32, #tpu.memory_space<vmem>>)
      tpu.yield
    }) : () -> ()
    %iota3A = tpu.iota {dimensions = array<i32: 0>} : vector<16xi32>
    %broadcast_in_dim3A = arith.constant 0.000000e+00 : f32
    %broadcast_in_dim3A_1 = vector.broadcast %broadcast_in_dim3A : f32 to vector<16xf32>
    %broadcast_in_dim3A_2 = arith.constant -3.400000e+38 : f32
    %broadcast_in_dim3A_3 = vector.broadcast %broadcast_in_dim3A_2 : f32 to vector<16xf32>
    %scan3A = arith.constant 0 : i32
    %scan3A_4 = arith.constant 512 : i32
    %scan3A_5 = arith.addi %scan3A, %scan3A_4 : i32
    %scan3A_6 = arith.constant 4 : i32
    %scan3A_7:2 = scf.for %scan3A_32 = %scan3A to %scan3A_5 step %scan3A_6 iter_args(%scan3A_33 = %broadcast_in_dim3A_1, %scan3A_34 = %broadcast_in_dim3A_1) -> (vector<16xf32>, vector<16xf32>)  : i32 {
      %get3A = arith.index_cast %scan3A_32 : i32 to index
      %get3A_35 = arith.constant 0 : index
      %get3A_36 = tpu.vector_load %arg4[%get3A, %get3A_35] {strides = array<i32>} : memref<512x16xf32, #tpu.memory_space<vmem>>, vector<16xf32>,
      %reduce_max3A = arith.constant true
      %reduce_max3A_37 = vector.broadcast %reduce_max3A : i1 to vector<16xi1>
      %reduce_max3A_38 = tpu.scan <max>, %get3A_36 masked %reduce_max3A_37 : vector<16xf32>, vector<16xi1> -> vector<16xf32>
      %reduce_max3A_39 = vector.extract %reduce_max3A_38[15] : f32 from vector<16xf32>
      %eq3A_40 = vector.broadcast %reduce_max3A_39 : f32 to vector<16xf32>
      %eq3A_41 = arith.cmpf oeq, %get3A_36, %eq3A_40 : vector<16xf32>
      %all_reduce_ffs3A = tpu.all_reduce %eq3A_41 {dim = 0 : i64, kind = #tpu.reduction_kind<find_first_set>} : vector<16xi1> -> vector<16xi32>
      %eq3A_42 = arith.cmpi eq, %iota3A, %all_reduce_ffs3A : vector<16xi32>
      %select_n3A = arith.select %eq3A_42, %broadcast_in_dim3A_3, %get3A_36 : vector<16xi1>, vector<16xf32>
      %reduce_max3A_43 = arith.constant true
      %reduce_max3A_44 = vector.broadcast %reduce_max3A_43 : i1 to vector<16xi1>
      %reduce_max3A_45 = tpu.scan <max>, %select_n3A masked %reduce_max3A_44 : vector<16xf32>, vector<16xi1> -> vector<16xf32>
      %reduce_max3A_46 = vector.extract %reduce_max3A_45[15] : f32 from vector<16xf32>
      %eq3A_47 = vector.broadcast %reduce_max3A_46 : f32 to vector<16xf32>
      %eq3A_48 = arith.cmpf oeq, %select_n3A, %eq3A_47 : vector<16xf32>
      %all_reduce_ffs3A_49 = tpu.all_reduce %eq3A_48 {dim = 0 : i64, kind = #tpu.reduction_kind<find_first_set>} : vector<16xi1> -> vector<16xi32>
      %eq3A_50 = arith.cmpi eq, %iota3A, %all_reduce_ffs3A_49 : vector<16xi32>
      %jit3A = arith.constant 1.000000e+00 : f32
      %broadcast_in_dim3A_51 = vector.broadcast %jit3A : f32 to vector<16xf32>
      %select_n3A_52 = arith.select %eq3A_42, %broadcast_in_dim3A_51, %scan3A_33 : vector<16xi1>, vector<16xf32>
      %jit3A_53 = arith.constant 1.000000e+00 : f32
      %broadcast_in_dim3A_54 = vector.broadcast %jit3A_53 : f32 to vector<16xf32>
      %select_n3A_55 = arith.select %eq3A_50, %broadcast_in_dim3A_54, %scan3A_34 : vector<16xi1>, vector<16xf32>
      %scan3A_56 = arith.constant 1 : i32
      %scan3A_57 = arith.addi %scan3A_32, %scan3A_56 : i32
      %get3A_58 = arith.index_cast %scan3A_57 : i32 to index
      %get3A_59 = arith.constant 0 : index
      %get3A_60 = tpu.vector_load %arg4[%get3A_58, %get3A_59] {strides = array<i32>} : memref<512x16xf32, #tpu.memory_space<vmem>>, vector<16xf32>,
      %reduce_max3A_61 = arith.constant true
      %reduce_max3A_62 = vector.broadcast %reduce_max3A_61 : i1 to vector<16xi1>
      %reduce_max3A_63 = tpu.scan <max>, %get3A_60 masked %reduce_max3A_62 : vector<16xf32>, vector<16xi1> -> vector<16xf32>
      %reduce_max3A_64 = vector.extract %reduce_max3A_63[15] : f32 from vector<16xf32>
      %eq3A_65 = vector.broadcast %reduce_max3A_64 : f32 to vector<16xf32>
      %eq3A_66 = arith.cmpf oeq, %get3A_60, %eq3A_65 : vector<16xf32>
      %all_reduce_ffs3A_67 = tpu.all_reduce %eq3A_66 {dim = 0 : i64, kind = #tpu.reduction_kind<find_first_set>} : vector<16xi1> -> vector<16xi32>
      %eq3A_68 = arith.cmpi eq, %iota3A, %all_reduce_ffs3A_67 : vector<16xi32>
      %select_n3A_69 = arith.select %eq3A_68, %broadcast_in_dim3A_3, %get3A_60 : vector<16xi1>, vector<16xf32>
      %reduce_max3A_70 = arith.constant true
      %reduce_max3A_71 = vector.broadcast %reduce_max3A_70 : i1 to vector<16xi1>
      %reduce_max3A_72 = tpu.scan <max>, %select_n3A_69 masked %reduce_max3A_71 : vector<16xf32>, vector<16xi1> -> vector<16xf32>
      %reduce_max3A_73 = vector.extract %reduce_max3A_72[15] : f32 from vector<16xf32>
      %eq3A_74 = vector.broadcast %reduce_max3A_73 : f32 to vector<16xf32>
      %eq3A_75 = arith.cmpf oeq, %select_n3A_69, %eq3A_74 : vector<16xf32>
      %all_reduce_ffs3A_76 = tpu.all_reduce %eq3A_75 {dim = 0 : i64, kind = #tpu.reduction_kind<find_first_set>} : vector<16xi1> -> vector<16xi32>
      %eq3A_77 = arith.cmpi eq, %iota3A, %all_reduce_ffs3A_76 : vector<16xi32>
      %jit3A_78 = arith.constant 1.000000e+00 : f32
      %broadcast_in_dim3A_79 = vector.broadcast %jit3A_78 : f32 to vector<16xf32>
      %select_n3A_80 = arith.select %eq3A_68, %broadcast_in_dim3A_79, %select_n3A_52 : vector<16xi1>, vector<16xf32>
      %jit3A_81 = arith.constant 1.000000e+00 : f32
      %broadcast_in_dim3A_82 = vector.broadcast %jit3A_81 : f32 to vector<16xf32>
      %select_n3A_83 = arith.select %eq3A_77, %broadcast_in_dim3A_82, %select_n3A_55 : vector<16xi1>, vector<16xf32>
      %scan3A_84 = arith.constant 2 : i32
      %scan3A_85 = arith.addi %scan3A_32, %scan3A_84 : i32
      %get3A_86 = arith.index_cast %scan3A_85 : i32 to index
      %get3A_87 = arith.constant 0 : index
      %get3A_88 = tpu.vector_load %arg4[%get3A_86, %get3A_87] {strides = array<i32>} : memref<512x16xf32, #tpu.memory_space<vmem>>, vector<16xf32>,
      %reduce_max3A_89 = arith.constant true
      %reduce_max3A_90 = vector.broadcast %reduce_max3A_89 : i1 to vector<16xi1>
      %reduce_max3A_91 = tpu.scan <max>, %get3A_88 masked %reduce_max3A_90 : vector<16xf32>, vector<16xi1> -> vector<16xf32>
      %reduce_max3A_92 = vector.extract %reduce_max3A_91[15] : f32 from vector<16xf32>
      %eq3A_93 = vector.broadcast %reduce_max3A_92 : f32 to vector<16xf32>
      %eq3A_94 = arith.cmpf oeq, %get3A_88, %eq3A_93 : vector<16xf32>
      %all_reduce_ffs3A_95 = tpu.all_reduce %eq3A_94 {dim = 0 : i64, kind = #tpu.reduction_kind<find_first_set>} : vector<16xi1> -> vector<16xi32>
      %eq3A_96 = arith.cmpi eq, %iota3A, %all_reduce_ffs3A_95 : vector<16xi32>
      %select_n3A_97 = arith.select %eq3A_96, %broadcast_in_dim3A_3, %get3A_88 : vector<16xi1>, vector<16xf32>
      %reduce_max3A_98 = arith.constant true
      %reduce_max3A_99 = vector.broadcast %reduce_max3A_98 : i1 to vector<16xi1>
      %reduce_max3A_100 = tpu.scan <max>, %select_n3A_97 masked %reduce_max3A_99 : vector<16xf32>, vector<16xi1> -> vector<16xf32>
      %reduce_max3A_101 = vector.extract %reduce_max3A_100[15] : f32 from vector<16xf32>
      %eq3A_102 = vector.broadcast %reduce_max3A_101 : f32 to vector<16xf32>
      %eq3A_103 = arith.cmpf oeq, %select_n3A_97, %eq3A_102 : vector<16xf32>
      %all_reduce_ffs3A_104 = tpu.all_reduce %eq3A_103 {dim = 0 : i64, kind = #tpu.reduction_kind<find_first_set>} : vector<16xi1> -> vector<16xi32>
      %eq3A_105 = arith.cmpi eq, %iota3A, %all_reduce_ffs3A_104 : vector<16xi32>
      %jit3A_106 = arith.constant 1.000000e+00 : f32
      %broadcast_in_dim3A_107 = vector.broadcast %jit3A_106 : f32 to vector<16xf32>
      %select_n3A_108 = arith.select %eq3A_96, %broadcast_in_dim3A_107, %select_n3A_80 : vector<16xi1>, vector<16xf32>
      %jit3A_109 = arith.constant 1.000000e+00 : f32
      %broadcast_in_dim3A_110 = vector.broadcast %jit3A_109 : f32 to vector<16xf32>
      %select_n3A_111 = arith.select %eq3A_105, %broadcast_in_dim3A_110, %select_n3A_83 : vector<16xi1>, vector<16xf32>
      %scan3A_112 = arith.constant 3 : i32
      %scan3A_113 = arith.addi %scan3A_32, %scan3A_112 : i32
      %get3A_114 = arith.index_cast %scan3A_113 : i32 to index
      %get3A_115 = arith.constant 0 : index
      %get3A_116 = tpu.vector_load %arg4[%get3A_114, %get3A_115] {strides = array<i32>} : memref<512x16xf32, #tpu.memory_space<vmem>>, vector<16xf32>,
      %reduce_max3A_117 = arith.constant true
      %reduce_max3A_118 = vector.broadcast %reduce_max3A_117 : i1 to vector<16xi1>
      %reduce_max3A_119 = tpu.scan <max>, %get3A_116 masked %reduce_max3A_118 : vector<16xf32>, vector<16xi1> -> vector<16xf32>
      %reduce_max3A_120 = vector.extract %reduce_max3A_119[15] : f32 from vector<16xf32>
      %eq3A_121 = vector.broadcast %reduce_max3A_120 : f32 to vector<16xf32>
      %eq3A_122 = arith.cmpf oeq, %get3A_116, %eq3A_121 : vector<16xf32>
      %all_reduce_ffs3A_123 = tpu.all_reduce %eq3A_122 {dim = 0 : i64, kind = #tpu.reduction_kind<find_first_set>} : vector<16xi1> -> vector<16xi32>
      %eq3A_124 = arith.cmpi eq, %iota3A, %all_reduce_ffs3A_123 : vector<16xi32>
      %select_n3A_125 = arith.select %eq3A_124, %broadcast_in_dim3A_3, %get3A_116 : vector<16xi1>, vector<16xf32>
      %reduce_max3A_126 = arith.constant true
      %reduce_max3A_127 = vector.broadcast %reduce_max3A_126 : i1 to vector<16xi1>
      %reduce_max3A_128 = tpu.scan <max>, %select_n3A_125 masked %reduce_max3A_127 : vector<16xf32>, vector<16xi1> -> vector<16xf32>
      %reduce_max3A_129 = vector.extract %reduce_max3A_128[15] : f32 from vector<16xf32>
      %eq3A_130 = vector.broadcast %reduce_max3A_129 : f32 to vector<16xf32>
      %eq3A_131 = arith.cmpf oeq, %select_n3A_125, %eq3A_130 : vector<16xf32>
      %all_reduce_ffs3A_132 = tpu.all_reduce %eq3A_131 {dim = 0 : i64, kind = #tpu.reduction_kind<find_first_set>} : vector<16xi1> -> vector<16xi32>
      %eq3A_133 = arith.cmpi eq, %iota3A, %all_reduce_ffs3A_132 : vector<16xi32>
      %jit3A_134 = arith.constant 1.000000e+00 : f32
      %broadcast_in_dim3A_135 = vector.broadcast %jit3A_134 : f32 to vector<16xf32>
      %select_n3A_136 = arith.select %eq3A_124, %broadcast_in_dim3A_135, %select_n3A_108 : vector<16xi1>, vector<16xf32>
      %jit3A_137 = arith.constant 1.000000e+00 : f32
      %broadcast_in_dim3A_138 = vector.broadcast %jit3A_137 : f32 to vector<16xf32>
      %select_n3A_139 = arith.select %eq3A_133, %broadcast_in_dim3A_138, %select_n3A_111 : vector<16xi1>, vector<16xf32>
      scf.yield %select_n3A_136, %select_n3A_139 : vector<16xf32>, vector<16xf32>
    }
    %scan3A_8 = arith.constant 512 : i32
    %swap3A = arith.constant 0 : i32
    %swap3A_9 = arith.index_cast %swap3A : i32 to index
    %swap3A_10 = arith.constant 0 : index
    %swap3A_11 = tpu.vector_load %arg5[%swap3A_9, %swap3A_10] {strides = array<i32>} : memref<2x16xf32, #tpu.memory_space<vmem>>, vector<16xf32>,
    tpu.vector_store %arg5[%swap3A_9, %swap3A_10], %scan3A_7#0 {strides = array<i32>} : memref<2x16xf32, #tpu.memory_space<vmem>>, vector<16xf32>,
    %swap3A_12 = arith.constant 1 : i32
    %swap3A_13 = arith.index_cast %swap3A_12 : i32 to index
    %swap3A_14 = arith.constant 0 : index
    %swap3A_15 = tpu.vector_load %arg5[%swap3A_13, %swap3A_14] {strides = array<i32>} : memref<2x16xf32, #tpu.memory_space<vmem>>, vector<16xf32>,
    tpu.vector_store %arg5[%swap3A_13, %swap3A_14], %scan3A_7#1 {strides = array<i32>} : memref<2x16xf32, #tpu.memory_space<vmem>>, vector<16xf32>,
    "tpu.region"() ({
      %run_scoped3A = tpu.sem_alloc : memref<!tpu.dma_semaphore, #tpu.memory_space<semaphore_mem>>
      %dma_start3A = arith.constant 0 : i32
      %dma_start3A_32 = arith.constant 0 : i32
      %dma_start3A_33 = tpu.memref_slice %arg11[%arg1, %dma_start3A, %dma_start3A_32] : memref<16x2x16xf32, #tpu.memory_space<vmem_shared>> -> memref<1x2x16xf32, #tpu.memory_space<vmem_shared>>
      %dma_start3A_34 = tpu.memref_squeeze %dma_start3A_33 : memref<1x2x16xf32, #tpu.memory_space<vmem_shared>> -> memref<2x16xf32, #tpu.memory_space<vmem_shared>>
      %dma_start3A_35 = arith.constant 0 : i32
      %dma_start3A_36 = arith.constant 0 : i32
      %dma_start3A_37 = tpu.memref_slice %arg11[%arg1, %dma_start3A_35, %dma_start3A_36] : memref<16x2x16xf32, #tpu.memory_space<vmem_shared>> -> memref<1x2x16xf32, #tpu.memory_space<vmem_shared>>
      %dma_start3A_38 = tpu.memref_squeeze %dma_start3A_37 : memref<1x2x16xf32, #tpu.memory_space<vmem_shared>> -> memref<2x16xf32, #tpu.memory_space<vmem_shared>>
      tpu.enqueue_dma source(%arg5 : memref<2x16xf32, #tpu.memory_space<vmem>>) target(%dma_start3A_38 : memref<2x16xf32, #tpu.memory_space<vmem_shared>>) target_semaphore(%run_scoped3A : memref<!tpu.dma_semaphore, #tpu.memory_space<semaphore_mem>>)
      %dma_wait3A = arith.constant 0 : i32
      %dma_wait3A_39 = arith.constant 0 : i32
      %dma_wait3A_40 = tpu.memref_slice %arg11[%arg1, %dma_wait3A, %dma_wait3A_39] : memref<16x2x16xf32, #tpu.memory_space<vmem_shared>> -> memref<1x2x16xf32, #tpu.memory_space<vmem_shared>>
      %dma_wait3A_41 = tpu.memref_squeeze %dma_wait3A_40 : memref<1x2x16xf32, #tpu.memory_space<vmem_shared>> -> memref<2x16xf32, #tpu.memory_space<vmem_shared>>
      %dma_wait3A_42 = arith.constant 0 : i32
      %dma_wait3A_43 = arith.constant 0 : i32
      %dma_wait3A_44 = tpu.memref_slice %arg11[%arg1, %dma_wait3A_42, %dma_wait3A_43] : memref<16x2x16xf32, #tpu.memory_space<vmem_shared>> -> memref<1x2x16xf32, #tpu.memory_space<vmem_shared>>
      %dma_wait3A_45 = tpu.memref_squeeze %dma_wait3A_44 : memref<1x2x16xf32, #tpu.memory_space<vmem_shared>> -> memref<2x16xf32, #tpu.memory_space<vmem_shared>>
      tpu.wait_dma2 semaphore(%run_scoped3A : memref<!tpu.dma_semaphore, #tpu.memory_space<semaphore_mem>>) src(%arg5 : memref<2x16xf32, #tpu.memory_space<vmem>>) dst(%dma_wait3A_45 : memref<2x16xf32, #tpu.memory_space<vmem_shared>>)
      tpu.yield
    }) : () -> ()
    %scan3A_16 = arith.constant 0 : i32
    %scan3A_17 = arith.constant 0 : i32
    %scan3A_18 = arith.constant 128 : i32
    %scan3A_19 = arith.addi %scan3A_17, %scan3A_18 : i32
    %scan3A_20 = arith.constant 8 : i32
    %scan3A_21 = scf.for %scan3A_32 = %scan3A_17 to %scan3A_19 step %scan3A_20 iter_args(%scan3A_33 = %scan3A_16) -> (i32)  : i32 {
      %swap3A_34 = arith.index_cast %scan3A_32 : i32 to index
      %swap3A_35 = arith.constant 0 : index
      %swap3A_36 = tpu.vector_load %arg10[%swap3A_34, %swap3A_35] {strides = array<i32>} : memref<128x16xf32, #tpu.memory_space<vmem>>, vector<16xf32>,
      tpu.vector_store %arg10[%swap3A_34, %swap3A_35], %broadcast_in_dim3A_1 {strides = array<i32>} : memref<128x16xf32, #tpu.memory_space<vmem>>, vector<16xf32>,
      %scan3A_37 = arith.constant 0 : i32
      %scan3A_38 = arith.constant 1 : i32
      %scan3A_39 = arith.addi %scan3A_32, %scan3A_38 : i32
      %swap3A_40 = arith.index_cast %scan3A_39 : i32 to index
      %swap3A_41 = arith.constant 0 : index
      %swap3A_42 = tpu.vector_load %arg10[%swap3A_40, %swap3A_41] {strides = array<i32>} : memref<128x16xf32, #tpu.memory_space<vmem>>, vector<16xf32>,
      tpu.vector_store %arg10[%swap3A_40, %swap3A_41], %broadcast_in_dim3A_1 {strides = array<i32>} : memref<128x16xf32, #tpu.memory_space<vmem>>, vector<16xf32>,
      %scan3A_43 = arith.constant 0 : i32
      %scan3A_44 = arith.constant 2 : i32
      %scan3A_45 = arith.addi %scan3A_32, %scan3A_44 : i32
      %swap3A_46 = arith.index_cast %scan3A_45 : i32 to index
      %swap3A_47 = arith.constant 0 : index
      %swap3A_48 = tpu.vector_load %arg10[%swap3A_46, %swap3A_47] {strides = array<i32>} : memref<128x16xf32, #tpu.memory_space<vmem>>, vector<16xf32>,
      tpu.vector_store %arg10[%swap3A_46, %swap3A_47], %broadcast_in_dim3A_1 {strides = array<i32>} : memref<128x16xf32, #tpu.memory_space<vmem>>, vector<16xf32>,
      %scan3A_49 = arith.constant 0 : i32
      %scan3A_50 = arith.constant 3 : i32
      %scan3A_51 = arith.addi %scan3A_32, %scan3A_50 : i32
      %swap3A_52 = arith.index_cast %scan3A_51 : i32 to index
      %swap3A_53 = arith.constant 0 : index
      %swap3A_54 = tpu.vector_load %arg10[%swap3A_52, %swap3A_53] {strides = array<i32>} : memref<128x16xf32, #tpu.memory_space<vmem>>, vector<16xf32>,
      tpu.vector_store %arg10[%swap3A_52, %swap3A_53], %broadcast_in_dim3A_1 {strides = array<i32>} : memref<128x16xf32, #tpu.memory_space<vmem>>, vector<16xf32>,
      %scan3A_55 = arith.constant 0 : i32
      %scan3A_56 = arith.constant 4 : i32
      %scan3A_57 = arith.addi %scan3A_32, %scan3A_56 : i32
      %swap3A_58 = arith.index_cast %scan3A_57 : i32 to index
      %swap3A_59 = arith.constant 0 : index
      %swap3A_60 = tpu.vector_load %arg10[%swap3A_58, %swap3A_59] {strides = array<i32>} : memref<128x16xf32, #tpu.memory_space<vmem>>, vector<16xf32>,
      tpu.vector_store %arg10[%swap3A_58, %swap3A_59], %broadcast_in_dim3A_1 {strides = array<i32>} : memref<128x16xf32, #tpu.memory_space<vmem>>, vector<16xf32>,
      %scan3A_61 = arith.constant 0 : i32
      %scan3A_62 = arith.constant 5 : i32
      %scan3A_63 = arith.addi %scan3A_32, %scan3A_62 : i32
      %swap3A_64 = arith.index_cast %scan3A_63 : i32 to index
      %swap3A_65 = arith.constant 0 : index
      %swap3A_66 = tpu.vector_load %arg10[%swap3A_64, %swap3A_65] {strides = array<i32>} : memref<128x16xf32, #tpu.memory_space<vmem>>, vector<16xf32>,
      tpu.vector_store %arg10[%swap3A_64, %swap3A_65], %broadcast_in_dim3A_1 {strides = array<i32>} : memref<128x16xf32, #tpu.memory_space<vmem>>, vector<16xf32>,
      %scan3A_67 = arith.constant 0 : i32
      %scan3A_68 = arith.constant 6 : i32
      %scan3A_69 = arith.addi %scan3A_32, %scan3A_68 : i32
      %swap3A_70 = arith.index_cast %scan3A_69 : i32 to index
      %swap3A_71 = arith.constant 0 : index
      %swap3A_72 = tpu.vector_load %arg10[%swap3A_70, %swap3A_71] {strides = array<i32>} : memref<128x16xf32, #tpu.memory_space<vmem>>, vector<16xf32>,
      tpu.vector_store %arg10[%swap3A_70, %swap3A_71], %broadcast_in_dim3A_1 {strides = array<i32>} : memref<128x16xf32, #tpu.memory_space<vmem>>, vector<16xf32>,
      %scan3A_73 = arith.constant 0 : i32
      %scan3A_74 = arith.constant 7 : i32
      %scan3A_75 = arith.addi %scan3A_32, %scan3A_74 : i32
      %swap3A_76 = arith.index_cast %scan3A_75 : i32 to index
      %swap3A_77 = arith.constant 0 : index
      %swap3A_78 = tpu.vector_load %arg10[%swap3A_76, %swap3A_77] {strides = array<i32>} : memref<128x16xf32, #tpu.memory_space<vmem>>, vector<16xf32>,
      tpu.vector_store %arg10[%swap3A_76, %swap3A_77], %broadcast_in_dim3A_1 {strides = array<i32>} : memref<128x16xf32, #tpu.memory_space<vmem>>, vector<16xf32>,
      %scan3A_79 = arith.constant 0 : i32
      scf.yield %scan3A_79 : i32
    }
    %scan3A_22 = arith.constant 128 : i32
    %add3A = arith.constant 0 : i32
    %add3A_23 = arith.addi %mul3A_0, %add3A : i32
    "tpu.region"() ({
      %run_scoped3A = tpu.sem_alloc : memref<!tpu.dma_semaphore, #tpu.memory_space<semaphore_mem>>
      %dma_start3A = arith.constant 0 : i32
      %dma_start3A_32 = tpu.memref_slice %arg3[%add3A_23, %dma_start3A] : memref<8192x16xf32, #tpu.memory_space<hbm>> -> memref<128x16xf32, #tpu.memory_space<hbm>>
      %dma_start3A_33 = arith.constant 0 : i32
      %dma_start3A_34 = tpu.memref_slice %arg3[%add3A_23, %dma_start3A_33] : memref<8192x16xf32, #tpu.memory_space<hbm>> -> memref<128x16xf32, #tpu.memory_space<hbm>>
      tpu.enqueue_dma source(%arg10 : memref<128x16xf32, #tpu.memory_space<vmem>>) target(%dma_start3A_34 : memref<128x16xf32, #tpu.memory_space<hbm>>) target_semaphore(%run_scoped3A : memref<!tpu.dma_semaphore, #tpu.memory_space<semaphore_mem>>)
      %dma_wait3A = arith.constant 0 : i32
      %dma_wait3A_35 = tpu.memref_slice %arg3[%add3A_23, %dma_wait3A] : memref<8192x16xf32, #tpu.memory_space<hbm>> -> memref<128x16xf32, #tpu.memory_space<hbm>>
      %dma_wait3A_36 = arith.constant 0 : i32
      %dma_wait3A_37 = tpu.memref_slice %arg3[%add3A_23, %dma_wait3A_36] : memref<8192x16xf32, #tpu.memory_space<hbm>> -> memref<128x16xf32, #tpu.memory_space<hbm>>
      tpu.wait_dma2 semaphore(%run_scoped3A : memref<!tpu.dma_semaphore, #tpu.memory_space<semaphore_mem>>) src(%arg10 : memref<128x16xf32, #tpu.memory_space<vmem>>) dst(%dma_wait3A_37 : memref<128x16xf32, #tpu.memory_space<hbm>>)
      tpu.yield
    }) : () -> ()
    %add3A_24 = arith.constant 128 : i32
    %add3A_25 = arith.addi %mul3A_0, %add3A_24 : i32
    "tpu.region"() ({
      %run_scoped3A = tpu.sem_alloc : memref<!tpu.dma_semaphore, #tpu.memory_space<semaphore_mem>>
      %dma_start3A = arith.constant 0 : i32
      %dma_start3A_32 = tpu.memref_slice %arg3[%add3A_25, %dma_start3A] : memref<8192x16xf32, #tpu.memory_space<hbm>> -> memref<128x16xf32, #tpu.memory_space<hbm>>
      %dma_start3A_33 = arith.constant 0 : i32
      %dma_start3A_34 = tpu.memref_slice %arg3[%add3A_25, %dma_start3A_33] : memref<8192x16xf32, #tpu.memory_space<hbm>> -> memref<128x16xf32, #tpu.memory_space<hbm>>
      tpu.enqueue_dma source(%arg10 : memref<128x16xf32, #tpu.memory_space<vmem>>) target(%dma_start3A_34 : memref<128x16xf32, #tpu.memory_space<hbm>>) target_semaphore(%run_scoped3A : memref<!tpu.dma_semaphore, #tpu.memory_space<semaphore_mem>>)
      %dma_wait3A = arith.constant 0 : i32
      %dma_wait3A_35 = tpu.memref_slice %arg3[%add3A_25, %dma_wait3A] : memref<8192x16xf32, #tpu.memory_space<hbm>> -> memref<128x16xf32, #tpu.memory_space<hbm>>
      %dma_wait3A_36 = arith.constant 0 : i32
      %dma_wait3A_37 = tpu.memref_slice %arg3[%add3A_25, %dma_wait3A_36] : memref<8192x16xf32, #tpu.memory_space<hbm>> -> memref<128x16xf32, #tpu.memory_space<hbm>>
      tpu.wait_dma2 semaphore(%run_scoped3A : memref<!tpu.dma_semaphore, #tpu.memory_space<semaphore_mem>>) src(%arg10 : memref<128x16xf32, #tpu.memory_space<vmem>>) dst(%dma_wait3A_37 : memref<128x16xf32, #tpu.memory_space<hbm>>)
      tpu.yield
    }) : () -> ()
    %add3A_26 = arith.constant 256 : i32
    %add3A_27 = arith.addi %mul3A_0, %add3A_26 : i32
    "tpu.region"() ({
      %run_scoped3A = tpu.sem_alloc : memref<!tpu.dma_semaphore, #tpu.memory_space<semaphore_mem>>
      %dma_start3A = arith.constant 0 : i32
      %dma_start3A_32 = tpu.memref_slice %arg3[%add3A_27, %dma_start3A] : memref<8192x16xf32, #tpu.memory_space<hbm>> -> memref<128x16xf32, #tpu.memory_space<hbm>>
      %dma_start3A_33 = arith.constant 0 : i32
      %dma_start3A_34 = tpu.memref_slice %arg3[%add3A_27, %dma_start3A_33] : memref<8192x16xf32, #tpu.memory_space<hbm>> -> memref<128x16xf32, #tpu.memory_space<hbm>>
      tpu.enqueue_dma source(%arg10 : memref<128x16xf32, #tpu.memory_space<vmem>>) target(%dma_start3A_34 : memref<128x16xf32, #tpu.memory_space<hbm>>) target_semaphore(%run_scoped3A : memref<!tpu.dma_semaphore, #tpu.memory_space<semaphore_mem>>)
      %dma_wait3A = arith.constant 0 : i32
      %dma_wait3A_35 = tpu.memref_slice %arg3[%add3A_27, %dma_wait3A] : memref<8192x16xf32, #tpu.memory_space<hbm>> -> memref<128x16xf32, #tpu.memory_space<hbm>>
      %dma_wait3A_36 = arith.constant 0 : i32
      %dma_wait3A_37 = tpu.memref_slice %arg3[%add3A_27, %dma_wait3A_36] : memref<8192x16xf32, #tpu.memory_space<hbm>> -> memref<128x16xf32, #tpu.memory_space<hbm>>
      tpu.wait_dma2 semaphore(%run_scoped3A : memref<!tpu.dma_semaphore, #tpu.memory_space<semaphore_mem>>) src(%arg10 : memref<128x16xf32, #tpu.memory_space<vmem>>) dst(%dma_wait3A_37 : memref<128x16xf32, #tpu.memory_space<hbm>>)
      tpu.yield
    }) : () -> ()
    %add3A_28 = arith.constant 384 : i32
    %add3A_29 = arith.addi %mul3A_0, %add3A_28 : i32
    "tpu.region"() ({
      %run_scoped3A = tpu.sem_alloc : memref<!tpu.dma_semaphore, #tpu.memory_space<semaphore_mem>>
      %dma_start3A = arith.constant 0 : i32
      %dma_start3A_32 = tpu.memref_slice %arg3[%add3A_29, %dma_start3A] : memref<8192x16xf32, #tpu.memory_space<hbm>> -> memref<128x16xf32, #tpu.memory_space<hbm>>
      %dma_start3A_33 = arith.constant 0 : i32
      %dma_start3A_34 = tpu.memref_slice %arg3[%add3A_29, %dma_start3A_33] : memref<8192x16xf32, #tpu.memory_space<hbm>> -> memref<128x16xf32, #tpu.memory_space<hbm>>
      tpu.enqueue_dma source(%arg10 : memref<128x16xf32, #tpu.memory_space<vmem>>) target(%dma_start3A_34 : memref<128x16xf32, #tpu.memory_space<hbm>>) target_semaphore(%run_scoped3A : memref<!tpu.dma_semaphore, #tpu.memory_space<semaphore_mem>>)
      %dma_wait3A = arith.constant 0 : i32
      %dma_wait3A_35 = tpu.memref_slice %arg3[%add3A_29, %dma_wait3A] : memref<8192x16xf32, #tpu.memory_space<hbm>> -> memref<128x16xf32, #tpu.memory_space<hbm>>
      %dma_wait3A_36 = arith.constant 0 : i32
      %dma_wait3A_37 = tpu.memref_slice %arg3[%add3A_29, %dma_wait3A_36] : memref<8192x16xf32, #tpu.memory_space<hbm>> -> memref<128x16xf32, #tpu.memory_space<hbm>>
      tpu.wait_dma2 semaphore(%run_scoped3A : memref<!tpu.dma_semaphore, #tpu.memory_space<semaphore_mem>>) src(%arg10 : memref<128x16xf32, #tpu.memory_space<vmem>>) dst(%dma_wait3A_37 : memref<128x16xf32, #tpu.memory_space<hbm>>)
      tpu.yield
    }) : () -> ()
    %barrier3A = arith.constant 0 : index
    tpu.barrier barrier_id(%barrier3A)
    %eq3A = arith.constant 0 : i32
    %eq3A_30 = arith.cmpi eq, %arg1, %eq3A : i32
    %convert_element_type3A = arith.extui %eq3A_30 : i1 to i32
    %cond3A = arith.constant 0 : i32
    %cond3A_31 = arith.cmpi ne, %convert_element_type3A, %cond3A : i32
    scf.if %cond3A_31 {
      "tpu.region"() ({
        %run_scoped3A = tpu.sem_alloc : memref<!tpu.dma_semaphore, #tpu.memory_space<semaphore_mem>>
        tpu.enqueue_dma source(%arg11 : memref<16x2x16xf32, #tpu.memory_space<vmem_shared>>) target(%arg6 : memref<16x2x16xf32, #tpu.memory_space<vmem>>) target_semaphore(%run_scoped3A : memref<!tpu.dma_semaphore, #tpu.memory_space<semaphore_mem>>)
        tpu.wait_dma2 semaphore(%run_scoped3A : memref<!tpu.dma_semaphore, #tpu.memory_space<semaphore_mem>>) src(%arg11 : memref<16x2x16xf32, #tpu.memory_space<vmem_shared>>) dst(%arg6 : memref<16x2x16xf32, #tpu.memory_space<vmem>>)
        tpu.yield
      }) : () -> ()
      %broadcast_in_dim3A_32 = arith.constant 9.99999974E-5 : f32
      %broadcast_in_dim3A_33 = vector.broadcast %broadcast_in_dim3A_32 : f32 to vector<16xf32>
      %broadcast_in_dim3A_34 = arith.constant 9.99999974E-5 : f32
      %broadcast_in_dim3A_35 = vector.broadcast %broadcast_in_dim3A_34 : f32 to vector<16xf32>
      %get3A = arith.constant 0 : i32
      %get3A_36 = arith.constant 0 : i32
      %get3A_37 = arith.index_cast %get3A : i32 to index
      %get3A_38 = arith.index_cast %get3A_36 : i32 to index
      %get3A_39 = arith.constant 0 : index
      %get3A_40 = tpu.vector_load %arg6[%get3A_37, %get3A_38, %get3A_39] {strides = array<i32>} : memref<16x2x16xf32, #tpu.memory_space<vmem>>, vector<16xf32>,
      %get3A_41 = arith.constant 1 : i32
      %get3A_42 = arith.constant 0 : i32
      %get3A_43 = arith.index_cast %get3A_41 : i32 to index
      %get3A_44 = arith.index_cast %get3A_42 : i32 to index
      %get3A_45 = arith.constant 0 : index
      %get3A_46 = tpu.vector_load %arg6[%get3A_43, %get3A_44, %get3A_45] {strides = array<i32>} : memref<16x2x16xf32, #tpu.memory_space<vmem>>, vector<16xf32>,
      %max3A = arith.maximumf %get3A_40, %get3A_46 : vector<16xf32>
      %get3A_47 = arith.constant 2 : i32
      %get3A_48 = arith.constant 0 : i32
      %get3A_49 = arith.index_cast %get3A_47 : i32 to index
      %get3A_50 = arith.index_cast %get3A_48 : i32 to index
      %get3A_51 = arith.constant 0 : index
      %get3A_52 = tpu.vector_load %arg6[%get3A_49, %get3A_50, %get3A_51] {strides = array<i32>} : memref<16x2x16xf32, #tpu.memory_space<vmem>>, vector<16xf32>,
      %max3A_53 = arith.maximumf %max3A, %get3A_52 : vector<16xf32>
      %get3A_54 = arith.constant 3 : i32
      %get3A_55 = arith.constant 0 : i32
      %get3A_56 = arith.index_cast %get3A_54 : i32 to index
      %get3A_57 = arith.index_cast %get3A_55 : i32 to index
      %get3A_58 = arith.constant 0 : index
      %get3A_59 = tpu.vector_load %arg6[%get3A_56, %get3A_57, %get3A_58] {strides = array<i32>} : memref<16x2x16xf32, #tpu.memory_space<vmem>>, vector<16xf32>,
      %max3A_60 = arith.maximumf %max3A_53, %get3A_59 : vector<16xf32>
      %get3A_61 = arith.constant 0 : i32
      %get3A_62 = arith.constant 1 : i32
      %get3A_63 = arith.index_cast %get3A_61 : i32 to index
      %get3A_64 = arith.index_cast %get3A_62 : i32 to index
      %get3A_65 = arith.constant 0 : index
      %get3A_66 = tpu.vector_load %arg6[%get3A_63, %get3A_64, %get3A_65] {strides = array<i32>} : memref<16x2x16xf32, #tpu.memory_space<vmem>>, vector<16xf32>,
      %get3A_67 = arith.constant 1 : i32
      %get3A_68 = arith.constant 1 : i32
      %get3A_69 = arith.index_cast %get3A_67 : i32 to index
      %get3A_70 = arith.index_cast %get3A_68 : i32 to index
      %get3A_71 = arith.constant 0 : index
      %get3A_72 = tpu.vector_load %arg6[%get3A_69, %get3A_70, %get3A_71] {strides = array<i32>} : memref<16x2x16xf32, #tpu.memory_space<vmem>>, vector<16xf32>,
      %max3A_73 = arith.maximumf %get3A_66, %get3A_72 : vector<16xf32>
      %get3A_74 = arith.constant 2 : i32
      %get3A_75 = arith.constant 1 : i32
      %get3A_76 = arith.index_cast %get3A_74 : i32 to index
      %get3A_77 = arith.index_cast %get3A_75 : i32 to index
      %get3A_78 = arith.constant 0 : index
      %get3A_79 = tpu.vector_load %arg6[%get3A_76, %get3A_77, %get3A_78] {strides = array<i32>} : memref<16x2x16xf32, #tpu.memory_space<vmem>>, vector<16xf32>,
      %max3A_80 = arith.maximumf %max3A_73, %get3A_79 : vector<16xf32>
      %get3A_81 = arith.constant 3 : i32
      %get3A_82 = arith.constant 1 : i32
      %get3A_83 = arith.index_cast %get3A_81 : i32 to index
      %get3A_84 = arith.index_cast %get3A_82 : i32 to index
      %get3A_85 = arith.constant 0 : index
      %get3A_86 = tpu.vector_load %arg6[%get3A_83, %get3A_84, %get3A_85] {strides = array<i32>} : memref<16x2x16xf32, #tpu.memory_space<vmem>>, vector<16xf32>,
      %max3A_87 = arith.maximumf %max3A_80, %get3A_86 : vector<16xf32>
      "tpu.region"() ({
        %run_scoped3A = tpu.sem_alloc : memref<!tpu.dma_semaphore, #tpu.memory_space<semaphore_mem>>
        %dma_start3A = arith.constant 0 : i32
        %dma_start3A_1932 = arith.constant 0 : i32
        %dma_start3A_1933 = tpu.memref_slice %arg2[%dma_start3A, %dma_start3A_1932] : memref<8192x16xf32, #tpu.memory_space<hbm>> -> memref<16x16xf32, #tpu.memory_space<hbm>>
        %dma_start3A_1934 = arith.constant 0 : i32
        %dma_start3A_1935 = arith.constant 0 : i32
        %dma_start3A_1936 = tpu.memref_slice %arg2[%dma_start3A_1934, %dma_start3A_1935] : memref<8192x16xf32, #tpu.memory_space<hbm>> -> memref<16x16xf32, #tpu.memory_space<hbm>>
        tpu.enqueue_dma source(%dma_start3A_1936 : memref<16x16xf32, #tpu.memory_space<hbm>>) target(%arg7 : memref<16x16xf32, #tpu.memory_space<vmem>>) target_semaphore(%run_scoped3A : memref<!tpu.dma_semaphore, #tpu.memory_space<semaphore_mem>>)
        %dma_wait3A = arith.constant 0 : i32
        %dma_wait3A_1937 = arith.constant 0 : i32
        %dma_wait3A_1938 = tpu.memref_slice %arg2[%dma_wait3A, %dma_wait3A_1937] : memref<8192x16xf32, #tpu.memory_space<hbm>> -> memref<16x16xf32, #tpu.memory_space<hbm>>
        %dma_wait3A_1939 = arith.constant 0 : i32
        %dma_wait3A_1940 = arith.constant 0 : i32
        %dma_wait3A_1941 = tpu.memref_slice %arg2[%dma_wait3A_1939, %dma_wait3A_1940] : memref<8192x16xf32, #tpu.memory_space<hbm>> -> memref<16x16xf32, #tpu.memory_space<hbm>>
        tpu.wait_dma2 semaphore(%run_scoped3A : memref<!tpu.dma_semaphore, #tpu.memory_space<semaphore_mem>>) src(%dma_wait3A_1941 : memref<16x16xf32, #tpu.memory_space<hbm>>) dst(%arg7 : memref<16x16xf32, #tpu.memory_space<vmem>>)
        tpu.yield
      }) : () -> ()
      %get3A_88 = arith.constant 0 : i32
      %get3A_89 = arith.index_cast %get3A_88 : i32 to index
      %get3A_90 = arith.constant 0 : index
      %get3A_91 = tpu.vector_load %arg7[%get3A_89, %get3A_90] {strides = array<i32>} : memref<16x16xf32, #tpu.memory_space<vmem>>, vector<16xf32>,
      %reduce_max3A = arith.constant true
      %reduce_max3A_92 = vector.broadcast %reduce_max3A : i1 to vector<16xi1>
      %reduce_max3A_93 = tpu.scan <max>, %get3A_91 masked %reduce_max3A_92 : vector<16xf32>, vector<16xi1> -> vector<16xf32>
      %reduce_max3A_94 = vector.extract %reduce_max3A_93[15] : f32 from vector<16xf32>
      %sub3A = vector.broadcast %reduce_max3A_94 : f32 to vector<16xf32>
      %sub3A_95 = arith.subf %get3A_91, %sub3A : vector<16xf32>
      %exp3A = math.exp %sub3A_95 : vector<16xf32>
      %reduce_sum3A = arith.constant true
      %reduce_sum3A_96 = vector.broadcast %reduce_sum3A : i1 to vector<16xi1>
      %reduce_sum3A_97 = tpu.scan <sum>, %exp3A masked %reduce_sum3A_96 : vector<16xf32>, vector<16xi1> -> vector<16xf32>
      %reduce_sum3A_98 = vector.extract %reduce_sum3A_97[15] : f32 from vector<16xf32>
      %div3A = vector.broadcast %reduce_sum3A_98 : f32 to vector<16xf32>
      %div3A_99 = arith.divf %exp3A, %div3A : vector<16xf32>
      %swap3A_100 = arith.constant 0 : i32
      %swap3A_101 = arith.index_cast %swap3A_100 : i32 to index
      %swap3A_102 = arith.constant 0 : index
      %swap3A_103 = tpu.vector_load %arg8[%swap3A_101, %swap3A_102] {strides = array<i32>} : memref<16x16xf32, #tpu.memory_space<vmem>>, vector<16xf32>,
      tpu.vector_store %arg8[%swap3A_101, %swap3A_102], %div3A_99 {strides = array<i32>} : memref<16x16xf32, #tpu.memory_space<vmem>>, vector<16xf32>,
      %get3A_104 = arith.constant 1 : i32
      %get3A_105 = arith.index_cast %get3A_104 : i32 to index
      %get3A_106 = arith.constant 0 : index
      %get3A_107 = tpu.vector_load %arg7[%get3A_105, %get3A_106] {strides = array<i32>} : memref<16x16xf32, #tpu.memory_space<vmem>>, vector<16xf32>,
      %reduce_max3A_108 = arith.constant true
      %reduce_max3A_109 = vector.broadcast %reduce_max3A_108 : i1 to vector<16xi1>
      %reduce_max3A_110 = tpu.scan <max>, %get3A_107 masked %reduce_max3A_109 : vector<16xf32>, vector<16xi1> -> vector<16xf32>
      %reduce_max3A_111 = vector.extract %reduce_max3A_110[15] : f32 from vector<16xf32>
      %sub3A_112 = vector.broadcast %reduce_max3A_111 : f32 to vector<16xf32>
      %sub3A_113 = arith.subf %get3A_107, %sub3A_112 : vector<16xf32>
      %exp3A_114 = math.exp %sub3A_113 : vector<16xf32>
      %reduce_sum3A_115 = arith.constant true
      %reduce_sum3A_116 = vector.broadcast %reduce_sum3A_115 : i1 to vector<16xi1>
      %reduce_sum3A_117 = tpu.scan <sum>, %exp3A_114 masked %reduce_sum3A_116 : vector<16xf32>, vector<16xi1> -> vector<16xf32>
      %reduce_sum3A_118 = vector.extract %reduce_sum3A_117[15] : f32 from vector<16xf32>
      %div3A_119 = vector.broadcast %reduce_sum3A_118 : f32 to vector<16xf32>
      %div3A_120 = arith.divf %exp3A_114, %div3A_119 : vector<16xf32>
      %swap3A_121 = arith.constant 1 : i32
      %swap3A_122 = arith.index_cast %swap3A_121 : i32 to index
      %swap3A_123 = arith.constant 0 : index
      %swap3A_124 = tpu.vector_load %arg8[%swap3A_122, %swap3A_123] {strides = array<i32>} : memref<16x16xf32, #tpu.memory_space<vmem>>, vector<16xf32>,
      tpu.vector_store %arg8[%swap3A_122, %swap3A_123], %div3A_120 {strides = array<i32>} : memref<16x16xf32, #tpu.memory_space<vmem>>, vector<16xf32>,
      %get3A_125 = arith.constant 2 : i32
      %get3A_126 = arith.index_cast %get3A_125 : i32 to index
      %get3A_127 = arith.constant 0 : index
      %get3A_128 = tpu.vector_load %arg7[%get3A_126, %get3A_127] {strides = array<i32>} : memref<16x16xf32, #tpu.memory_space<vmem>>, vector<16xf32>,
      %reduce_max3A_129 = arith.constant true
      %reduce_max3A_130 = vector.broadcast %reduce_max3A_129 : i1 to vector<16xi1>
      %reduce_max3A_131 = tpu.scan <max>, %get3A_128 masked %reduce_max3A_130 : vector<16xf32>, vector<16xi1> -> vector<16xf32>
      %reduce_max3A_132 = vector.extract %reduce_max3A_131[15] : f32 from vector<16xf32>
      %sub3A_133 = vector.broadcast %reduce_max3A_132 : f32 to vector<16xf32>
      %sub3A_134 = arith.subf %get3A_128, %sub3A_133 : vector<16xf32>
      %exp3A_135 = math.exp %sub3A_134 : vector<16xf32>
      %reduce_sum3A_136 = arith.constant true
      %reduce_sum3A_137 = vector.broadcast %reduce_sum3A_136 : i1 to vector<16xi1>
      %reduce_sum3A_138 = tpu.scan <sum>, %exp3A_135 masked %reduce_sum3A_137 : vector<16xf32>, vector<16xi1> -> vector<16xf32>
      %reduce_sum3A_139 = vector.extract %reduce_sum3A_138[15] : f32 from vector<16xf32>
      %div3A_140 = vector.broadcast %reduce_sum3A_139 : f32 to vector<16xf32>
      %div3A_141 = arith.divf %exp3A_135, %div3A_140 : vector<16xf32>
      %swap3A_142 = arith.constant 2 : i32
      %swap3A_143 = arith.index_cast %swap3A_142 : i32 to index
      %swap3A_144 = arith.constant 0 : index
      %swap3A_145 = tpu.vector_load %arg8[%swap3A_143, %swap3A_144] {strides = array<i32>} : memref<16x16xf32, #tpu.memory_space<vmem>>, vector<16xf32>,
      tpu.vector_store %arg8[%swap3A_143, %swap3A_144], %div3A_141 {strides = array<i32>} : memref<16x16xf32, #tpu.memory_space<vmem>>, vector<16xf32>,
      %get3A_146 = arith.constant 3 : i32
      %get3A_147 = arith.index_cast %get3A_146 : i32 to index
      %get3A_148 = arith.constant 0 : index
      %get3A_149 = tpu.vector_load %arg7[%get3A_147, %get3A_148] {strides = array<i32>} : memref<16x16xf32, #tpu.memory_space<vmem>>, vector<16xf32>,
      %reduce_max3A_150 = arith.constant true
      %reduce_max3A_151 = vector.broadcast %reduce_max3A_150 : i1 to vector<16xi1>
      %reduce_max3A_152 = tpu.scan <max>, %get3A_149 masked %reduce_max3A_151 : vector<16xf32>, vector<16xi1> -> vector<16xf32>
      %reduce_max3A_153 = vector.extract %reduce_max3A_152[15] : f32 from vector<16xf32>
      %sub3A_154 = vector.broadcast %reduce_max3A_153 : f32 to vector<16xf32>
      %sub3A_155 = arith.subf %get3A_149, %sub3A_154 : vector<16xf32>
      %exp3A_156 = math.exp %sub3A_155 : vector<16xf32>
      %reduce_sum3A_157 = arith.constant true
      %reduce_sum3A_158 = vector.broadcast %reduce_sum3A_157 : i1 to vector<16xi1>
      %reduce_sum3A_159 = tpu.scan <sum>, %exp3A_156 masked %reduce_sum3A_158 : vector<16xf32>, vector<16xi1> -> vector<16xf32>
      %reduce_sum3A_160 = vector.extract %reduce_sum3A_159[15] : f32 from vector<16xf32>
      %div3A_161 = vector.broadcast %reduce_sum3A_160 : f32 to vector<16xf32>
      %div3A_162 = arith.divf %exp3A_156, %div3A_161 : vector<16xf32>
      %swap3A_163 = arith.constant 3 : i32
      %swap3A_164 = arith.index_cast %swap3A_163 : i32 to index
      %swap3A_165 = arith.constant 0 : index
      %swap3A_166 = tpu.vector_load %arg8[%swap3A_164, %swap3A_165] {strides = array<i32>} : memref<16x16xf32, #tpu.memory_space<vmem>>, vector<16xf32>,
      tpu.vector_store %arg8[%swap3A_164, %swap3A_165], %div3A_162 {strides = array<i32>} : memref<16x16xf32, #tpu.memory_space<vmem>>, vector<16xf32>,
      %get3A_167 = arith.constant 4 : i32
      %get3A_168 = arith.index_cast %get3A_167 : i32 to index
      %get3A_169 = arith.constant 0 : index
      %get3A_170 = tpu.vector_load %arg7[%get3A_168, %get3A_169] {strides = array<i32>} : memref<16x16xf32, #tpu.memory_space<vmem>>, vector<16xf32>,
      %reduce_max3A_171 = arith.constant true
      %reduce_max3A_172 = vector.broadcast %reduce_max3A_171 : i1 to vector<16xi1>
      %reduce_max3A_173 = tpu.scan <max>, %get3A_170 masked %reduce_max3A_172 : vector<16xf32>, vector<16xi1> -> vector<16xf32>
      %reduce_max3A_174 = vector.extract %reduce_max3A_173[15] : f32 from vector<16xf32>
      %sub3A_175 = vector.broadcast %reduce_max3A_174 : f32 to vector<16xf32>
      %sub3A_176 = arith.subf %get3A_170, %sub3A_175 : vector<16xf32>
      %exp3A_177 = math.exp %sub3A_176 : vector<16xf32>
      %reduce_sum3A_178 = arith.constant true
      %reduce_sum3A_179 = vector.broadcast %reduce_sum3A_178 : i1 to vector<16xi1>
      %reduce_sum3A_180 = tpu.scan <sum>, %exp3A_177 masked %reduce_sum3A_179 : vector<16xf32>, vector<16xi1> -> vector<16xf32>
      %reduce_sum3A_181 = vector.extract %reduce_sum3A_180[15] : f32 from vector<16xf32>
      %div3A_182 = vector.broadcast %reduce_sum3A_181 : f32 to vector<16xf32>
      %div3A_183 = arith.divf %exp3A_177, %div3A_182 : vector<16xf32>
      %swap3A_184 = arith.constant 4 : i32
      %swap3A_185 = arith.index_cast %swap3A_184 : i32 to index
      %swap3A_186 = arith.constant 0 : index
      %swap3A_187 = tpu.vector_load %arg8[%swap3A_185, %swap3A_186] {strides = array<i32>} : memref<16x16xf32, #tpu.memory_space<vmem>>, vector<16xf32>,
      tpu.vector_store %arg8[%swap3A_185, %swap3A_186], %div3A_183 {strides = array<i32>} : memref<16x16xf32, #tpu.memory_space<vmem>>, vector<16xf32>,
      %get3A_188 = arith.constant 5 : i32
      %get3A_189 = arith.index_cast %get3A_188 : i32 to index
      %get3A_190 = arith.constant 0 : index
      %get3A_191 = tpu.vector_load %arg7[%get3A_189, %get3A_190] {strides = array<i32>} : memref<16x16xf32, #tpu.memory_space<vmem>>, vector<16xf32>,
      %reduce_max3A_192 = arith.constant true
      %reduce_max3A_193 = vector.broadcast %reduce_max3A_192 : i1 to vector<16xi1>
      %reduce_max3A_194 = tpu.scan <max>, %get3A_191 masked %reduce_max3A_193 : vector<16xf32>, vector<16xi1> -> vector<16xf32>
      %reduce_max3A_195 = vector.extract %reduce_max3A_194[15] : f32 from vector<16xf32>
      %sub3A_196 = vector.broadcast %reduce_max3A_195 : f32 to vector<16xf32>
      %sub3A_197 = arith.subf %get3A_191, %sub3A_196 : vector<16xf32>
      %exp3A_198 = math.exp %sub3A_197 : vector<16xf32>
      %reduce_sum3A_199 = arith.constant true
      %reduce_sum3A_200 = vector.broadcast %reduce_sum3A_199 : i1 to vector<16xi1>
      %reduce_sum3A_201 = tpu.scan <sum>, %exp3A_198 masked %reduce_sum3A_200 : vector<16xf32>, vector<16xi1> -> vector<16xf32>
      %reduce_sum3A_202 = vector.extract %reduce_sum3A_201[15] : f32 from vector<16xf32>
      %div3A_203 = vector.broadcast %reduce_sum3A_202 : f32 to vector<16xf32>
      %div3A_204 = arith.divf %exp3A_198, %div3A_203 : vector<16xf32>
      %swap3A_205 = arith.constant 5 : i32
      %swap3A_206 = arith.index_cast %swap3A_205 : i32 to index
      %swap3A_207 = arith.constant 0 : index
      %swap3A_208 = tpu.vector_load %arg8[%swap3A_206, %swap3A_207] {strides = array<i32>} : memref<16x16xf32, #tpu.memory_space<vmem>>, vector<16xf32>,
      tpu.vector_store %arg8[%swap3A_206, %swap3A_207], %div3A_204 {strides = array<i32>} : memref<16x16xf32, #tpu.memory_space<vmem>>, vector<16xf32>,
      %get3A_209 = arith.constant 6 : i32
      %get3A_210 = arith.index_cast %get3A_209 : i32 to index
      %get3A_211 = arith.constant 0 : index
      %get3A_212 = tpu.vector_load %arg7[%get3A_210, %get3A_211] {strides = array<i32>} : memref<16x16xf32, #tpu.memory_space<vmem>>, vector<16xf32>,
      %reduce_max3A_213 = arith.constant true
      %reduce_max3A_214 = vector.broadcast %reduce_max3A_213 : i1 to vector<16xi1>
      %reduce_max3A_215 = tpu.scan <max>, %get3A_212 masked %reduce_max3A_214 : vector<16xf32>, vector<16xi1> -> vector<16xf32>
      %reduce_max3A_216 = vector.extract %reduce_max3A_215[15] : f32 from vector<16xf32>
      %sub3A_217 = vector.broadcast %reduce_max3A_216 : f32 to vector<16xf32>
      %sub3A_218 = arith.subf %get3A_212, %sub3A_217 : vector<16xf32>
      %exp3A_219 = math.exp %sub3A_218 : vector<16xf32>
      %reduce_sum3A_220 = arith.constant true
      %reduce_sum3A_221 = vector.broadcast %reduce_sum3A_220 : i1 to vector<16xi1>
      %reduce_sum3A_222 = tpu.scan <sum>, %exp3A_219 masked %reduce_sum3A_221 : vector<16xf32>, vector<16xi1> -> vector<16xf32>
      %reduce_sum3A_223 = vector.extract %reduce_sum3A_222[15] : f32 from vector<16xf32>
      %div3A_224 = vector.broadcast %reduce_sum3A_223 : f32 to vector<16xf32>
      %div3A_225 = arith.divf %exp3A_219, %div3A_224 : vector<16xf32>
      %swap3A_226 = arith.constant 6 : i32
      %swap3A_227 = arith.index_cast %swap3A_226 : i32 to index
      %swap3A_228 = arith.constant 0 : index
      %swap3A_229 = tpu.vector_load %arg8[%swap3A_227, %swap3A_228] {strides = array<i32>} : memref<16x16xf32, #tpu.memory_space<vmem>>, vector<16xf32>,
      tpu.vector_store %arg8[%swap3A_227, %swap3A_228], %div3A_225 {strides = array<i32>} : memref<16x16xf32, #tpu.memory_space<vmem>>, vector<16xf32>,
      %get3A_230 = arith.constant 7 : i32
      %get3A_231 = arith.index_cast %get3A_230 : i32 to index
      %get3A_232 = arith.constant 0 : index
      %get3A_233 = tpu.vector_load %arg7[%get3A_231, %get3A_232] {strides = array<i32>} : memref<16x16xf32, #tpu.memory_space<vmem>>, vector<16xf32>,
      %reduce_max3A_234 = arith.constant true
      %reduce_max3A_235 = vector.broadcast %reduce_max3A_234 : i1 to vector<16xi1>
      %reduce_max3A_236 = tpu.scan <max>, %get3A_233 masked %reduce_max3A_235 : vector<16xf32>, vector<16xi1> -> vector<16xf32>
      %reduce_max3A_237 = vector.extract %reduce_max3A_236[15] : f32 from vector<16xf32>
      %sub3A_238 = vector.broadcast %reduce_max3A_237 : f32 to vector<16xf32>
      %sub3A_239 = arith.subf %get3A_233, %sub3A_238 : vector<16xf32>
      %exp3A_240 = math.exp %sub3A_239 : vector<16xf32>
      %reduce_sum3A_241 = arith.constant true
      %reduce_sum3A_242 = vector.broadcast %reduce_sum3A_241 : i1 to vector<16xi1>
      %reduce_sum3A_243 = tpu.scan <sum>, %exp3A_240 masked %reduce_sum3A_242 : vector<16xf32>, vector<16xi1> -> vector<16xf32>
      %reduce_sum3A_244 = vector.extract %reduce_sum3A_243[15] : f32 from vector<16xf32>
      %div3A_245 = vector.broadcast %reduce_sum3A_244 : f32 to vector<16xf32>
      %div3A_246 = arith.divf %exp3A_240, %div3A_245 : vector<16xf32>
      %swap3A_247 = arith.constant 7 : i32
      %swap3A_248 = arith.index_cast %swap3A_247 : i32 to index
      %swap3A_249 = arith.constant 0 : index
      %swap3A_250 = tpu.vector_load %arg8[%swap3A_248, %swap3A_249] {strides = array<i32>} : memref<16x16xf32, #tpu.memory_space<vmem>>, vector<16xf32>,
      tpu.vector_store %arg8[%swap3A_248, %swap3A_249], %div3A_246 {strides = array<i32>} : memref<16x16xf32, #tpu.memory_space<vmem>>, vector<16xf32>,
      %get3A_251 = arith.constant 8 : i32
      %get3A_252 = arith.index_cast %get3A_251 : i32 to index
      %get3A_253 = arith.constant 0 : index
      %get3A_254 = tpu.vector_load %arg7[%get3A_252, %get3A_253] {strides = array<i32>} : memref<16x16xf32, #tpu.memory_space<vmem>>, vector<16xf32>,
      %reduce_max3A_255 = arith.constant true
      %reduce_max3A_256 = vector.broadcast %reduce_max3A_255 : i1 to vector<16xi1>
      %reduce_max3A_257 = tpu.scan <max>, %get3A_254 masked %reduce_max3A_256 : vector<16xf32>, vector<16xi1> -> vector<16xf32>
      %reduce_max3A_258 = vector.extract %reduce_max3A_257[15] : f32 from vector<16xf32>
      %sub3A_259 = vector.broadcast %reduce_max3A_258 : f32 to vector<16xf32>
      %sub3A_260 = arith.subf %get3A_254, %sub3A_259 : vector<16xf32>
      %exp3A_261 = math.exp %sub3A_260 : vector<16xf32>
      %reduce_sum3A_262 = arith.constant true
      %reduce_sum3A_263 = vector.broadcast %reduce_sum3A_262 : i1 to vector<16xi1>
      %reduce_sum3A_264 = tpu.scan <sum>, %exp3A_261 masked %reduce_sum3A_263 : vector<16xf32>, vector<16xi1> -> vector<16xf32>
      %reduce_sum3A_265 = vector.extract %reduce_sum3A_264[15] : f32 from vector<16xf32>
      %div3A_266 = vector.broadcast %reduce_sum3A_265 : f32 to vector<16xf32>
      %div3A_267 = arith.divf %exp3A_261, %div3A_266 : vector<16xf32>
      %swap3A_268 = arith.constant 8 : i32
      %swap3A_269 = arith.index_cast %swap3A_268 : i32 to index
      %swap3A_270 = arith.constant 0 : index
      %swap3A_271 = tpu.vector_load %arg8[%swap3A_269, %swap3A_270] {strides = array<i32>} : memref<16x16xf32, #tpu.memory_space<vmem>>, vector<16xf32>,
      tpu.vector_store %arg8[%swap3A_269, %swap3A_270], %div3A_267 {strides = array<i32>} : memref<16x16xf32, #tpu.memory_space<vmem>>, vector<16xf32>,
      %get3A_272 = arith.constant 9 : i32
      %get3A_273 = arith.index_cast %get3A_272 : i32 to index
      %get3A_274 = arith.constant 0 : index
      %get3A_275 = tpu.vector_load %arg7[%get3A_273, %get3A_274] {strides = array<i32>} : memref<16x16xf32, #tpu.memory_space<vmem>>, vector<16xf32>,
      %reduce_max3A_276 = arith.constant true
      %reduce_max3A_277 = vector.broadcast %reduce_max3A_276 : i1 to vector<16xi1>
      %reduce_max3A_278 = tpu.scan <max>, %get3A_275 masked %reduce_max3A_277 : vector<16xf32>, vector<16xi1> -> vector<16xf32>
      %reduce_max3A_279 = vector.extract %reduce_max3A_278[15] : f32 from vector<16xf32>
      %sub3A_280 = vector.broadcast %reduce_max3A_279 : f32 to vector<16xf32>
      %sub3A_281 = arith.subf %get3A_275, %sub3A_280 : vector<16xf32>
      %exp3A_282 = math.exp %sub3A_281 : vector<16xf32>
      %reduce_sum3A_283 = arith.constant true
      %reduce_sum3A_284 = vector.broadcast %reduce_sum3A_283 : i1 to vector<16xi1>
      %reduce_sum3A_285 = tpu.scan <sum>, %exp3A_282 masked %reduce_sum3A_284 : vector<16xf32>, vector<16xi1> -> vector<16xf32>
      %reduce_sum3A_286 = vector.extract %reduce_sum3A_285[15] : f32 from vector<16xf32>
      %div3A_287 = vector.broadcast %reduce_sum3A_286 : f32 to vector<16xf32>
      %div3A_288 = arith.divf %exp3A_282, %div3A_287 : vector<16xf32>
      %swap3A_289 = arith.constant 9 : i32
      %swap3A_290 = arith.index_cast %swap3A_289 : i32 to index
      %swap3A_291 = arith.constant 0 : index
      %swap3A_292 = tpu.vector_load %arg8[%swap3A_290, %swap3A_291] {strides = array<i32>} : memref<16x16xf32, #tpu.memory_space<vmem>>, vector<16xf32>,
      tpu.vector_store %arg8[%swap3A_290, %swap3A_291], %div3A_288 {strides = array<i32>} : memref<16x16xf32, #tpu.memory_space<vmem>>, vector<16xf32>,
      %get3A_293 = arith.constant 10 : i32
      %get3A_294 = arith.index_cast %get3A_293 : i32 to index
      %get3A_295 = arith.constant 0 : index
      %get3A_296 = tpu.vector_load %arg7[%get3A_294, %get3A_295] {strides = array<i32>} : memref<16x16xf32, #tpu.memory_space<vmem>>, vector<16xf32>,
      %reduce_max3A_297 = arith.constant true
      %reduce_max3A_298 = vector.broadcast %reduce_max3A_297 : i1 to vector<16xi1>
      %reduce_max3A_299 = tpu.scan <max>, %get3A_296 masked %reduce_max3A_298 : vector<16xf32>, vector<16xi1> -> vector<16xf32>
      %reduce_max3A_300 = vector.extract %reduce_max3A_299[15] : f32 from vector<16xf32>
      %sub3A_301 = vector.broadcast %reduce_max3A_300 : f32 to vector<16xf32>
      %sub3A_302 = arith.subf %get3A_296, %sub3A_301 : vector<16xf32>
      %exp3A_303 = math.exp %sub3A_302 : vector<16xf32>
      %reduce_sum3A_304 = arith.constant true
      %reduce_sum3A_305 = vector.broadcast %reduce_sum3A_304 : i1 to vector<16xi1>
      %reduce_sum3A_306 = tpu.scan <sum>, %exp3A_303 masked %reduce_sum3A_305 : vector<16xf32>, vector<16xi1> -> vector<16xf32>
      %reduce_sum3A_307 = vector.extract %reduce_sum3A_306[15] : f32 from vector<16xf32>
      %div3A_308 = vector.broadcast %reduce_sum3A_307 : f32 to vector<16xf32>
      %div3A_309 = arith.divf %exp3A_303, %div3A_308 : vector<16xf32>
      %swap3A_310 = arith.constant 10 : i32
      %swap3A_311 = arith.index_cast %swap3A_310 : i32 to index
      %swap3A_312 = arith.constant 0 : index
      %swap3A_313 = tpu.vector_load %arg8[%swap3A_311, %swap3A_312] {strides = array<i32>} : memref<16x16xf32, #tpu.memory_space<vmem>>, vector<16xf32>,
      tpu.vector_store %arg8[%swap3A_311, %swap3A_312], %div3A_309 {strides = array<i32>} : memref<16x16xf32, #tpu.memory_space<vmem>>, vector<16xf32>,
      %get3A_314 = arith.constant 11 : i32
      %get3A_315 = arith.index_cast %get3A_314 : i32 to index
      %get3A_316 = arith.constant 0 : index
      %get3A_317 = tpu.vector_load %arg7[%get3A_315, %get3A_316] {strides = array<i32>} : memref<16x16xf32, #tpu.memory_space<vmem>>, vector<16xf32>,
      %reduce_max3A_318 = arith.constant true
      %reduce_max3A_319 = vector.broadcast %reduce_max3A_318 : i1 to vector<16xi1>
      %reduce_max3A_320 = tpu.scan <max>, %get3A_317 masked %reduce_max3A_319 : vector<16xf32>, vector<16xi1> -> vector<16xf32>
      %reduce_max3A_321 = vector.extract %reduce_max3A_320[15] : f32 from vector<16xf32>
      %sub3A_322 = vector.broadcast %reduce_max3A_321 : f32 to vector<16xf32>
      %sub3A_323 = arith.subf %get3A_317, %sub3A_322 : vector<16xf32>
      %exp3A_324 = math.exp %sub3A_323 : vector<16xf32>
      %reduce_sum3A_325 = arith.constant true
      %reduce_sum3A_326 = vector.broadcast %reduce_sum3A_325 : i1 to vector<16xi1>
      %reduce_sum3A_327 = tpu.scan <sum>, %exp3A_324 masked %reduce_sum3A_326 : vector<16xf32>, vector<16xi1> -> vector<16xf32>
      %reduce_sum3A_328 = vector.extract %reduce_sum3A_327[15] : f32 from vector<16xf32>
      %div3A_329 = vector.broadcast %reduce_sum3A_328 : f32 to vector<16xf32>
      %div3A_330 = arith.divf %exp3A_324, %div3A_329 : vector<16xf32>
      %swap3A_331 = arith.constant 11 : i32
      %swap3A_332 = arith.index_cast %swap3A_331 : i32 to index
      %swap3A_333 = arith.constant 0 : index
      %swap3A_334 = tpu.vector_load %arg8[%swap3A_332, %swap3A_333] {strides = array<i32>} : memref<16x16xf32, #tpu.memory_space<vmem>>, vector<16xf32>,
      tpu.vector_store %arg8[%swap3A_332, %swap3A_333], %div3A_330 {strides = array<i32>} : memref<16x16xf32, #tpu.memory_space<vmem>>, vector<16xf32>,
      %get3A_335 = arith.constant 12 : i32
      %get3A_336 = arith.index_cast %get3A_335 : i32 to index
      %get3A_337 = arith.constant 0 : index
      %get3A_338 = tpu.vector_load %arg7[%get3A_336, %get3A_337] {strides = array<i32>} : memref<16x16xf32, #tpu.memory_space<vmem>>, vector<16xf32>,
      %reduce_max3A_339 = arith.constant true
      %reduce_max3A_340 = vector.broadcast %reduce_max3A_339 : i1 to vector<16xi1>
      %reduce_max3A_341 = tpu.scan <max>, %get3A_338 masked %reduce_max3A_340 : vector<16xf32>, vector<16xi1> -> vector<16xf32>
      %reduce_max3A_342 = vector.extract %reduce_max3A_341[15] : f32 from vector<16xf32>
      %sub3A_343 = vector.broadcast %reduce_max3A_342 : f32 to vector<16xf32>
      %sub3A_344 = arith.subf %get3A_338, %sub3A_343 : vector<16xf32>
      %exp3A_345 = math.exp %sub3A_344 : vector<16xf32>
      %reduce_sum3A_346 = arith.constant true
      %reduce_sum3A_347 = vector.broadcast %reduce_sum3A_346 : i1 to vector<16xi1>
      %reduce_sum3A_348 = tpu.scan <sum>, %exp3A_345 masked %reduce_sum3A_347 : vector<16xf32>, vector<16xi1> -> vector<16xf32>
      %reduce_sum3A_349 = vector.extract %reduce_sum3A_348[15] : f32 from vector<16xf32>
      %div3A_350 = vector.broadcast %reduce_sum3A_349 : f32 to vector<16xf32>
      %div3A_351 = arith.divf %exp3A_345, %div3A_350 : vector<16xf32>
      %swap3A_352 = arith.constant 12 : i32
      %swap3A_353 = arith.index_cast %swap3A_352 : i32 to index
      %swap3A_354 = arith.constant 0 : index
      %swap3A_355 = tpu.vector_load %arg8[%swap3A_353, %swap3A_354] {strides = array<i32>} : memref<16x16xf32, #tpu.memory_space<vmem>>, vector<16xf32>,
      tpu.vector_store %arg8[%swap3A_353, %swap3A_354], %div3A_351 {strides = array<i32>} : memref<16x16xf32, #tpu.memory_space<vmem>>, vector<16xf32>,
      %get3A_356 = arith.constant 13 : i32
      %get3A_357 = arith.index_cast %get3A_356 : i32 to index
      %get3A_358 = arith.constant 0 : index
      %get3A_359 = tpu.vector_load %arg7[%get3A_357, %get3A_358] {strides = array<i32>} : memref<16x16xf32, #tpu.memory_space<vmem>>, vector<16xf32>,
      %reduce_max3A_360 = arith.constant true
      %reduce_max3A_361 = vector.broadcast %reduce_max3A_360 : i1 to vector<16xi1>
      %reduce_max3A_362 = tpu.scan <max>, %get3A_359 masked %reduce_max3A_361 : vector<16xf32>, vector<16xi1> -> vector<16xf32>
      %reduce_max3A_363 = vector.extract %reduce_max3A_362[15] : f32 from vector<16xf32>
      %sub3A_364 = vector.broadcast %reduce_max3A_363 : f32 to vector<16xf32>
      %sub3A_365 = arith.subf %get3A_359, %sub3A_364 : vector<16xf32>
      %exp3A_366 = math.exp %sub3A_365 : vector<16xf32>
      %reduce_sum3A_367 = arith.constant true
      %reduce_sum3A_368 = vector.broadcast %reduce_sum3A_367 : i1 to vector<16xi1>
      %reduce_sum3A_369 = tpu.scan <sum>, %exp3A_366 masked %reduce_sum3A_368 : vector<16xf32>, vector<16xi1> -> vector<16xf32>
      %reduce_sum3A_370 = vector.extract %reduce_sum3A_369[15] : f32 from vector<16xf32>
      %div3A_371 = vector.broadcast %reduce_sum3A_370 : f32 to vector<16xf32>
      %div3A_372 = arith.divf %exp3A_366, %div3A_371 : vector<16xf32>
      %swap3A_373 = arith.constant 13 : i32
      %swap3A_374 = arith.index_cast %swap3A_373 : i32 to index
      %swap3A_375 = arith.constant 0 : index
      %swap3A_376 = tpu.vector_load %arg8[%swap3A_374, %swap3A_375] {strides = array<i32>} : memref<16x16xf32, #tpu.memory_space<vmem>>, vector<16xf32>,
      tpu.vector_store %arg8[%swap3A_374, %swap3A_375], %div3A_372 {strides = array<i32>} : memref<16x16xf32, #tpu.memory_space<vmem>>, vector<16xf32>,
      %get3A_377 = arith.constant 14 : i32
      %get3A_378 = arith.index_cast %get3A_377 : i32 to index
      %get3A_379 = arith.constant 0 : index
      %get3A_380 = tpu.vector_load %arg7[%get3A_378, %get3A_379] {strides = array<i32>} : memref<16x16xf32, #tpu.memory_space<vmem>>, vector<16xf32>,
      %reduce_max3A_381 = arith.constant true
      %reduce_max3A_382 = vector.broadcast %reduce_max3A_381 : i1 to vector<16xi1>
      %reduce_max3A_383 = tpu.scan <max>, %get3A_380 masked %reduce_max3A_382 : vector<16xf32>, vector<16xi1> -> vector<16xf32>
      %reduce_max3A_384 = vector.extract %reduce_max3A_383[15] : f32 from vector<16xf32>
      %sub3A_385 = vector.broadcast %reduce_max3A_384 : f32 to vector<16xf32>
      %sub3A_386 = arith.subf %get3A_380, %sub3A_385 : vector<16xf32>
      %exp3A_387 = math.exp %sub3A_386 : vector<16xf32>
      %reduce_sum3A_388 = arith.constant true
      %reduce_sum3A_389 = vector.broadcast %reduce_sum3A_388 : i1 to vector<16xi1>
      %reduce_sum3A_390 = tpu.scan <sum>, %exp3A_387 masked %reduce_sum3A_389 : vector<16xf32>, vector<16xi1> -> vector<16xf32>
      %reduce_sum3A_391 = vector.extract %reduce_sum3A_390[15] : f32 from vector<16xf32>
      %div3A_392 = vector.broadcast %reduce_sum3A_391 : f32 to vector<16xf32>
      %div3A_393 = arith.divf %exp3A_387, %div3A_392 : vector<16xf32>
      %swap3A_394 = arith.constant 14 : i32
      %swap3A_395 = arith.index_cast %swap3A_394 : i32 to index
      %swap3A_396 = arith.constant 0 : index
      %swap3A_397 = tpu.vector_load %arg8[%swap3A_395, %swap3A_396] {strides = array<i32>} : memref<16x16xf32, #tpu.memory_space<vmem>>, vector<16xf32>,
      tpu.vector_store %arg8[%swap3A_395, %swap3A_396], %div3A_393 {strides = array<i32>} : memref<16x16xf32, #tpu.memory_space<vmem>>, vector<16xf32>,
      %get3A_398 = arith.constant 15 : i32
      %get3A_399 = arith.index_cast %get3A_398 : i32 to index
      %get3A_400 = arith.constant 0 : index
      %get3A_401 = tpu.vector_load %arg7[%get3A_399, %get3A_400] {strides = array<i32>} : memref<16x16xf32, #tpu.memory_space<vmem>>, vector<16xf32>,
      %reduce_max3A_402 = arith.constant true
      %reduce_max3A_403 = vector.broadcast %reduce_max3A_402 : i1 to vector<16xi1>
      %reduce_max3A_404 = tpu.scan <max>, %get3A_401 masked %reduce_max3A_403 : vector<16xf32>, vector<16xi1> -> vector<16xf32>
      %reduce_max3A_405 = vector.extract %reduce_max3A_404[15] : f32 from vector<16xf32>
      %sub3A_406 = vector.broadcast %reduce_max3A_405 : f32 to vector<16xf32>
      %sub3A_407 = arith.subf %get3A_401, %sub3A_406 : vector<16xf32>
      %exp3A_408 = math.exp %sub3A_407 : vector<16xf32>
      %reduce_sum3A_409 = arith.constant true
      %reduce_sum3A_410 = vector.broadcast %reduce_sum3A_409 : i1 to vector<16xi1>
      %reduce_sum3A_411 = tpu.scan <sum>, %exp3A_408 masked %reduce_sum3A_410 : vector<16xf32>, vector<16xi1> -> vector<16xf32>
      %reduce_sum3A_412 = vector.extract %reduce_sum3A_411[15] : f32 from vector<16xf32>
      %div3A_413 = vector.broadcast %reduce_sum3A_412 : f32 to vector<16xf32>
      %div3A_414 = arith.divf %exp3A_408, %div3A_413 : vector<16xf32>
      %swap3A_415 = arith.constant 15 : i32
      %swap3A_416 = arith.index_cast %swap3A_415 : i32 to index
      %swap3A_417 = arith.constant 0 : index
      %swap3A_418 = tpu.vector_load %arg8[%swap3A_416, %swap3A_417] {strides = array<i32>} : memref<16x16xf32, #tpu.memory_space<vmem>>, vector<16xf32>,
      tpu.vector_store %arg8[%swap3A_416, %swap3A_417], %div3A_414 {strides = array<i32>} : memref<16x16xf32, #tpu.memory_space<vmem>>, vector<16xf32>,
      %broadcast_in_dim3A_419 = arith.constant 0 : i32
      %broadcast_in_dim3A_420 = vector.broadcast %broadcast_in_dim3A_419 : i32 to vector<16xi32>
      %gather3A = tpu.vector_load_idx %arg8[%iota3A, %broadcast_in_dim3A_420] : memref<16x16xf32, #tpu.memory_space<vmem>>[vector<16xi32>, vector<16xi32>], vector<16xf32>,
      %mul3A_421 = arith.mulf %gather3A, %max3A_60 : vector<16xf32>
      %add3A_422 = arith.addf %broadcast_in_dim3A_33, %mul3A_421 : vector<16xf32>
      %broadcast_in_dim3A_423 = arith.constant 1 : i32
      %broadcast_in_dim3A_424 = vector.broadcast %broadcast_in_dim3A_423 : i32 to vector<16xi32>
      %gather3A_425 = tpu.vector_load_idx %arg8[%iota3A, %broadcast_in_dim3A_424] : memref<16x16xf32, #tpu.memory_space<vmem>>[vector<16xi32>, vector<16xi32>], vector<16xf32>,
      %mul3A_426 = arith.mulf %gather3A_425, %max3A_87 : vector<16xf32>
      %add3A_427 = arith.addf %broadcast_in_dim3A_35, %mul3A_426 : vector<16xf32>
      %get3A_428 = arith.constant 4 : i32
      %get3A_429 = arith.constant 0 : i32
      %get3A_430 = arith.index_cast %get3A_428 : i32 to index
      %get3A_431 = arith.index_cast %get3A_429 : i32 to index
      %get3A_432 = arith.constant 0 : index
      %get3A_433 = tpu.vector_load %arg6[%get3A_430, %get3A_431, %get3A_432] {strides = array<i32>} : memref<16x2x16xf32, #tpu.memory_space<vmem>>, vector<16xf32>,
      %get3A_434 = arith.constant 5 : i32
      %get3A_435 = arith.constant 0 : i32
      %get3A_436 = arith.index_cast %get3A_434 : i32 to index
      %get3A_437 = arith.index_cast %get3A_435 : i32 to index
      %get3A_438 = arith.constant 0 : index
      %get3A_439 = tpu.vector_load %arg6[%get3A_436, %get3A_437, %get3A_438] {strides = array<i32>} : memref<16x2x16xf32, #tpu.memory_space<vmem>>, vector<16xf32>,
      %max3A_440 = arith.maximumf %get3A_433, %get3A_439 : vector<16xf32>
      %get3A_441 = arith.constant 6 : i32
      %get3A_442 = arith.constant 0 : i32
      %get3A_443 = arith.index_cast %get3A_441 : i32 to index
      %get3A_444 = arith.index_cast %get3A_442 : i32 to index
      %get3A_445 = arith.constant 0 : index
      %get3A_446 = tpu.vector_load %arg6[%get3A_443, %get3A_444, %get3A_445] {strides = array<i32>} : memref<16x2x16xf32, #tpu.memory_space<vmem>>, vector<16xf32>,
      %max3A_447 = arith.maximumf %max3A_440, %get3A_446 : vector<16xf32>
      %get3A_448 = arith.constant 7 : i32
      %get3A_449 = arith.constant 0 : i32
      %get3A_450 = arith.index_cast %get3A_448 : i32 to index
      %get3A_451 = arith.index_cast %get3A_449 : i32 to index
      %get3A_452 = arith.constant 0 : index
      %get3A_453 = tpu.vector_load %arg6[%get3A_450, %get3A_451, %get3A_452] {strides = array<i32>} : memref<16x2x16xf32, #tpu.memory_space<vmem>>, vector<16xf32>,
      %max3A_454 = arith.maximumf %max3A_447, %get3A_453 : vector<16xf32>
      %get3A_455 = arith.constant 4 : i32
      %get3A_456 = arith.constant 1 : i32
      %get3A_457 = arith.index_cast %get3A_455 : i32 to index
      %get3A_458 = arith.index_cast %get3A_456 : i32 to index
      %get3A_459 = arith.constant 0 : index
      %get3A_460 = tpu.vector_load %arg6[%get3A_457, %get3A_458, %get3A_459] {strides = array<i32>} : memref<16x2x16xf32, #tpu.memory_space<vmem>>, vector<16xf32>,
      %get3A_461 = arith.constant 5 : i32
      %get3A_462 = arith.constant 1 : i32
      %get3A_463 = arith.index_cast %get3A_461 : i32 to index
      %get3A_464 = arith.index_cast %get3A_462 : i32 to index
      %get3A_465 = arith.constant 0 : index
      %get3A_466 = tpu.vector_load %arg6[%get3A_463, %get3A_464, %get3A_465] {strides = array<i32>} : memref<16x2x16xf32, #tpu.memory_space<vmem>>, vector<16xf32>,
      %max3A_467 = arith.maximumf %get3A_460, %get3A_466 : vector<16xf32>
      %get3A_468 = arith.constant 6 : i32
      %get3A_469 = arith.constant 1 : i32
      %get3A_470 = arith.index_cast %get3A_468 : i32 to index
      %get3A_471 = arith.index_cast %get3A_469 : i32 to index
      %get3A_472 = arith.constant 0 : index
      %get3A_473 = tpu.vector_load %arg6[%get3A_470, %get3A_471, %get3A_472] {strides = array<i32>} : memref<16x2x16xf32, #tpu.memory_space<vmem>>, vector<16xf32>,
      %max3A_474 = arith.maximumf %max3A_467, %get3A_473 : vector<16xf32>
      %get3A_475 = arith.constant 7 : i32
      %get3A_476 = arith.constant 1 : i32
      %get3A_477 = arith.index_cast %get3A_475 : i32 to index
      %get3A_478 = arith.index_cast %get3A_476 : i32 to index
      %get3A_479 = arith.constant 0 : index
      %get3A_480 = tpu.vector_load %arg6[%get3A_477, %get3A_478, %get3A_479] {strides = array<i32>} : memref<16x2x16xf32, #tpu.memory_space<vmem>>, vector<16xf32>,
      %max3A_481 = arith.maximumf %max3A_474, %get3A_480 : vector<16xf32>
      "tpu.region"() ({
        %run_scoped3A = tpu.sem_alloc : memref<!tpu.dma_semaphore, #tpu.memory_space<semaphore_mem>>
        %dma_start3A = arith.constant 2048 : i32
        %dma_start3A_1932 = arith.constant 0 : i32
        %dma_start3A_1933 = tpu.memref_slice %arg2[%dma_start3A, %dma_start3A_1932] : memref<8192x16xf32, #tpu.memory_space<hbm>> -> memref<16x16xf32, #tpu.memory_space<hbm>>
        %dma_start3A_1934 = arith.constant 2048 : i32
        %dma_start3A_1935 = arith.constant 0 : i32
        %dma_start3A_1936 = tpu.memref_slice %arg2[%dma_start3A_1934, %dma_start3A_1935] : memref<8192x16xf32, #tpu.memory_space<hbm>> -> memref<16x16xf32, #tpu.memory_space<hbm>>
        tpu.enqueue_dma source(%dma_start3A_1936 : memref<16x16xf32, #tpu.memory_space<hbm>>) target(%arg7 : memref<16x16xf32, #tpu.memory_space<vmem>>) target_semaphore(%run_scoped3A : memref<!tpu.dma_semaphore, #tpu.memory_space<semaphore_mem>>)
        %dma_wait3A = arith.constant 2048 : i32
        %dma_wait3A_1937 = arith.constant 0 : i32
        %dma_wait3A_1938 = tpu.memref_slice %arg2[%dma_wait3A, %dma_wait3A_1937] : memref<8192x16xf32, #tpu.memory_space<hbm>> -> memref<16x16xf32, #tpu.memory_space<hbm>>
        %dma_wait3A_1939 = arith.constant 2048 : i32
        %dma_wait3A_1940 = arith.constant 0 : i32
        %dma_wait3A_1941 = tpu.memref_slice %arg2[%dma_wait3A_1939, %dma_wait3A_1940] : memref<8192x16xf32, #tpu.memory_space<hbm>> -> memref<16x16xf32, #tpu.memory_space<hbm>>
        tpu.wait_dma2 semaphore(%run_scoped3A : memref<!tpu.dma_semaphore, #tpu.memory_space<semaphore_mem>>) src(%dma_wait3A_1941 : memref<16x16xf32, #tpu.memory_space<hbm>>) dst(%arg7 : memref<16x16xf32, #tpu.memory_space<vmem>>)
        tpu.yield
      }) : () -> ()
      %get3A_482 = arith.constant 0 : i32
      %get3A_483 = arith.index_cast %get3A_482 : i32 to index
      %get3A_484 = arith.constant 0 : index
      %get3A_485 = tpu.vector_load %arg7[%get3A_483, %get3A_484] {strides = array<i32>} : memref<16x16xf32, #tpu.memory_space<vmem>>, vector<16xf32>,
      %reduce_max3A_486 = arith.constant true
      %reduce_max3A_487 = vector.broadcast %reduce_max3A_486 : i1 to vector<16xi1>
      %reduce_max3A_488 = tpu.scan <max>, %get3A_485 masked %reduce_max3A_487 : vector<16xf32>, vector<16xi1> -> vector<16xf32>
      %reduce_max3A_489 = vector.extract %reduce_max3A_488[15] : f32 from vector<16xf32>
      %sub3A_490 = vector.broadcast %reduce_max3A_489 : f32 to vector<16xf32>
      %sub3A_491 = arith.subf %get3A_485, %sub3A_490 : vector<16xf32>
      %exp3A_492 = math.exp %sub3A_491 : vector<16xf32>
      %reduce_sum3A_493 = arith.constant true
      %reduce_sum3A_494 = vector.broadcast %reduce_sum3A_493 : i1 to vector<16xi1>
      %reduce_sum3A_495 = tpu.scan <sum>, %exp3A_492 masked %reduce_sum3A_494 : vector<16xf32>, vector<16xi1> -> vector<16xf32>
      %reduce_sum3A_496 = vector.extract %reduce_sum3A_495[15] : f32 from vector<16xf32>
      %div3A_497 = vector.broadcast %reduce_sum3A_496 : f32 to vector<16xf32>
      %div3A_498 = arith.divf %exp3A_492, %div3A_497 : vector<16xf32>
      %swap3A_499 = arith.constant 0 : i32
      %swap3A_500 = arith.index_cast %swap3A_499 : i32 to index
      %swap3A_501 = arith.constant 0 : index
      %swap3A_502 = tpu.vector_load %arg8[%swap3A_500, %swap3A_501] {strides = array<i32>} : memref<16x16xf32, #tpu.memory_space<vmem>>, vector<16xf32>,
      tpu.vector_store %arg8[%swap3A_500, %swap3A_501], %div3A_498 {strides = array<i32>} : memref<16x16xf32, #tpu.memory_space<vmem>>, vector<16xf32>,
      %get3A_503 = arith.constant 1 : i32
      %get3A_504 = arith.index_cast %get3A_503 : i32 to index
      %get3A_505 = arith.constant 0 : index
      %get3A_506 = tpu.vector_load %arg7[%get3A_504, %get3A_505] {strides = array<i32>} : memref<16x16xf32, #tpu.memory_space<vmem>>, vector<16xf32>,
      %reduce_max3A_507 = arith.constant true
      %reduce_max3A_508 = vector.broadcast %reduce_max3A_507 : i1 to vector<16xi1>
      %reduce_max3A_509 = tpu.scan <max>, %get3A_506 masked %reduce_max3A_508 : vector<16xf32>, vector<16xi1> -> vector<16xf32>
      %reduce_max3A_510 = vector.extract %reduce_max3A_509[15] : f32 from vector<16xf32>
      %sub3A_511 = vector.broadcast %reduce_max3A_510 : f32 to vector<16xf32>
      %sub3A_512 = arith.subf %get3A_506, %sub3A_511 : vector<16xf32>
      %exp3A_513 = math.exp %sub3A_512 : vector<16xf32>
      %reduce_sum3A_514 = arith.constant true
      %reduce_sum3A_515 = vector.broadcast %reduce_sum3A_514 : i1 to vector<16xi1>
      %reduce_sum3A_516 = tpu.scan <sum>, %exp3A_513 masked %reduce_sum3A_515 : vector<16xf32>, vector<16xi1> -> vector<16xf32>
      %reduce_sum3A_517 = vector.extract %reduce_sum3A_516[15] : f32 from vector<16xf32>
      %div3A_518 = vector.broadcast %reduce_sum3A_517 : f32 to vector<16xf32>
      %div3A_519 = arith.divf %exp3A_513, %div3A_518 : vector<16xf32>
      %swap3A_520 = arith.constant 1 : i32
      %swap3A_521 = arith.index_cast %swap3A_520 : i32 to index
      %swap3A_522 = arith.constant 0 : index
      %swap3A_523 = tpu.vector_load %arg8[%swap3A_521, %swap3A_522] {strides = array<i32>} : memref<16x16xf32, #tpu.memory_space<vmem>>, vector<16xf32>,
      tpu.vector_store %arg8[%swap3A_521, %swap3A_522], %div3A_519 {strides = array<i32>} : memref<16x16xf32, #tpu.memory_space<vmem>>, vector<16xf32>,
      %get3A_524 = arith.constant 2 : i32
      %get3A_525 = arith.index_cast %get3A_524 : i32 to index
      %get3A_526 = arith.constant 0 : index
      %get3A_527 = tpu.vector_load %arg7[%get3A_525, %get3A_526] {strides = array<i32>} : memref<16x16xf32, #tpu.memory_space<vmem>>, vector<16xf32>,
      %reduce_max3A_528 = arith.constant true
      %reduce_max3A_529 = vector.broadcast %reduce_max3A_528 : i1 to vector<16xi1>
      %reduce_max3A_530 = tpu.scan <max>, %get3A_527 masked %reduce_max3A_529 : vector<16xf32>, vector<16xi1> -> vector<16xf32>
      %reduce_max3A_531 = vector.extract %reduce_max3A_530[15] : f32 from vector<16xf32>
      %sub3A_532 = vector.broadcast %reduce_max3A_531 : f32 to vector<16xf32>
      %sub3A_533 = arith.subf %get3A_527, %sub3A_532 : vector<16xf32>
      %exp3A_534 = math.exp %sub3A_533 : vector<16xf32>
      %reduce_sum3A_535 = arith.constant true
      %reduce_sum3A_536 = vector.broadcast %reduce_sum3A_535 : i1 to vector<16xi1>
      %reduce_sum3A_537 = tpu.scan <sum>, %exp3A_534 masked %reduce_sum3A_536 : vector<16xf32>, vector<16xi1> -> vector<16xf32>
      %reduce_sum3A_538 = vector.extract %reduce_sum3A_537[15] : f32 from vector<16xf32>
      %div3A_539 = vector.broadcast %reduce_sum3A_538 : f32 to vector<16xf32>
      %div3A_540 = arith.divf %exp3A_534, %div3A_539 : vector<16xf32>
      %swap3A_541 = arith.constant 2 : i32
      %swap3A_542 = arith.index_cast %swap3A_541 : i32 to index
      %swap3A_543 = arith.constant 0 : index
      %swap3A_544 = tpu.vector_load %arg8[%swap3A_542, %swap3A_543] {strides = array<i32>} : memref<16x16xf32, #tpu.memory_space<vmem>>, vector<16xf32>,
      tpu.vector_store %arg8[%swap3A_542, %swap3A_543], %div3A_540 {strides = array<i32>} : memref<16x16xf32, #tpu.memory_space<vmem>>, vector<16xf32>,
      %get3A_545 = arith.constant 3 : i32
      %get3A_546 = arith.index_cast %get3A_545 : i32 to index
      %get3A_547 = arith.constant 0 : index
      %get3A_548 = tpu.vector_load %arg7[%get3A_546, %get3A_547] {strides = array<i32>} : memref<16x16xf32, #tpu.memory_space<vmem>>, vector<16xf32>,
      %reduce_max3A_549 = arith.constant true
      %reduce_max3A_550 = vector.broadcast %reduce_max3A_549 : i1 to vector<16xi1>
      %reduce_max3A_551 = tpu.scan <max>, %get3A_548 masked %reduce_max3A_550 : vector<16xf32>, vector<16xi1> -> vector<16xf32>
      %reduce_max3A_552 = vector.extract %reduce_max3A_551[15] : f32 from vector<16xf32>
      %sub3A_553 = vector.broadcast %reduce_max3A_552 : f32 to vector<16xf32>
      %sub3A_554 = arith.subf %get3A_548, %sub3A_553 : vector<16xf32>
      %exp3A_555 = math.exp %sub3A_554 : vector<16xf32>
      %reduce_sum3A_556 = arith.constant true
      %reduce_sum3A_557 = vector.broadcast %reduce_sum3A_556 : i1 to vector<16xi1>
      %reduce_sum3A_558 = tpu.scan <sum>, %exp3A_555 masked %reduce_sum3A_557 : vector<16xf32>, vector<16xi1> -> vector<16xf32>
      %reduce_sum3A_559 = vector.extract %reduce_sum3A_558[15] : f32 from vector<16xf32>
      %div3A_560 = vector.broadcast %reduce_sum3A_559 : f32 to vector<16xf32>
      %div3A_561 = arith.divf %exp3A_555, %div3A_560 : vector<16xf32>
      %swap3A_562 = arith.constant 3 : i32
      %swap3A_563 = arith.index_cast %swap3A_562 : i32 to index
      %swap3A_564 = arith.constant 0 : index
      %swap3A_565 = tpu.vector_load %arg8[%swap3A_563, %swap3A_564] {strides = array<i32>} : memref<16x16xf32, #tpu.memory_space<vmem>>, vector<16xf32>,
      tpu.vector_store %arg8[%swap3A_563, %swap3A_564], %div3A_561 {strides = array<i32>} : memref<16x16xf32, #tpu.memory_space<vmem>>, vector<16xf32>,
      %get3A_566 = arith.constant 4 : i32
      %get3A_567 = arith.index_cast %get3A_566 : i32 to index
      %get3A_568 = arith.constant 0 : index
      %get3A_569 = tpu.vector_load %arg7[%get3A_567, %get3A_568] {strides = array<i32>} : memref<16x16xf32, #tpu.memory_space<vmem>>, vector<16xf32>,
      %reduce_max3A_570 = arith.constant true
      %reduce_max3A_571 = vector.broadcast %reduce_max3A_570 : i1 to vector<16xi1>
      %reduce_max3A_572 = tpu.scan <max>, %get3A_569 masked %reduce_max3A_571 : vector<16xf32>, vector<16xi1> -> vector<16xf32>
      %reduce_max3A_573 = vector.extract %reduce_max3A_572[15] : f32 from vector<16xf32>
      %sub3A_574 = vector.broadcast %reduce_max3A_573 : f32 to vector<16xf32>
      %sub3A_575 = arith.subf %get3A_569, %sub3A_574 : vector<16xf32>
      %exp3A_576 = math.exp %sub3A_575 : vector<16xf32>
      %reduce_sum3A_577 = arith.constant true
      %reduce_sum3A_578 = vector.broadcast %reduce_sum3A_577 : i1 to vector<16xi1>
      %reduce_sum3A_579 = tpu.scan <sum>, %exp3A_576 masked %reduce_sum3A_578 : vector<16xf32>, vector<16xi1> -> vector<16xf32>
      %reduce_sum3A_580 = vector.extract %reduce_sum3A_579[15] : f32 from vector<16xf32>
      %div3A_581 = vector.broadcast %reduce_sum3A_580 : f32 to vector<16xf32>
      %div3A_582 = arith.divf %exp3A_576, %div3A_581 : vector<16xf32>
      %swap3A_583 = arith.constant 4 : i32
      %swap3A_584 = arith.index_cast %swap3A_583 : i32 to index
      %swap3A_585 = arith.constant 0 : index
      %swap3A_586 = tpu.vector_load %arg8[%swap3A_584, %swap3A_585] {strides = array<i32>} : memref<16x16xf32, #tpu.memory_space<vmem>>, vector<16xf32>,
      tpu.vector_store %arg8[%swap3A_584, %swap3A_585], %div3A_582 {strides = array<i32>} : memref<16x16xf32, #tpu.memory_space<vmem>>, vector<16xf32>,
      %get3A_587 = arith.constant 5 : i32
      %get3A_588 = arith.index_cast %get3A_587 : i32 to index
      %get3A_589 = arith.constant 0 : index
      %get3A_590 = tpu.vector_load %arg7[%get3A_588, %get3A_589] {strides = array<i32>} : memref<16x16xf32, #tpu.memory_space<vmem>>, vector<16xf32>,
      %reduce_max3A_591 = arith.constant true
      %reduce_max3A_592 = vector.broadcast %reduce_max3A_591 : i1 to vector<16xi1>
      %reduce_max3A_593 = tpu.scan <max>, %get3A_590 masked %reduce_max3A_592 : vector<16xf32>, vector<16xi1> -> vector<16xf32>
      %reduce_max3A_594 = vector.extract %reduce_max3A_593[15] : f32 from vector<16xf32>
      %sub3A_595 = vector.broadcast %reduce_max3A_594 : f32 to vector<16xf32>
      %sub3A_596 = arith.subf %get3A_590, %sub3A_595 : vector<16xf32>
      %exp3A_597 = math.exp %sub3A_596 : vector<16xf32>
      %reduce_sum3A_598 = arith.constant true
      %reduce_sum3A_599 = vector.broadcast %reduce_sum3A_598 : i1 to vector<16xi1>
      %reduce_sum3A_600 = tpu.scan <sum>, %exp3A_597 masked %reduce_sum3A_599 : vector<16xf32>, vector<16xi1> -> vector<16xf32>
      %reduce_sum3A_601 = vector.extract %reduce_sum3A_600[15] : f32 from vector<16xf32>
      %div3A_602 = vector.broadcast %reduce_sum3A_601 : f32 to vector<16xf32>
      %div3A_603 = arith.divf %exp3A_597, %div3A_602 : vector<16xf32>
      %swap3A_604 = arith.constant 5 : i32
      %swap3A_605 = arith.index_cast %swap3A_604 : i32 to index
      %swap3A_606 = arith.constant 0 : index
      %swap3A_607 = tpu.vector_load %arg8[%swap3A_605, %swap3A_606] {strides = array<i32>} : memref<16x16xf32, #tpu.memory_space<vmem>>, vector<16xf32>,
      tpu.vector_store %arg8[%swap3A_605, %swap3A_606], %div3A_603 {strides = array<i32>} : memref<16x16xf32, #tpu.memory_space<vmem>>, vector<16xf32>,
      %get3A_608 = arith.constant 6 : i32
      %get3A_609 = arith.index_cast %get3A_608 : i32 to index
      %get3A_610 = arith.constant 0 : index
      %get3A_611 = tpu.vector_load %arg7[%get3A_609, %get3A_610] {strides = array<i32>} : memref<16x16xf32, #tpu.memory_space<vmem>>, vector<16xf32>,
      %reduce_max3A_612 = arith.constant true
      %reduce_max3A_613 = vector.broadcast %reduce_max3A_612 : i1 to vector<16xi1>
      %reduce_max3A_614 = tpu.scan <max>, %get3A_611 masked %reduce_max3A_613 : vector<16xf32>, vector<16xi1> -> vector<16xf32>
      %reduce_max3A_615 = vector.extract %reduce_max3A_614[15] : f32 from vector<16xf32>
      %sub3A_616 = vector.broadcast %reduce_max3A_615 : f32 to vector<16xf32>
      %sub3A_617 = arith.subf %get3A_611, %sub3A_616 : vector<16xf32>
      %exp3A_618 = math.exp %sub3A_617 : vector<16xf32>
      %reduce_sum3A_619 = arith.constant true
      %reduce_sum3A_620 = vector.broadcast %reduce_sum3A_619 : i1 to vector<16xi1>
      %reduce_sum3A_621 = tpu.scan <sum>, %exp3A_618 masked %reduce_sum3A_620 : vector<16xf32>, vector<16xi1> -> vector<16xf32>
      %reduce_sum3A_622 = vector.extract %reduce_sum3A_621[15] : f32 from vector<16xf32>
      %div3A_623 = vector.broadcast %reduce_sum3A_622 : f32 to vector<16xf32>
      %div3A_624 = arith.divf %exp3A_618, %div3A_623 : vector<16xf32>
      %swap3A_625 = arith.constant 6 : i32
      %swap3A_626 = arith.index_cast %swap3A_625 : i32 to index
      %swap3A_627 = arith.constant 0 : index
      %swap3A_628 = tpu.vector_load %arg8[%swap3A_626, %swap3A_627] {strides = array<i32>} : memref<16x16xf32, #tpu.memory_space<vmem>>, vector<16xf32>,
      tpu.vector_store %arg8[%swap3A_626, %swap3A_627], %div3A_624 {strides = array<i32>} : memref<16x16xf32, #tpu.memory_space<vmem>>, vector<16xf32>,
      %get3A_629 = arith.constant 7 : i32
      %get3A_630 = arith.index_cast %get3A_629 : i32 to index
      %get3A_631 = arith.constant 0 : index
      %get3A_632 = tpu.vector_load %arg7[%get3A_630, %get3A_631] {strides = array<i32>} : memref<16x16xf32, #tpu.memory_space<vmem>>, vector<16xf32>,
      %reduce_max3A_633 = arith.constant true
      %reduce_max3A_634 = vector.broadcast %reduce_max3A_633 : i1 to vector<16xi1>
      %reduce_max3A_635 = tpu.scan <max>, %get3A_632 masked %reduce_max3A_634 : vector<16xf32>, vector<16xi1> -> vector<16xf32>
      %reduce_max3A_636 = vector.extract %reduce_max3A_635[15] : f32 from vector<16xf32>
      %sub3A_637 = vector.broadcast %reduce_max3A_636 : f32 to vector<16xf32>
      %sub3A_638 = arith.subf %get3A_632, %sub3A_637 : vector<16xf32>
      %exp3A_639 = math.exp %sub3A_638 : vector<16xf32>
      %reduce_sum3A_640 = arith.constant true
      %reduce_sum3A_641 = vector.broadcast %reduce_sum3A_640 : i1 to vector<16xi1>
      %reduce_sum3A_642 = tpu.scan <sum>, %exp3A_639 masked %reduce_sum3A_641 : vector<16xf32>, vector<16xi1> -> vector<16xf32>
      %reduce_sum3A_643 = vector.extract %reduce_sum3A_642[15] : f32 from vector<16xf32>
      %div3A_644 = vector.broadcast %reduce_sum3A_643 : f32 to vector<16xf32>
      %div3A_645 = arith.divf %exp3A_639, %div3A_644 : vector<16xf32>
      %swap3A_646 = arith.constant 7 : i32
      %swap3A_647 = arith.index_cast %swap3A_646 : i32 to index
      %swap3A_648 = arith.constant 0 : index
      %swap3A_649 = tpu.vector_load %arg8[%swap3A_647, %swap3A_648] {strides = array<i32>} : memref<16x16xf32, #tpu.memory_space<vmem>>, vector<16xf32>,
      tpu.vector_store %arg8[%swap3A_647, %swap3A_648], %div3A_645 {strides = array<i32>} : memref<16x16xf32, #tpu.memory_space<vmem>>, vector<16xf32>,
      %get3A_650 = arith.constant 8 : i32
      %get3A_651 = arith.index_cast %get3A_650 : i32 to index
      %get3A_652 = arith.constant 0 : index
      %get3A_653 = tpu.vector_load %arg7[%get3A_651, %get3A_652] {strides = array<i32>} : memref<16x16xf32, #tpu.memory_space<vmem>>, vector<16xf32>,
      %reduce_max3A_654 = arith.constant true
      %reduce_max3A_655 = vector.broadcast %reduce_max3A_654 : i1 to vector<16xi1>
      %reduce_max3A_656 = tpu.scan <max>, %get3A_653 masked %reduce_max3A_655 : vector<16xf32>, vector<16xi1> -> vector<16xf32>
      %reduce_max3A_657 = vector.extract %reduce_max3A_656[15] : f32 from vector<16xf32>
      %sub3A_658 = vector.broadcast %reduce_max3A_657 : f32 to vector<16xf32>
      %sub3A_659 = arith.subf %get3A_653, %sub3A_658 : vector<16xf32>
      %exp3A_660 = math.exp %sub3A_659 : vector<16xf32>
      %reduce_sum3A_661 = arith.constant true
      %reduce_sum3A_662 = vector.broadcast %reduce_sum3A_661 : i1 to vector<16xi1>
      %reduce_sum3A_663 = tpu.scan <sum>, %exp3A_660 masked %reduce_sum3A_662 : vector<16xf32>, vector<16xi1> -> vector<16xf32>
      %reduce_sum3A_664 = vector.extract %reduce_sum3A_663[15] : f32 from vector<16xf32>
      %div3A_665 = vector.broadcast %reduce_sum3A_664 : f32 to vector<16xf32>
      %div3A_666 = arith.divf %exp3A_660, %div3A_665 : vector<16xf32>
      %swap3A_667 = arith.constant 8 : i32
      %swap3A_668 = arith.index_cast %swap3A_667 : i32 to index
      %swap3A_669 = arith.constant 0 : index
      %swap3A_670 = tpu.vector_load %arg8[%swap3A_668, %swap3A_669] {strides = array<i32>} : memref<16x16xf32, #tpu.memory_space<vmem>>, vector<16xf32>,
      tpu.vector_store %arg8[%swap3A_668, %swap3A_669], %div3A_666 {strides = array<i32>} : memref<16x16xf32, #tpu.memory_space<vmem>>, vector<16xf32>,
      %get3A_671 = arith.constant 9 : i32
      %get3A_672 = arith.index_cast %get3A_671 : i32 to index
      %get3A_673 = arith.constant 0 : index
      %get3A_674 = tpu.vector_load %arg7[%get3A_672, %get3A_673] {strides = array<i32>} : memref<16x16xf32, #tpu.memory_space<vmem>>, vector<16xf32>,
      %reduce_max3A_675 = arith.constant true
      %reduce_max3A_676 = vector.broadcast %reduce_max3A_675 : i1 to vector<16xi1>
      %reduce_max3A_677 = tpu.scan <max>, %get3A_674 masked %reduce_max3A_676 : vector<16xf32>, vector<16xi1> -> vector<16xf32>
      %reduce_max3A_678 = vector.extract %reduce_max3A_677[15] : f32 from vector<16xf32>
      %sub3A_679 = vector.broadcast %reduce_max3A_678 : f32 to vector<16xf32>
      %sub3A_680 = arith.subf %get3A_674, %sub3A_679 : vector<16xf32>
      %exp3A_681 = math.exp %sub3A_680 : vector<16xf32>
      %reduce_sum3A_682 = arith.constant true
      %reduce_sum3A_683 = vector.broadcast %reduce_sum3A_682 : i1 to vector<16xi1>
      %reduce_sum3A_684 = tpu.scan <sum>, %exp3A_681 masked %reduce_sum3A_683 : vector<16xf32>, vector<16xi1> -> vector<16xf32>
      %reduce_sum3A_685 = vector.extract %reduce_sum3A_684[15] : f32 from vector<16xf32>
      %div3A_686 = vector.broadcast %reduce_sum3A_685 : f32 to vector<16xf32>
      %div3A_687 = arith.divf %exp3A_681, %div3A_686 : vector<16xf32>
      %swap3A_688 = arith.constant 9 : i32
      %swap3A_689 = arith.index_cast %swap3A_688 : i32 to index
      %swap3A_690 = arith.constant 0 : index
      %swap3A_691 = tpu.vector_load %arg8[%swap3A_689, %swap3A_690] {strides = array<i32>} : memref<16x16xf32, #tpu.memory_space<vmem>>, vector<16xf32>,
      tpu.vector_store %arg8[%swap3A_689, %swap3A_690], %div3A_687 {strides = array<i32>} : memref<16x16xf32, #tpu.memory_space<vmem>>, vector<16xf32>,
      %get3A_692 = arith.constant 10 : i32
      %get3A_693 = arith.index_cast %get3A_692 : i32 to index
      %get3A_694 = arith.constant 0 : index
      %get3A_695 = tpu.vector_load %arg7[%get3A_693, %get3A_694] {strides = array<i32>} : memref<16x16xf32, #tpu.memory_space<vmem>>, vector<16xf32>,
      %reduce_max3A_696 = arith.constant true
      %reduce_max3A_697 = vector.broadcast %reduce_max3A_696 : i1 to vector<16xi1>
      %reduce_max3A_698 = tpu.scan <max>, %get3A_695 masked %reduce_max3A_697 : vector<16xf32>, vector<16xi1> -> vector<16xf32>
      %reduce_max3A_699 = vector.extract %reduce_max3A_698[15] : f32 from vector<16xf32>
      %sub3A_700 = vector.broadcast %reduce_max3A_699 : f32 to vector<16xf32>
      %sub3A_701 = arith.subf %get3A_695, %sub3A_700 : vector<16xf32>
      %exp3A_702 = math.exp %sub3A_701 : vector<16xf32>
      %reduce_sum3A_703 = arith.constant true
      %reduce_sum3A_704 = vector.broadcast %reduce_sum3A_703 : i1 to vector<16xi1>
      %reduce_sum3A_705 = tpu.scan <sum>, %exp3A_702 masked %reduce_sum3A_704 : vector<16xf32>, vector<16xi1> -> vector<16xf32>
      %reduce_sum3A_706 = vector.extract %reduce_sum3A_705[15] : f32 from vector<16xf32>
      %div3A_707 = vector.broadcast %reduce_sum3A_706 : f32 to vector<16xf32>
      %div3A_708 = arith.divf %exp3A_702, %div3A_707 : vector<16xf32>
      %swap3A_709 = arith.constant 10 : i32
      %swap3A_710 = arith.index_cast %swap3A_709 : i32 to index
      %swap3A_711 = arith.constant 0 : index
      %swap3A_712 = tpu.vector_load %arg8[%swap3A_710, %swap3A_711] {strides = array<i32>} : memref<16x16xf32, #tpu.memory_space<vmem>>, vector<16xf32>,
      tpu.vector_store %arg8[%swap3A_710, %swap3A_711], %div3A_708 {strides = array<i32>} : memref<16x16xf32, #tpu.memory_space<vmem>>, vector<16xf32>,
      %get3A_713 = arith.constant 11 : i32
      %get3A_714 = arith.index_cast %get3A_713 : i32 to index
      %get3A_715 = arith.constant 0 : index
      %get3A_716 = tpu.vector_load %arg7[%get3A_714, %get3A_715] {strides = array<i32>} : memref<16x16xf32, #tpu.memory_space<vmem>>, vector<16xf32>,
      %reduce_max3A_717 = arith.constant true
      %reduce_max3A_718 = vector.broadcast %reduce_max3A_717 : i1 to vector<16xi1>
      %reduce_max3A_719 = tpu.scan <max>, %get3A_716 masked %reduce_max3A_718 : vector<16xf32>, vector<16xi1> -> vector<16xf32>
      %reduce_max3A_720 = vector.extract %reduce_max3A_719[15] : f32 from vector<16xf32>
      %sub3A_721 = vector.broadcast %reduce_max3A_720 : f32 to vector<16xf32>
      %sub3A_722 = arith.subf %get3A_716, %sub3A_721 : vector<16xf32>
      %exp3A_723 = math.exp %sub3A_722 : vector<16xf32>
      %reduce_sum3A_724 = arith.constant true
      %reduce_sum3A_725 = vector.broadcast %reduce_sum3A_724 : i1 to vector<16xi1>
      %reduce_sum3A_726 = tpu.scan <sum>, %exp3A_723 masked %reduce_sum3A_725 : vector<16xf32>, vector<16xi1> -> vector<16xf32>
      %reduce_sum3A_727 = vector.extract %reduce_sum3A_726[15] : f32 from vector<16xf32>
      %div3A_728 = vector.broadcast %reduce_sum3A_727 : f32 to vector<16xf32>
      %div3A_729 = arith.divf %exp3A_723, %div3A_728 : vector<16xf32>
      %swap3A_730 = arith.constant 11 : i32
      %swap3A_731 = arith.index_cast %swap3A_730 : i32 to index
      %swap3A_732 = arith.constant 0 : index
      %swap3A_733 = tpu.vector_load %arg8[%swap3A_731, %swap3A_732] {strides = array<i32>} : memref<16x16xf32, #tpu.memory_space<vmem>>, vector<16xf32>,
      tpu.vector_store %arg8[%swap3A_731, %swap3A_732], %div3A_729 {strides = array<i32>} : memref<16x16xf32, #tpu.memory_space<vmem>>, vector<16xf32>,
      %get3A_734 = arith.constant 12 : i32
      %get3A_735 = arith.index_cast %get3A_734 : i32 to index
      %get3A_736 = arith.constant 0 : index
      %get3A_737 = tpu.vector_load %arg7[%get3A_735, %get3A_736] {strides = array<i32>} : memref<16x16xf32, #tpu.memory_space<vmem>>, vector<16xf32>,
      %reduce_max3A_738 = arith.constant true
      %reduce_max3A_739 = vector.broadcast %reduce_max3A_738 : i1 to vector<16xi1>
      %reduce_max3A_740 = tpu.scan <max>, %get3A_737 masked %reduce_max3A_739 : vector<16xf32>, vector<16xi1> -> vector<16xf32>
      %reduce_max3A_741 = vector.extract %reduce_max3A_740[15] : f32 from vector<16xf32>
      %sub3A_742 = vector.broadcast %reduce_max3A_741 : f32 to vector<16xf32>
      %sub3A_743 = arith.subf %get3A_737, %sub3A_742 : vector<16xf32>
      %exp3A_744 = math.exp %sub3A_743 : vector<16xf32>
      %reduce_sum3A_745 = arith.constant true
      %reduce_sum3A_746 = vector.broadcast %reduce_sum3A_745 : i1 to vector<16xi1>
      %reduce_sum3A_747 = tpu.scan <sum>, %exp3A_744 masked %reduce_sum3A_746 : vector<16xf32>, vector<16xi1> -> vector<16xf32>
      %reduce_sum3A_748 = vector.extract %reduce_sum3A_747[15] : f32 from vector<16xf32>
      %div3A_749 = vector.broadcast %reduce_sum3A_748 : f32 to vector<16xf32>
      %div3A_750 = arith.divf %exp3A_744, %div3A_749 : vector<16xf32>
      %swap3A_751 = arith.constant 12 : i32
      %swap3A_752 = arith.index_cast %swap3A_751 : i32 to index
      %swap3A_753 = arith.constant 0 : index
      %swap3A_754 = tpu.vector_load %arg8[%swap3A_752, %swap3A_753] {strides = array<i32>} : memref<16x16xf32, #tpu.memory_space<vmem>>, vector<16xf32>,
      tpu.vector_store %arg8[%swap3A_752, %swap3A_753], %div3A_750 {strides = array<i32>} : memref<16x16xf32, #tpu.memory_space<vmem>>, vector<16xf32>,
      %get3A_755 = arith.constant 13 : i32
      %get3A_756 = arith.index_cast %get3A_755 : i32 to index
      %get3A_757 = arith.constant 0 : index
      %get3A_758 = tpu.vector_load %arg7[%get3A_756, %get3A_757] {strides = array<i32>} : memref<16x16xf32, #tpu.memory_space<vmem>>, vector<16xf32>,
      %reduce_max3A_759 = arith.constant true
      %reduce_max3A_760 = vector.broadcast %reduce_max3A_759 : i1 to vector<16xi1>
      %reduce_max3A_761 = tpu.scan <max>, %get3A_758 masked %reduce_max3A_760 : vector<16xf32>, vector<16xi1> -> vector<16xf32>
      %reduce_max3A_762 = vector.extract %reduce_max3A_761[15] : f32 from vector<16xf32>
      %sub3A_763 = vector.broadcast %reduce_max3A_762 : f32 to vector<16xf32>
      %sub3A_764 = arith.subf %get3A_758, %sub3A_763 : vector<16xf32>
      %exp3A_765 = math.exp %sub3A_764 : vector<16xf32>
      %reduce_sum3A_766 = arith.constant true
      %reduce_sum3A_767 = vector.broadcast %reduce_sum3A_766 : i1 to vector<16xi1>
      %reduce_sum3A_768 = tpu.scan <sum>, %exp3A_765 masked %reduce_sum3A_767 : vector<16xf32>, vector<16xi1> -> vector<16xf32>
      %reduce_sum3A_769 = vector.extract %reduce_sum3A_768[15] : f32 from vector<16xf32>
      %div3A_770 = vector.broadcast %reduce_sum3A_769 : f32 to vector<16xf32>
      %div3A_771 = arith.divf %exp3A_765, %div3A_770 : vector<16xf32>
      %swap3A_772 = arith.constant 13 : i32
      %swap3A_773 = arith.index_cast %swap3A_772 : i32 to index
      %swap3A_774 = arith.constant 0 : index
      %swap3A_775 = tpu.vector_load %arg8[%swap3A_773, %swap3A_774] {strides = array<i32>} : memref<16x16xf32, #tpu.memory_space<vmem>>, vector<16xf32>,
      tpu.vector_store %arg8[%swap3A_773, %swap3A_774], %div3A_771 {strides = array<i32>} : memref<16x16xf32, #tpu.memory_space<vmem>>, vector<16xf32>,
      %get3A_776 = arith.constant 14 : i32
      %get3A_777 = arith.index_cast %get3A_776 : i32 to index
      %get3A_778 = arith.constant 0 : index
      %get3A_779 = tpu.vector_load %arg7[%get3A_777, %get3A_778] {strides = array<i32>} : memref<16x16xf32, #tpu.memory_space<vmem>>, vector<16xf32>,
      %reduce_max3A_780 = arith.constant true
      %reduce_max3A_781 = vector.broadcast %reduce_max3A_780 : i1 to vector<16xi1>
      %reduce_max3A_782 = tpu.scan <max>, %get3A_779 masked %reduce_max3A_781 : vector<16xf32>, vector<16xi1> -> vector<16xf32>
      %reduce_max3A_783 = vector.extract %reduce_max3A_782[15] : f32 from vector<16xf32>
      %sub3A_784 = vector.broadcast %reduce_max3A_783 : f32 to vector<16xf32>
      %sub3A_785 = arith.subf %get3A_779, %sub3A_784 : vector<16xf32>
      %exp3A_786 = math.exp %sub3A_785 : vector<16xf32>
      %reduce_sum3A_787 = arith.constant true
      %reduce_sum3A_788 = vector.broadcast %reduce_sum3A_787 : i1 to vector<16xi1>
      %reduce_sum3A_789 = tpu.scan <sum>, %exp3A_786 masked %reduce_sum3A_788 : vector<16xf32>, vector<16xi1> -> vector<16xf32>
      %reduce_sum3A_790 = vector.extract %reduce_sum3A_789[15] : f32 from vector<16xf32>
      %div3A_791 = vector.broadcast %reduce_sum3A_790 : f32 to vector<16xf32>
      %div3A_792 = arith.divf %exp3A_786, %div3A_791 : vector<16xf32>
      %swap3A_793 = arith.constant 14 : i32
      %swap3A_794 = arith.index_cast %swap3A_793 : i32 to index
      %swap3A_795 = arith.constant 0 : index
      %swap3A_796 = tpu.vector_load %arg8[%swap3A_794, %swap3A_795] {strides = array<i32>} : memref<16x16xf32, #tpu.memory_space<vmem>>, vector<16xf32>,
      tpu.vector_store %arg8[%swap3A_794, %swap3A_795], %div3A_792 {strides = array<i32>} : memref<16x16xf32, #tpu.memory_space<vmem>>, vector<16xf32>,
      %get3A_797 = arith.constant 15 : i32
      %get3A_798 = arith.index_cast %get3A_797 : i32 to index
      %get3A_799 = arith.constant 0 : index
      %get3A_800 = tpu.vector_load %arg7[%get3A_798, %get3A_799] {strides = array<i32>} : memref<16x16xf32, #tpu.memory_space<vmem>>, vector<16xf32>,
      %reduce_max3A_801 = arith.constant true
      %reduce_max3A_802 = vector.broadcast %reduce_max3A_801 : i1 to vector<16xi1>
      %reduce_max3A_803 = tpu.scan <max>, %get3A_800 masked %reduce_max3A_802 : vector<16xf32>, vector<16xi1> -> vector<16xf32>
      %reduce_max3A_804 = vector.extract %reduce_max3A_803[15] : f32 from vector<16xf32>
      %sub3A_805 = vector.broadcast %reduce_max3A_804 : f32 to vector<16xf32>
      %sub3A_806 = arith.subf %get3A_800, %sub3A_805 : vector<16xf32>
      %exp3A_807 = math.exp %sub3A_806 : vector<16xf32>
      %reduce_sum3A_808 = arith.constant true
      %reduce_sum3A_809 = vector.broadcast %reduce_sum3A_808 : i1 to vector<16xi1>
      %reduce_sum3A_810 = tpu.scan <sum>, %exp3A_807 masked %reduce_sum3A_809 : vector<16xf32>, vector<16xi1> -> vector<16xf32>
      %reduce_sum3A_811 = vector.extract %reduce_sum3A_810[15] : f32 from vector<16xf32>
      %div3A_812 = vector.broadcast %reduce_sum3A_811 : f32 to vector<16xf32>
      %div3A_813 = arith.divf %exp3A_807, %div3A_812 : vector<16xf32>
      %swap3A_814 = arith.constant 15 : i32
      %swap3A_815 = arith.index_cast %swap3A_814 : i32 to index
      %swap3A_816 = arith.constant 0 : index
      %swap3A_817 = tpu.vector_load %arg8[%swap3A_815, %swap3A_816] {strides = array<i32>} : memref<16x16xf32, #tpu.memory_space<vmem>>, vector<16xf32>,
      tpu.vector_store %arg8[%swap3A_815, %swap3A_816], %div3A_813 {strides = array<i32>} : memref<16x16xf32, #tpu.memory_space<vmem>>, vector<16xf32>,
      %broadcast_in_dim3A_818 = arith.constant 0 : i32
      %broadcast_in_dim3A_819 = vector.broadcast %broadcast_in_dim3A_818 : i32 to vector<16xi32>
      %gather3A_820 = tpu.vector_load_idx %arg8[%iota3A, %broadcast_in_dim3A_819] : memref<16x16xf32, #tpu.memory_space<vmem>>[vector<16xi32>, vector<16xi32>], vector<16xf32>,
      %mul3A_821 = arith.mulf %gather3A_820, %max3A_454 : vector<16xf32>
      %add3A_822 = arith.addf %add3A_422, %mul3A_821 : vector<16xf32>
      %broadcast_in_dim3A_823 = arith.constant 1 : i32
      %broadcast_in_dim3A_824 = vector.broadcast %broadcast_in_dim3A_823 : i32 to vector<16xi32>
      %gather3A_825 = tpu.vector_load_idx %arg8[%iota3A, %broadcast_in_dim3A_824] : memref<16x16xf32, #tpu.memory_space<vmem>>[vector<16xi32>, vector<16xi32>], vector<16xf32>,
      %mul3A_826 = arith.mulf %gather3A_825, %max3A_481 : vector<16xf32>
      %add3A_827 = arith.addf %add3A_427, %mul3A_826 : vector<16xf32>
      %get3A_828 = arith.constant 8 : i32
      %get3A_829 = arith.constant 0 : i32
      %get3A_830 = arith.index_cast %get3A_828 : i32 to index
      %get3A_831 = arith.index_cast %get3A_829 : i32 to index
      %get3A_832 = arith.constant 0 : index
      %get3A_833 = tpu.vector_load %arg6[%get3A_830, %get3A_831, %get3A_832] {strides = array<i32>} : memref<16x2x16xf32, #tpu.memory_space<vmem>>, vector<16xf32>,
      %get3A_834 = arith.constant 9 : i32
      %get3A_835 = arith.constant 0 : i32
      %get3A_836 = arith.index_cast %get3A_834 : i32 to index
      %get3A_837 = arith.index_cast %get3A_835 : i32 to index
      %get3A_838 = arith.constant 0 : index
      %get3A_839 = tpu.vector_load %arg6[%get3A_836, %get3A_837, %get3A_838] {strides = array<i32>} : memref<16x2x16xf32, #tpu.memory_space<vmem>>, vector<16xf32>,
      %max3A_840 = arith.maximumf %get3A_833, %get3A_839 : vector<16xf32>
      %get3A_841 = arith.constant 10 : i32
      %get3A_842 = arith.constant 0 : i32
      %get3A_843 = arith.index_cast %get3A_841 : i32 to index
      %get3A_844 = arith.index_cast %get3A_842 : i32 to index
      %get3A_845 = arith.constant 0 : index
      %get3A_846 = tpu.vector_load %arg6[%get3A_843, %get3A_844, %get3A_845] {strides = array<i32>} : memref<16x2x16xf32, #tpu.memory_space<vmem>>, vector<16xf32>,
      %max3A_847 = arith.maximumf %max3A_840, %get3A_846 : vector<16xf32>
      %get3A_848 = arith.constant 11 : i32
      %get3A_849 = arith.constant 0 : i32
      %get3A_850 = arith.index_cast %get3A_848 : i32 to index
      %get3A_851 = arith.index_cast %get3A_849 : i32 to index
      %get3A_852 = arith.constant 0 : index
      %get3A_853 = tpu.vector_load %arg6[%get3A_850, %get3A_851, %get3A_852] {strides = array<i32>} : memref<16x2x16xf32, #tpu.memory_space<vmem>>, vector<16xf32>,
      %max3A_854 = arith.maximumf %max3A_847, %get3A_853 : vector<16xf32>
      %get3A_855 = arith.constant 8 : i32
      %get3A_856 = arith.constant 1 : i32
      %get3A_857 = arith.index_cast %get3A_855 : i32 to index
      %get3A_858 = arith.index_cast %get3A_856 : i32 to index
      %get3A_859 = arith.constant 0 : index
      %get3A_860 = tpu.vector_load %arg6[%get3A_857, %get3A_858, %get3A_859] {strides = array<i32>} : memref<16x2x16xf32, #tpu.memory_space<vmem>>, vector<16xf32>,
      %get3A_861 = arith.constant 9 : i32
      %get3A_862 = arith.constant 1 : i32
      %get3A_863 = arith.index_cast %get3A_861 : i32 to index
      %get3A_864 = arith.index_cast %get3A_862 : i32 to index
      %get3A_865 = arith.constant 0 : index
      %get3A_866 = tpu.vector_load %arg6[%get3A_863, %get3A_864, %get3A_865] {strides = array<i32>} : memref<16x2x16xf32, #tpu.memory_space<vmem>>, vector<16xf32>,
      %max3A_867 = arith.maximumf %get3A_860, %get3A_866 : vector<16xf32>
      %get3A_868 = arith.constant 10 : i32
      %get3A_869 = arith.constant 1 : i32
      %get3A_870 = arith.index_cast %get3A_868 : i32 to index
      %get3A_871 = arith.index_cast %get3A_869 : i32 to index
      %get3A_872 = arith.constant 0 : index
      %get3A_873 = tpu.vector_load %arg6[%get3A_870, %get3A_871, %get3A_872] {strides = array<i32>} : memref<16x2x16xf32, #tpu.memory_space<vmem>>, vector<16xf32>,
      %max3A_874 = arith.maximumf %max3A_867, %get3A_873 : vector<16xf32>
      %get3A_875 = arith.constant 11 : i32
      %get3A_876 = arith.constant 1 : i32
      %get3A_877 = arith.index_cast %get3A_875 : i32 to index
      %get3A_878 = arith.index_cast %get3A_876 : i32 to index
      %get3A_879 = arith.constant 0 : index
      %get3A_880 = tpu.vector_load %arg6[%get3A_877, %get3A_878, %get3A_879] {strides = array<i32>} : memref<16x2x16xf32, #tpu.memory_space<vmem>>, vector<16xf32>,
      %max3A_881 = arith.maximumf %max3A_874, %get3A_880 : vector<16xf32>
      "tpu.region"() ({
        %run_scoped3A = tpu.sem_alloc : memref<!tpu.dma_semaphore, #tpu.memory_space<semaphore_mem>>
        %dma_start3A = arith.constant 4096 : i32
        %dma_start3A_1932 = arith.constant 0 : i32
        %dma_start3A_1933 = tpu.memref_slice %arg2[%dma_start3A, %dma_start3A_1932] : memref<8192x16xf32, #tpu.memory_space<hbm>> -> memref<16x16xf32, #tpu.memory_space<hbm>>
        %dma_start3A_1934 = arith.constant 4096 : i32
        %dma_start3A_1935 = arith.constant 0 : i32
        %dma_start3A_1936 = tpu.memref_slice %arg2[%dma_start3A_1934, %dma_start3A_1935] : memref<8192x16xf32, #tpu.memory_space<hbm>> -> memref<16x16xf32, #tpu.memory_space<hbm>>
        tpu.enqueue_dma source(%dma_start3A_1936 : memref<16x16xf32, #tpu.memory_space<hbm>>) target(%arg7 : memref<16x16xf32, #tpu.memory_space<vmem>>) target_semaphore(%run_scoped3A : memref<!tpu.dma_semaphore, #tpu.memory_space<semaphore_mem>>)
        %dma_wait3A = arith.constant 4096 : i32
        %dma_wait3A_1937 = arith.constant 0 : i32
        %dma_wait3A_1938 = tpu.memref_slice %arg2[%dma_wait3A, %dma_wait3A_1937] : memref<8192x16xf32, #tpu.memory_space<hbm>> -> memref<16x16xf32, #tpu.memory_space<hbm>>
        %dma_wait3A_1939 = arith.constant 4096 : i32
        %dma_wait3A_1940 = arith.constant 0 : i32
        %dma_wait3A_1941 = tpu.memref_slice %arg2[%dma_wait3A_1939, %dma_wait3A_1940] : memref<8192x16xf32, #tpu.memory_space<hbm>> -> memref<16x16xf32, #tpu.memory_space<hbm>>
        tpu.wait_dma2 semaphore(%run_scoped3A : memref<!tpu.dma_semaphore, #tpu.memory_space<semaphore_mem>>) src(%dma_wait3A_1941 : memref<16x16xf32, #tpu.memory_space<hbm>>) dst(%arg7 : memref<16x16xf32, #tpu.memory_space<vmem>>)
        tpu.yield
      }) : () -> ()
      %get3A_882 = arith.constant 0 : i32
      %get3A_883 = arith.index_cast %get3A_882 : i32 to index
      %get3A_884 = arith.constant 0 : index
      %get3A_885 = tpu.vector_load %arg7[%get3A_883, %get3A_884] {strides = array<i32>} : memref<16x16xf32, #tpu.memory_space<vmem>>, vector<16xf32>,
      %reduce_max3A_886 = arith.constant true
      %reduce_max3A_887 = vector.broadcast %reduce_max3A_886 : i1 to vector<16xi1>
      %reduce_max3A_888 = tpu.scan <max>, %get3A_885 masked %reduce_max3A_887 : vector<16xf32>, vector<16xi1> -> vector<16xf32>
      %reduce_max3A_889 = vector.extract %reduce_max3A_888[15] : f32 from vector<16xf32>
      %sub3A_890 = vector.broadcast %reduce_max3A_889 : f32 to vector<16xf32>
      %sub3A_891 = arith.subf %get3A_885, %sub3A_890 : vector<16xf32>
      %exp3A_892 = math.exp %sub3A_891 : vector<16xf32>
      %reduce_sum3A_893 = arith.constant true
      %reduce_sum3A_894 = vector.broadcast %reduce_sum3A_893 : i1 to vector<16xi1>
      %reduce_sum3A_895 = tpu.scan <sum>, %exp3A_892 masked %reduce_sum3A_894 : vector<16xf32>, vector<16xi1> -> vector<16xf32>
      %reduce_sum3A_896 = vector.extract %reduce_sum3A_895[15] : f32 from vector<16xf32>
      %div3A_897 = vector.broadcast %reduce_sum3A_896 : f32 to vector<16xf32>
      %div3A_898 = arith.divf %exp3A_892, %div3A_897 : vector<16xf32>
      %swap3A_899 = arith.constant 0 : i32
      %swap3A_900 = arith.index_cast %swap3A_899 : i32 to index
      %swap3A_901 = arith.constant 0 : index
      %swap3A_902 = tpu.vector_load %arg8[%swap3A_900, %swap3A_901] {strides = array<i32>} : memref<16x16xf32, #tpu.memory_space<vmem>>, vector<16xf32>,
      tpu.vector_store %arg8[%swap3A_900, %swap3A_901], %div3A_898 {strides = array<i32>} : memref<16x16xf32, #tpu.memory_space<vmem>>, vector<16xf32>,
      %get3A_903 = arith.constant 1 : i32
      %get3A_904 = arith.index_cast %get3A_903 : i32 to index
      %get3A_905 = arith.constant 0 : index
      %get3A_906 = tpu.vector_load %arg7[%get3A_904, %get3A_905] {strides = array<i32>} : memref<16x16xf32, #tpu.memory_space<vmem>>, vector<16xf32>,
      %reduce_max3A_907 = arith.constant true
      %reduce_max3A_908 = vector.broadcast %reduce_max3A_907 : i1 to vector<16xi1>
      %reduce_max3A_909 = tpu.scan <max>, %get3A_906 masked %reduce_max3A_908 : vector<16xf32>, vector<16xi1> -> vector<16xf32>
      %reduce_max3A_910 = vector.extract %reduce_max3A_909[15] : f32 from vector<16xf32>
      %sub3A_911 = vector.broadcast %reduce_max3A_910 : f32 to vector<16xf32>
      %sub3A_912 = arith.subf %get3A_906, %sub3A_911 : vector<16xf32>
      %exp3A_913 = math.exp %sub3A_912 : vector<16xf32>
      %reduce_sum3A_914 = arith.constant true
      %reduce_sum3A_915 = vector.broadcast %reduce_sum3A_914 : i1 to vector<16xi1>
      %reduce_sum3A_916 = tpu.scan <sum>, %exp3A_913 masked %reduce_sum3A_915 : vector<16xf32>, vector<16xi1> -> vector<16xf32>
      %reduce_sum3A_917 = vector.extract %reduce_sum3A_916[15] : f32 from vector<16xf32>
      %div3A_918 = vector.broadcast %reduce_sum3A_917 : f32 to vector<16xf32>
      %div3A_919 = arith.divf %exp3A_913, %div3A_918 : vector<16xf32>
      %swap3A_920 = arith.constant 1 : i32
      %swap3A_921 = arith.index_cast %swap3A_920 : i32 to index
      %swap3A_922 = arith.constant 0 : index
      %swap3A_923 = tpu.vector_load %arg8[%swap3A_921, %swap3A_922] {strides = array<i32>} : memref<16x16xf32, #tpu.memory_space<vmem>>, vector<16xf32>,
      tpu.vector_store %arg8[%swap3A_921, %swap3A_922], %div3A_919 {strides = array<i32>} : memref<16x16xf32, #tpu.memory_space<vmem>>, vector<16xf32>,
      %get3A_924 = arith.constant 2 : i32
      %get3A_925 = arith.index_cast %get3A_924 : i32 to index
      %get3A_926 = arith.constant 0 : index
      %get3A_927 = tpu.vector_load %arg7[%get3A_925, %get3A_926] {strides = array<i32>} : memref<16x16xf32, #tpu.memory_space<vmem>>, vector<16xf32>,
      %reduce_max3A_928 = arith.constant true
      %reduce_max3A_929 = vector.broadcast %reduce_max3A_928 : i1 to vector<16xi1>
      %reduce_max3A_930 = tpu.scan <max>, %get3A_927 masked %reduce_max3A_929 : vector<16xf32>, vector<16xi1> -> vector<16xf32>
      %reduce_max3A_931 = vector.extract %reduce_max3A_930[15] : f32 from vector<16xf32>
      %sub3A_932 = vector.broadcast %reduce_max3A_931 : f32 to vector<16xf32>
      %sub3A_933 = arith.subf %get3A_927, %sub3A_932 : vector<16xf32>
      %exp3A_934 = math.exp %sub3A_933 : vector<16xf32>
      %reduce_sum3A_935 = arith.constant true
      %reduce_sum3A_936 = vector.broadcast %reduce_sum3A_935 : i1 to vector<16xi1>
      %reduce_sum3A_937 = tpu.scan <sum>, %exp3A_934 masked %reduce_sum3A_936 : vector<16xf32>, vector<16xi1> -> vector<16xf32>
      %reduce_sum3A_938 = vector.extract %reduce_sum3A_937[15] : f32 from vector<16xf32>
      %div3A_939 = vector.broadcast %reduce_sum3A_938 : f32 to vector<16xf32>
      %div3A_940 = arith.divf %exp3A_934, %div3A_939 : vector<16xf32>
      %swap3A_941 = arith.constant 2 : i32
      %swap3A_942 = arith.index_cast %swap3A_941 : i32 to index
      %swap3A_943 = arith.constant 0 : index
      %swap3A_944 = tpu.vector_load %arg8[%swap3A_942, %swap3A_943] {strides = array<i32>} : memref<16x16xf32, #tpu.memory_space<vmem>>, vector<16xf32>,
      tpu.vector_store %arg8[%swap3A_942, %swap3A_943], %div3A_940 {strides = array<i32>} : memref<16x16xf32, #tpu.memory_space<vmem>>, vector<16xf32>,
      %get3A_945 = arith.constant 3 : i32
      %get3A_946 = arith.index_cast %get3A_945 : i32 to index
      %get3A_947 = arith.constant 0 : index
      %get3A_948 = tpu.vector_load %arg7[%get3A_946, %get3A_947] {strides = array<i32>} : memref<16x16xf32, #tpu.memory_space<vmem>>, vector<16xf32>,
      %reduce_max3A_949 = arith.constant true
      %reduce_max3A_950 = vector.broadcast %reduce_max3A_949 : i1 to vector<16xi1>
      %reduce_max3A_951 = tpu.scan <max>, %get3A_948 masked %reduce_max3A_950 : vector<16xf32>, vector<16xi1> -> vector<16xf32>
      %reduce_max3A_952 = vector.extract %reduce_max3A_951[15] : f32 from vector<16xf32>
      %sub3A_953 = vector.broadcast %reduce_max3A_952 : f32 to vector<16xf32>
      %sub3A_954 = arith.subf %get3A_948, %sub3A_953 : vector<16xf32>
      %exp3A_955 = math.exp %sub3A_954 : vector<16xf32>
      %reduce_sum3A_956 = arith.constant true
      %reduce_sum3A_957 = vector.broadcast %reduce_sum3A_956 : i1 to vector<16xi1>
      %reduce_sum3A_958 = tpu.scan <sum>, %exp3A_955 masked %reduce_sum3A_957 : vector<16xf32>, vector<16xi1> -> vector<16xf32>
      %reduce_sum3A_959 = vector.extract %reduce_sum3A_958[15] : f32 from vector<16xf32>
      %div3A_960 = vector.broadcast %reduce_sum3A_959 : f32 to vector<16xf32>
      %div3A_961 = arith.divf %exp3A_955, %div3A_960 : vector<16xf32>
      %swap3A_962 = arith.constant 3 : i32
      %swap3A_963 = arith.index_cast %swap3A_962 : i32 to index
      %swap3A_964 = arith.constant 0 : index
      %swap3A_965 = tpu.vector_load %arg8[%swap3A_963, %swap3A_964] {strides = array<i32>} : memref<16x16xf32, #tpu.memory_space<vmem>>, vector<16xf32>,
      tpu.vector_store %arg8[%swap3A_963, %swap3A_964], %div3A_961 {strides = array<i32>} : memref<16x16xf32, #tpu.memory_space<vmem>>, vector<16xf32>,
      %get3A_966 = arith.constant 4 : i32
      %get3A_967 = arith.index_cast %get3A_966 : i32 to index
      %get3A_968 = arith.constant 0 : index
      %get3A_969 = tpu.vector_load %arg7[%get3A_967, %get3A_968] {strides = array<i32>} : memref<16x16xf32, #tpu.memory_space<vmem>>, vector<16xf32>,
      %reduce_max3A_970 = arith.constant true
      %reduce_max3A_971 = vector.broadcast %reduce_max3A_970 : i1 to vector<16xi1>
      %reduce_max3A_972 = tpu.scan <max>, %get3A_969 masked %reduce_max3A_971 : vector<16xf32>, vector<16xi1> -> vector<16xf32>
      %reduce_max3A_973 = vector.extract %reduce_max3A_972[15] : f32 from vector<16xf32>
      %sub3A_974 = vector.broadcast %reduce_max3A_973 : f32 to vector<16xf32>
      %sub3A_975 = arith.subf %get3A_969, %sub3A_974 : vector<16xf32>
      %exp3A_976 = math.exp %sub3A_975 : vector<16xf32>
      %reduce_sum3A_977 = arith.constant true
      %reduce_sum3A_978 = vector.broadcast %reduce_sum3A_977 : i1 to vector<16xi1>
      %reduce_sum3A_979 = tpu.scan <sum>, %exp3A_976 masked %reduce_sum3A_978 : vector<16xf32>, vector<16xi1> -> vector<16xf32>
      %reduce_sum3A_980 = vector.extract %reduce_sum3A_979[15] : f32 from vector<16xf32>
      %div3A_981 = vector.broadcast %reduce_sum3A_980 : f32 to vector<16xf32>
      %div3A_982 = arith.divf %exp3A_976, %div3A_981 : vector<16xf32>
      %swap3A_983 = arith.constant 4 : i32
      %swap3A_984 = arith.index_cast %swap3A_983 : i32 to index
      %swap3A_985 = arith.constant 0 : index
      %swap3A_986 = tpu.vector_load %arg8[%swap3A_984, %swap3A_985] {strides = array<i32>} : memref<16x16xf32, #tpu.memory_space<vmem>>, vector<16xf32>,
      tpu.vector_store %arg8[%swap3A_984, %swap3A_985], %div3A_982 {strides = array<i32>} : memref<16x16xf32, #tpu.memory_space<vmem>>, vector<16xf32>,
      %get3A_987 = arith.constant 5 : i32
      %get3A_988 = arith.index_cast %get3A_987 : i32 to index
      %get3A_989 = arith.constant 0 : index
      %get3A_990 = tpu.vector_load %arg7[%get3A_988, %get3A_989] {strides = array<i32>} : memref<16x16xf32, #tpu.memory_space<vmem>>, vector<16xf32>,
      %reduce_max3A_991 = arith.constant true
      %reduce_max3A_992 = vector.broadcast %reduce_max3A_991 : i1 to vector<16xi1>
      %reduce_max3A_993 = tpu.scan <max>, %get3A_990 masked %reduce_max3A_992 : vector<16xf32>, vector<16xi1> -> vector<16xf32>
      %reduce_max3A_994 = vector.extract %reduce_max3A_993[15] : f32 from vector<16xf32>
      %sub3A_995 = vector.broadcast %reduce_max3A_994 : f32 to vector<16xf32>
      %sub3A_996 = arith.subf %get3A_990, %sub3A_995 : vector<16xf32>
      %exp3A_997 = math.exp %sub3A_996 : vector<16xf32>
      %reduce_sum3A_998 = arith.constant true
      %reduce_sum3A_999 = vector.broadcast %reduce_sum3A_998 : i1 to vector<16xi1>
      %reduce_sum3A_1000 = tpu.scan <sum>, %exp3A_997 masked %reduce_sum3A_999 : vector<16xf32>, vector<16xi1> -> vector<16xf32>
      %reduce_sum3A_1001 = vector.extract %reduce_sum3A_1000[15] : f32 from vector<16xf32>
      %div3A_1002 = vector.broadcast %reduce_sum3A_1001 : f32 to vector<16xf32>
      %div3A_1003 = arith.divf %exp3A_997, %div3A_1002 : vector<16xf32>
      %swap3A_1004 = arith.constant 5 : i32
      %swap3A_1005 = arith.index_cast %swap3A_1004 : i32 to index
      %swap3A_1006 = arith.constant 0 : index
      %swap3A_1007 = tpu.vector_load %arg8[%swap3A_1005, %swap3A_1006] {strides = array<i32>} : memref<16x16xf32, #tpu.memory_space<vmem>>, vector<16xf32>,
      tpu.vector_store %arg8[%swap3A_1005, %swap3A_1006], %div3A_1003 {strides = array<i32>} : memref<16x16xf32, #tpu.memory_space<vmem>>, vector<16xf32>,
      %get3A_1008 = arith.constant 6 : i32
      %get3A_1009 = arith.index_cast %get3A_1008 : i32 to index
      %get3A_1010 = arith.constant 0 : index
      %get3A_1011 = tpu.vector_load %arg7[%get3A_1009, %get3A_1010] {strides = array<i32>} : memref<16x16xf32, #tpu.memory_space<vmem>>, vector<16xf32>,
      %reduce_max3A_1012 = arith.constant true
      %reduce_max3A_1013 = vector.broadcast %reduce_max3A_1012 : i1 to vector<16xi1>
      %reduce_max3A_1014 = tpu.scan <max>, %get3A_1011 masked %reduce_max3A_1013 : vector<16xf32>, vector<16xi1> -> vector<16xf32>
      %reduce_max3A_1015 = vector.extract %reduce_max3A_1014[15] : f32 from vector<16xf32>
      %sub3A_1016 = vector.broadcast %reduce_max3A_1015 : f32 to vector<16xf32>
      %sub3A_1017 = arith.subf %get3A_1011, %sub3A_1016 : vector<16xf32>
      %exp3A_1018 = math.exp %sub3A_1017 : vector<16xf32>
      %reduce_sum3A_1019 = arith.constant true
      %reduce_sum3A_1020 = vector.broadcast %reduce_sum3A_1019 : i1 to vector<16xi1>
      %reduce_sum3A_1021 = tpu.scan <sum>, %exp3A_1018 masked %reduce_sum3A_1020 : vector<16xf32>, vector<16xi1> -> vector<16xf32>
      %reduce_sum3A_1022 = vector.extract %reduce_sum3A_1021[15] : f32 from vector<16xf32>
      %div3A_1023 = vector.broadcast %reduce_sum3A_1022 : f32 to vector<16xf32>
      %div3A_1024 = arith.divf %exp3A_1018, %div3A_1023 : vector<16xf32>
      %swap3A_1025 = arith.constant 6 : i32
      %swap3A_1026 = arith.index_cast %swap3A_1025 : i32 to index
      %swap3A_1027 = arith.constant 0 : index
      %swap3A_1028 = tpu.vector_load %arg8[%swap3A_1026, %swap3A_1027] {strides = array<i32>} : memref<16x16xf32, #tpu.memory_space<vmem>>, vector<16xf32>,
      tpu.vector_store %arg8[%swap3A_1026, %swap3A_1027], %div3A_1024 {strides = array<i32>} : memref<16x16xf32, #tpu.memory_space<vmem>>, vector<16xf32>,
      %get3A_1029 = arith.constant 7 : i32
      %get3A_1030 = arith.index_cast %get3A_1029 : i32 to index
      %get3A_1031 = arith.constant 0 : index
      %get3A_1032 = tpu.vector_load %arg7[%get3A_1030, %get3A_1031] {strides = array<i32>} : memref<16x16xf32, #tpu.memory_space<vmem>>, vector<16xf32>,
      %reduce_max3A_1033 = arith.constant true
      %reduce_max3A_1034 = vector.broadcast %reduce_max3A_1033 : i1 to vector<16xi1>
      %reduce_max3A_1035 = tpu.scan <max>, %get3A_1032 masked %reduce_max3A_1034 : vector<16xf32>, vector<16xi1> -> vector<16xf32>
      %reduce_max3A_1036 = vector.extract %reduce_max3A_1035[15] : f32 from vector<16xf32>
      %sub3A_1037 = vector.broadcast %reduce_max3A_1036 : f32 to vector<16xf32>
      %sub3A_1038 = arith.subf %get3A_1032, %sub3A_1037 : vector<16xf32>
      %exp3A_1039 = math.exp %sub3A_1038 : vector<16xf32>
      %reduce_sum3A_1040 = arith.constant true
      %reduce_sum3A_1041 = vector.broadcast %reduce_sum3A_1040 : i1 to vector<16xi1>
      %reduce_sum3A_1042 = tpu.scan <sum>, %exp3A_1039 masked %reduce_sum3A_1041 : vector<16xf32>, vector<16xi1> -> vector<16xf32>
      %reduce_sum3A_1043 = vector.extract %reduce_sum3A_1042[15] : f32 from vector<16xf32>
      %div3A_1044 = vector.broadcast %reduce_sum3A_1043 : f32 to vector<16xf32>
      %div3A_1045 = arith.divf %exp3A_1039, %div3A_1044 : vector<16xf32>
      %swap3A_1046 = arith.constant 7 : i32
      %swap3A_1047 = arith.index_cast %swap3A_1046 : i32 to index
      %swap3A_1048 = arith.constant 0 : index
      %swap3A_1049 = tpu.vector_load %arg8[%swap3A_1047, %swap3A_1048] {strides = array<i32>} : memref<16x16xf32, #tpu.memory_space<vmem>>, vector<16xf32>,
      tpu.vector_store %arg8[%swap3A_1047, %swap3A_1048], %div3A_1045 {strides = array<i32>} : memref<16x16xf32, #tpu.memory_space<vmem>>, vector<16xf32>,
      %get3A_1050 = arith.constant 8 : i32
      %get3A_1051 = arith.index_cast %get3A_1050 : i32 to index
      %get3A_1052 = arith.constant 0 : index
      %get3A_1053 = tpu.vector_load %arg7[%get3A_1051, %get3A_1052] {strides = array<i32>} : memref<16x16xf32, #tpu.memory_space<vmem>>, vector<16xf32>,
      %reduce_max3A_1054 = arith.constant true
      %reduce_max3A_1055 = vector.broadcast %reduce_max3A_1054 : i1 to vector<16xi1>
      %reduce_max3A_1056 = tpu.scan <max>, %get3A_1053 masked %reduce_max3A_1055 : vector<16xf32>, vector<16xi1> -> vector<16xf32>
      %reduce_max3A_1057 = vector.extract %reduce_max3A_1056[15] : f32 from vector<16xf32>
      %sub3A_1058 = vector.broadcast %reduce_max3A_1057 : f32 to vector<16xf32>
      %sub3A_1059 = arith.subf %get3A_1053, %sub3A_1058 : vector<16xf32>
      %exp3A_1060 = math.exp %sub3A_1059 : vector<16xf32>
      %reduce_sum3A_1061 = arith.constant true
      %reduce_sum3A_1062 = vector.broadcast %reduce_sum3A_1061 : i1 to vector<16xi1>
      %reduce_sum3A_1063 = tpu.scan <sum>, %exp3A_1060 masked %reduce_sum3A_1062 : vector<16xf32>, vector<16xi1> -> vector<16xf32>
      %reduce_sum3A_1064 = vector.extract %reduce_sum3A_1063[15] : f32 from vector<16xf32>
      %div3A_1065 = vector.broadcast %reduce_sum3A_1064 : f32 to vector<16xf32>
      %div3A_1066 = arith.divf %exp3A_1060, %div3A_1065 : vector<16xf32>
      %swap3A_1067 = arith.constant 8 : i32
      %swap3A_1068 = arith.index_cast %swap3A_1067 : i32 to index
      %swap3A_1069 = arith.constant 0 : index
      %swap3A_1070 = tpu.vector_load %arg8[%swap3A_1068, %swap3A_1069] {strides = array<i32>} : memref<16x16xf32, #tpu.memory_space<vmem>>, vector<16xf32>,
      tpu.vector_store %arg8[%swap3A_1068, %swap3A_1069], %div3A_1066 {strides = array<i32>} : memref<16x16xf32, #tpu.memory_space<vmem>>, vector<16xf32>,
      %get3A_1071 = arith.constant 9 : i32
      %get3A_1072 = arith.index_cast %get3A_1071 : i32 to index
      %get3A_1073 = arith.constant 0 : index
      %get3A_1074 = tpu.vector_load %arg7[%get3A_1072, %get3A_1073] {strides = array<i32>} : memref<16x16xf32, #tpu.memory_space<vmem>>, vector<16xf32>,
      %reduce_max3A_1075 = arith.constant true
      %reduce_max3A_1076 = vector.broadcast %reduce_max3A_1075 : i1 to vector<16xi1>
      %reduce_max3A_1077 = tpu.scan <max>, %get3A_1074 masked %reduce_max3A_1076 : vector<16xf32>, vector<16xi1> -> vector<16xf32>
      %reduce_max3A_1078 = vector.extract %reduce_max3A_1077[15] : f32 from vector<16xf32>
      %sub3A_1079 = vector.broadcast %reduce_max3A_1078 : f32 to vector<16xf32>
      %sub3A_1080 = arith.subf %get3A_1074, %sub3A_1079 : vector<16xf32>
      %exp3A_1081 = math.exp %sub3A_1080 : vector<16xf32>
      %reduce_sum3A_1082 = arith.constant true
      %reduce_sum3A_1083 = vector.broadcast %reduce_sum3A_1082 : i1 to vector<16xi1>
      %reduce_sum3A_1084 = tpu.scan <sum>, %exp3A_1081 masked %reduce_sum3A_1083 : vector<16xf32>, vector<16xi1> -> vector<16xf32>
      %reduce_sum3A_1085 = vector.extract %reduce_sum3A_1084[15] : f32 from vector<16xf32>
      %div3A_1086 = vector.broadcast %reduce_sum3A_1085 : f32 to vector<16xf32>
      %div3A_1087 = arith.divf %exp3A_1081, %div3A_1086 : vector<16xf32>
      %swap3A_1088 = arith.constant 9 : i32
      %swap3A_1089 = arith.index_cast %swap3A_1088 : i32 to index
      %swap3A_1090 = arith.constant 0 : index
      %swap3A_1091 = tpu.vector_load %arg8[%swap3A_1089, %swap3A_1090] {strides = array<i32>} : memref<16x16xf32, #tpu.memory_space<vmem>>, vector<16xf32>,
      tpu.vector_store %arg8[%swap3A_1089, %swap3A_1090], %div3A_1087 {strides = array<i32>} : memref<16x16xf32, #tpu.memory_space<vmem>>, vector<16xf32>,
      %get3A_1092 = arith.constant 10 : i32
      %get3A_1093 = arith.index_cast %get3A_1092 : i32 to index
      %get3A_1094 = arith.constant 0 : index
      %get3A_1095 = tpu.vector_load %arg7[%get3A_1093, %get3A_1094] {strides = array<i32>} : memref<16x16xf32, #tpu.memory_space<vmem>>, vector<16xf32>,
      %reduce_max3A_1096 = arith.constant true
      %reduce_max3A_1097 = vector.broadcast %reduce_max3A_1096 : i1 to vector<16xi1>
      %reduce_max3A_1098 = tpu.scan <max>, %get3A_1095 masked %reduce_max3A_1097 : vector<16xf32>, vector<16xi1> -> vector<16xf32>
      %reduce_max3A_1099 = vector.extract %reduce_max3A_1098[15] : f32 from vector<16xf32>
      %sub3A_1100 = vector.broadcast %reduce_max3A_1099 : f32 to vector<16xf32>
      %sub3A_1101 = arith.subf %get3A_1095, %sub3A_1100 : vector<16xf32>
      %exp3A_1102 = math.exp %sub3A_1101 : vector<16xf32>
      %reduce_sum3A_1103 = arith.constant true
      %reduce_sum3A_1104 = vector.broadcast %reduce_sum3A_1103 : i1 to vector<16xi1>
      %reduce_sum3A_1105 = tpu.scan <sum>, %exp3A_1102 masked %reduce_sum3A_1104 : vector<16xf32>, vector<16xi1> -> vector<16xf32>
      %reduce_sum3A_1106 = vector.extract %reduce_sum3A_1105[15] : f32 from vector<16xf32>
      %div3A_1107 = vector.broadcast %reduce_sum3A_1106 : f32 to vector<16xf32>
      %div3A_1108 = arith.divf %exp3A_1102, %div3A_1107 : vector<16xf32>
      %swap3A_1109 = arith.constant 10 : i32
      %swap3A_1110 = arith.index_cast %swap3A_1109 : i32 to index
      %swap3A_1111 = arith.constant 0 : index
      %swap3A_1112 = tpu.vector_load %arg8[%swap3A_1110, %swap3A_1111] {strides = array<i32>} : memref<16x16xf32, #tpu.memory_space<vmem>>, vector<16xf32>,
      tpu.vector_store %arg8[%swap3A_1110, %swap3A_1111], %div3A_1108 {strides = array<i32>} : memref<16x16xf32, #tpu.memory_space<vmem>>, vector<16xf32>,
      %get3A_1113 = arith.constant 11 : i32
      %get3A_1114 = arith.index_cast %get3A_1113 : i32 to index
      %get3A_1115 = arith.constant 0 : index
      %get3A_1116 = tpu.vector_load %arg7[%get3A_1114, %get3A_1115] {strides = array<i32>} : memref<16x16xf32, #tpu.memory_space<vmem>>, vector<16xf32>,
      %reduce_max3A_1117 = arith.constant true
      %reduce_max3A_1118 = vector.broadcast %reduce_max3A_1117 : i1 to vector<16xi1>
      %reduce_max3A_1119 = tpu.scan <max>, %get3A_1116 masked %reduce_max3A_1118 : vector<16xf32>, vector<16xi1> -> vector<16xf32>
      %reduce_max3A_1120 = vector.extract %reduce_max3A_1119[15] : f32 from vector<16xf32>
      %sub3A_1121 = vector.broadcast %reduce_max3A_1120 : f32 to vector<16xf32>
      %sub3A_1122 = arith.subf %get3A_1116, %sub3A_1121 : vector<16xf32>
      %exp3A_1123 = math.exp %sub3A_1122 : vector<16xf32>
      %reduce_sum3A_1124 = arith.constant true
      %reduce_sum3A_1125 = vector.broadcast %reduce_sum3A_1124 : i1 to vector<16xi1>
      %reduce_sum3A_1126 = tpu.scan <sum>, %exp3A_1123 masked %reduce_sum3A_1125 : vector<16xf32>, vector<16xi1> -> vector<16xf32>
      %reduce_sum3A_1127 = vector.extract %reduce_sum3A_1126[15] : f32 from vector<16xf32>
      %div3A_1128 = vector.broadcast %reduce_sum3A_1127 : f32 to vector<16xf32>
      %div3A_1129 = arith.divf %exp3A_1123, %div3A_1128 : vector<16xf32>
      %swap3A_1130 = arith.constant 11 : i32
      %swap3A_1131 = arith.index_cast %swap3A_1130 : i32 to index
      %swap3A_1132 = arith.constant 0 : index
      %swap3A_1133 = tpu.vector_load %arg8[%swap3A_1131, %swap3A_1132] {strides = array<i32>} : memref<16x16xf32, #tpu.memory_space<vmem>>, vector<16xf32>,
      tpu.vector_store %arg8[%swap3A_1131, %swap3A_1132], %div3A_1129 {strides = array<i32>} : memref<16x16xf32, #tpu.memory_space<vmem>>, vector<16xf32>,
      %get3A_1134 = arith.constant 12 : i32
      %get3A_1135 = arith.index_cast %get3A_1134 : i32 to index
      %get3A_1136 = arith.constant 0 : index
      %get3A_1137 = tpu.vector_load %arg7[%get3A_1135, %get3A_1136] {strides = array<i32>} : memref<16x16xf32, #tpu.memory_space<vmem>>, vector<16xf32>,
      %reduce_max3A_1138 = arith.constant true
      %reduce_max3A_1139 = vector.broadcast %reduce_max3A_1138 : i1 to vector<16xi1>
      %reduce_max3A_1140 = tpu.scan <max>, %get3A_1137 masked %reduce_max3A_1139 : vector<16xf32>, vector<16xi1> -> vector<16xf32>
      %reduce_max3A_1141 = vector.extract %reduce_max3A_1140[15] : f32 from vector<16xf32>
      %sub3A_1142 = vector.broadcast %reduce_max3A_1141 : f32 to vector<16xf32>
      %sub3A_1143 = arith.subf %get3A_1137, %sub3A_1142 : vector<16xf32>
      %exp3A_1144 = math.exp %sub3A_1143 : vector<16xf32>
      %reduce_sum3A_1145 = arith.constant true
      %reduce_sum3A_1146 = vector.broadcast %reduce_sum3A_1145 : i1 to vector<16xi1>
      %reduce_sum3A_1147 = tpu.scan <sum>, %exp3A_1144 masked %reduce_sum3A_1146 : vector<16xf32>, vector<16xi1> -> vector<16xf32>
      %reduce_sum3A_1148 = vector.extract %reduce_sum3A_1147[15] : f32 from vector<16xf32>
      %div3A_1149 = vector.broadcast %reduce_sum3A_1148 : f32 to vector<16xf32>
      %div3A_1150 = arith.divf %exp3A_1144, %div3A_1149 : vector<16xf32>
      %swap3A_1151 = arith.constant 12 : i32
      %swap3A_1152 = arith.index_cast %swap3A_1151 : i32 to index
      %swap3A_1153 = arith.constant 0 : index
      %swap3A_1154 = tpu.vector_load %arg8[%swap3A_1152, %swap3A_1153] {strides = array<i32>} : memref<16x16xf32, #tpu.memory_space<vmem>>, vector<16xf32>,
      tpu.vector_store %arg8[%swap3A_1152, %swap3A_1153], %div3A_1150 {strides = array<i32>} : memref<16x16xf32, #tpu.memory_space<vmem>>, vector<16xf32>,
      %get3A_1155 = arith.constant 13 : i32
      %get3A_1156 = arith.index_cast %get3A_1155 : i32 to index
      %get3A_1157 = arith.constant 0 : index
      %get3A_1158 = tpu.vector_load %arg7[%get3A_1156, %get3A_1157] {strides = array<i32>} : memref<16x16xf32, #tpu.memory_space<vmem>>, vector<16xf32>,
      %reduce_max3A_1159 = arith.constant true
      %reduce_max3A_1160 = vector.broadcast %reduce_max3A_1159 : i1 to vector<16xi1>
      %reduce_max3A_1161 = tpu.scan <max>, %get3A_1158 masked %reduce_max3A_1160 : vector<16xf32>, vector<16xi1> -> vector<16xf32>
      %reduce_max3A_1162 = vector.extract %reduce_max3A_1161[15] : f32 from vector<16xf32>
      %sub3A_1163 = vector.broadcast %reduce_max3A_1162 : f32 to vector<16xf32>
      %sub3A_1164 = arith.subf %get3A_1158, %sub3A_1163 : vector<16xf32>
      %exp3A_1165 = math.exp %sub3A_1164 : vector<16xf32>
      %reduce_sum3A_1166 = arith.constant true
      %reduce_sum3A_1167 = vector.broadcast %reduce_sum3A_1166 : i1 to vector<16xi1>
      %reduce_sum3A_1168 = tpu.scan <sum>, %exp3A_1165 masked %reduce_sum3A_1167 : vector<16xf32>, vector<16xi1> -> vector<16xf32>
      %reduce_sum3A_1169 = vector.extract %reduce_sum3A_1168[15] : f32 from vector<16xf32>
      %div3A_1170 = vector.broadcast %reduce_sum3A_1169 : f32 to vector<16xf32>
      %div3A_1171 = arith.divf %exp3A_1165, %div3A_1170 : vector<16xf32>
      %swap3A_1172 = arith.constant 13 : i32
      %swap3A_1173 = arith.index_cast %swap3A_1172 : i32 to index
      %swap3A_1174 = arith.constant 0 : index
      %swap3A_1175 = tpu.vector_load %arg8[%swap3A_1173, %swap3A_1174] {strides = array<i32>} : memref<16x16xf32, #tpu.memory_space<vmem>>, vector<16xf32>,
      tpu.vector_store %arg8[%swap3A_1173, %swap3A_1174], %div3A_1171 {strides = array<i32>} : memref<16x16xf32, #tpu.memory_space<vmem>>, vector<16xf32>,
      %get3A_1176 = arith.constant 14 : i32
      %get3A_1177 = arith.index_cast %get3A_1176 : i32 to index
      %get3A_1178 = arith.constant 0 : index
      %get3A_1179 = tpu.vector_load %arg7[%get3A_1177, %get3A_1178] {strides = array<i32>} : memref<16x16xf32, #tpu.memory_space<vmem>>, vector<16xf32>,
      %reduce_max3A_1180 = arith.constant true
      %reduce_max3A_1181 = vector.broadcast %reduce_max3A_1180 : i1 to vector<16xi1>
      %reduce_max3A_1182 = tpu.scan <max>, %get3A_1179 masked %reduce_max3A_1181 : vector<16xf32>, vector<16xi1> -> vector<16xf32>
      %reduce_max3A_1183 = vector.extract %reduce_max3A_1182[15] : f32 from vector<16xf32>
      %sub3A_1184 = vector.broadcast %reduce_max3A_1183 : f32 to vector<16xf32>
      %sub3A_1185 = arith.subf %get3A_1179, %sub3A_1184 : vector<16xf32>
      %exp3A_1186 = math.exp %sub3A_1185 : vector<16xf32>
      %reduce_sum3A_1187 = arith.constant true
      %reduce_sum3A_1188 = vector.broadcast %reduce_sum3A_1187 : i1 to vector<16xi1>
      %reduce_sum3A_1189 = tpu.scan <sum>, %exp3A_1186 masked %reduce_sum3A_1188 : vector<16xf32>, vector<16xi1> -> vector<16xf32>
      %reduce_sum3A_1190 = vector.extract %reduce_sum3A_1189[15] : f32 from vector<16xf32>
      %div3A_1191 = vector.broadcast %reduce_sum3A_1190 : f32 to vector<16xf32>
      %div3A_1192 = arith.divf %exp3A_1186, %div3A_1191 : vector<16xf32>
      %swap3A_1193 = arith.constant 14 : i32
      %swap3A_1194 = arith.index_cast %swap3A_1193 : i32 to index
      %swap3A_1195 = arith.constant 0 : index
      %swap3A_1196 = tpu.vector_load %arg8[%swap3A_1194, %swap3A_1195] {strides = array<i32>} : memref<16x16xf32, #tpu.memory_space<vmem>>, vector<16xf32>,
      tpu.vector_store %arg8[%swap3A_1194, %swap3A_1195], %div3A_1192 {strides = array<i32>} : memref<16x16xf32, #tpu.memory_space<vmem>>, vector<16xf32>,
      %get3A_1197 = arith.constant 15 : i32
      %get3A_1198 = arith.index_cast %get3A_1197 : i32 to index
      %get3A_1199 = arith.constant 0 : index
      %get3A_1200 = tpu.vector_load %arg7[%get3A_1198, %get3A_1199] {strides = array<i32>} : memref<16x16xf32, #tpu.memory_space<vmem>>, vector<16xf32>,
      %reduce_max3A_1201 = arith.constant true
      %reduce_max3A_1202 = vector.broadcast %reduce_max3A_1201 : i1 to vector<16xi1>
      %reduce_max3A_1203 = tpu.scan <max>, %get3A_1200 masked %reduce_max3A_1202 : vector<16xf32>, vector<16xi1> -> vector<16xf32>
      %reduce_max3A_1204 = vector.extract %reduce_max3A_1203[15] : f32 from vector<16xf32>
      %sub3A_1205 = vector.broadcast %reduce_max3A_1204 : f32 to vector<16xf32>
      %sub3A_1206 = arith.subf %get3A_1200, %sub3A_1205 : vector<16xf32>
      %exp3A_1207 = math.exp %sub3A_1206 : vector<16xf32>
      %reduce_sum3A_1208 = arith.constant true
      %reduce_sum3A_1209 = vector.broadcast %reduce_sum3A_1208 : i1 to vector<16xi1>
      %reduce_sum3A_1210 = tpu.scan <sum>, %exp3A_1207 masked %reduce_sum3A_1209 : vector<16xf32>, vector<16xi1> -> vector<16xf32>
      %reduce_sum3A_1211 = vector.extract %reduce_sum3A_1210[15] : f32 from vector<16xf32>
      %div3A_1212 = vector.broadcast %reduce_sum3A_1211 : f32 to vector<16xf32>
      %div3A_1213 = arith.divf %exp3A_1207, %div3A_1212 : vector<16xf32>
      %swap3A_1214 = arith.constant 15 : i32
      %swap3A_1215 = arith.index_cast %swap3A_1214 : i32 to index
      %swap3A_1216 = arith.constant 0 : index
      %swap3A_1217 = tpu.vector_load %arg8[%swap3A_1215, %swap3A_1216] {strides = array<i32>} : memref<16x16xf32, #tpu.memory_space<vmem>>, vector<16xf32>,
      tpu.vector_store %arg8[%swap3A_1215, %swap3A_1216], %div3A_1213 {strides = array<i32>} : memref<16x16xf32, #tpu.memory_space<vmem>>, vector<16xf32>,
      %broadcast_in_dim3A_1218 = arith.constant 0 : i32
      %broadcast_in_dim3A_1219 = vector.broadcast %broadcast_in_dim3A_1218 : i32 to vector<16xi32>
      %gather3A_1220 = tpu.vector_load_idx %arg8[%iota3A, %broadcast_in_dim3A_1219] : memref<16x16xf32, #tpu.memory_space<vmem>>[vector<16xi32>, vector<16xi32>], vector<16xf32>,
      %mul3A_1221 = arith.mulf %gather3A_1220, %max3A_854 : vector<16xf32>
      %add3A_1222 = arith.addf %add3A_822, %mul3A_1221 : vector<16xf32>
      %broadcast_in_dim3A_1223 = arith.constant 1 : i32
      %broadcast_in_dim3A_1224 = vector.broadcast %broadcast_in_dim3A_1223 : i32 to vector<16xi32>
      %gather3A_1225 = tpu.vector_load_idx %arg8[%iota3A, %broadcast_in_dim3A_1224] : memref<16x16xf32, #tpu.memory_space<vmem>>[vector<16xi32>, vector<16xi32>], vector<16xf32>,
      %mul3A_1226 = arith.mulf %gather3A_1225, %max3A_881 : vector<16xf32>
      %add3A_1227 = arith.addf %add3A_827, %mul3A_1226 : vector<16xf32>
      %get3A_1228 = arith.constant 12 : i32
      %get3A_1229 = arith.constant 0 : i32
      %get3A_1230 = arith.index_cast %get3A_1228 : i32 to index
      %get3A_1231 = arith.index_cast %get3A_1229 : i32 to index
      %get3A_1232 = arith.constant 0 : index
      %get3A_1233 = tpu.vector_load %arg6[%get3A_1230, %get3A_1231, %get3A_1232] {strides = array<i32>} : memref<16x2x16xf32, #tpu.memory_space<vmem>>, vector<16xf32>,
      %get3A_1234 = arith.constant 13 : i32
      %get3A_1235 = arith.constant 0 : i32
      %get3A_1236 = arith.index_cast %get3A_1234 : i32 to index
      %get3A_1237 = arith.index_cast %get3A_1235 : i32 to index
      %get3A_1238 = arith.constant 0 : index
      %get3A_1239 = tpu.vector_load %arg6[%get3A_1236, %get3A_1237, %get3A_1238] {strides = array<i32>} : memref<16x2x16xf32, #tpu.memory_space<vmem>>, vector<16xf32>,
      %max3A_1240 = arith.maximumf %get3A_1233, %get3A_1239 : vector<16xf32>
      %get3A_1241 = arith.constant 14 : i32
      %get3A_1242 = arith.constant 0 : i32
      %get3A_1243 = arith.index_cast %get3A_1241 : i32 to index
      %get3A_1244 = arith.index_cast %get3A_1242 : i32 to index
      %get3A_1245 = arith.constant 0 : index
      %get3A_1246 = tpu.vector_load %arg6[%get3A_1243, %get3A_1244, %get3A_1245] {strides = array<i32>} : memref<16x2x16xf32, #tpu.memory_space<vmem>>, vector<16xf32>,
      %max3A_1247 = arith.maximumf %max3A_1240, %get3A_1246 : vector<16xf32>
      %get3A_1248 = arith.constant 15 : i32
      %get3A_1249 = arith.constant 0 : i32
      %get3A_1250 = arith.index_cast %get3A_1248 : i32 to index
      %get3A_1251 = arith.index_cast %get3A_1249 : i32 to index
      %get3A_1252 = arith.constant 0 : index
      %get3A_1253 = tpu.vector_load %arg6[%get3A_1250, %get3A_1251, %get3A_1252] {strides = array<i32>} : memref<16x2x16xf32, #tpu.memory_space<vmem>>, vector<16xf32>,
      %max3A_1254 = arith.maximumf %max3A_1247, %get3A_1253 : vector<16xf32>
      %get3A_1255 = arith.constant 12 : i32
      %get3A_1256 = arith.constant 1 : i32
      %get3A_1257 = arith.index_cast %get3A_1255 : i32 to index
      %get3A_1258 = arith.index_cast %get3A_1256 : i32 to index
      %get3A_1259 = arith.constant 0 : index
      %get3A_1260 = tpu.vector_load %arg6[%get3A_1257, %get3A_1258, %get3A_1259] {strides = array<i32>} : memref<16x2x16xf32, #tpu.memory_space<vmem>>, vector<16xf32>,
      %get3A_1261 = arith.constant 13 : i32
      %get3A_1262 = arith.constant 1 : i32
      %get3A_1263 = arith.index_cast %get3A_1261 : i32 to index
      %get3A_1264 = arith.index_cast %get3A_1262 : i32 to index
      %get3A_1265 = arith.constant 0 : index
      %get3A_1266 = tpu.vector_load %arg6[%get3A_1263, %get3A_1264, %get3A_1265] {strides = array<i32>} : memref<16x2x16xf32, #tpu.memory_space<vmem>>, vector<16xf32>,
      %max3A_1267 = arith.maximumf %get3A_1260, %get3A_1266 : vector<16xf32>
      %get3A_1268 = arith.constant 14 : i32
      %get3A_1269 = arith.constant 1 : i32
      %get3A_1270 = arith.index_cast %get3A_1268 : i32 to index
      %get3A_1271 = arith.index_cast %get3A_1269 : i32 to index
      %get3A_1272 = arith.constant 0 : index
      %get3A_1273 = tpu.vector_load %arg6[%get3A_1270, %get3A_1271, %get3A_1272] {strides = array<i32>} : memref<16x2x16xf32, #tpu.memory_space<vmem>>, vector<16xf32>,
      %max3A_1274 = arith.maximumf %max3A_1267, %get3A_1273 : vector<16xf32>
      %get3A_1275 = arith.constant 15 : i32
      %get3A_1276 = arith.constant 1 : i32
      %get3A_1277 = arith.index_cast %get3A_1275 : i32 to index
      %get3A_1278 = arith.index_cast %get3A_1276 : i32 to index
      %get3A_1279 = arith.constant 0 : index
      %get3A_1280 = tpu.vector_load %arg6[%get3A_1277, %get3A_1278, %get3A_1279] {strides = array<i32>} : memref<16x2x16xf32, #tpu.memory_space<vmem>>, vector<16xf32>,
      %max3A_1281 = arith.maximumf %max3A_1274, %get3A_1280 : vector<16xf32>
      "tpu.region"() ({
        %run_scoped3A = tpu.sem_alloc : memref<!tpu.dma_semaphore, #tpu.memory_space<semaphore_mem>>
        %dma_start3A = arith.constant 6144 : i32
        %dma_start3A_1932 = arith.constant 0 : i32
        %dma_start3A_1933 = tpu.memref_slice %arg2[%dma_start3A, %dma_start3A_1932] : memref<8192x16xf32, #tpu.memory_space<hbm>> -> memref<16x16xf32, #tpu.memory_space<hbm>>
        %dma_start3A_1934 = arith.constant 6144 : i32
        %dma_start3A_1935 = arith.constant 0 : i32
        %dma_start3A_1936 = tpu.memref_slice %arg2[%dma_start3A_1934, %dma_start3A_1935] : memref<8192x16xf32, #tpu.memory_space<hbm>> -> memref<16x16xf32, #tpu.memory_space<hbm>>
        tpu.enqueue_dma source(%dma_start3A_1936 : memref<16x16xf32, #tpu.memory_space<hbm>>) target(%arg7 : memref<16x16xf32, #tpu.memory_space<vmem>>) target_semaphore(%run_scoped3A : memref<!tpu.dma_semaphore, #tpu.memory_space<semaphore_mem>>)
        %dma_wait3A = arith.constant 6144 : i32
        %dma_wait3A_1937 = arith.constant 0 : i32
        %dma_wait3A_1938 = tpu.memref_slice %arg2[%dma_wait3A, %dma_wait3A_1937] : memref<8192x16xf32, #tpu.memory_space<hbm>> -> memref<16x16xf32, #tpu.memory_space<hbm>>
        %dma_wait3A_1939 = arith.constant 6144 : i32
        %dma_wait3A_1940 = arith.constant 0 : i32
        %dma_wait3A_1941 = tpu.memref_slice %arg2[%dma_wait3A_1939, %dma_wait3A_1940] : memref<8192x16xf32, #tpu.memory_space<hbm>> -> memref<16x16xf32, #tpu.memory_space<hbm>>
        tpu.wait_dma2 semaphore(%run_scoped3A : memref<!tpu.dma_semaphore, #tpu.memory_space<semaphore_mem>>) src(%dma_wait3A_1941 : memref<16x16xf32, #tpu.memory_space<hbm>>) dst(%arg7 : memref<16x16xf32, #tpu.memory_space<vmem>>)
        tpu.yield
      }) : () -> ()
      %get3A_1282 = arith.constant 0 : i32
      %get3A_1283 = arith.index_cast %get3A_1282 : i32 to index
      %get3A_1284 = arith.constant 0 : index
      %get3A_1285 = tpu.vector_load %arg7[%get3A_1283, %get3A_1284] {strides = array<i32>} : memref<16x16xf32, #tpu.memory_space<vmem>>, vector<16xf32>,
      %reduce_max3A_1286 = arith.constant true
      %reduce_max3A_1287 = vector.broadcast %reduce_max3A_1286 : i1 to vector<16xi1>
      %reduce_max3A_1288 = tpu.scan <max>, %get3A_1285 masked %reduce_max3A_1287 : vector<16xf32>, vector<16xi1> -> vector<16xf32>
      %reduce_max3A_1289 = vector.extract %reduce_max3A_1288[15] : f32 from vector<16xf32>
      %sub3A_1290 = vector.broadcast %reduce_max3A_1289 : f32 to vector<16xf32>
      %sub3A_1291 = arith.subf %get3A_1285, %sub3A_1290 : vector<16xf32>
      %exp3A_1292 = math.exp %sub3A_1291 : vector<16xf32>
      %reduce_sum3A_1293 = arith.constant true
      %reduce_sum3A_1294 = vector.broadcast %reduce_sum3A_1293 : i1 to vector<16xi1>
      %reduce_sum3A_1295 = tpu.scan <sum>, %exp3A_1292 masked %reduce_sum3A_1294 : vector<16xf32>, vector<16xi1> -> vector<16xf32>
      %reduce_sum3A_1296 = vector.extract %reduce_sum3A_1295[15] : f32 from vector<16xf32>
      %div3A_1297 = vector.broadcast %reduce_sum3A_1296 : f32 to vector<16xf32>
      %div3A_1298 = arith.divf %exp3A_1292, %div3A_1297 : vector<16xf32>
      %swap3A_1299 = arith.constant 0 : i32
      %swap3A_1300 = arith.index_cast %swap3A_1299 : i32 to index
      %swap3A_1301 = arith.constant 0 : index
      %swap3A_1302 = tpu.vector_load %arg8[%swap3A_1300, %swap3A_1301] {strides = array<i32>} : memref<16x16xf32, #tpu.memory_space<vmem>>, vector<16xf32>,
      tpu.vector_store %arg8[%swap3A_1300, %swap3A_1301], %div3A_1298 {strides = array<i32>} : memref<16x16xf32, #tpu.memory_space<vmem>>, vector<16xf32>,
      %get3A_1303 = arith.constant 1 : i32
      %get3A_1304 = arith.index_cast %get3A_1303 : i32 to index
      %get3A_1305 = arith.constant 0 : index
      %get3A_1306 = tpu.vector_load %arg7[%get3A_1304, %get3A_1305] {strides = array<i32>} : memref<16x16xf32, #tpu.memory_space<vmem>>, vector<16xf32>,
      %reduce_max3A_1307 = arith.constant true
      %reduce_max3A_1308 = vector.broadcast %reduce_max3A_1307 : i1 to vector<16xi1>
      %reduce_max3A_1309 = tpu.scan <max>, %get3A_1306 masked %reduce_max3A_1308 : vector<16xf32>, vector<16xi1> -> vector<16xf32>
      %reduce_max3A_1310 = vector.extract %reduce_max3A_1309[15] : f32 from vector<16xf32>
      %sub3A_1311 = vector.broadcast %reduce_max3A_1310 : f32 to vector<16xf32>
      %sub3A_1312 = arith.subf %get3A_1306, %sub3A_1311 : vector<16xf32>
      %exp3A_1313 = math.exp %sub3A_1312 : vector<16xf32>
      %reduce_sum3A_1314 = arith.constant true
      %reduce_sum3A_1315 = vector.broadcast %reduce_sum3A_1314 : i1 to vector<16xi1>
      %reduce_sum3A_1316 = tpu.scan <sum>, %exp3A_1313 masked %reduce_sum3A_1315 : vector<16xf32>, vector<16xi1> -> vector<16xf32>
      %reduce_sum3A_1317 = vector.extract %reduce_sum3A_1316[15] : f32 from vector<16xf32>
      %div3A_1318 = vector.broadcast %reduce_sum3A_1317 : f32 to vector<16xf32>
      %div3A_1319 = arith.divf %exp3A_1313, %div3A_1318 : vector<16xf32>
      %swap3A_1320 = arith.constant 1 : i32
      %swap3A_1321 = arith.index_cast %swap3A_1320 : i32 to index
      %swap3A_1322 = arith.constant 0 : index
      %swap3A_1323 = tpu.vector_load %arg8[%swap3A_1321, %swap3A_1322] {strides = array<i32>} : memref<16x16xf32, #tpu.memory_space<vmem>>, vector<16xf32>,
      tpu.vector_store %arg8[%swap3A_1321, %swap3A_1322], %div3A_1319 {strides = array<i32>} : memref<16x16xf32, #tpu.memory_space<vmem>>, vector<16xf32>,
      %get3A_1324 = arith.constant 2 : i32
      %get3A_1325 = arith.index_cast %get3A_1324 : i32 to index
      %get3A_1326 = arith.constant 0 : index
      %get3A_1327 = tpu.vector_load %arg7[%get3A_1325, %get3A_1326] {strides = array<i32>} : memref<16x16xf32, #tpu.memory_space<vmem>>, vector<16xf32>,
      %reduce_max3A_1328 = arith.constant true
      %reduce_max3A_1329 = vector.broadcast %reduce_max3A_1328 : i1 to vector<16xi1>
      %reduce_max3A_1330 = tpu.scan <max>, %get3A_1327 masked %reduce_max3A_1329 : vector<16xf32>, vector<16xi1> -> vector<16xf32>
      %reduce_max3A_1331 = vector.extract %reduce_max3A_1330[15] : f32 from vector<16xf32>
      %sub3A_1332 = vector.broadcast %reduce_max3A_1331 : f32 to vector<16xf32>
      %sub3A_1333 = arith.subf %get3A_1327, %sub3A_1332 : vector<16xf32>
      %exp3A_1334 = math.exp %sub3A_1333 : vector<16xf32>
      %reduce_sum3A_1335 = arith.constant true
      %reduce_sum3A_1336 = vector.broadcast %reduce_sum3A_1335 : i1 to vector<16xi1>
      %reduce_sum3A_1337 = tpu.scan <sum>, %exp3A_1334 masked %reduce_sum3A_1336 : vector<16xf32>, vector<16xi1> -> vector<16xf32>
      %reduce_sum3A_1338 = vector.extract %reduce_sum3A_1337[15] : f32 from vector<16xf32>
      %div3A_1339 = vector.broadcast %reduce_sum3A_1338 : f32 to vector<16xf32>
      %div3A_1340 = arith.divf %exp3A_1334, %div3A_1339 : vector<16xf32>
      %swap3A_1341 = arith.constant 2 : i32
      %swap3A_1342 = arith.index_cast %swap3A_1341 : i32 to index
      %swap3A_1343 = arith.constant 0 : index
      %swap3A_1344 = tpu.vector_load %arg8[%swap3A_1342, %swap3A_1343] {strides = array<i32>} : memref<16x16xf32, #tpu.memory_space<vmem>>, vector<16xf32>,
      tpu.vector_store %arg8[%swap3A_1342, %swap3A_1343], %div3A_1340 {strides = array<i32>} : memref<16x16xf32, #tpu.memory_space<vmem>>, vector<16xf32>,
      %get3A_1345 = arith.constant 3 : i32
      %get3A_1346 = arith.index_cast %get3A_1345 : i32 to index
      %get3A_1347 = arith.constant 0 : index
      %get3A_1348 = tpu.vector_load %arg7[%get3A_1346, %get3A_1347] {strides = array<i32>} : memref<16x16xf32, #tpu.memory_space<vmem>>, vector<16xf32>,
      %reduce_max3A_1349 = arith.constant true
      %reduce_max3A_1350 = vector.broadcast %reduce_max3A_1349 : i1 to vector<16xi1>
      %reduce_max3A_1351 = tpu.scan <max>, %get3A_1348 masked %reduce_max3A_1350 : vector<16xf32>, vector<16xi1> -> vector<16xf32>
      %reduce_max3A_1352 = vector.extract %reduce_max3A_1351[15] : f32 from vector<16xf32>
      %sub3A_1353 = vector.broadcast %reduce_max3A_1352 : f32 to vector<16xf32>
      %sub3A_1354 = arith.subf %get3A_1348, %sub3A_1353 : vector<16xf32>
      %exp3A_1355 = math.exp %sub3A_1354 : vector<16xf32>
      %reduce_sum3A_1356 = arith.constant true
      %reduce_sum3A_1357 = vector.broadcast %reduce_sum3A_1356 : i1 to vector<16xi1>
      %reduce_sum3A_1358 = tpu.scan <sum>, %exp3A_1355 masked %reduce_sum3A_1357 : vector<16xf32>, vector<16xi1> -> vector<16xf32>
      %reduce_sum3A_1359 = vector.extract %reduce_sum3A_1358[15] : f32 from vector<16xf32>
      %div3A_1360 = vector.broadcast %reduce_sum3A_1359 : f32 to vector<16xf32>
      %div3A_1361 = arith.divf %exp3A_1355, %div3A_1360 : vector<16xf32>
      %swap3A_1362 = arith.constant 3 : i32
      %swap3A_1363 = arith.index_cast %swap3A_1362 : i32 to index
      %swap3A_1364 = arith.constant 0 : index
      %swap3A_1365 = tpu.vector_load %arg8[%swap3A_1363, %swap3A_1364] {strides = array<i32>} : memref<16x16xf32, #tpu.memory_space<vmem>>, vector<16xf32>,
      tpu.vector_store %arg8[%swap3A_1363, %swap3A_1364], %div3A_1361 {strides = array<i32>} : memref<16x16xf32, #tpu.memory_space<vmem>>, vector<16xf32>,
      %get3A_1366 = arith.constant 4 : i32
      %get3A_1367 = arith.index_cast %get3A_1366 : i32 to index
      %get3A_1368 = arith.constant 0 : index
      %get3A_1369 = tpu.vector_load %arg7[%get3A_1367, %get3A_1368] {strides = array<i32>} : memref<16x16xf32, #tpu.memory_space<vmem>>, vector<16xf32>,
      %reduce_max3A_1370 = arith.constant true
      %reduce_max3A_1371 = vector.broadcast %reduce_max3A_1370 : i1 to vector<16xi1>
      %reduce_max3A_1372 = tpu.scan <max>, %get3A_1369 masked %reduce_max3A_1371 : vector<16xf32>, vector<16xi1> -> vector<16xf32>
      %reduce_max3A_1373 = vector.extract %reduce_max3A_1372[15] : f32 from vector<16xf32>
      %sub3A_1374 = vector.broadcast %reduce_max3A_1373 : f32 to vector<16xf32>
      %sub3A_1375 = arith.subf %get3A_1369, %sub3A_1374 : vector<16xf32>
      %exp3A_1376 = math.exp %sub3A_1375 : vector<16xf32>
      %reduce_sum3A_1377 = arith.constant true
      %reduce_sum3A_1378 = vector.broadcast %reduce_sum3A_1377 : i1 to vector<16xi1>
      %reduce_sum3A_1379 = tpu.scan <sum>, %exp3A_1376 masked %reduce_sum3A_1378 : vector<16xf32>, vector<16xi1> -> vector<16xf32>
      %reduce_sum3A_1380 = vector.extract %reduce_sum3A_1379[15] : f32 from vector<16xf32>
      %div3A_1381 = vector.broadcast %reduce_sum3A_1380 : f32 to vector<16xf32>
      %div3A_1382 = arith.divf %exp3A_1376, %div3A_1381 : vector<16xf32>
      %swap3A_1383 = arith.constant 4 : i32
      %swap3A_1384 = arith.index_cast %swap3A_1383 : i32 to index
      %swap3A_1385 = arith.constant 0 : index
      %swap3A_1386 = tpu.vector_load %arg8[%swap3A_1384, %swap3A_1385] {strides = array<i32>} : memref<16x16xf32, #tpu.memory_space<vmem>>, vector<16xf32>,
      tpu.vector_store %arg8[%swap3A_1384, %swap3A_1385], %div3A_1382 {strides = array<i32>} : memref<16x16xf32, #tpu.memory_space<vmem>>, vector<16xf32>,
      %get3A_1387 = arith.constant 5 : i32
      %get3A_1388 = arith.index_cast %get3A_1387 : i32 to index
      %get3A_1389 = arith.constant 0 : index
      %get3A_1390 = tpu.vector_load %arg7[%get3A_1388, %get3A_1389] {strides = array<i32>} : memref<16x16xf32, #tpu.memory_space<vmem>>, vector<16xf32>,
      %reduce_max3A_1391 = arith.constant true
      %reduce_max3A_1392 = vector.broadcast %reduce_max3A_1391 : i1 to vector<16xi1>
      %reduce_max3A_1393 = tpu.scan <max>, %get3A_1390 masked %reduce_max3A_1392 : vector<16xf32>, vector<16xi1> -> vector<16xf32>
      %reduce_max3A_1394 = vector.extract %reduce_max3A_1393[15] : f32 from vector<16xf32>
      %sub3A_1395 = vector.broadcast %reduce_max3A_1394 : f32 to vector<16xf32>
      %sub3A_1396 = arith.subf %get3A_1390, %sub3A_1395 : vector<16xf32>
      %exp3A_1397 = math.exp %sub3A_1396 : vector<16xf32>
      %reduce_sum3A_1398 = arith.constant true
      %reduce_sum3A_1399 = vector.broadcast %reduce_sum3A_1398 : i1 to vector<16xi1>
      %reduce_sum3A_1400 = tpu.scan <sum>, %exp3A_1397 masked %reduce_sum3A_1399 : vector<16xf32>, vector<16xi1> -> vector<16xf32>
      %reduce_sum3A_1401 = vector.extract %reduce_sum3A_1400[15] : f32 from vector<16xf32>
      %div3A_1402 = vector.broadcast %reduce_sum3A_1401 : f32 to vector<16xf32>
      %div3A_1403 = arith.divf %exp3A_1397, %div3A_1402 : vector<16xf32>
      %swap3A_1404 = arith.constant 5 : i32
      %swap3A_1405 = arith.index_cast %swap3A_1404 : i32 to index
      %swap3A_1406 = arith.constant 0 : index
      %swap3A_1407 = tpu.vector_load %arg8[%swap3A_1405, %swap3A_1406] {strides = array<i32>} : memref<16x16xf32, #tpu.memory_space<vmem>>, vector<16xf32>,
      tpu.vector_store %arg8[%swap3A_1405, %swap3A_1406], %div3A_1403 {strides = array<i32>} : memref<16x16xf32, #tpu.memory_space<vmem>>, vector<16xf32>,
      %get3A_1408 = arith.constant 6 : i32
      %get3A_1409 = arith.index_cast %get3A_1408 : i32 to index
      %get3A_1410 = arith.constant 0 : index
      %get3A_1411 = tpu.vector_load %arg7[%get3A_1409, %get3A_1410] {strides = array<i32>} : memref<16x16xf32, #tpu.memory_space<vmem>>, vector<16xf32>,
      %reduce_max3A_1412 = arith.constant true
      %reduce_max3A_1413 = vector.broadcast %reduce_max3A_1412 : i1 to vector<16xi1>
      %reduce_max3A_1414 = tpu.scan <max>, %get3A_1411 masked %reduce_max3A_1413 : vector<16xf32>, vector<16xi1> -> vector<16xf32>
      %reduce_max3A_1415 = vector.extract %reduce_max3A_1414[15] : f32 from vector<16xf32>
      %sub3A_1416 = vector.broadcast %reduce_max3A_1415 : f32 to vector<16xf32>
      %sub3A_1417 = arith.subf %get3A_1411, %sub3A_1416 : vector<16xf32>
      %exp3A_1418 = math.exp %sub3A_1417 : vector<16xf32>
      %reduce_sum3A_1419 = arith.constant true
      %reduce_sum3A_1420 = vector.broadcast %reduce_sum3A_1419 : i1 to vector<16xi1>
      %reduce_sum3A_1421 = tpu.scan <sum>, %exp3A_1418 masked %reduce_sum3A_1420 : vector<16xf32>, vector<16xi1> -> vector<16xf32>
      %reduce_sum3A_1422 = vector.extract %reduce_sum3A_1421[15] : f32 from vector<16xf32>
      %div3A_1423 = vector.broadcast %reduce_sum3A_1422 : f32 to vector<16xf32>
      %div3A_1424 = arith.divf %exp3A_1418, %div3A_1423 : vector<16xf32>
      %swap3A_1425 = arith.constant 6 : i32
      %swap3A_1426 = arith.index_cast %swap3A_1425 : i32 to index
      %swap3A_1427 = arith.constant 0 : index
      %swap3A_1428 = tpu.vector_load %arg8[%swap3A_1426, %swap3A_1427] {strides = array<i32>} : memref<16x16xf32, #tpu.memory_space<vmem>>, vector<16xf32>,
      tpu.vector_store %arg8[%swap3A_1426, %swap3A_1427], %div3A_1424 {strides = array<i32>} : memref<16x16xf32, #tpu.memory_space<vmem>>, vector<16xf32>,
      %get3A_1429 = arith.constant 7 : i32
      %get3A_1430 = arith.index_cast %get3A_1429 : i32 to index
      %get3A_1431 = arith.constant 0 : index
      %get3A_1432 = tpu.vector_load %arg7[%get3A_1430, %get3A_1431] {strides = array<i32>} : memref<16x16xf32, #tpu.memory_space<vmem>>, vector<16xf32>,
      %reduce_max3A_1433 = arith.constant true
      %reduce_max3A_1434 = vector.broadcast %reduce_max3A_1433 : i1 to vector<16xi1>
      %reduce_max3A_1435 = tpu.scan <max>, %get3A_1432 masked %reduce_max3A_1434 : vector<16xf32>, vector<16xi1> -> vector<16xf32>
      %reduce_max3A_1436 = vector.extract %reduce_max3A_1435[15] : f32 from vector<16xf32>
      %sub3A_1437 = vector.broadcast %reduce_max3A_1436 : f32 to vector<16xf32>
      %sub3A_1438 = arith.subf %get3A_1432, %sub3A_1437 : vector<16xf32>
      %exp3A_1439 = math.exp %sub3A_1438 : vector<16xf32>
      %reduce_sum3A_1440 = arith.constant true
      %reduce_sum3A_1441 = vector.broadcast %reduce_sum3A_1440 : i1 to vector<16xi1>
      %reduce_sum3A_1442 = tpu.scan <sum>, %exp3A_1439 masked %reduce_sum3A_1441 : vector<16xf32>, vector<16xi1> -> vector<16xf32>
      %reduce_sum3A_1443 = vector.extract %reduce_sum3A_1442[15] : f32 from vector<16xf32>
      %div3A_1444 = vector.broadcast %reduce_sum3A_1443 : f32 to vector<16xf32>
      %div3A_1445 = arith.divf %exp3A_1439, %div3A_1444 : vector<16xf32>
      %swap3A_1446 = arith.constant 7 : i32
      %swap3A_1447 = arith.index_cast %swap3A_1446 : i32 to index
      %swap3A_1448 = arith.constant 0 : index
      %swap3A_1449 = tpu.vector_load %arg8[%swap3A_1447, %swap3A_1448] {strides = array<i32>} : memref<16x16xf32, #tpu.memory_space<vmem>>, vector<16xf32>,
      tpu.vector_store %arg8[%swap3A_1447, %swap3A_1448], %div3A_1445 {strides = array<i32>} : memref<16x16xf32, #tpu.memory_space<vmem>>, vector<16xf32>,
      %get3A_1450 = arith.constant 8 : i32
      %get3A_1451 = arith.index_cast %get3A_1450 : i32 to index
      %get3A_1452 = arith.constant 0 : index
      %get3A_1453 = tpu.vector_load %arg7[%get3A_1451, %get3A_1452] {strides = array<i32>} : memref<16x16xf32, #tpu.memory_space<vmem>>, vector<16xf32>,
      %reduce_max3A_1454 = arith.constant true
      %reduce_max3A_1455 = vector.broadcast %reduce_max3A_1454 : i1 to vector<16xi1>
      %reduce_max3A_1456 = tpu.scan <max>, %get3A_1453 masked %reduce_max3A_1455 : vector<16xf32>, vector<16xi1> -> vector<16xf32>
      %reduce_max3A_1457 = vector.extract %reduce_max3A_1456[15] : f32 from vector<16xf32>
      %sub3A_1458 = vector.broadcast %reduce_max3A_1457 : f32 to vector<16xf32>
      %sub3A_1459 = arith.subf %get3A_1453, %sub3A_1458 : vector<16xf32>
      %exp3A_1460 = math.exp %sub3A_1459 : vector<16xf32>
      %reduce_sum3A_1461 = arith.constant true
      %reduce_sum3A_1462 = vector.broadcast %reduce_sum3A_1461 : i1 to vector<16xi1>
      %reduce_sum3A_1463 = tpu.scan <sum>, %exp3A_1460 masked %reduce_sum3A_1462 : vector<16xf32>, vector<16xi1> -> vector<16xf32>
      %reduce_sum3A_1464 = vector.extract %reduce_sum3A_1463[15] : f32 from vector<16xf32>
      %div3A_1465 = vector.broadcast %reduce_sum3A_1464 : f32 to vector<16xf32>
      %div3A_1466 = arith.divf %exp3A_1460, %div3A_1465 : vector<16xf32>
      %swap3A_1467 = arith.constant 8 : i32
      %swap3A_1468 = arith.index_cast %swap3A_1467 : i32 to index
      %swap3A_1469 = arith.constant 0 : index
      %swap3A_1470 = tpu.vector_load %arg8[%swap3A_1468, %swap3A_1469] {strides = array<i32>} : memref<16x16xf32, #tpu.memory_space<vmem>>, vector<16xf32>,
      tpu.vector_store %arg8[%swap3A_1468, %swap3A_1469], %div3A_1466 {strides = array<i32>} : memref<16x16xf32, #tpu.memory_space<vmem>>, vector<16xf32>,
      %get3A_1471 = arith.constant 9 : i32
      %get3A_1472 = arith.index_cast %get3A_1471 : i32 to index
      %get3A_1473 = arith.constant 0 : index
      %get3A_1474 = tpu.vector_load %arg7[%get3A_1472, %get3A_1473] {strides = array<i32>} : memref<16x16xf32, #tpu.memory_space<vmem>>, vector<16xf32>,
      %reduce_max3A_1475 = arith.constant true
      %reduce_max3A_1476 = vector.broadcast %reduce_max3A_1475 : i1 to vector<16xi1>
      %reduce_max3A_1477 = tpu.scan <max>, %get3A_1474 masked %reduce_max3A_1476 : vector<16xf32>, vector<16xi1> -> vector<16xf32>
      %reduce_max3A_1478 = vector.extract %reduce_max3A_1477[15] : f32 from vector<16xf32>
      %sub3A_1479 = vector.broadcast %reduce_max3A_1478 : f32 to vector<16xf32>
      %sub3A_1480 = arith.subf %get3A_1474, %sub3A_1479 : vector<16xf32>
      %exp3A_1481 = math.exp %sub3A_1480 : vector<16xf32>
      %reduce_sum3A_1482 = arith.constant true
      %reduce_sum3A_1483 = vector.broadcast %reduce_sum3A_1482 : i1 to vector<16xi1>
      %reduce_sum3A_1484 = tpu.scan <sum>, %exp3A_1481 masked %reduce_sum3A_1483 : vector<16xf32>, vector<16xi1> -> vector<16xf32>
      %reduce_sum3A_1485 = vector.extract %reduce_sum3A_1484[15] : f32 from vector<16xf32>
      %div3A_1486 = vector.broadcast %reduce_sum3A_1485 : f32 to vector<16xf32>
      %div3A_1487 = arith.divf %exp3A_1481, %div3A_1486 : vector<16xf32>
      %swap3A_1488 = arith.constant 9 : i32
      %swap3A_1489 = arith.index_cast %swap3A_1488 : i32 to index
      %swap3A_1490 = arith.constant 0 : index
      %swap3A_1491 = tpu.vector_load %arg8[%swap3A_1489, %swap3A_1490] {strides = array<i32>} : memref<16x16xf32, #tpu.memory_space<vmem>>, vector<16xf32>,
      tpu.vector_store %arg8[%swap3A_1489, %swap3A_1490], %div3A_1487 {strides = array<i32>} : memref<16x16xf32, #tpu.memory_space<vmem>>, vector<16xf32>,
      %get3A_1492 = arith.constant 10 : i32
      %get3A_1493 = arith.index_cast %get3A_1492 : i32 to index
      %get3A_1494 = arith.constant 0 : index
      %get3A_1495 = tpu.vector_load %arg7[%get3A_1493, %get3A_1494] {strides = array<i32>} : memref<16x16xf32, #tpu.memory_space<vmem>>, vector<16xf32>,
      %reduce_max3A_1496 = arith.constant true
      %reduce_max3A_1497 = vector.broadcast %reduce_max3A_1496 : i1 to vector<16xi1>
      %reduce_max3A_1498 = tpu.scan <max>, %get3A_1495 masked %reduce_max3A_1497 : vector<16xf32>, vector<16xi1> -> vector<16xf32>
      %reduce_max3A_1499 = vector.extract %reduce_max3A_1498[15] : f32 from vector<16xf32>
      %sub3A_1500 = vector.broadcast %reduce_max3A_1499 : f32 to vector<16xf32>
      %sub3A_1501 = arith.subf %get3A_1495, %sub3A_1500 : vector<16xf32>
      %exp3A_1502 = math.exp %sub3A_1501 : vector<16xf32>
      %reduce_sum3A_1503 = arith.constant true
      %reduce_sum3A_1504 = vector.broadcast %reduce_sum3A_1503 : i1 to vector<16xi1>
      %reduce_sum3A_1505 = tpu.scan <sum>, %exp3A_1502 masked %reduce_sum3A_1504 : vector<16xf32>, vector<16xi1> -> vector<16xf32>
      %reduce_sum3A_1506 = vector.extract %reduce_sum3A_1505[15] : f32 from vector<16xf32>
      %div3A_1507 = vector.broadcast %reduce_sum3A_1506 : f32 to vector<16xf32>
      %div3A_1508 = arith.divf %exp3A_1502, %div3A_1507 : vector<16xf32>
      %swap3A_1509 = arith.constant 10 : i32
      %swap3A_1510 = arith.index_cast %swap3A_1509 : i32 to index
      %swap3A_1511 = arith.constant 0 : index
      %swap3A_1512 = tpu.vector_load %arg8[%swap3A_1510, %swap3A_1511] {strides = array<i32>} : memref<16x16xf32, #tpu.memory_space<vmem>>, vector<16xf32>,
      tpu.vector_store %arg8[%swap3A_1510, %swap3A_1511], %div3A_1508 {strides = array<i32>} : memref<16x16xf32, #tpu.memory_space<vmem>>, vector<16xf32>,
      %get3A_1513 = arith.constant 11 : i32
      %get3A_1514 = arith.index_cast %get3A_1513 : i32 to index
      %get3A_1515 = arith.constant 0 : index
      %get3A_1516 = tpu.vector_load %arg7[%get3A_1514, %get3A_1515] {strides = array<i32>} : memref<16x16xf32, #tpu.memory_space<vmem>>, vector<16xf32>,
      %reduce_max3A_1517 = arith.constant true
      %reduce_max3A_1518 = vector.broadcast %reduce_max3A_1517 : i1 to vector<16xi1>
      %reduce_max3A_1519 = tpu.scan <max>, %get3A_1516 masked %reduce_max3A_1518 : vector<16xf32>, vector<16xi1> -> vector<16xf32>
      %reduce_max3A_1520 = vector.extract %reduce_max3A_1519[15] : f32 from vector<16xf32>
      %sub3A_1521 = vector.broadcast %reduce_max3A_1520 : f32 to vector<16xf32>
      %sub3A_1522 = arith.subf %get3A_1516, %sub3A_1521 : vector<16xf32>
      %exp3A_1523 = math.exp %sub3A_1522 : vector<16xf32>
      %reduce_sum3A_1524 = arith.constant true
      %reduce_sum3A_1525 = vector.broadcast %reduce_sum3A_1524 : i1 to vector<16xi1>
      %reduce_sum3A_1526 = tpu.scan <sum>, %exp3A_1523 masked %reduce_sum3A_1525 : vector<16xf32>, vector<16xi1> -> vector<16xf32>
      %reduce_sum3A_1527 = vector.extract %reduce_sum3A_1526[15] : f32 from vector<16xf32>
      %div3A_1528 = vector.broadcast %reduce_sum3A_1527 : f32 to vector<16xf32>
      %div3A_1529 = arith.divf %exp3A_1523, %div3A_1528 : vector<16xf32>
      %swap3A_1530 = arith.constant 11 : i32
      %swap3A_1531 = arith.index_cast %swap3A_1530 : i32 to index
      %swap3A_1532 = arith.constant 0 : index
      %swap3A_1533 = tpu.vector_load %arg8[%swap3A_1531, %swap3A_1532] {strides = array<i32>} : memref<16x16xf32, #tpu.memory_space<vmem>>, vector<16xf32>,
      tpu.vector_store %arg8[%swap3A_1531, %swap3A_1532], %div3A_1529 {strides = array<i32>} : memref<16x16xf32, #tpu.memory_space<vmem>>, vector<16xf32>,
      %get3A_1534 = arith.constant 12 : i32
      %get3A_1535 = arith.index_cast %get3A_1534 : i32 to index
      %get3A_1536 = arith.constant 0 : index
      %get3A_1537 = tpu.vector_load %arg7[%get3A_1535, %get3A_1536] {strides = array<i32>} : memref<16x16xf32, #tpu.memory_space<vmem>>, vector<16xf32>,
      %reduce_max3A_1538 = arith.constant true
      %reduce_max3A_1539 = vector.broadcast %reduce_max3A_1538 : i1 to vector<16xi1>
      %reduce_max3A_1540 = tpu.scan <max>, %get3A_1537 masked %reduce_max3A_1539 : vector<16xf32>, vector<16xi1> -> vector<16xf32>
      %reduce_max3A_1541 = vector.extract %reduce_max3A_1540[15] : f32 from vector<16xf32>
      %sub3A_1542 = vector.broadcast %reduce_max3A_1541 : f32 to vector<16xf32>
      %sub3A_1543 = arith.subf %get3A_1537, %sub3A_1542 : vector<16xf32>
      %exp3A_1544 = math.exp %sub3A_1543 : vector<16xf32>
      %reduce_sum3A_1545 = arith.constant true
      %reduce_sum3A_1546 = vector.broadcast %reduce_sum3A_1545 : i1 to vector<16xi1>
      %reduce_sum3A_1547 = tpu.scan <sum>, %exp3A_1544 masked %reduce_sum3A_1546 : vector<16xf32>, vector<16xi1> -> vector<16xf32>
      %reduce_sum3A_1548 = vector.extract %reduce_sum3A_1547[15] : f32 from vector<16xf32>
      %div3A_1549 = vector.broadcast %reduce_sum3A_1548 : f32 to vector<16xf32>
      %div3A_1550 = arith.divf %exp3A_1544, %div3A_1549 : vector<16xf32>
      %swap3A_1551 = arith.constant 12 : i32
      %swap3A_1552 = arith.index_cast %swap3A_1551 : i32 to index
      %swap3A_1553 = arith.constant 0 : index
      %swap3A_1554 = tpu.vector_load %arg8[%swap3A_1552, %swap3A_1553] {strides = array<i32>} : memref<16x16xf32, #tpu.memory_space<vmem>>, vector<16xf32>,
      tpu.vector_store %arg8[%swap3A_1552, %swap3A_1553], %div3A_1550 {strides = array<i32>} : memref<16x16xf32, #tpu.memory_space<vmem>>, vector<16xf32>,
      %get3A_1555 = arith.constant 13 : i32
      %get3A_1556 = arith.index_cast %get3A_1555 : i32 to index
      %get3A_1557 = arith.constant 0 : index
      %get3A_1558 = tpu.vector_load %arg7[%get3A_1556, %get3A_1557] {strides = array<i32>} : memref<16x16xf32, #tpu.memory_space<vmem>>, vector<16xf32>,
      %reduce_max3A_1559 = arith.constant true
      %reduce_max3A_1560 = vector.broadcast %reduce_max3A_1559 : i1 to vector<16xi1>
      %reduce_max3A_1561 = tpu.scan <max>, %get3A_1558 masked %reduce_max3A_1560 : vector<16xf32>, vector<16xi1> -> vector<16xf32>
      %reduce_max3A_1562 = vector.extract %reduce_max3A_1561[15] : f32 from vector<16xf32>
      %sub3A_1563 = vector.broadcast %reduce_max3A_1562 : f32 to vector<16xf32>
      %sub3A_1564 = arith.subf %get3A_1558, %sub3A_1563 : vector<16xf32>
      %exp3A_1565 = math.exp %sub3A_1564 : vector<16xf32>
      %reduce_sum3A_1566 = arith.constant true
      %reduce_sum3A_1567 = vector.broadcast %reduce_sum3A_1566 : i1 to vector<16xi1>
      %reduce_sum3A_1568 = tpu.scan <sum>, %exp3A_1565 masked %reduce_sum3A_1567 : vector<16xf32>, vector<16xi1> -> vector<16xf32>
      %reduce_sum3A_1569 = vector.extract %reduce_sum3A_1568[15] : f32 from vector<16xf32>
      %div3A_1570 = vector.broadcast %reduce_sum3A_1569 : f32 to vector<16xf32>
      %div3A_1571 = arith.divf %exp3A_1565, %div3A_1570 : vector<16xf32>
      %swap3A_1572 = arith.constant 13 : i32
      %swap3A_1573 = arith.index_cast %swap3A_1572 : i32 to index
      %swap3A_1574 = arith.constant 0 : index
      %swap3A_1575 = tpu.vector_load %arg8[%swap3A_1573, %swap3A_1574] {strides = array<i32>} : memref<16x16xf32, #tpu.memory_space<vmem>>, vector<16xf32>,
      tpu.vector_store %arg8[%swap3A_1573, %swap3A_1574], %div3A_1571 {strides = array<i32>} : memref<16x16xf32, #tpu.memory_space<vmem>>, vector<16xf32>,
      %get3A_1576 = arith.constant 14 : i32
      %get3A_1577 = arith.index_cast %get3A_1576 : i32 to index
      %get3A_1578 = arith.constant 0 : index
      %get3A_1579 = tpu.vector_load %arg7[%get3A_1577, %get3A_1578] {strides = array<i32>} : memref<16x16xf32, #tpu.memory_space<vmem>>, vector<16xf32>,
      %reduce_max3A_1580 = arith.constant true
      %reduce_max3A_1581 = vector.broadcast %reduce_max3A_1580 : i1 to vector<16xi1>
      %reduce_max3A_1582 = tpu.scan <max>, %get3A_1579 masked %reduce_max3A_1581 : vector<16xf32>, vector<16xi1> -> vector<16xf32>
      %reduce_max3A_1583 = vector.extract %reduce_max3A_1582[15] : f32 from vector<16xf32>
      %sub3A_1584 = vector.broadcast %reduce_max3A_1583 : f32 to vector<16xf32>
      %sub3A_1585 = arith.subf %get3A_1579, %sub3A_1584 : vector<16xf32>
      %exp3A_1586 = math.exp %sub3A_1585 : vector<16xf32>
      %reduce_sum3A_1587 = arith.constant true
      %reduce_sum3A_1588 = vector.broadcast %reduce_sum3A_1587 : i1 to vector<16xi1>
      %reduce_sum3A_1589 = tpu.scan <sum>, %exp3A_1586 masked %reduce_sum3A_1588 : vector<16xf32>, vector<16xi1> -> vector<16xf32>
      %reduce_sum3A_1590 = vector.extract %reduce_sum3A_1589[15] : f32 from vector<16xf32>
      %div3A_1591 = vector.broadcast %reduce_sum3A_1590 : f32 to vector<16xf32>
      %div3A_1592 = arith.divf %exp3A_1586, %div3A_1591 : vector<16xf32>
      %swap3A_1593 = arith.constant 14 : i32
      %swap3A_1594 = arith.index_cast %swap3A_1593 : i32 to index
      %swap3A_1595 = arith.constant 0 : index
      %swap3A_1596 = tpu.vector_load %arg8[%swap3A_1594, %swap3A_1595] {strides = array<i32>} : memref<16x16xf32, #tpu.memory_space<vmem>>, vector<16xf32>,
      tpu.vector_store %arg8[%swap3A_1594, %swap3A_1595], %div3A_1592 {strides = array<i32>} : memref<16x16xf32, #tpu.memory_space<vmem>>, vector<16xf32>,
      %get3A_1597 = arith.constant 15 : i32
      %get3A_1598 = arith.index_cast %get3A_1597 : i32 to index
      %get3A_1599 = arith.constant 0 : index
      %get3A_1600 = tpu.vector_load %arg7[%get3A_1598, %get3A_1599] {strides = array<i32>} : memref<16x16xf32, #tpu.memory_space<vmem>>, vector<16xf32>,
      %reduce_max3A_1601 = arith.constant true
      %reduce_max3A_1602 = vector.broadcast %reduce_max3A_1601 : i1 to vector<16xi1>
      %reduce_max3A_1603 = tpu.scan <max>, %get3A_1600 masked %reduce_max3A_1602 : vector<16xf32>, vector<16xi1> -> vector<16xf32>
      %reduce_max3A_1604 = vector.extract %reduce_max3A_1603[15] : f32 from vector<16xf32>
      %sub3A_1605 = vector.broadcast %reduce_max3A_1604 : f32 to vector<16xf32>
      %sub3A_1606 = arith.subf %get3A_1600, %sub3A_1605 : vector<16xf32>
      %exp3A_1607 = math.exp %sub3A_1606 : vector<16xf32>
      %reduce_sum3A_1608 = arith.constant true
      %reduce_sum3A_1609 = vector.broadcast %reduce_sum3A_1608 : i1 to vector<16xi1>
      %reduce_sum3A_1610 = tpu.scan <sum>, %exp3A_1607 masked %reduce_sum3A_1609 : vector<16xf32>, vector<16xi1> -> vector<16xf32>
      %reduce_sum3A_1611 = vector.extract %reduce_sum3A_1610[15] : f32 from vector<16xf32>
      %div3A_1612 = vector.broadcast %reduce_sum3A_1611 : f32 to vector<16xf32>
      %div3A_1613 = arith.divf %exp3A_1607, %div3A_1612 : vector<16xf32>
      %swap3A_1614 = arith.constant 15 : i32
      %swap3A_1615 = arith.index_cast %swap3A_1614 : i32 to index
      %swap3A_1616 = arith.constant 0 : index
      %swap3A_1617 = tpu.vector_load %arg8[%swap3A_1615, %swap3A_1616] {strides = array<i32>} : memref<16x16xf32, #tpu.memory_space<vmem>>, vector<16xf32>,
      tpu.vector_store %arg8[%swap3A_1615, %swap3A_1616], %div3A_1613 {strides = array<i32>} : memref<16x16xf32, #tpu.memory_space<vmem>>, vector<16xf32>,
      %broadcast_in_dim3A_1618 = arith.constant 0 : i32
      %broadcast_in_dim3A_1619 = vector.broadcast %broadcast_in_dim3A_1618 : i32 to vector<16xi32>
      %gather3A_1620 = tpu.vector_load_idx %arg8[%iota3A, %broadcast_in_dim3A_1619] : memref<16x16xf32, #tpu.memory_space<vmem>>[vector<16xi32>, vector<16xi32>], vector<16xf32>,
      %mul3A_1621 = arith.mulf %gather3A_1620, %max3A_1254 : vector<16xf32>
      %add3A_1622 = arith.addf %add3A_1222, %mul3A_1621 : vector<16xf32>
      %broadcast_in_dim3A_1623 = arith.constant 1 : i32
      %broadcast_in_dim3A_1624 = vector.broadcast %broadcast_in_dim3A_1623 : i32 to vector<16xi32>
      %gather3A_1625 = tpu.vector_load_idx %arg8[%iota3A, %broadcast_in_dim3A_1624] : memref<16x16xf32, #tpu.memory_space<vmem>>[vector<16xi32>, vector<16xi32>], vector<16xf32>,
      %mul3A_1626 = arith.mulf %gather3A_1625, %max3A_1281 : vector<16xf32>
      %add3A_1627 = arith.addf %add3A_1227, %mul3A_1626 : vector<16xf32>
      %swap3A_1628 = arith.constant 0 : i32
      %swap3A_1629 = arith.index_cast %swap3A_1628 : i32 to index
      %swap3A_1630 = arith.constant 0 : index
      %swap3A_1631 = tpu.vector_load %arg9[%swap3A_1629, %swap3A_1630] {strides = array<i32>} : memref<16x16xf32, #tpu.memory_space<vmem>>, vector<16xf32>,
      tpu.vector_store %arg9[%swap3A_1629, %swap3A_1630], %broadcast_in_dim3A_1 {strides = array<i32>} : memref<16x16xf32, #tpu.memory_space<vmem>>, vector<16xf32>,
      %swap3A_1632 = arith.constant 1 : i32
      %swap3A_1633 = arith.index_cast %swap3A_1632 : i32 to index
      %swap3A_1634 = arith.constant 0 : index
      %swap3A_1635 = tpu.vector_load %arg9[%swap3A_1633, %swap3A_1634] {strides = array<i32>} : memref<16x16xf32, #tpu.memory_space<vmem>>, vector<16xf32>,
      tpu.vector_store %arg9[%swap3A_1633, %swap3A_1634], %broadcast_in_dim3A_1 {strides = array<i32>} : memref<16x16xf32, #tpu.memory_space<vmem>>, vector<16xf32>,
      %swap3A_1636 = arith.constant 2 : i32
      %swap3A_1637 = arith.index_cast %swap3A_1636 : i32 to index
      %swap3A_1638 = arith.constant 0 : index
      %swap3A_1639 = tpu.vector_load %arg9[%swap3A_1637, %swap3A_1638] {strides = array<i32>} : memref<16x16xf32, #tpu.memory_space<vmem>>, vector<16xf32>,
      tpu.vector_store %arg9[%swap3A_1637, %swap3A_1638], %broadcast_in_dim3A_1 {strides = array<i32>} : memref<16x16xf32, #tpu.memory_space<vmem>>, vector<16xf32>,
      %swap3A_1640 = arith.constant 3 : i32
      %swap3A_1641 = arith.index_cast %swap3A_1640 : i32 to index
      %swap3A_1642 = arith.constant 0 : index
      %swap3A_1643 = tpu.vector_load %arg9[%swap3A_1641, %swap3A_1642] {strides = array<i32>} : memref<16x16xf32, #tpu.memory_space<vmem>>, vector<16xf32>,
      tpu.vector_store %arg9[%swap3A_1641, %swap3A_1642], %broadcast_in_dim3A_1 {strides = array<i32>} : memref<16x16xf32, #tpu.memory_space<vmem>>, vector<16xf32>,
      %swap3A_1644 = arith.constant 4 : i32
      %swap3A_1645 = arith.index_cast %swap3A_1644 : i32 to index
      %swap3A_1646 = arith.constant 0 : index
      %swap3A_1647 = tpu.vector_load %arg9[%swap3A_1645, %swap3A_1646] {strides = array<i32>} : memref<16x16xf32, #tpu.memory_space<vmem>>, vector<16xf32>,
      tpu.vector_store %arg9[%swap3A_1645, %swap3A_1646], %broadcast_in_dim3A_1 {strides = array<i32>} : memref<16x16xf32, #tpu.memory_space<vmem>>, vector<16xf32>,
      %swap3A_1648 = arith.constant 5 : i32
      %swap3A_1649 = arith.index_cast %swap3A_1648 : i32 to index
      %swap3A_1650 = arith.constant 0 : index
      %swap3A_1651 = tpu.vector_load %arg9[%swap3A_1649, %swap3A_1650] {strides = array<i32>} : memref<16x16xf32, #tpu.memory_space<vmem>>, vector<16xf32>,
      tpu.vector_store %arg9[%swap3A_1649, %swap3A_1650], %broadcast_in_dim3A_1 {strides = array<i32>} : memref<16x16xf32, #tpu.memory_space<vmem>>, vector<16xf32>,
      %swap3A_1652 = arith.constant 6 : i32
      %swap3A_1653 = arith.index_cast %swap3A_1652 : i32 to index
      %swap3A_1654 = arith.constant 0 : index
      %swap3A_1655 = tpu.vector_load %arg9[%swap3A_1653, %swap3A_1654] {strides = array<i32>} : memref<16x16xf32, #tpu.memory_space<vmem>>, vector<16xf32>,
      tpu.vector_store %arg9[%swap3A_1653, %swap3A_1654], %broadcast_in_dim3A_1 {strides = array<i32>} : memref<16x16xf32, #tpu.memory_space<vmem>>, vector<16xf32>,
      %swap3A_1656 = arith.constant 7 : i32
      %swap3A_1657 = arith.index_cast %swap3A_1656 : i32 to index
      %swap3A_1658 = arith.constant 0 : index
      %swap3A_1659 = tpu.vector_load %arg9[%swap3A_1657, %swap3A_1658] {strides = array<i32>} : memref<16x16xf32, #tpu.memory_space<vmem>>, vector<16xf32>,
      tpu.vector_store %arg9[%swap3A_1657, %swap3A_1658], %broadcast_in_dim3A_1 {strides = array<i32>} : memref<16x16xf32, #tpu.memory_space<vmem>>, vector<16xf32>,
      %swap3A_1660 = arith.constant 8 : i32
      %swap3A_1661 = arith.index_cast %swap3A_1660 : i32 to index
      %swap3A_1662 = arith.constant 0 : index
      %swap3A_1663 = tpu.vector_load %arg9[%swap3A_1661, %swap3A_1662] {strides = array<i32>} : memref<16x16xf32, #tpu.memory_space<vmem>>, vector<16xf32>,
      tpu.vector_store %arg9[%swap3A_1661, %swap3A_1662], %broadcast_in_dim3A_1 {strides = array<i32>} : memref<16x16xf32, #tpu.memory_space<vmem>>, vector<16xf32>,
      %swap3A_1664 = arith.constant 9 : i32
      %swap3A_1665 = arith.index_cast %swap3A_1664 : i32 to index
      %swap3A_1666 = arith.constant 0 : index
      %swap3A_1667 = tpu.vector_load %arg9[%swap3A_1665, %swap3A_1666] {strides = array<i32>} : memref<16x16xf32, #tpu.memory_space<vmem>>, vector<16xf32>,
      tpu.vector_store %arg9[%swap3A_1665, %swap3A_1666], %broadcast_in_dim3A_1 {strides = array<i32>} : memref<16x16xf32, #tpu.memory_space<vmem>>, vector<16xf32>,
      %swap3A_1668 = arith.constant 10 : i32
      %swap3A_1669 = arith.index_cast %swap3A_1668 : i32 to index
      %swap3A_1670 = arith.constant 0 : index
      %swap3A_1671 = tpu.vector_load %arg9[%swap3A_1669, %swap3A_1670] {strides = array<i32>} : memref<16x16xf32, #tpu.memory_space<vmem>>, vector<16xf32>,
      tpu.vector_store %arg9[%swap3A_1669, %swap3A_1670], %broadcast_in_dim3A_1 {strides = array<i32>} : memref<16x16xf32, #tpu.memory_space<vmem>>, vector<16xf32>,
      %swap3A_1672 = arith.constant 11 : i32
      %swap3A_1673 = arith.index_cast %swap3A_1672 : i32 to index
      %swap3A_1674 = arith.constant 0 : index
      %swap3A_1675 = tpu.vector_load %arg9[%swap3A_1673, %swap3A_1674] {strides = array<i32>} : memref<16x16xf32, #tpu.memory_space<vmem>>, vector<16xf32>,
      tpu.vector_store %arg9[%swap3A_1673, %swap3A_1674], %broadcast_in_dim3A_1 {strides = array<i32>} : memref<16x16xf32, #tpu.memory_space<vmem>>, vector<16xf32>,
      %swap3A_1676 = arith.constant 12 : i32
      %swap3A_1677 = arith.index_cast %swap3A_1676 : i32 to index
      %swap3A_1678 = arith.constant 0 : index
      %swap3A_1679 = tpu.vector_load %arg9[%swap3A_1677, %swap3A_1678] {strides = array<i32>} : memref<16x16xf32, #tpu.memory_space<vmem>>, vector<16xf32>,
      tpu.vector_store %arg9[%swap3A_1677, %swap3A_1678], %broadcast_in_dim3A_1 {strides = array<i32>} : memref<16x16xf32, #tpu.memory_space<vmem>>, vector<16xf32>,
      %swap3A_1680 = arith.constant 13 : i32
      %swap3A_1681 = arith.index_cast %swap3A_1680 : i32 to index
      %swap3A_1682 = arith.constant 0 : index
      %swap3A_1683 = tpu.vector_load %arg9[%swap3A_1681, %swap3A_1682] {strides = array<i32>} : memref<16x16xf32, #tpu.memory_space<vmem>>, vector<16xf32>,
      tpu.vector_store %arg9[%swap3A_1681, %swap3A_1682], %broadcast_in_dim3A_1 {strides = array<i32>} : memref<16x16xf32, #tpu.memory_space<vmem>>, vector<16xf32>,
      %swap3A_1684 = arith.constant 14 : i32
      %swap3A_1685 = arith.index_cast %swap3A_1684 : i32 to index
      %swap3A_1686 = arith.constant 0 : index
      %swap3A_1687 = tpu.vector_load %arg9[%swap3A_1685, %swap3A_1686] {strides = array<i32>} : memref<16x16xf32, #tpu.memory_space<vmem>>, vector<16xf32>,
      tpu.vector_store %arg9[%swap3A_1685, %swap3A_1686], %broadcast_in_dim3A_1 {strides = array<i32>} : memref<16x16xf32, #tpu.memory_space<vmem>>, vector<16xf32>,
      %swap3A_1688 = arith.constant 15 : i32
      %swap3A_1689 = arith.index_cast %swap3A_1688 : i32 to index
      %swap3A_1690 = arith.constant 0 : index
      %swap3A_1691 = tpu.vector_load %arg9[%swap3A_1689, %swap3A_1690] {strides = array<i32>} : memref<16x16xf32, #tpu.memory_space<vmem>>, vector<16xf32>,
      tpu.vector_store %arg9[%swap3A_1689, %swap3A_1690], %broadcast_in_dim3A_1 {strides = array<i32>} : memref<16x16xf32, #tpu.memory_space<vmem>>, vector<16xf32>,
      %div3A_1692 = arith.divf %mul3A_421, %add3A_1622 : vector<16xf32>
      %mul3A_1693 = arith.constant 8.000000e+00 : f32
      %mul3A_1694 = vector.broadcast %mul3A_1693 : f32 to vector<16xf32>
      %mul3A_1695 = arith.mulf %div3A_1692, %mul3A_1694 : vector<16xf32>
      %broadcast_in_dim3A_1696 = arith.constant 0 : i32
      %broadcast_in_dim3A_1697 = vector.broadcast %broadcast_in_dim3A_1696 : i32 to vector<16xi32>
      tpu.vector_store_idx %arg9[%iota3A, %broadcast_in_dim3A_1697], %mul3A_1695 : memref<16x16xf32, #tpu.memory_space<vmem>>[vector<16xi32>, vector<16xi32>], vector<16xf32>,
      %div3A_1698 = arith.divf %mul3A_426, %add3A_1627 : vector<16xf32>
      %mul3A_1699 = arith.constant 8.000000e+00 : f32
      %mul3A_1700 = vector.broadcast %mul3A_1699 : f32 to vector<16xf32>
      %mul3A_1701 = arith.mulf %div3A_1698, %mul3A_1700 : vector<16xf32>
      %broadcast_in_dim3A_1702 = arith.constant 1 : i32
      %broadcast_in_dim3A_1703 = vector.broadcast %broadcast_in_dim3A_1702 : i32 to vector<16xi32>
      tpu.vector_store_idx %arg9[%iota3A, %broadcast_in_dim3A_1703], %mul3A_1701 : memref<16x16xf32, #tpu.memory_space<vmem>>[vector<16xi32>, vector<16xi32>], vector<16xf32>,
      "tpu.region"() ({
        %run_scoped3A = tpu.sem_alloc : memref<!tpu.dma_semaphore, #tpu.memory_space<semaphore_mem>>
        %dma_start3A = arith.constant 0 : i32
        %dma_start3A_1932 = arith.constant 0 : i32
        %dma_start3A_1933 = tpu.memref_slice %arg3[%dma_start3A, %dma_start3A_1932] : memref<8192x16xf32, #tpu.memory_space<hbm>> -> memref<16x16xf32, #tpu.memory_space<hbm>>
        %dma_start3A_1934 = arith.constant 0 : i32
        %dma_start3A_1935 = arith.constant 0 : i32
        %dma_start3A_1936 = tpu.memref_slice %arg3[%dma_start3A_1934, %dma_start3A_1935] : memref<8192x16xf32, #tpu.memory_space<hbm>> -> memref<16x16xf32, #tpu.memory_space<hbm>>
        tpu.enqueue_dma source(%arg9 : memref<16x16xf32, #tpu.memory_space<vmem>>) target(%dma_start3A_1936 : memref<16x16xf32, #tpu.memory_space<hbm>>) target_semaphore(%run_scoped3A : memref<!tpu.dma_semaphore, #tpu.memory_space<semaphore_mem>>)
        %dma_wait3A = arith.constant 0 : i32
        %dma_wait3A_1937 = arith.constant 0 : i32
        %dma_wait3A_1938 = tpu.memref_slice %arg3[%dma_wait3A, %dma_wait3A_1937] : memref<8192x16xf32, #tpu.memory_space<hbm>> -> memref<16x16xf32, #tpu.memory_space<hbm>>
        %dma_wait3A_1939 = arith.constant 0 : i32
        %dma_wait3A_1940 = arith.constant 0 : i32
        %dma_wait3A_1941 = tpu.memref_slice %arg3[%dma_wait3A_1939, %dma_wait3A_1940] : memref<8192x16xf32, #tpu.memory_space<hbm>> -> memref<16x16xf32, #tpu.memory_space<hbm>>
        tpu.wait_dma2 semaphore(%run_scoped3A : memref<!tpu.dma_semaphore, #tpu.memory_space<semaphore_mem>>) src(%arg9 : memref<16x16xf32, #tpu.memory_space<vmem>>) dst(%dma_wait3A_1941 : memref<16x16xf32, #tpu.memory_space<hbm>>)
        tpu.yield
      }) : () -> ()
      %swap3A_1704 = arith.constant 0 : i32
      %swap3A_1705 = arith.index_cast %swap3A_1704 : i32 to index
      %swap3A_1706 = arith.constant 0 : index
      %swap3A_1707 = tpu.vector_load %arg9[%swap3A_1705, %swap3A_1706] {strides = array<i32>} : memref<16x16xf32, #tpu.memory_space<vmem>>, vector<16xf32>,
      tpu.vector_store %arg9[%swap3A_1705, %swap3A_1706], %broadcast_in_dim3A_1 {strides = array<i32>} : memref<16x16xf32, #tpu.memory_space<vmem>>, vector<16xf32>,
      %swap3A_1708 = arith.constant 1 : i32
      %swap3A_1709 = arith.index_cast %swap3A_1708 : i32 to index
      %swap3A_1710 = arith.constant 0 : index
      %swap3A_1711 = tpu.vector_load %arg9[%swap3A_1709, %swap3A_1710] {strides = array<i32>} : memref<16x16xf32, #tpu.memory_space<vmem>>, vector<16xf32>,
      tpu.vector_store %arg9[%swap3A_1709, %swap3A_1710], %broadcast_in_dim3A_1 {strides = array<i32>} : memref<16x16xf32, #tpu.memory_space<vmem>>, vector<16xf32>,
      %swap3A_1712 = arith.constant 2 : i32
      %swap3A_1713 = arith.index_cast %swap3A_1712 : i32 to index
      %swap3A_1714 = arith.constant 0 : index
      %swap3A_1715 = tpu.vector_load %arg9[%swap3A_1713, %swap3A_1714] {strides = array<i32>} : memref<16x16xf32, #tpu.memory_space<vmem>>, vector<16xf32>,
      tpu.vector_store %arg9[%swap3A_1713, %swap3A_1714], %broadcast_in_dim3A_1 {strides = array<i32>} : memref<16x16xf32, #tpu.memory_space<vmem>>, vector<16xf32>,
      %swap3A_1716 = arith.constant 3 : i32
      %swap3A_1717 = arith.index_cast %swap3A_1716 : i32 to index
      %swap3A_1718 = arith.constant 0 : index
      %swap3A_1719 = tpu.vector_load %arg9[%swap3A_1717, %swap3A_1718] {strides = array<i32>} : memref<16x16xf32, #tpu.memory_space<vmem>>, vector<16xf32>,
      tpu.vector_store %arg9[%swap3A_1717, %swap3A_1718], %broadcast_in_dim3A_1 {strides = array<i32>} : memref<16x16xf32, #tpu.memory_space<vmem>>, vector<16xf32>,
      %swap3A_1720 = arith.constant 4 : i32
      %swap3A_1721 = arith.index_cast %swap3A_1720 : i32 to index
      %swap3A_1722 = arith.constant 0 : index
      %swap3A_1723 = tpu.vector_load %arg9[%swap3A_1721, %swap3A_1722] {strides = array<i32>} : memref<16x16xf32, #tpu.memory_space<vmem>>, vector<16xf32>,
      tpu.vector_store %arg9[%swap3A_1721, %swap3A_1722], %broadcast_in_dim3A_1 {strides = array<i32>} : memref<16x16xf32, #tpu.memory_space<vmem>>, vector<16xf32>,
      %swap3A_1724 = arith.constant 5 : i32
      %swap3A_1725 = arith.index_cast %swap3A_1724 : i32 to index
      %swap3A_1726 = arith.constant 0 : index
      %swap3A_1727 = tpu.vector_load %arg9[%swap3A_1725, %swap3A_1726] {strides = array<i32>} : memref<16x16xf32, #tpu.memory_space<vmem>>, vector<16xf32>,
      tpu.vector_store %arg9[%swap3A_1725, %swap3A_1726], %broadcast_in_dim3A_1 {strides = array<i32>} : memref<16x16xf32, #tpu.memory_space<vmem>>, vector<16xf32>,
      %swap3A_1728 = arith.constant 6 : i32
      %swap3A_1729 = arith.index_cast %swap3A_1728 : i32 to index
      %swap3A_1730 = arith.constant 0 : index
      %swap3A_1731 = tpu.vector_load %arg9[%swap3A_1729, %swap3A_1730] {strides = array<i32>} : memref<16x16xf32, #tpu.memory_space<vmem>>, vector<16xf32>,
      tpu.vector_store %arg9[%swap3A_1729, %swap3A_1730], %broadcast_in_dim3A_1 {strides = array<i32>} : memref<16x16xf32, #tpu.memory_space<vmem>>, vector<16xf32>,
      %swap3A_1732 = arith.constant 7 : i32
      %swap3A_1733 = arith.index_cast %swap3A_1732 : i32 to index
      %swap3A_1734 = arith.constant 0 : index
      %swap3A_1735 = tpu.vector_load %arg9[%swap3A_1733, %swap3A_1734] {strides = array<i32>} : memref<16x16xf32, #tpu.memory_space<vmem>>, vector<16xf32>,
      tpu.vector_store %arg9[%swap3A_1733, %swap3A_1734], %broadcast_in_dim3A_1 {strides = array<i32>} : memref<16x16xf32, #tpu.memory_space<vmem>>, vector<16xf32>,
      %swap3A_1736 = arith.constant 8 : i32
      %swap3A_1737 = arith.index_cast %swap3A_1736 : i32 to index
      %swap3A_1738 = arith.constant 0 : index
      %swap3A_1739 = tpu.vector_load %arg9[%swap3A_1737, %swap3A_1738] {strides = array<i32>} : memref<16x16xf32, #tpu.memory_space<vmem>>, vector<16xf32>,
      tpu.vector_store %arg9[%swap3A_1737, %swap3A_1738], %broadcast_in_dim3A_1 {strides = array<i32>} : memref<16x16xf32, #tpu.memory_space<vmem>>, vector<16xf32>,
      %swap3A_1740 = arith.constant 9 : i32
      %swap3A_1741 = arith.index_cast %swap3A_1740 : i32 to index
      %swap3A_1742 = arith.constant 0 : index
      %swap3A_1743 = tpu.vector_load %arg9[%swap3A_1741, %swap3A_1742] {strides = array<i32>} : memref<16x16xf32, #tpu.memory_space<vmem>>, vector<16xf32>,
      tpu.vector_store %arg9[%swap3A_1741, %swap3A_1742], %broadcast_in_dim3A_1 {strides = array<i32>} : memref<16x16xf32, #tpu.memory_space<vmem>>, vector<16xf32>,
      %swap3A_1744 = arith.constant 10 : i32
      %swap3A_1745 = arith.index_cast %swap3A_1744 : i32 to index
      %swap3A_1746 = arith.constant 0 : index
      %swap3A_1747 = tpu.vector_load %arg9[%swap3A_1745, %swap3A_1746] {strides = array<i32>} : memref<16x16xf32, #tpu.memory_space<vmem>>, vector<16xf32>,
      tpu.vector_store %arg9[%swap3A_1745, %swap3A_1746], %broadcast_in_dim3A_1 {strides = array<i32>} : memref<16x16xf32, #tpu.memory_space<vmem>>, vector<16xf32>,
      %swap3A_1748 = arith.constant 11 : i32
      %swap3A_1749 = arith.index_cast %swap3A_1748 : i32 to index
      %swap3A_1750 = arith.constant 0 : index
      %swap3A_1751 = tpu.vector_load %arg9[%swap3A_1749, %swap3A_1750] {strides = array<i32>} : memref<16x16xf32, #tpu.memory_space<vmem>>, vector<16xf32>,
      tpu.vector_store %arg9[%swap3A_1749, %swap3A_1750], %broadcast_in_dim3A_1 {strides = array<i32>} : memref<16x16xf32, #tpu.memory_space<vmem>>, vector<16xf32>,
      %swap3A_1752 = arith.constant 12 : i32
      %swap3A_1753 = arith.index_cast %swap3A_1752 : i32 to index
      %swap3A_1754 = arith.constant 0 : index
      %swap3A_1755 = tpu.vector_load %arg9[%swap3A_1753, %swap3A_1754] {strides = array<i32>} : memref<16x16xf32, #tpu.memory_space<vmem>>, vector<16xf32>,
      tpu.vector_store %arg9[%swap3A_1753, %swap3A_1754], %broadcast_in_dim3A_1 {strides = array<i32>} : memref<16x16xf32, #tpu.memory_space<vmem>>, vector<16xf32>,
      %swap3A_1756 = arith.constant 13 : i32
      %swap3A_1757 = arith.index_cast %swap3A_1756 : i32 to index
      %swap3A_1758 = arith.constant 0 : index
      %swap3A_1759 = tpu.vector_load %arg9[%swap3A_1757, %swap3A_1758] {strides = array<i32>} : memref<16x16xf32, #tpu.memory_space<vmem>>, vector<16xf32>,
      tpu.vector_store %arg9[%swap3A_1757, %swap3A_1758], %broadcast_in_dim3A_1 {strides = array<i32>} : memref<16x16xf32, #tpu.memory_space<vmem>>, vector<16xf32>,
      %swap3A_1760 = arith.constant 14 : i32
      %swap3A_1761 = arith.index_cast %swap3A_1760 : i32 to index
      %swap3A_1762 = arith.constant 0 : index
      %swap3A_1763 = tpu.vector_load %arg9[%swap3A_1761, %swap3A_1762] {strides = array<i32>} : memref<16x16xf32, #tpu.memory_space<vmem>>, vector<16xf32>,
      tpu.vector_store %arg9[%swap3A_1761, %swap3A_1762], %broadcast_in_dim3A_1 {strides = array<i32>} : memref<16x16xf32, #tpu.memory_space<vmem>>, vector<16xf32>,
      %swap3A_1764 = arith.constant 15 : i32
      %swap3A_1765 = arith.index_cast %swap3A_1764 : i32 to index
      %swap3A_1766 = arith.constant 0 : index
      %swap3A_1767 = tpu.vector_load %arg9[%swap3A_1765, %swap3A_1766] {strides = array<i32>} : memref<16x16xf32, #tpu.memory_space<vmem>>, vector<16xf32>,
      tpu.vector_store %arg9[%swap3A_1765, %swap3A_1766], %broadcast_in_dim3A_1 {strides = array<i32>} : memref<16x16xf32, #tpu.memory_space<vmem>>, vector<16xf32>,
      %div3A_1768 = arith.divf %mul3A_821, %add3A_1622 : vector<16xf32>
      %mul3A_1769 = arith.constant 8.000000e+00 : f32
      %mul3A_1770 = vector.broadcast %mul3A_1769 : f32 to vector<16xf32>
      %mul3A_1771 = arith.mulf %div3A_1768, %mul3A_1770 : vector<16xf32>
      %broadcast_in_dim3A_1772 = arith.constant 0 : i32
      %broadcast_in_dim3A_1773 = vector.broadcast %broadcast_in_dim3A_1772 : i32 to vector<16xi32>
      tpu.vector_store_idx %arg9[%iota3A, %broadcast_in_dim3A_1773], %mul3A_1771 : memref<16x16xf32, #tpu.memory_space<vmem>>[vector<16xi32>, vector<16xi32>], vector<16xf32>,
      %div3A_1774 = arith.divf %mul3A_826, %add3A_1627 : vector<16xf32>
      %mul3A_1775 = arith.constant 8.000000e+00 : f32
      %mul3A_1776 = vector.broadcast %mul3A_1775 : f32 to vector<16xf32>
      %mul3A_1777 = arith.mulf %div3A_1774, %mul3A_1776 : vector<16xf32>
      %broadcast_in_dim3A_1778 = arith.constant 1 : i32
      %broadcast_in_dim3A_1779 = vector.broadcast %broadcast_in_dim3A_1778 : i32 to vector<16xi32>
      tpu.vector_store_idx %arg9[%iota3A, %broadcast_in_dim3A_1779], %mul3A_1777 : memref<16x16xf32, #tpu.memory_space<vmem>>[vector<16xi32>, vector<16xi32>], vector<16xf32>,
      "tpu.region"() ({
        %run_scoped3A = tpu.sem_alloc : memref<!tpu.dma_semaphore, #tpu.memory_space<semaphore_mem>>
        %dma_start3A = arith.constant 2048 : i32
        %dma_start3A_1932 = arith.constant 0 : i32
        %dma_start3A_1933 = tpu.memref_slice %arg3[%dma_start3A, %dma_start3A_1932] : memref<8192x16xf32, #tpu.memory_space<hbm>> -> memref<16x16xf32, #tpu.memory_space<hbm>>
        %dma_start3A_1934 = arith.constant 2048 : i32
        %dma_start3A_1935 = arith.constant 0 : i32
        %dma_start3A_1936 = tpu.memref_slice %arg3[%dma_start3A_1934, %dma_start3A_1935] : memref<8192x16xf32, #tpu.memory_space<hbm>> -> memref<16x16xf32, #tpu.memory_space<hbm>>
        tpu.enqueue_dma source(%arg9 : memref<16x16xf32, #tpu.memory_space<vmem>>) target(%dma_start3A_1936 : memref<16x16xf32, #tpu.memory_space<hbm>>) target_semaphore(%run_scoped3A : memref<!tpu.dma_semaphore, #tpu.memory_space<semaphore_mem>>)
        %dma_wait3A = arith.constant 2048 : i32
        %dma_wait3A_1937 = arith.constant 0 : i32
        %dma_wait3A_1938 = tpu.memref_slice %arg3[%dma_wait3A, %dma_wait3A_1937] : memref<8192x16xf32, #tpu.memory_space<hbm>> -> memref<16x16xf32, #tpu.memory_space<hbm>>
        %dma_wait3A_1939 = arith.constant 2048 : i32
        %dma_wait3A_1940 = arith.constant 0 : i32
        %dma_wait3A_1941 = tpu.memref_slice %arg3[%dma_wait3A_1939, %dma_wait3A_1940] : memref<8192x16xf32, #tpu.memory_space<hbm>> -> memref<16x16xf32, #tpu.memory_space<hbm>>
        tpu.wait_dma2 semaphore(%run_scoped3A : memref<!tpu.dma_semaphore, #tpu.memory_space<semaphore_mem>>) src(%arg9 : memref<16x16xf32, #tpu.memory_space<vmem>>) dst(%dma_wait3A_1941 : memref<16x16xf32, #tpu.memory_space<hbm>>)
        tpu.yield
      }) : () -> ()
      %swap3A_1780 = arith.constant 0 : i32
      %swap3A_1781 = arith.index_cast %swap3A_1780 : i32 to index
      %swap3A_1782 = arith.constant 0 : index
      %swap3A_1783 = tpu.vector_load %arg9[%swap3A_1781, %swap3A_1782] {strides = array<i32>} : memref<16x16xf32, #tpu.memory_space<vmem>>, vector<16xf32>,
      tpu.vector_store %arg9[%swap3A_1781, %swap3A_1782], %broadcast_in_dim3A_1 {strides = array<i32>} : memref<16x16xf32, #tpu.memory_space<vmem>>, vector<16xf32>,
      %swap3A_1784 = arith.constant 1 : i32
      %swap3A_1785 = arith.index_cast %swap3A_1784 : i32 to index
      %swap3A_1786 = arith.constant 0 : index
      %swap3A_1787 = tpu.vector_load %arg9[%swap3A_1785, %swap3A_1786] {strides = array<i32>} : memref<16x16xf32, #tpu.memory_space<vmem>>, vector<16xf32>,
      tpu.vector_store %arg9[%swap3A_1785, %swap3A_1786], %broadcast_in_dim3A_1 {strides = array<i32>} : memref<16x16xf32, #tpu.memory_space<vmem>>, vector<16xf32>,
      %swap3A_1788 = arith.constant 2 : i32
      %swap3A_1789 = arith.index_cast %swap3A_1788 : i32 to index
      %swap3A_1790 = arith.constant 0 : index
      %swap3A_1791 = tpu.vector_load %arg9[%swap3A_1789, %swap3A_1790] {strides = array<i32>} : memref<16x16xf32, #tpu.memory_space<vmem>>, vector<16xf32>,
      tpu.vector_store %arg9[%swap3A_1789, %swap3A_1790], %broadcast_in_dim3A_1 {strides = array<i32>} : memref<16x16xf32, #tpu.memory_space<vmem>>, vector<16xf32>,
      %swap3A_1792 = arith.constant 3 : i32
      %swap3A_1793 = arith.index_cast %swap3A_1792 : i32 to index
      %swap3A_1794 = arith.constant 0 : index
      %swap3A_1795 = tpu.vector_load %arg9[%swap3A_1793, %swap3A_1794] {strides = array<i32>} : memref<16x16xf32, #tpu.memory_space<vmem>>, vector<16xf32>,
      tpu.vector_store %arg9[%swap3A_1793, %swap3A_1794], %broadcast_in_dim3A_1 {strides = array<i32>} : memref<16x16xf32, #tpu.memory_space<vmem>>, vector<16xf32>,
      %swap3A_1796 = arith.constant 4 : i32
      %swap3A_1797 = arith.index_cast %swap3A_1796 : i32 to index
      %swap3A_1798 = arith.constant 0 : index
      %swap3A_1799 = tpu.vector_load %arg9[%swap3A_1797, %swap3A_1798] {strides = array<i32>} : memref<16x16xf32, #tpu.memory_space<vmem>>, vector<16xf32>,
      tpu.vector_store %arg9[%swap3A_1797, %swap3A_1798], %broadcast_in_dim3A_1 {strides = array<i32>} : memref<16x16xf32, #tpu.memory_space<vmem>>, vector<16xf32>,
      %swap3A_1800 = arith.constant 5 : i32
      %swap3A_1801 = arith.index_cast %swap3A_1800 : i32 to index
      %swap3A_1802 = arith.constant 0 : index
      %swap3A_1803 = tpu.vector_load %arg9[%swap3A_1801, %swap3A_1802] {strides = array<i32>} : memref<16x16xf32, #tpu.memory_space<vmem>>, vector<16xf32>,
      tpu.vector_store %arg9[%swap3A_1801, %swap3A_1802], %broadcast_in_dim3A_1 {strides = array<i32>} : memref<16x16xf32, #tpu.memory_space<vmem>>, vector<16xf32>,
      %swap3A_1804 = arith.constant 6 : i32
      %swap3A_1805 = arith.index_cast %swap3A_1804 : i32 to index
      %swap3A_1806 = arith.constant 0 : index
      %swap3A_1807 = tpu.vector_load %arg9[%swap3A_1805, %swap3A_1806] {strides = array<i32>} : memref<16x16xf32, #tpu.memory_space<vmem>>, vector<16xf32>,
      tpu.vector_store %arg9[%swap3A_1805, %swap3A_1806], %broadcast_in_dim3A_1 {strides = array<i32>} : memref<16x16xf32, #tpu.memory_space<vmem>>, vector<16xf32>,
      %swap3A_1808 = arith.constant 7 : i32
      %swap3A_1809 = arith.index_cast %swap3A_1808 : i32 to index
      %swap3A_1810 = arith.constant 0 : index
      %swap3A_1811 = tpu.vector_load %arg9[%swap3A_1809, %swap3A_1810] {strides = array<i32>} : memref<16x16xf32, #tpu.memory_space<vmem>>, vector<16xf32>,
      tpu.vector_store %arg9[%swap3A_1809, %swap3A_1810], %broadcast_in_dim3A_1 {strides = array<i32>} : memref<16x16xf32, #tpu.memory_space<vmem>>, vector<16xf32>,
      %swap3A_1812 = arith.constant 8 : i32
      %swap3A_1813 = arith.index_cast %swap3A_1812 : i32 to index
      %swap3A_1814 = arith.constant 0 : index
      %swap3A_1815 = tpu.vector_load %arg9[%swap3A_1813, %swap3A_1814] {strides = array<i32>} : memref<16x16xf32, #tpu.memory_space<vmem>>, vector<16xf32>,
      tpu.vector_store %arg9[%swap3A_1813, %swap3A_1814], %broadcast_in_dim3A_1 {strides = array<i32>} : memref<16x16xf32, #tpu.memory_space<vmem>>, vector<16xf32>,
      %swap3A_1816 = arith.constant 9 : i32
      %swap3A_1817 = arith.index_cast %swap3A_1816 : i32 to index
      %swap3A_1818 = arith.constant 0 : index
      %swap3A_1819 = tpu.vector_load %arg9[%swap3A_1817, %swap3A_1818] {strides = array<i32>} : memref<16x16xf32, #tpu.memory_space<vmem>>, vector<16xf32>,
      tpu.vector_store %arg9[%swap3A_1817, %swap3A_1818], %broadcast_in_dim3A_1 {strides = array<i32>} : memref<16x16xf32, #tpu.memory_space<vmem>>, vector<16xf32>,
      %swap3A_1820 = arith.constant 10 : i32
      %swap3A_1821 = arith.index_cast %swap3A_1820 : i32 to index
      %swap3A_1822 = arith.constant 0 : index
      %swap3A_1823 = tpu.vector_load %arg9[%swap3A_1821, %swap3A_1822] {strides = array<i32>} : memref<16x16xf32, #tpu.memory_space<vmem>>, vector<16xf32>,
      tpu.vector_store %arg9[%swap3A_1821, %swap3A_1822], %broadcast_in_dim3A_1 {strides = array<i32>} : memref<16x16xf32, #tpu.memory_space<vmem>>, vector<16xf32>,
      %swap3A_1824 = arith.constant 11 : i32
      %swap3A_1825 = arith.index_cast %swap3A_1824 : i32 to index
      %swap3A_1826 = arith.constant 0 : index
      %swap3A_1827 = tpu.vector_load %arg9[%swap3A_1825, %swap3A_1826] {strides = array<i32>} : memref<16x16xf32, #tpu.memory_space<vmem>>, vector<16xf32>,
      tpu.vector_store %arg9[%swap3A_1825, %swap3A_1826], %broadcast_in_dim3A_1 {strides = array<i32>} : memref<16x16xf32, #tpu.memory_space<vmem>>, vector<16xf32>,
      %swap3A_1828 = arith.constant 12 : i32
      %swap3A_1829 = arith.index_cast %swap3A_1828 : i32 to index
      %swap3A_1830 = arith.constant 0 : index
      %swap3A_1831 = tpu.vector_load %arg9[%swap3A_1829, %swap3A_1830] {strides = array<i32>} : memref<16x16xf32, #tpu.memory_space<vmem>>, vector<16xf32>,
      tpu.vector_store %arg9[%swap3A_1829, %swap3A_1830], %broadcast_in_dim3A_1 {strides = array<i32>} : memref<16x16xf32, #tpu.memory_space<vmem>>, vector<16xf32>,
      %swap3A_1832 = arith.constant 13 : i32
      %swap3A_1833 = arith.index_cast %swap3A_1832 : i32 to index
      %swap3A_1834 = arith.constant 0 : index
      %swap3A_1835 = tpu.vector_load %arg9[%swap3A_1833, %swap3A_1834] {strides = array<i32>} : memref<16x16xf32, #tpu.memory_space<vmem>>, vector<16xf32>,
      tpu.vector_store %arg9[%swap3A_1833, %swap3A_1834], %broadcast_in_dim3A_1 {strides = array<i32>} : memref<16x16xf32, #tpu.memory_space<vmem>>, vector<16xf32>,
      %swap3A_1836 = arith.constant 14 : i32
      %swap3A_1837 = arith.index_cast %swap3A_1836 : i32 to index
      %swap3A_1838 = arith.constant 0 : index
      %swap3A_1839 = tpu.vector_load %arg9[%swap3A_1837, %swap3A_1838] {strides = array<i32>} : memref<16x16xf32, #tpu.memory_space<vmem>>, vector<16xf32>,
      tpu.vector_store %arg9[%swap3A_1837, %swap3A_1838], %broadcast_in_dim3A_1 {strides = array<i32>} : memref<16x16xf32, #tpu.memory_space<vmem>>, vector<16xf32>,
      %swap3A_1840 = arith.constant 15 : i32
      %swap3A_1841 = arith.index_cast %swap3A_1840 : i32 to index
      %swap3A_1842 = arith.constant 0 : index
      %swap3A_1843 = tpu.vector_load %arg9[%swap3A_1841, %swap3A_1842] {strides = array<i32>} : memref<16x16xf32, #tpu.memory_space<vmem>>, vector<16xf32>,
      tpu.vector_store %arg9[%swap3A_1841, %swap3A_1842], %broadcast_in_dim3A_1 {strides = array<i32>} : memref<16x16xf32, #tpu.memory_space<vmem>>, vector<16xf32>,
      %div3A_1844 = arith.divf %mul3A_1221, %add3A_1622 : vector<16xf32>
      %mul3A_1845 = arith.constant 8.000000e+00 : f32
      %mul3A_1846 = vector.broadcast %mul3A_1845 : f32 to vector<16xf32>
      %mul3A_1847 = arith.mulf %div3A_1844, %mul3A_1846 : vector<16xf32>
      %broadcast_in_dim3A_1848 = arith.constant 0 : i32
      %broadcast_in_dim3A_1849 = vector.broadcast %broadcast_in_dim3A_1848 : i32 to vector<16xi32>
      tpu.vector_store_idx %arg9[%iota3A, %broadcast_in_dim3A_1849], %mul3A_1847 : memref<16x16xf32, #tpu.memory_space<vmem>>[vector<16xi32>, vector<16xi32>], vector<16xf32>,
      %div3A_1850 = arith.divf %mul3A_1226, %add3A_1627 : vector<16xf32>
      %mul3A_1851 = arith.constant 8.000000e+00 : f32
      %mul3A_1852 = vector.broadcast %mul3A_1851 : f32 to vector<16xf32>
      %mul3A_1853 = arith.mulf %div3A_1850, %mul3A_1852 : vector<16xf32>
      %broadcast_in_dim3A_1854 = arith.constant 1 : i32
      %broadcast_in_dim3A_1855 = vector.broadcast %broadcast_in_dim3A_1854 : i32 to vector<16xi32>
      tpu.vector_store_idx %arg9[%iota3A, %broadcast_in_dim3A_1855], %mul3A_1853 : memref<16x16xf32, #tpu.memory_space<vmem>>[vector<16xi32>, vector<16xi32>], vector<16xf32>,
      "tpu.region"() ({
        %run_scoped3A = tpu.sem_alloc : memref<!tpu.dma_semaphore, #tpu.memory_space<semaphore_mem>>
        %dma_start3A = arith.constant 4096 : i32
        %dma_start3A_1932 = arith.constant 0 : i32
        %dma_start3A_1933 = tpu.memref_slice %arg3[%dma_start3A, %dma_start3A_1932] : memref<8192x16xf32, #tpu.memory_space<hbm>> -> memref<16x16xf32, #tpu.memory_space<hbm>>
        %dma_start3A_1934 = arith.constant 4096 : i32
        %dma_start3A_1935 = arith.constant 0 : i32
        %dma_start3A_1936 = tpu.memref_slice %arg3[%dma_start3A_1934, %dma_start3A_1935] : memref<8192x16xf32, #tpu.memory_space<hbm>> -> memref<16x16xf32, #tpu.memory_space<hbm>>
        tpu.enqueue_dma source(%arg9 : memref<16x16xf32, #tpu.memory_space<vmem>>) target(%dma_start3A_1936 : memref<16x16xf32, #tpu.memory_space<hbm>>) target_semaphore(%run_scoped3A : memref<!tpu.dma_semaphore, #tpu.memory_space<semaphore_mem>>)
        %dma_wait3A = arith.constant 4096 : i32
        %dma_wait3A_1937 = arith.constant 0 : i32
        %dma_wait3A_1938 = tpu.memref_slice %arg3[%dma_wait3A, %dma_wait3A_1937] : memref<8192x16xf32, #tpu.memory_space<hbm>> -> memref<16x16xf32, #tpu.memory_space<hbm>>
        %dma_wait3A_1939 = arith.constant 4096 : i32
        %dma_wait3A_1940 = arith.constant 0 : i32
        %dma_wait3A_1941 = tpu.memref_slice %arg3[%dma_wait3A_1939, %dma_wait3A_1940] : memref<8192x16xf32, #tpu.memory_space<hbm>> -> memref<16x16xf32, #tpu.memory_space<hbm>>
        tpu.wait_dma2 semaphore(%run_scoped3A : memref<!tpu.dma_semaphore, #tpu.memory_space<semaphore_mem>>) src(%arg9 : memref<16x16xf32, #tpu.memory_space<vmem>>) dst(%dma_wait3A_1941 : memref<16x16xf32, #tpu.memory_space<hbm>>)
        tpu.yield
      }) : () -> ()
      %swap3A_1856 = arith.constant 0 : i32
      %swap3A_1857 = arith.index_cast %swap3A_1856 : i32 to index
      %swap3A_1858 = arith.constant 0 : index
      %swap3A_1859 = tpu.vector_load %arg9[%swap3A_1857, %swap3A_1858] {strides = array<i32>} : memref<16x16xf32, #tpu.memory_space<vmem>>, vector<16xf32>,
      tpu.vector_store %arg9[%swap3A_1857, %swap3A_1858], %broadcast_in_dim3A_1 {strides = array<i32>} : memref<16x16xf32, #tpu.memory_space<vmem>>, vector<16xf32>,
      %swap3A_1860 = arith.constant 1 : i32
      %swap3A_1861 = arith.index_cast %swap3A_1860 : i32 to index
      %swap3A_1862 = arith.constant 0 : index
      %swap3A_1863 = tpu.vector_load %arg9[%swap3A_1861, %swap3A_1862] {strides = array<i32>} : memref<16x16xf32, #tpu.memory_space<vmem>>, vector<16xf32>,
      tpu.vector_store %arg9[%swap3A_1861, %swap3A_1862], %broadcast_in_dim3A_1 {strides = array<i32>} : memref<16x16xf32, #tpu.memory_space<vmem>>, vector<16xf32>,
      %swap3A_1864 = arith.constant 2 : i32
      %swap3A_1865 = arith.index_cast %swap3A_1864 : i32 to index
      %swap3A_1866 = arith.constant 0 : index
      %swap3A_1867 = tpu.vector_load %arg9[%swap3A_1865, %swap3A_1866] {strides = array<i32>} : memref<16x16xf32, #tpu.memory_space<vmem>>, vector<16xf32>,
      tpu.vector_store %arg9[%swap3A_1865, %swap3A_1866], %broadcast_in_dim3A_1 {strides = array<i32>} : memref<16x16xf32, #tpu.memory_space<vmem>>, vector<16xf32>,
      %swap3A_1868 = arith.constant 3 : i32
      %swap3A_1869 = arith.index_cast %swap3A_1868 : i32 to index
      %swap3A_1870 = arith.constant 0 : index
      %swap3A_1871 = tpu.vector_load %arg9[%swap3A_1869, %swap3A_1870] {strides = array<i32>} : memref<16x16xf32, #tpu.memory_space<vmem>>, vector<16xf32>,
      tpu.vector_store %arg9[%swap3A_1869, %swap3A_1870], %broadcast_in_dim3A_1 {strides = array<i32>} : memref<16x16xf32, #tpu.memory_space<vmem>>, vector<16xf32>,
      %swap3A_1872 = arith.constant 4 : i32
      %swap3A_1873 = arith.index_cast %swap3A_1872 : i32 to index
      %swap3A_1874 = arith.constant 0 : index
      %swap3A_1875 = tpu.vector_load %arg9[%swap3A_1873, %swap3A_1874] {strides = array<i32>} : memref<16x16xf32, #tpu.memory_space<vmem>>, vector<16xf32>,
      tpu.vector_store %arg9[%swap3A_1873, %swap3A_1874], %broadcast_in_dim3A_1 {strides = array<i32>} : memref<16x16xf32, #tpu.memory_space<vmem>>, vector<16xf32>,
      %swap3A_1876 = arith.constant 5 : i32
      %swap3A_1877 = arith.index_cast %swap3A_1876 : i32 to index
      %swap3A_1878 = arith.constant 0 : index
      %swap3A_1879 = tpu.vector_load %arg9[%swap3A_1877, %swap3A_1878] {strides = array<i32>} : memref<16x16xf32, #tpu.memory_space<vmem>>, vector<16xf32>,
      tpu.vector_store %arg9[%swap3A_1877, %swap3A_1878], %broadcast_in_dim3A_1 {strides = array<i32>} : memref<16x16xf32, #tpu.memory_space<vmem>>, vector<16xf32>,
      %swap3A_1880 = arith.constant 6 : i32
      %swap3A_1881 = arith.index_cast %swap3A_1880 : i32 to index
      %swap3A_1882 = arith.constant 0 : index
      %swap3A_1883 = tpu.vector_load %arg9[%swap3A_1881, %swap3A_1882] {strides = array<i32>} : memref<16x16xf32, #tpu.memory_space<vmem>>, vector<16xf32>,
      tpu.vector_store %arg9[%swap3A_1881, %swap3A_1882], %broadcast_in_dim3A_1 {strides = array<i32>} : memref<16x16xf32, #tpu.memory_space<vmem>>, vector<16xf32>,
      %swap3A_1884 = arith.constant 7 : i32
      %swap3A_1885 = arith.index_cast %swap3A_1884 : i32 to index
      %swap3A_1886 = arith.constant 0 : index
      %swap3A_1887 = tpu.vector_load %arg9[%swap3A_1885, %swap3A_1886] {strides = array<i32>} : memref<16x16xf32, #tpu.memory_space<vmem>>, vector<16xf32>,
      tpu.vector_store %arg9[%swap3A_1885, %swap3A_1886], %broadcast_in_dim3A_1 {strides = array<i32>} : memref<16x16xf32, #tpu.memory_space<vmem>>, vector<16xf32>,
      %swap3A_1888 = arith.constant 8 : i32
      %swap3A_1889 = arith.index_cast %swap3A_1888 : i32 to index
      %swap3A_1890 = arith.constant 0 : index
      %swap3A_1891 = tpu.vector_load %arg9[%swap3A_1889, %swap3A_1890] {strides = array<i32>} : memref<16x16xf32, #tpu.memory_space<vmem>>, vector<16xf32>,
      tpu.vector_store %arg9[%swap3A_1889, %swap3A_1890], %broadcast_in_dim3A_1 {strides = array<i32>} : memref<16x16xf32, #tpu.memory_space<vmem>>, vector<16xf32>,
      %swap3A_1892 = arith.constant 9 : i32
      %swap3A_1893 = arith.index_cast %swap3A_1892 : i32 to index
      %swap3A_1894 = arith.constant 0 : index
      %swap3A_1895 = tpu.vector_load %arg9[%swap3A_1893, %swap3A_1894] {strides = array<i32>} : memref<16x16xf32, #tpu.memory_space<vmem>>, vector<16xf32>,
      tpu.vector_store %arg9[%swap3A_1893, %swap3A_1894], %broadcast_in_dim3A_1 {strides = array<i32>} : memref<16x16xf32, #tpu.memory_space<vmem>>, vector<16xf32>,
      %swap3A_1896 = arith.constant 10 : i32
      %swap3A_1897 = arith.index_cast %swap3A_1896 : i32 to index
      %swap3A_1898 = arith.constant 0 : index
      %swap3A_1899 = tpu.vector_load %arg9[%swap3A_1897, %swap3A_1898] {strides = array<i32>} : memref<16x16xf32, #tpu.memory_space<vmem>>, vector<16xf32>,
      tpu.vector_store %arg9[%swap3A_1897, %swap3A_1898], %broadcast_in_dim3A_1 {strides = array<i32>} : memref<16x16xf32, #tpu.memory_space<vmem>>, vector<16xf32>,
      %swap3A_1900 = arith.constant 11 : i32
      %swap3A_1901 = arith.index_cast %swap3A_1900 : i32 to index
      %swap3A_1902 = arith.constant 0 : index
      %swap3A_1903 = tpu.vector_load %arg9[%swap3A_1901, %swap3A_1902] {strides = array<i32>} : memref<16x16xf32, #tpu.memory_space<vmem>>, vector<16xf32>,
      tpu.vector_store %arg9[%swap3A_1901, %swap3A_1902], %broadcast_in_dim3A_1 {strides = array<i32>} : memref<16x16xf32, #tpu.memory_space<vmem>>, vector<16xf32>,
      %swap3A_1904 = arith.constant 12 : i32
      %swap3A_1905 = arith.index_cast %swap3A_1904 : i32 to index
      %swap3A_1906 = arith.constant 0 : index
      %swap3A_1907 = tpu.vector_load %arg9[%swap3A_1905, %swap3A_1906] {strides = array<i32>} : memref<16x16xf32, #tpu.memory_space<vmem>>, vector<16xf32>,
      tpu.vector_store %arg9[%swap3A_1905, %swap3A_1906], %broadcast_in_dim3A_1 {strides = array<i32>} : memref<16x16xf32, #tpu.memory_space<vmem>>, vector<16xf32>,
      %swap3A_1908 = arith.constant 13 : i32
      %swap3A_1909 = arith.index_cast %swap3A_1908 : i32 to index
      %swap3A_1910 = arith.constant 0 : index
      %swap3A_1911 = tpu.vector_load %arg9[%swap3A_1909, %swap3A_1910] {strides = array<i32>} : memref<16x16xf32, #tpu.memory_space<vmem>>, vector<16xf32>,
      tpu.vector_store %arg9[%swap3A_1909, %swap3A_1910], %broadcast_in_dim3A_1 {strides = array<i32>} : memref<16x16xf32, #tpu.memory_space<vmem>>, vector<16xf32>,
      %swap3A_1912 = arith.constant 14 : i32
      %swap3A_1913 = arith.index_cast %swap3A_1912 : i32 to index
      %swap3A_1914 = arith.constant 0 : index
      %swap3A_1915 = tpu.vector_load %arg9[%swap3A_1913, %swap3A_1914] {strides = array<i32>} : memref<16x16xf32, #tpu.memory_space<vmem>>, vector<16xf32>,
      tpu.vector_store %arg9[%swap3A_1913, %swap3A_1914], %broadcast_in_dim3A_1 {strides = array<i32>} : memref<16x16xf32, #tpu.memory_space<vmem>>, vector<16xf32>,
      %swap3A_1916 = arith.constant 15 : i32
      %swap3A_1917 = arith.index_cast %swap3A_1916 : i32 to index
      %swap3A_1918 = arith.constant 0 : index
      %swap3A_1919 = tpu.vector_load %arg9[%swap3A_1917, %swap3A_1918] {strides = array<i32>} : memref<16x16xf32, #tpu.memory_space<vmem>>, vector<16xf32>,
      tpu.vector_store %arg9[%swap3A_1917, %swap3A_1918], %broadcast_in_dim3A_1 {strides = array<i32>} : memref<16x16xf32, #tpu.memory_space<vmem>>, vector<16xf32>,
      %div3A_1920 = arith.divf %mul3A_1621, %add3A_1622 : vector<16xf32>
      %mul3A_1921 = arith.constant 8.000000e+00 : f32
      %mul3A_1922 = vector.broadcast %mul3A_1921 : f32 to vector<16xf32>
      %mul3A_1923 = arith.mulf %div3A_1920, %mul3A_1922 : vector<16xf32>
      %broadcast_in_dim3A_1924 = arith.constant 0 : i32
      %broadcast_in_dim3A_1925 = vector.broadcast %broadcast_in_dim3A_1924 : i32 to vector<16xi32>
      tpu.vector_store_idx %arg9[%iota3A, %broadcast_in_dim3A_1925], %mul3A_1923 : memref<16x16xf32, #tpu.memory_space<vmem>>[vector<16xi32>, vector<16xi32>], vector<16xf32>,
      %div3A_1926 = arith.divf %mul3A_1626, %add3A_1627 : vector<16xf32>
      %mul3A_1927 = arith.constant 8.000000e+00 : f32
      %mul3A_1928 = vector.broadcast %mul3A_1927 : f32 to vector<16xf32>
      %mul3A_1929 = arith.mulf %div3A_1926, %mul3A_1928 : vector<16xf32>
      %broadcast_in_dim3A_1930 = arith.constant 1 : i32
      %broadcast_in_dim3A_1931 = vector.broadcast %broadcast_in_dim3A_1930 : i32 to vector<16xi32>
      tpu.vector_store_idx %arg9[%iota3A, %broadcast_in_dim3A_1931], %mul3A_1929 : memref<16x16xf32, #tpu.memory_space<vmem>>[vector<16xi32>, vector<16xi32>], vector<16xf32>,
      "tpu.region"() ({
        %run_scoped3A = tpu.sem_alloc : memref<!tpu.dma_semaphore, #tpu.memory_space<semaphore_mem>>
        %dma_start3A = arith.constant 6144 : i32
        %dma_start3A_1932 = arith.constant 0 : i32
        %dma_start3A_1933 = tpu.memref_slice %arg3[%dma_start3A, %dma_start3A_1932] : memref<8192x16xf32, #tpu.memory_space<hbm>> -> memref<16x16xf32, #tpu.memory_space<hbm>>
        %dma_start3A_1934 = arith.constant 6144 : i32
        %dma_start3A_1935 = arith.constant 0 : i32
        %dma_start3A_1936 = tpu.memref_slice %arg3[%dma_start3A_1934, %dma_start3A_1935] : memref<8192x16xf32, #tpu.memory_space<hbm>> -> memref<16x16xf32, #tpu.memory_space<hbm>>
        tpu.enqueue_dma source(%arg9 : memref<16x16xf32, #tpu.memory_space<vmem>>) target(%dma_start3A_1936 : memref<16x16xf32, #tpu.memory_space<hbm>>) target_semaphore(%run_scoped3A : memref<!tpu.dma_semaphore, #tpu.memory_space<semaphore_mem>>)
        %dma_wait3A = arith.constant 6144 : i32
        %dma_wait3A_1937 = arith.constant 0 : i32
        %dma_wait3A_1938 = tpu.memref_slice %arg3[%dma_wait3A, %dma_wait3A_1937] : memref<8192x16xf32, #tpu.memory_space<hbm>> -> memref<16x16xf32, #tpu.memory_space<hbm>>
        %dma_wait3A_1939 = arith.constant 6144 : i32
        %dma_wait3A_1940 = arith.constant 0 : i32
        %dma_wait3A_1941 = tpu.memref_slice %arg3[%dma_wait3A_1939, %dma_wait3A_1940] : memref<8192x16xf32, #tpu.memory_space<hbm>> -> memref<16x16xf32, #tpu.memory_space<hbm>>
        tpu.wait_dma2 semaphore(%run_scoped3A : memref<!tpu.dma_semaphore, #tpu.memory_space<semaphore_mem>>) src(%arg9 : memref<16x16xf32, #tpu.memory_space<vmem>>) dst(%dma_wait3A_1941 : memref<16x16xf32, #tpu.memory_space<hbm>>)
        tpu.yield
      }) : () -> ()
    } else {
    }
    return
  }
}

module attributes {stable_mosaic.version = 14 : i64} {
  func.func @_fused_body(%arg0: i32, %arg1: memref<1x2048x1024xf32, #tpu.memory_space<vmem>>, %arg2: memref<1024x1024xf32, #tpu.memory_space<vmem>>, %arg3: memref<1x1024xf32, #tpu.memory_space<vmem>>, %arg4: memref<1x1024xf32, #tpu.memory_space<vmem>>, %arg5: memref<1x1024xf32, #tpu.memory_space<vmem>>, %arg6: memref<1024x1024xf32, #tpu.memory_space<vmem>>, %arg7: memref<1x1024xf32, #tpu.memory_space<vmem>>, %arg8: memref<1x1024xf32, #tpu.memory_space<vmem>>, %arg9: memref<1x1024xf32, #tpu.memory_space<vmem>>, %arg10: memref<1024x16xf32, #tpu.memory_space<vmem>>, %arg11: memref<1x16xf32, #tpu.memory_space<vmem>>, %arg12: memref<128x160xf32, #tpu.memory_space<vmem>>, %arg13: memref<128x160xf32, #tpu.memory_space<vmem>>, %arg14: memref<128x160xf32, #tpu.memory_space<vmem>>, %arg15: memref<2048x16xf32, #tpu.memory_space<vmem>>) attributes {dimension_semantics = [#tpu.dimension_semantics<arbitrary>], iteration_bounds = array<i64: 4>, scalar_prefetch = 0 : i64, scratch_operands = 0 : i64, tpu.core_type = #tpu.core_type<tc>, window_params = [{transform_indices = @transform_0, window_bounds = array<i64: 1, 2048, 1024>}, {pipeline_mode = #tpu.pipeline_mode<synchronous>, transform_indices = @transform_1, window_bounds = array<i64: 1024, 1024>}, {pipeline_mode = #tpu.pipeline_mode<synchronous>, transform_indices = @transform_2, window_bounds = array<i64: 1, 1024>}, {pipeline_mode = #tpu.pipeline_mode<synchronous>, transform_indices = @transform_3, window_bounds = array<i64: 1, 1024>}, {pipeline_mode = #tpu.pipeline_mode<synchronous>, transform_indices = @transform_4, window_bounds = array<i64: 1, 1024>}, {pipeline_mode = #tpu.pipeline_mode<synchronous>, transform_indices = @transform_5, window_bounds = array<i64: 1024, 1024>}, {pipeline_mode = #tpu.pipeline_mode<synchronous>, transform_indices = @transform_6, window_bounds = array<i64: 1, 1024>}, {pipeline_mode = #tpu.pipeline_mode<synchronous>, transform_indices = @transform_7, window_bounds = array<i64: 1, 1024>}, {pipeline_mode = #tpu.pipeline_mode<synchronous>, transform_indices = @transform_8, window_bounds = array<i64: 1, 1024>}, {pipeline_mode = #tpu.pipeline_mode<synchronous>, transform_indices = @transform_9, window_bounds = array<i64: 1024, 16>}, {pipeline_mode = #tpu.pipeline_mode<synchronous>, transform_indices = @transform_10, window_bounds = array<i64: 1, 16>}, {pipeline_mode = #tpu.pipeline_mode<synchronous>, transform_indices = @transform_11, window_bounds = array<i64: 128, 160>}, {pipeline_mode = #tpu.pipeline_mode<synchronous>, transform_indices = @transform_12, window_bounds = array<i64: 128, 160>}, {pipeline_mode = #tpu.pipeline_mode<synchronous>, transform_indices = @transform_13, window_bounds = array<i64: 128, 160>}, {transform_indices = @transform_14, window_bounds = array<i64: 2048, 16>}]} {
    %get3A = arith.constant 0 : index
    %get3A_0 = arith.constant 0 : index
    %get3A_1 = arith.constant 0 : index
    %get3A_2 = vector.load %arg1[%get3A, %get3A_0, %get3A_1] : memref<1x2048x1024xf32, #tpu.memory_space<vmem>>, vector<1x2048x1024xf32>
    %get3A_3 = vector.shape_cast %get3A_2 : vector<1x2048x1024xf32> to vector<2048x1024xf32>
    %get3A_4 = arith.constant 0 : index
    %get3A_5 = arith.constant 0 : index
    %get3A_6 = vector.load %arg3[%get3A_4, %get3A_5] : memref<1x1024xf32, #tpu.memory_space<vmem>>, vector<1x1024xf32>
    %get3A_7 = arith.constant 0 : index
    %get3A_8 = arith.constant 0 : index
    %get3A_9 = vector.load %arg4[%get3A_7, %get3A_8] : memref<1x1024xf32, #tpu.memory_space<vmem>>, vector<1x1024xf32>
    %get3A_10 = arith.constant 0 : index
    %get3A_11 = arith.constant 0 : index
    %get3A_12 = vector.load %arg5[%get3A_10, %get3A_11] : memref<1x1024xf32, #tpu.memory_space<vmem>>, vector<1x1024xf32>
    %get3A_13 = arith.constant 0 : index
    %get3A_14 = arith.constant 0 : index
    %get3A_15 = vector.load %arg7[%get3A_13, %get3A_14] : memref<1x1024xf32, #tpu.memory_space<vmem>>, vector<1x1024xf32>
    %get3A_16 = arith.constant 0 : index
    %get3A_17 = arith.constant 0 : index
    %get3A_18 = vector.load %arg8[%get3A_16, %get3A_17] : memref<1x1024xf32, #tpu.memory_space<vmem>>, vector<1x1024xf32>
    %get3A_19 = arith.constant 0 : index
    %get3A_20 = arith.constant 0 : index
    %get3A_21 = vector.load %arg9[%get3A_19, %get3A_20] : memref<1x1024xf32, #tpu.memory_space<vmem>>, vector<1x1024xf32>
    %get3A_22 = arith.constant 0 : index
    %get3A_23 = arith.constant 0 : index
    %get3A_24 = vector.load %arg10[%get3A_22, %get3A_23] : memref<1024x16xf32, #tpu.memory_space<vmem>>, vector<1024x16xf32>
    %get3A_25 = arith.constant 0 : index
    %get3A_26 = arith.constant 0 : index
    %get3A_27 = vector.load %arg11[%get3A_25, %get3A_26] : memref<1x16xf32, #tpu.memory_space<vmem>>, vector<1x16xf32>
    %get3A_28 = arith.constant 0 : index
    %get3A_29 = arith.constant 0 : index
    %get3A_30 = vector.load %arg12[%get3A_28, %get3A_29] : memref<128x160xf32, #tpu.memory_space<vmem>>, vector<128x160xf32>
    %get3A_31 = arith.constant 0 : index
    %get3A_32 = arith.constant 0 : index
    %get3A_33 = vector.load %arg13[%get3A_31, %get3A_32] : memref<128x160xf32, #tpu.memory_space<vmem>>, vector<128x160xf32>
    %get3A_34 = arith.constant 0 : index
    %get3A_35 = arith.constant 0 : index
    %get3A_36 = vector.load %arg14[%get3A_34, %get3A_35] : memref<128x160xf32, #tpu.memory_space<vmem>>, vector<128x160xf32>
    %slice3A = vector.extract_strided_slice %get3A_3 {offsets = [0, 0], sizes = [528, 1024], strides = [1, 1]} : vector<2048x1024xf32> to vector<528x1024xf32>
    %get3A_37 = arith.constant 0 : index
    %get3A_38 = arith.constant 0 : index
    %get3A_39 = vector.load %arg2[%get3A_37, %get3A_38] : memref<1024x1024xf32, #tpu.memory_space<vmem>>, vector<1024x1024xf32>
    %dot_general3A = arith.constant dense<0.000000e+00> : vector<528x1024xf32>
    %dot_general3A_40 = tpu.matmul %slice3A, %get3A_39, %dot_general3A {dimension_numbers = #tpu.dot_dimension_numbers<[1], [0], [0], [1], [0, 0, 1, 1], [], []>, transpose_lhs_hint = false} : vector<528x1024xf32>, vector<1024x1024xf32>, vector<528x1024xf32> -> vector<528x1024xf32>
    %get3A_41 = arith.constant 0 : index
    %get3A_42 = arith.constant 0 : index
    %get3A_43 = vector.load %arg6[%get3A_41, %get3A_42] : memref<1024x1024xf32, #tpu.memory_space<vmem>>, vector<1024x1024xf32>
    %dot_general3A_44 = arith.constant dense<0.000000e+00> : vector<528x1024xf32>
    %dot_general3A_45 = tpu.matmul %slice3A, %get3A_43, %dot_general3A_44 {dimension_numbers = #tpu.dot_dimension_numbers<[1], [0], [0], [1], [0, 0, 1, 1], [], []>, transpose_lhs_hint = false} : vector<528x1024xf32>, vector<1024x1024xf32>, vector<528x1024xf32> -> vector<528x1024xf32>
    %slice3A_46 = vector.extract_strided_slice %dot_general3A_40 {offsets = [0, 0], sizes = [160, 1024], strides = [1, 1]} : vector<528x1024xf32> to vector<160x1024xf32>
    %dot_general3A_47 = arith.constant dense<0.000000e+00> : vector<128x1024xf32>
    %dot_general3A_48 = tpu.matmul %get3A_30, %slice3A_46, %dot_general3A_47 {dimension_numbers = #tpu.dot_dimension_numbers<[1], [0], [0], [1], [0, 0, 1, 1], [], []>, transpose_lhs_hint = false} : vector<128x160xf32>, vector<160x1024xf32>, vector<128x1024xf32> -> vector<128x1024xf32>
    %slice3A_49 = vector.extract_strided_slice %dot_general3A_45 {offsets = [0, 0], sizes = [160, 1024], strides = [1, 1]} : vector<528x1024xf32> to vector<160x1024xf32>
    %dot_general3A_50 = arith.constant dense<0.000000e+00> : vector<128x1024xf32>
    %dot_general3A_51 = tpu.matmul %get3A_30, %slice3A_49, %dot_general3A_50 {dimension_numbers = #tpu.dot_dimension_numbers<[1], [0], [0], [1], [0, 0, 1, 1], [], []>, transpose_lhs_hint = false} : vector<128x160xf32>, vector<160x1024xf32>, vector<128x1024xf32> -> vector<128x1024xf32>
    %slice3A_52 = vector.extract_strided_slice %dot_general3A_40 {offsets = [112, 0], sizes = [160, 1024], strides = [1, 1]} : vector<528x1024xf32> to vector<160x1024xf32>
    %dot_general3A_53 = arith.constant dense<0.000000e+00> : vector<128x1024xf32>
    %dot_general3A_54 = tpu.matmul %get3A_33, %slice3A_52, %dot_general3A_53 {dimension_numbers = #tpu.dot_dimension_numbers<[1], [0], [0], [1], [0, 0, 1, 1], [], []>, transpose_lhs_hint = false} : vector<128x160xf32>, vector<160x1024xf32>, vector<128x1024xf32> -> vector<128x1024xf32>
    %slice3A_55 = vector.extract_strided_slice %dot_general3A_45 {offsets = [112, 0], sizes = [160, 1024], strides = [1, 1]} : vector<528x1024xf32> to vector<160x1024xf32>
    %dot_general3A_56 = arith.constant dense<0.000000e+00> : vector<128x1024xf32>
    %dot_general3A_57 = tpu.matmul %get3A_33, %slice3A_55, %dot_general3A_56 {dimension_numbers = #tpu.dot_dimension_numbers<[1], [0], [0], [1], [0, 0, 1, 1], [], []>, transpose_lhs_hint = false} : vector<128x160xf32>, vector<160x1024xf32>, vector<128x1024xf32> -> vector<128x1024xf32>
    %slice3A_58 = vector.extract_strided_slice %dot_general3A_40 {offsets = [240, 0], sizes = [160, 1024], strides = [1, 1]} : vector<528x1024xf32> to vector<160x1024xf32>
    %dot_general3A_59 = arith.constant dense<0.000000e+00> : vector<128x1024xf32>
    %dot_general3A_60 = tpu.matmul %get3A_33, %slice3A_58, %dot_general3A_59 {dimension_numbers = #tpu.dot_dimension_numbers<[1], [0], [0], [1], [0, 0, 1, 1], [], []>, transpose_lhs_hint = false} : vector<128x160xf32>, vector<160x1024xf32>, vector<128x1024xf32> -> vector<128x1024xf32>
    %slice3A_61 = vector.extract_strided_slice %dot_general3A_45 {offsets = [240, 0], sizes = [160, 1024], strides = [1, 1]} : vector<528x1024xf32> to vector<160x1024xf32>
    %dot_general3A_62 = arith.constant dense<0.000000e+00> : vector<128x1024xf32>
    %dot_general3A_63 = tpu.matmul %get3A_33, %slice3A_61, %dot_general3A_62 {dimension_numbers = #tpu.dot_dimension_numbers<[1], [0], [0], [1], [0, 0, 1, 1], [], []>, transpose_lhs_hint = false} : vector<128x160xf32>, vector<160x1024xf32>, vector<128x1024xf32> -> vector<128x1024xf32>
    %slice3A_64 = vector.extract_strided_slice %dot_general3A_40 {offsets = [368, 0], sizes = [160, 1024], strides = [1, 1]} : vector<528x1024xf32> to vector<160x1024xf32>
    %dot_general3A_65 = arith.constant dense<0.000000e+00> : vector<128x1024xf32>
    %dot_general3A_66 = tpu.matmul %get3A_33, %slice3A_64, %dot_general3A_65 {dimension_numbers = #tpu.dot_dimension_numbers<[1], [0], [0], [1], [0, 0, 1, 1], [], []>, transpose_lhs_hint = false} : vector<128x160xf32>, vector<160x1024xf32>, vector<128x1024xf32> -> vector<128x1024xf32>
    %slice3A_67 = vector.extract_strided_slice %dot_general3A_45 {offsets = [368, 0], sizes = [160, 1024], strides = [1, 1]} : vector<528x1024xf32> to vector<160x1024xf32>
    %dot_general3A_68 = arith.constant dense<0.000000e+00> : vector<128x1024xf32>
    %dot_general3A_69 = tpu.matmul %get3A_33, %slice3A_67, %dot_general3A_68 {dimension_numbers = #tpu.dot_dimension_numbers<[1], [0], [0], [1], [0, 0, 1, 1], [], []>, transpose_lhs_hint = false} : vector<128x160xf32>, vector<160x1024xf32>, vector<128x1024xf32> -> vector<128x1024xf32>
    %concatenate3A = tpu.concatenate %dot_general3A_48, %dot_general3A_54, %dot_general3A_60, %dot_general3A_66 in 0 : vector<128x1024xf32>, vector<128x1024xf32>, vector<128x1024xf32>, vector<128x1024xf32> -> vector<512x1024xf32>
    %concatenate3A_70 = tpu.concatenate %dot_general3A_51, %dot_general3A_57, %dot_general3A_63, %dot_general3A_69 in 0 : vector<128x1024xf32>, vector<128x1024xf32>, vector<128x1024xf32>, vector<128x1024xf32> -> vector<512x1024xf32>
    %slice3A_71 = vector.extract_strided_slice %dot_general3A_40 {offsets = [0, 0], sizes = [512, 1024], strides = [1, 1]} : vector<528x1024xf32> to vector<512x1024xf32>
    %sub3A = arith.subf %slice3A_71, %concatenate3A : vector<512x1024xf32>
    %add3A = vector.broadcast %get3A_6 : vector<1x1024xf32> to vector<512x1024xf32>
    %add3A_72 = arith.addf %sub3A, %add3A : vector<512x1024xf32>
    %reduce_sum3A = arith.constant dense<0.000000e+00> : vector<512xf32>
    %reduce_sum3A_73 = vector.multi_reduction <add>, %add3A_72, %reduce_sum3A [1] : vector<512x1024xf32> to vector<512xf32>
    %broadcast_in_dim3A = vector.shape_cast %reduce_sum3A_73 : vector<512xf32> to vector<512x1xf32>
    %div3A = arith.constant 1.024000e+03 : f32
    %div3A_74 = vector.broadcast %div3A : f32 to vector<512x1xf32>
    %div3A_75 = arith.divf %broadcast_in_dim3A, %div3A_74 : vector<512x1xf32>
    %sub3A_76 = vector.broadcast %div3A_75 : vector<512x1xf32> to vector<512x1024xf32>
    %sub3A_77 = arith.subf %add3A_72, %sub3A_76 : vector<512x1024xf32>
    %mul3A = arith.mulf %sub3A_77, %sub3A_77 : vector<512x1024xf32>
    %reduce_sum3A_78 = arith.constant dense<0.000000e+00> : vector<512xf32>
    %reduce_sum3A_79 = vector.multi_reduction <add>, %mul3A, %reduce_sum3A_78 [1] : vector<512x1024xf32> to vector<512xf32>
    %broadcast_in_dim3A_80 = vector.shape_cast %reduce_sum3A_79 : vector<512xf32> to vector<512x1xf32>
    %div3A_81 = arith.constant 1.024000e+03 : f32
    %div3A_82 = vector.broadcast %div3A_81 : f32 to vector<512x1xf32>
    %div3A_83 = arith.divf %broadcast_in_dim3A_80, %div3A_82 : vector<512x1xf32>
    %add3A_84 = arith.constant 9.99999974E-6 : f32
    %add3A_85 = vector.broadcast %add3A_84 : f32 to vector<512x1xf32>
    %add3A_86 = arith.addf %div3A_83, %add3A_85 : vector<512x1xf32>
    %rsqrt3A = math.rsqrt %add3A_86 : vector<512x1xf32>
    %mul3A_87 = vector.broadcast %rsqrt3A : vector<512x1xf32> to vector<512x1024xf32>
    %mul3A_88 = arith.mulf %sub3A_77, %mul3A_87 : vector<512x1024xf32>
    %mul3A_89 = vector.broadcast %get3A_9 : vector<1x1024xf32> to vector<512x1024xf32>
    %mul3A_90 = arith.mulf %mul3A_88, %mul3A_89 : vector<512x1024xf32>
    %add3A_91 = vector.broadcast %get3A_12 : vector<1x1024xf32> to vector<512x1024xf32>
    %add3A_92 = arith.addf %mul3A_90, %add3A_91 : vector<512x1024xf32>
    %add3A_93 = vector.broadcast %get3A_15 : vector<1x1024xf32> to vector<512x1024xf32>
    %add3A_94 = arith.addf %concatenate3A_70, %add3A_93 : vector<512x1024xf32>
    %reduce_sum3A_95 = arith.constant dense<0.000000e+00> : vector<512xf32>
    %reduce_sum3A_96 = vector.multi_reduction <add>, %add3A_94, %reduce_sum3A_95 [1] : vector<512x1024xf32> to vector<512xf32>
    %broadcast_in_dim3A_97 = vector.shape_cast %reduce_sum3A_96 : vector<512xf32> to vector<512x1xf32>
    %div3A_98 = arith.constant 1.024000e+03 : f32
    %div3A_99 = vector.broadcast %div3A_98 : f32 to vector<512x1xf32>
    %div3A_100 = arith.divf %broadcast_in_dim3A_97, %div3A_99 : vector<512x1xf32>
    %sub3A_101 = vector.broadcast %div3A_100 : vector<512x1xf32> to vector<512x1024xf32>
    %sub3A_102 = arith.subf %add3A_94, %sub3A_101 : vector<512x1024xf32>
    %mul3A_103 = arith.mulf %sub3A_102, %sub3A_102 : vector<512x1024xf32>
    %reduce_sum3A_104 = arith.constant dense<0.000000e+00> : vector<512xf32>
    %reduce_sum3A_105 = vector.multi_reduction <add>, %mul3A_103, %reduce_sum3A_104 [1] : vector<512x1024xf32> to vector<512xf32>
    %broadcast_in_dim3A_106 = vector.shape_cast %reduce_sum3A_105 : vector<512xf32> to vector<512x1xf32>
    %div3A_107 = arith.constant 1.024000e+03 : f32
    %div3A_108 = vector.broadcast %div3A_107 : f32 to vector<512x1xf32>
    %div3A_109 = arith.divf %broadcast_in_dim3A_106, %div3A_108 : vector<512x1xf32>
    %add3A_110 = arith.constant 9.99999974E-6 : f32
    %add3A_111 = vector.broadcast %add3A_110 : f32 to vector<512x1xf32>
    %add3A_112 = arith.addf %div3A_109, %add3A_111 : vector<512x1xf32>
    %rsqrt3A_113 = math.rsqrt %add3A_112 : vector<512x1xf32>
    %mul3A_114 = vector.broadcast %rsqrt3A_113 : vector<512x1xf32> to vector<512x1024xf32>
    %mul3A_115 = arith.mulf %sub3A_102, %mul3A_114 : vector<512x1024xf32>
    %mul3A_116 = vector.broadcast %get3A_18 : vector<1x1024xf32> to vector<512x1024xf32>
    %mul3A_117 = arith.mulf %mul3A_115, %mul3A_116 : vector<512x1024xf32>
    %add3A_118 = vector.broadcast %get3A_21 : vector<1x1024xf32> to vector<512x1024xf32>
    %add3A_119 = arith.addf %mul3A_117, %add3A_118 : vector<512x1024xf32>
    %add3A_120 = arith.addf %add3A_92, %add3A_119 : vector<512x1024xf32>
    %max3A = arith.constant 0.000000e+00 : f32
    %max3A_121 = vector.broadcast %max3A : f32 to vector<512x1024xf32>
    %max3A_122 = arith.maximumf %add3A_120, %max3A_121 : vector<512x1024xf32>
    %dot_general3A_123 = arith.constant dense<0.000000e+00> : vector<512x16xf32>
    %dot_general3A_124 = tpu.matmul %max3A_122, %get3A_24, %dot_general3A_123 {dimension_numbers = #tpu.dot_dimension_numbers<[1], [0], [0], [1], [0, 0, 1, 1], [], []>, transpose_lhs_hint = false} : vector<512x1024xf32>, vector<1024x16xf32>, vector<512x16xf32> -> vector<512x16xf32>
    %add3A_125 = vector.broadcast %get3A_27 : vector<1x16xf32> to vector<512x16xf32>
    %add3A_126 = arith.addf %dot_general3A_124, %add3A_125 : vector<512x16xf32>
    %slice3A_127 = vector.extract_strided_slice %get3A_3 {offsets = [496, 0], sizes = [544, 1024], strides = [1, 1]} : vector<2048x1024xf32> to vector<544x1024xf32>
    %get3A_128 = arith.constant 0 : index
    %get3A_129 = arith.constant 0 : index
    %get3A_130 = vector.load %arg2[%get3A_128, %get3A_129] : memref<1024x1024xf32, #tpu.memory_space<vmem>>, vector<1024x1024xf32>
    %dot_general3A_131 = arith.constant dense<0.000000e+00> : vector<544x1024xf32>
    %dot_general3A_132 = tpu.matmul %slice3A_127, %get3A_130, %dot_general3A_131 {dimension_numbers = #tpu.dot_dimension_numbers<[1], [0], [0], [1], [0, 0, 1, 1], [], []>, transpose_lhs_hint = false} : vector<544x1024xf32>, vector<1024x1024xf32>, vector<544x1024xf32> -> vector<544x1024xf32>
    %get3A_133 = arith.constant 0 : index
    %get3A_134 = arith.constant 0 : index
    %get3A_135 = vector.load %arg6[%get3A_133, %get3A_134] : memref<1024x1024xf32, #tpu.memory_space<vmem>>, vector<1024x1024xf32>
    %dot_general3A_136 = arith.constant dense<0.000000e+00> : vector<544x1024xf32>
    %dot_general3A_137 = tpu.matmul %slice3A_127, %get3A_135, %dot_general3A_136 {dimension_numbers = #tpu.dot_dimension_numbers<[1], [0], [0], [1], [0, 0, 1, 1], [], []>, transpose_lhs_hint = false} : vector<544x1024xf32>, vector<1024x1024xf32>, vector<544x1024xf32> -> vector<544x1024xf32>
    %slice3A_138 = vector.extract_strided_slice %dot_general3A_132 {offsets = [0, 0], sizes = [160, 1024], strides = [1, 1]} : vector<544x1024xf32> to vector<160x1024xf32>
    %dot_general3A_139 = arith.constant dense<0.000000e+00> : vector<128x1024xf32>
    %dot_general3A_140 = tpu.matmul %get3A_33, %slice3A_138, %dot_general3A_139 {dimension_numbers = #tpu.dot_dimension_numbers<[1], [0], [0], [1], [0, 0, 1, 1], [], []>, transpose_lhs_hint = false} : vector<128x160xf32>, vector<160x1024xf32>, vector<128x1024xf32> -> vector<128x1024xf32>
    %slice3A_141 = vector.extract_strided_slice %dot_general3A_137 {offsets = [0, 0], sizes = [160, 1024], strides = [1, 1]} : vector<544x1024xf32> to vector<160x1024xf32>
    %dot_general3A_142 = arith.constant dense<0.000000e+00> : vector<128x1024xf32>
    %dot_general3A_143 = tpu.matmul %get3A_33, %slice3A_141, %dot_general3A_142 {dimension_numbers = #tpu.dot_dimension_numbers<[1], [0], [0], [1], [0, 0, 1, 1], [], []>, transpose_lhs_hint = false} : vector<128x160xf32>, vector<160x1024xf32>, vector<128x1024xf32> -> vector<128x1024xf32>
    %slice3A_144 = vector.extract_strided_slice %dot_general3A_132 {offsets = [128, 0], sizes = [160, 1024], strides = [1, 1]} : vector<544x1024xf32> to vector<160x1024xf32>
    %dot_general3A_145 = arith.constant dense<0.000000e+00> : vector<128x1024xf32>
    %dot_general3A_146 = tpu.matmul %get3A_33, %slice3A_144, %dot_general3A_145 {dimension_numbers = #tpu.dot_dimension_numbers<[1], [0], [0], [1], [0, 0, 1, 1], [], []>, transpose_lhs_hint = false} : vector<128x160xf32>, vector<160x1024xf32>, vector<128x1024xf32> -> vector<128x1024xf32>
    %slice3A_147 = vector.extract_strided_slice %dot_general3A_137 {offsets = [128, 0], sizes = [160, 1024], strides = [1, 1]} : vector<544x1024xf32> to vector<160x1024xf32>
    %dot_general3A_148 = arith.constant dense<0.000000e+00> : vector<128x1024xf32>
    %dot_general3A_149 = tpu.matmul %get3A_33, %slice3A_147, %dot_general3A_148 {dimension_numbers = #tpu.dot_dimension_numbers<[1], [0], [0], [1], [0, 0, 1, 1], [], []>, transpose_lhs_hint = false} : vector<128x160xf32>, vector<160x1024xf32>, vector<128x1024xf32> -> vector<128x1024xf32>
    %slice3A_150 = vector.extract_strided_slice %dot_general3A_132 {offsets = [256, 0], sizes = [160, 1024], strides = [1, 1]} : vector<544x1024xf32> to vector<160x1024xf32>
    %dot_general3A_151 = arith.constant dense<0.000000e+00> : vector<128x1024xf32>
    %dot_general3A_152 = tpu.matmul %get3A_33, %slice3A_150, %dot_general3A_151 {dimension_numbers = #tpu.dot_dimension_numbers<[1], [0], [0], [1], [0, 0, 1, 1], [], []>, transpose_lhs_hint = false} : vector<128x160xf32>, vector<160x1024xf32>, vector<128x1024xf32> -> vector<128x1024xf32>
    %slice3A_153 = vector.extract_strided_slice %dot_general3A_137 {offsets = [256, 0], sizes = [160, 1024], strides = [1, 1]} : vector<544x1024xf32> to vector<160x1024xf32>
    %dot_general3A_154 = arith.constant dense<0.000000e+00> : vector<128x1024xf32>
    %dot_general3A_155 = tpu.matmul %get3A_33, %slice3A_153, %dot_general3A_154 {dimension_numbers = #tpu.dot_dimension_numbers<[1], [0], [0], [1], [0, 0, 1, 1], [], []>, transpose_lhs_hint = false} : vector<128x160xf32>, vector<160x1024xf32>, vector<128x1024xf32> -> vector<128x1024xf32>
    %slice3A_156 = vector.extract_strided_slice %dot_general3A_132 {offsets = [384, 0], sizes = [160, 1024], strides = [1, 1]} : vector<544x1024xf32> to vector<160x1024xf32>
    %dot_general3A_157 = arith.constant dense<0.000000e+00> : vector<128x1024xf32>
    %dot_general3A_158 = tpu.matmul %get3A_33, %slice3A_156, %dot_general3A_157 {dimension_numbers = #tpu.dot_dimension_numbers<[1], [0], [0], [1], [0, 0, 1, 1], [], []>, transpose_lhs_hint = false} : vector<128x160xf32>, vector<160x1024xf32>, vector<128x1024xf32> -> vector<128x1024xf32>
    %slice3A_159 = vector.extract_strided_slice %dot_general3A_137 {offsets = [384, 0], sizes = [160, 1024], strides = [1, 1]} : vector<544x1024xf32> to vector<160x1024xf32>
    %dot_general3A_160 = arith.constant dense<0.000000e+00> : vector<128x1024xf32>
    %dot_general3A_161 = tpu.matmul %get3A_33, %slice3A_159, %dot_general3A_160 {dimension_numbers = #tpu.dot_dimension_numbers<[1], [0], [0], [1], [0, 0, 1, 1], [], []>, transpose_lhs_hint = false} : vector<128x160xf32>, vector<160x1024xf32>, vector<128x1024xf32> -> vector<128x1024xf32>
    %concatenate3A_162 = tpu.concatenate %dot_general3A_140, %dot_general3A_146, %dot_general3A_152, %dot_general3A_158 in 0 : vector<128x1024xf32>, vector<128x1024xf32>, vector<128x1024xf32>, vector<128x1024xf32> -> vector<512x1024xf32>
    %concatenate3A_163 = tpu.concatenate %dot_general3A_143, %dot_general3A_149, %dot_general3A_155, %dot_general3A_161 in 0 : vector<128x1024xf32>, vector<128x1024xf32>, vector<128x1024xf32>, vector<128x1024xf32> -> vector<512x1024xf32>
    %slice3A_164 = vector.extract_strided_slice %dot_general3A_132 {offsets = [16, 0], sizes = [512, 1024], strides = [1, 1]} : vector<544x1024xf32> to vector<512x1024xf32>
    %sub3A_165 = arith.subf %slice3A_164, %concatenate3A_162 : vector<512x1024xf32>
    %add3A_166 = vector.broadcast %get3A_6 : vector<1x1024xf32> to vector<512x1024xf32>
    %add3A_167 = arith.addf %sub3A_165, %add3A_166 : vector<512x1024xf32>
    %reduce_sum3A_168 = arith.constant dense<0.000000e+00> : vector<512xf32>
    %reduce_sum3A_169 = vector.multi_reduction <add>, %add3A_167, %reduce_sum3A_168 [1] : vector<512x1024xf32> to vector<512xf32>
    %broadcast_in_dim3A_170 = vector.shape_cast %reduce_sum3A_169 : vector<512xf32> to vector<512x1xf32>
    %div3A_171 = arith.constant 1.024000e+03 : f32
    %div3A_172 = vector.broadcast %div3A_171 : f32 to vector<512x1xf32>
    %div3A_173 = arith.divf %broadcast_in_dim3A_170, %div3A_172 : vector<512x1xf32>
    %sub3A_174 = vector.broadcast %div3A_173 : vector<512x1xf32> to vector<512x1024xf32>
    %sub3A_175 = arith.subf %add3A_167, %sub3A_174 : vector<512x1024xf32>
    %mul3A_176 = arith.mulf %sub3A_175, %sub3A_175 : vector<512x1024xf32>
    %reduce_sum3A_177 = arith.constant dense<0.000000e+00> : vector<512xf32>
    %reduce_sum3A_178 = vector.multi_reduction <add>, %mul3A_176, %reduce_sum3A_177 [1] : vector<512x1024xf32> to vector<512xf32>
    %broadcast_in_dim3A_179 = vector.shape_cast %reduce_sum3A_178 : vector<512xf32> to vector<512x1xf32>
    %div3A_180 = arith.constant 1.024000e+03 : f32
    %div3A_181 = vector.broadcast %div3A_180 : f32 to vector<512x1xf32>
    %div3A_182 = arith.divf %broadcast_in_dim3A_179, %div3A_181 : vector<512x1xf32>
    %add3A_183 = arith.constant 9.99999974E-6 : f32
    %add3A_184 = vector.broadcast %add3A_183 : f32 to vector<512x1xf32>
    %add3A_185 = arith.addf %div3A_182, %add3A_184 : vector<512x1xf32>
    %rsqrt3A_186 = math.rsqrt %add3A_185 : vector<512x1xf32>
    %mul3A_187 = vector.broadcast %rsqrt3A_186 : vector<512x1xf32> to vector<512x1024xf32>
    %mul3A_188 = arith.mulf %sub3A_175, %mul3A_187 : vector<512x1024xf32>
    %mul3A_189 = vector.broadcast %get3A_9 : vector<1x1024xf32> to vector<512x1024xf32>
    %mul3A_190 = arith.mulf %mul3A_188, %mul3A_189 : vector<512x1024xf32>
    %add3A_191 = vector.broadcast %get3A_12 : vector<1x1024xf32> to vector<512x1024xf32>
    %add3A_192 = arith.addf %mul3A_190, %add3A_191 : vector<512x1024xf32>
    %add3A_193 = vector.broadcast %get3A_15 : vector<1x1024xf32> to vector<512x1024xf32>
    %add3A_194 = arith.addf %concatenate3A_163, %add3A_193 : vector<512x1024xf32>
    %reduce_sum3A_195 = arith.constant dense<0.000000e+00> : vector<512xf32>
    %reduce_sum3A_196 = vector.multi_reduction <add>, %add3A_194, %reduce_sum3A_195 [1] : vector<512x1024xf32> to vector<512xf32>
    %broadcast_in_dim3A_197 = vector.shape_cast %reduce_sum3A_196 : vector<512xf32> to vector<512x1xf32>
    %div3A_198 = arith.constant 1.024000e+03 : f32
    %div3A_199 = vector.broadcast %div3A_198 : f32 to vector<512x1xf32>
    %div3A_200 = arith.divf %broadcast_in_dim3A_197, %div3A_199 : vector<512x1xf32>
    %sub3A_201 = vector.broadcast %div3A_200 : vector<512x1xf32> to vector<512x1024xf32>
    %sub3A_202 = arith.subf %add3A_194, %sub3A_201 : vector<512x1024xf32>
    %mul3A_203 = arith.mulf %sub3A_202, %sub3A_202 : vector<512x1024xf32>
    %reduce_sum3A_204 = arith.constant dense<0.000000e+00> : vector<512xf32>
    %reduce_sum3A_205 = vector.multi_reduction <add>, %mul3A_203, %reduce_sum3A_204 [1] : vector<512x1024xf32> to vector<512xf32>
    %broadcast_in_dim3A_206 = vector.shape_cast %reduce_sum3A_205 : vector<512xf32> to vector<512x1xf32>
    %div3A_207 = arith.constant 1.024000e+03 : f32
    %div3A_208 = vector.broadcast %div3A_207 : f32 to vector<512x1xf32>
    %div3A_209 = arith.divf %broadcast_in_dim3A_206, %div3A_208 : vector<512x1xf32>
    %add3A_210 = arith.constant 9.99999974E-6 : f32
    %add3A_211 = vector.broadcast %add3A_210 : f32 to vector<512x1xf32>
    %add3A_212 = arith.addf %div3A_209, %add3A_211 : vector<512x1xf32>
    %rsqrt3A_213 = math.rsqrt %add3A_212 : vector<512x1xf32>
    %mul3A_214 = vector.broadcast %rsqrt3A_213 : vector<512x1xf32> to vector<512x1024xf32>
    %mul3A_215 = arith.mulf %sub3A_202, %mul3A_214 : vector<512x1024xf32>
    %mul3A_216 = vector.broadcast %get3A_18 : vector<1x1024xf32> to vector<512x1024xf32>
    %mul3A_217 = arith.mulf %mul3A_215, %mul3A_216 : vector<512x1024xf32>
    %add3A_218 = vector.broadcast %get3A_21 : vector<1x1024xf32> to vector<512x1024xf32>
    %add3A_219 = arith.addf %mul3A_217, %add3A_218 : vector<512x1024xf32>
    %add3A_220 = arith.addf %add3A_192, %add3A_219 : vector<512x1024xf32>
    %max3A_221 = arith.constant 0.000000e+00 : f32
    %max3A_222 = vector.broadcast %max3A_221 : f32 to vector<512x1024xf32>
    %max3A_223 = arith.maximumf %add3A_220, %max3A_222 : vector<512x1024xf32>
    %dot_general3A_224 = arith.constant dense<0.000000e+00> : vector<512x16xf32>
    %dot_general3A_225 = tpu.matmul %max3A_223, %get3A_24, %dot_general3A_224 {dimension_numbers = #tpu.dot_dimension_numbers<[1], [0], [0], [1], [0, 0, 1, 1], [], []>, transpose_lhs_hint = false} : vector<512x1024xf32>, vector<1024x16xf32>, vector<512x16xf32> -> vector<512x16xf32>
    %add3A_226 = vector.broadcast %get3A_27 : vector<1x16xf32> to vector<512x16xf32>
    %add3A_227 = arith.addf %dot_general3A_225, %add3A_226 : vector<512x16xf32>
    %slice3A_228 = vector.extract_strided_slice %get3A_3 {offsets = [1008, 0], sizes = [544, 1024], strides = [1, 1]} : vector<2048x1024xf32> to vector<544x1024xf32>
    %get3A_229 = arith.constant 0 : index
    %get3A_230 = arith.constant 0 : index
    %get3A_231 = vector.load %arg2[%get3A_229, %get3A_230] : memref<1024x1024xf32, #tpu.memory_space<vmem>>, vector<1024x1024xf32>
    %dot_general3A_232 = arith.constant dense<0.000000e+00> : vector<544x1024xf32>
    %dot_general3A_233 = tpu.matmul %slice3A_228, %get3A_231, %dot_general3A_232 {dimension_numbers = #tpu.dot_dimension_numbers<[1], [0], [0], [1], [0, 0, 1, 1], [], []>, transpose_lhs_hint = false} : vector<544x1024xf32>, vector<1024x1024xf32>, vector<544x1024xf32> -> vector<544x1024xf32>
    %get3A_234 = arith.constant 0 : index
    %get3A_235 = arith.constant 0 : index
    %get3A_236 = vector.load %arg6[%get3A_234, %get3A_235] : memref<1024x1024xf32, #tpu.memory_space<vmem>>, vector<1024x1024xf32>
    %dot_general3A_237 = arith.constant dense<0.000000e+00> : vector<544x1024xf32>
    %dot_general3A_238 = tpu.matmul %slice3A_228, %get3A_236, %dot_general3A_237 {dimension_numbers = #tpu.dot_dimension_numbers<[1], [0], [0], [1], [0, 0, 1, 1], [], []>, transpose_lhs_hint = false} : vector<544x1024xf32>, vector<1024x1024xf32>, vector<544x1024xf32> -> vector<544x1024xf32>
    %slice3A_239 = vector.extract_strided_slice %dot_general3A_233 {offsets = [0, 0], sizes = [160, 1024], strides = [1, 1]} : vector<544x1024xf32> to vector<160x1024xf32>
    %dot_general3A_240 = arith.constant dense<0.000000e+00> : vector<128x1024xf32>
    %dot_general3A_241 = tpu.matmul %get3A_33, %slice3A_239, %dot_general3A_240 {dimension_numbers = #tpu.dot_dimension_numbers<[1], [0], [0], [1], [0, 0, 1, 1], [], []>, transpose_lhs_hint = false} : vector<128x160xf32>, vector<160x1024xf32>, vector<128x1024xf32> -> vector<128x1024xf32>
    %slice3A_242 = vector.extract_strided_slice %dot_general3A_238 {offsets = [0, 0], sizes = [160, 1024], strides = [1, 1]} : vector<544x1024xf32> to vector<160x1024xf32>
    %dot_general3A_243 = arith.constant dense<0.000000e+00> : vector<128x1024xf32>
    %dot_general3A_244 = tpu.matmul %get3A_33, %slice3A_242, %dot_general3A_243 {dimension_numbers = #tpu.dot_dimension_numbers<[1], [0], [0], [1], [0, 0, 1, 1], [], []>, transpose_lhs_hint = false} : vector<128x160xf32>, vector<160x1024xf32>, vector<128x1024xf32> -> vector<128x1024xf32>
    %slice3A_245 = vector.extract_strided_slice %dot_general3A_233 {offsets = [128, 0], sizes = [160, 1024], strides = [1, 1]} : vector<544x1024xf32> to vector<160x1024xf32>
    %dot_general3A_246 = arith.constant dense<0.000000e+00> : vector<128x1024xf32>
    %dot_general3A_247 = tpu.matmul %get3A_33, %slice3A_245, %dot_general3A_246 {dimension_numbers = #tpu.dot_dimension_numbers<[1], [0], [0], [1], [0, 0, 1, 1], [], []>, transpose_lhs_hint = false} : vector<128x160xf32>, vector<160x1024xf32>, vector<128x1024xf32> -> vector<128x1024xf32>
    %slice3A_248 = vector.extract_strided_slice %dot_general3A_238 {offsets = [128, 0], sizes = [160, 1024], strides = [1, 1]} : vector<544x1024xf32> to vector<160x1024xf32>
    %dot_general3A_249 = arith.constant dense<0.000000e+00> : vector<128x1024xf32>
    %dot_general3A_250 = tpu.matmul %get3A_33, %slice3A_248, %dot_general3A_249 {dimension_numbers = #tpu.dot_dimension_numbers<[1], [0], [0], [1], [0, 0, 1, 1], [], []>, transpose_lhs_hint = false} : vector<128x160xf32>, vector<160x1024xf32>, vector<128x1024xf32> -> vector<128x1024xf32>
    %slice3A_251 = vector.extract_strided_slice %dot_general3A_233 {offsets = [256, 0], sizes = [160, 1024], strides = [1, 1]} : vector<544x1024xf32> to vector<160x1024xf32>
    %dot_general3A_252 = arith.constant dense<0.000000e+00> : vector<128x1024xf32>
    %dot_general3A_253 = tpu.matmul %get3A_33, %slice3A_251, %dot_general3A_252 {dimension_numbers = #tpu.dot_dimension_numbers<[1], [0], [0], [1], [0, 0, 1, 1], [], []>, transpose_lhs_hint = false} : vector<128x160xf32>, vector<160x1024xf32>, vector<128x1024xf32> -> vector<128x1024xf32>
    %slice3A_254 = vector.extract_strided_slice %dot_general3A_238 {offsets = [256, 0], sizes = [160, 1024], strides = [1, 1]} : vector<544x1024xf32> to vector<160x1024xf32>
    %dot_general3A_255 = arith.constant dense<0.000000e+00> : vector<128x1024xf32>
    %dot_general3A_256 = tpu.matmul %get3A_33, %slice3A_254, %dot_general3A_255 {dimension_numbers = #tpu.dot_dimension_numbers<[1], [0], [0], [1], [0, 0, 1, 1], [], []>, transpose_lhs_hint = false} : vector<128x160xf32>, vector<160x1024xf32>, vector<128x1024xf32> -> vector<128x1024xf32>
    %slice3A_257 = vector.extract_strided_slice %dot_general3A_233 {offsets = [384, 0], sizes = [160, 1024], strides = [1, 1]} : vector<544x1024xf32> to vector<160x1024xf32>
    %dot_general3A_258 = arith.constant dense<0.000000e+00> : vector<128x1024xf32>
    %dot_general3A_259 = tpu.matmul %get3A_33, %slice3A_257, %dot_general3A_258 {dimension_numbers = #tpu.dot_dimension_numbers<[1], [0], [0], [1], [0, 0, 1, 1], [], []>, transpose_lhs_hint = false} : vector<128x160xf32>, vector<160x1024xf32>, vector<128x1024xf32> -> vector<128x1024xf32>
    %slice3A_260 = vector.extract_strided_slice %dot_general3A_238 {offsets = [384, 0], sizes = [160, 1024], strides = [1, 1]} : vector<544x1024xf32> to vector<160x1024xf32>
    %dot_general3A_261 = arith.constant dense<0.000000e+00> : vector<128x1024xf32>
    %dot_general3A_262 = tpu.matmul %get3A_33, %slice3A_260, %dot_general3A_261 {dimension_numbers = #tpu.dot_dimension_numbers<[1], [0], [0], [1], [0, 0, 1, 1], [], []>, transpose_lhs_hint = false} : vector<128x160xf32>, vector<160x1024xf32>, vector<128x1024xf32> -> vector<128x1024xf32>
    %concatenate3A_263 = tpu.concatenate %dot_general3A_241, %dot_general3A_247, %dot_general3A_253, %dot_general3A_259 in 0 : vector<128x1024xf32>, vector<128x1024xf32>, vector<128x1024xf32>, vector<128x1024xf32> -> vector<512x1024xf32>
    %concatenate3A_264 = tpu.concatenate %dot_general3A_244, %dot_general3A_250, %dot_general3A_256, %dot_general3A_262 in 0 : vector<128x1024xf32>, vector<128x1024xf32>, vector<128x1024xf32>, vector<128x1024xf32> -> vector<512x1024xf32>
    %slice3A_265 = vector.extract_strided_slice %dot_general3A_233 {offsets = [16, 0], sizes = [512, 1024], strides = [1, 1]} : vector<544x1024xf32> to vector<512x1024xf32>
    %sub3A_266 = arith.subf %slice3A_265, %concatenate3A_263 : vector<512x1024xf32>
    %add3A_267 = vector.broadcast %get3A_6 : vector<1x1024xf32> to vector<512x1024xf32>
    %add3A_268 = arith.addf %sub3A_266, %add3A_267 : vector<512x1024xf32>
    %reduce_sum3A_269 = arith.constant dense<0.000000e+00> : vector<512xf32>
    %reduce_sum3A_270 = vector.multi_reduction <add>, %add3A_268, %reduce_sum3A_269 [1] : vector<512x1024xf32> to vector<512xf32>
    %broadcast_in_dim3A_271 = vector.shape_cast %reduce_sum3A_270 : vector<512xf32> to vector<512x1xf32>
    %div3A_272 = arith.constant 1.024000e+03 : f32
    %div3A_273 = vector.broadcast %div3A_272 : f32 to vector<512x1xf32>
    %div3A_274 = arith.divf %broadcast_in_dim3A_271, %div3A_273 : vector<512x1xf32>
    %sub3A_275 = vector.broadcast %div3A_274 : vector<512x1xf32> to vector<512x1024xf32>
    %sub3A_276 = arith.subf %add3A_268, %sub3A_275 : vector<512x1024xf32>
    %mul3A_277 = arith.mulf %sub3A_276, %sub3A_276 : vector<512x1024xf32>
    %reduce_sum3A_278 = arith.constant dense<0.000000e+00> : vector<512xf32>
    %reduce_sum3A_279 = vector.multi_reduction <add>, %mul3A_277, %reduce_sum3A_278 [1] : vector<512x1024xf32> to vector<512xf32>
    %broadcast_in_dim3A_280 = vector.shape_cast %reduce_sum3A_279 : vector<512xf32> to vector<512x1xf32>
    %div3A_281 = arith.constant 1.024000e+03 : f32
    %div3A_282 = vector.broadcast %div3A_281 : f32 to vector<512x1xf32>
    %div3A_283 = arith.divf %broadcast_in_dim3A_280, %div3A_282 : vector<512x1xf32>
    %add3A_284 = arith.constant 9.99999974E-6 : f32
    %add3A_285 = vector.broadcast %add3A_284 : f32 to vector<512x1xf32>
    %add3A_286 = arith.addf %div3A_283, %add3A_285 : vector<512x1xf32>
    %rsqrt3A_287 = math.rsqrt %add3A_286 : vector<512x1xf32>
    %mul3A_288 = vector.broadcast %rsqrt3A_287 : vector<512x1xf32> to vector<512x1024xf32>
    %mul3A_289 = arith.mulf %sub3A_276, %mul3A_288 : vector<512x1024xf32>
    %mul3A_290 = vector.broadcast %get3A_9 : vector<1x1024xf32> to vector<512x1024xf32>
    %mul3A_291 = arith.mulf %mul3A_289, %mul3A_290 : vector<512x1024xf32>
    %add3A_292 = vector.broadcast %get3A_12 : vector<1x1024xf32> to vector<512x1024xf32>
    %add3A_293 = arith.addf %mul3A_291, %add3A_292 : vector<512x1024xf32>
    %add3A_294 = vector.broadcast %get3A_15 : vector<1x1024xf32> to vector<512x1024xf32>
    %add3A_295 = arith.addf %concatenate3A_264, %add3A_294 : vector<512x1024xf32>
    %reduce_sum3A_296 = arith.constant dense<0.000000e+00> : vector<512xf32>
    %reduce_sum3A_297 = vector.multi_reduction <add>, %add3A_295, %reduce_sum3A_296 [1] : vector<512x1024xf32> to vector<512xf32>
    %broadcast_in_dim3A_298 = vector.shape_cast %reduce_sum3A_297 : vector<512xf32> to vector<512x1xf32>
    %div3A_299 = arith.constant 1.024000e+03 : f32
    %div3A_300 = vector.broadcast %div3A_299 : f32 to vector<512x1xf32>
    %div3A_301 = arith.divf %broadcast_in_dim3A_298, %div3A_300 : vector<512x1xf32>
    %sub3A_302 = vector.broadcast %div3A_301 : vector<512x1xf32> to vector<512x1024xf32>
    %sub3A_303 = arith.subf %add3A_295, %sub3A_302 : vector<512x1024xf32>
    %mul3A_304 = arith.mulf %sub3A_303, %sub3A_303 : vector<512x1024xf32>
    %reduce_sum3A_305 = arith.constant dense<0.000000e+00> : vector<512xf32>
    %reduce_sum3A_306 = vector.multi_reduction <add>, %mul3A_304, %reduce_sum3A_305 [1] : vector<512x1024xf32> to vector<512xf32>
    %broadcast_in_dim3A_307 = vector.shape_cast %reduce_sum3A_306 : vector<512xf32> to vector<512x1xf32>
    %div3A_308 = arith.constant 1.024000e+03 : f32
    %div3A_309 = vector.broadcast %div3A_308 : f32 to vector<512x1xf32>
    %div3A_310 = arith.divf %broadcast_in_dim3A_307, %div3A_309 : vector<512x1xf32>
    %add3A_311 = arith.constant 9.99999974E-6 : f32
    %add3A_312 = vector.broadcast %add3A_311 : f32 to vector<512x1xf32>
    %add3A_313 = arith.addf %div3A_310, %add3A_312 : vector<512x1xf32>
    %rsqrt3A_314 = math.rsqrt %add3A_313 : vector<512x1xf32>
    %mul3A_315 = vector.broadcast %rsqrt3A_314 : vector<512x1xf32> to vector<512x1024xf32>
    %mul3A_316 = arith.mulf %sub3A_303, %mul3A_315 : vector<512x1024xf32>
    %mul3A_317 = vector.broadcast %get3A_18 : vector<1x1024xf32> to vector<512x1024xf32>
    %mul3A_318 = arith.mulf %mul3A_316, %mul3A_317 : vector<512x1024xf32>
    %add3A_319 = vector.broadcast %get3A_21 : vector<1x1024xf32> to vector<512x1024xf32>
    %add3A_320 = arith.addf %mul3A_318, %add3A_319 : vector<512x1024xf32>
    %add3A_321 = arith.addf %add3A_293, %add3A_320 : vector<512x1024xf32>
    %max3A_322 = arith.constant 0.000000e+00 : f32
    %max3A_323 = vector.broadcast %max3A_322 : f32 to vector<512x1024xf32>
    %max3A_324 = arith.maximumf %add3A_321, %max3A_323 : vector<512x1024xf32>
    %dot_general3A_325 = arith.constant dense<0.000000e+00> : vector<512x16xf32>
    %dot_general3A_326 = tpu.matmul %max3A_324, %get3A_24, %dot_general3A_325 {dimension_numbers = #tpu.dot_dimension_numbers<[1], [0], [0], [1], [0, 0, 1, 1], [], []>, transpose_lhs_hint = false} : vector<512x1024xf32>, vector<1024x16xf32>, vector<512x16xf32> -> vector<512x16xf32>
    %add3A_327 = vector.broadcast %get3A_27 : vector<1x16xf32> to vector<512x16xf32>
    %add3A_328 = arith.addf %dot_general3A_326, %add3A_327 : vector<512x16xf32>
    %slice3A_329 = vector.extract_strided_slice %get3A_3 {offsets = [1520, 0], sizes = [528, 1024], strides = [1, 1]} : vector<2048x1024xf32> to vector<528x1024xf32>
    %get3A_330 = arith.constant 0 : index
    %get3A_331 = arith.constant 0 : index
    %get3A_332 = vector.load %arg2[%get3A_330, %get3A_331] : memref<1024x1024xf32, #tpu.memory_space<vmem>>, vector<1024x1024xf32>
    %dot_general3A_333 = arith.constant dense<0.000000e+00> : vector<528x1024xf32>
    %dot_general3A_334 = tpu.matmul %slice3A_329, %get3A_332, %dot_general3A_333 {dimension_numbers = #tpu.dot_dimension_numbers<[1], [0], [0], [1], [0, 0, 1, 1], [], []>, transpose_lhs_hint = false} : vector<528x1024xf32>, vector<1024x1024xf32>, vector<528x1024xf32> -> vector<528x1024xf32>
    %get3A_335 = arith.constant 0 : index
    %get3A_336 = arith.constant 0 : index
    %get3A_337 = vector.load %arg6[%get3A_335, %get3A_336] : memref<1024x1024xf32, #tpu.memory_space<vmem>>, vector<1024x1024xf32>
    %dot_general3A_338 = arith.constant dense<0.000000e+00> : vector<528x1024xf32>
    %dot_general3A_339 = tpu.matmul %slice3A_329, %get3A_337, %dot_general3A_338 {dimension_numbers = #tpu.dot_dimension_numbers<[1], [0], [0], [1], [0, 0, 1, 1], [], []>, transpose_lhs_hint = false} : vector<528x1024xf32>, vector<1024x1024xf32>, vector<528x1024xf32> -> vector<528x1024xf32>
    %slice3A_340 = vector.extract_strided_slice %dot_general3A_334 {offsets = [0, 0], sizes = [160, 1024], strides = [1, 1]} : vector<528x1024xf32> to vector<160x1024xf32>
    %dot_general3A_341 = arith.constant dense<0.000000e+00> : vector<128x1024xf32>
    %dot_general3A_342 = tpu.matmul %get3A_33, %slice3A_340, %dot_general3A_341 {dimension_numbers = #tpu.dot_dimension_numbers<[1], [0], [0], [1], [0, 0, 1, 1], [], []>, transpose_lhs_hint = false} : vector<128x160xf32>, vector<160x1024xf32>, vector<128x1024xf32> -> vector<128x1024xf32>
    %slice3A_343 = vector.extract_strided_slice %dot_general3A_339 {offsets = [0, 0], sizes = [160, 1024], strides = [1, 1]} : vector<528x1024xf32> to vector<160x1024xf32>
    %dot_general3A_344 = arith.constant dense<0.000000e+00> : vector<128x1024xf32>
    %dot_general3A_345 = tpu.matmul %get3A_33, %slice3A_343, %dot_general3A_344 {dimension_numbers = #tpu.dot_dimension_numbers<[1], [0], [0], [1], [0, 0, 1, 1], [], []>, transpose_lhs_hint = false} : vector<128x160xf32>, vector<160x1024xf32>, vector<128x1024xf32> -> vector<128x1024xf32>
    %slice3A_346 = vector.extract_strided_slice %dot_general3A_334 {offsets = [128, 0], sizes = [160, 1024], strides = [1, 1]} : vector<528x1024xf32> to vector<160x1024xf32>
    %dot_general3A_347 = arith.constant dense<0.000000e+00> : vector<128x1024xf32>
    %dot_general3A_348 = tpu.matmul %get3A_33, %slice3A_346, %dot_general3A_347 {dimension_numbers = #tpu.dot_dimension_numbers<[1], [0], [0], [1], [0, 0, 1, 1], [], []>, transpose_lhs_hint = false} : vector<128x160xf32>, vector<160x1024xf32>, vector<128x1024xf32> -> vector<128x1024xf32>
    %slice3A_349 = vector.extract_strided_slice %dot_general3A_339 {offsets = [128, 0], sizes = [160, 1024], strides = [1, 1]} : vector<528x1024xf32> to vector<160x1024xf32>
    %dot_general3A_350 = arith.constant dense<0.000000e+00> : vector<128x1024xf32>
    %dot_general3A_351 = tpu.matmul %get3A_33, %slice3A_349, %dot_general3A_350 {dimension_numbers = #tpu.dot_dimension_numbers<[1], [0], [0], [1], [0, 0, 1, 1], [], []>, transpose_lhs_hint = false} : vector<128x160xf32>, vector<160x1024xf32>, vector<128x1024xf32> -> vector<128x1024xf32>
    %slice3A_352 = vector.extract_strided_slice %dot_general3A_334 {offsets = [256, 0], sizes = [160, 1024], strides = [1, 1]} : vector<528x1024xf32> to vector<160x1024xf32>
    %dot_general3A_353 = arith.constant dense<0.000000e+00> : vector<128x1024xf32>
    %dot_general3A_354 = tpu.matmul %get3A_33, %slice3A_352, %dot_general3A_353 {dimension_numbers = #tpu.dot_dimension_numbers<[1], [0], [0], [1], [0, 0, 1, 1], [], []>, transpose_lhs_hint = false} : vector<128x160xf32>, vector<160x1024xf32>, vector<128x1024xf32> -> vector<128x1024xf32>
    %slice3A_355 = vector.extract_strided_slice %dot_general3A_339 {offsets = [256, 0], sizes = [160, 1024], strides = [1, 1]} : vector<528x1024xf32> to vector<160x1024xf32>
    %dot_general3A_356 = arith.constant dense<0.000000e+00> : vector<128x1024xf32>
    %dot_general3A_357 = tpu.matmul %get3A_33, %slice3A_355, %dot_general3A_356 {dimension_numbers = #tpu.dot_dimension_numbers<[1], [0], [0], [1], [0, 0, 1, 1], [], []>, transpose_lhs_hint = false} : vector<128x160xf32>, vector<160x1024xf32>, vector<128x1024xf32> -> vector<128x1024xf32>
    %slice3A_358 = vector.extract_strided_slice %dot_general3A_334 {offsets = [368, 0], sizes = [160, 1024], strides = [1, 1]} : vector<528x1024xf32> to vector<160x1024xf32>
    %dot_general3A_359 = arith.constant dense<0.000000e+00> : vector<128x1024xf32>
    %dot_general3A_360 = tpu.matmul %get3A_36, %slice3A_358, %dot_general3A_359 {dimension_numbers = #tpu.dot_dimension_numbers<[1], [0], [0], [1], [0, 0, 1, 1], [], []>, transpose_lhs_hint = false} : vector<128x160xf32>, vector<160x1024xf32>, vector<128x1024xf32> -> vector<128x1024xf32>
    %slice3A_361 = vector.extract_strided_slice %dot_general3A_339 {offsets = [368, 0], sizes = [160, 1024], strides = [1, 1]} : vector<528x1024xf32> to vector<160x1024xf32>
    %dot_general3A_362 = arith.constant dense<0.000000e+00> : vector<128x1024xf32>
    %dot_general3A_363 = tpu.matmul %get3A_36, %slice3A_361, %dot_general3A_362 {dimension_numbers = #tpu.dot_dimension_numbers<[1], [0], [0], [1], [0, 0, 1, 1], [], []>, transpose_lhs_hint = false} : vector<128x160xf32>, vector<160x1024xf32>, vector<128x1024xf32> -> vector<128x1024xf32>
    %concatenate3A_364 = tpu.concatenate %dot_general3A_342, %dot_general3A_348, %dot_general3A_354, %dot_general3A_360 in 0 : vector<128x1024xf32>, vector<128x1024xf32>, vector<128x1024xf32>, vector<128x1024xf32> -> vector<512x1024xf32>
    %concatenate3A_365 = tpu.concatenate %dot_general3A_345, %dot_general3A_351, %dot_general3A_357, %dot_general3A_363 in 0 : vector<128x1024xf32>, vector<128x1024xf32>, vector<128x1024xf32>, vector<128x1024xf32> -> vector<512x1024xf32>
    %slice3A_366 = vector.extract_strided_slice %dot_general3A_334 {offsets = [16, 0], sizes = [512, 1024], strides = [1, 1]} : vector<528x1024xf32> to vector<512x1024xf32>
    %sub3A_367 = arith.subf %slice3A_366, %concatenate3A_364 : vector<512x1024xf32>
    %add3A_368 = vector.broadcast %get3A_6 : vector<1x1024xf32> to vector<512x1024xf32>
    %add3A_369 = arith.addf %sub3A_367, %add3A_368 : vector<512x1024xf32>
    %reduce_sum3A_370 = arith.constant dense<0.000000e+00> : vector<512xf32>
    %reduce_sum3A_371 = vector.multi_reduction <add>, %add3A_369, %reduce_sum3A_370 [1] : vector<512x1024xf32> to vector<512xf32>
    %broadcast_in_dim3A_372 = vector.shape_cast %reduce_sum3A_371 : vector<512xf32> to vector<512x1xf32>
    %div3A_373 = arith.constant 1.024000e+03 : f32
    %div3A_374 = vector.broadcast %div3A_373 : f32 to vector<512x1xf32>
    %div3A_375 = arith.divf %broadcast_in_dim3A_372, %div3A_374 : vector<512x1xf32>
    %sub3A_376 = vector.broadcast %div3A_375 : vector<512x1xf32> to vector<512x1024xf32>
    %sub3A_377 = arith.subf %add3A_369, %sub3A_376 : vector<512x1024xf32>
    %mul3A_378 = arith.mulf %sub3A_377, %sub3A_377 : vector<512x1024xf32>
    %reduce_sum3A_379 = arith.constant dense<0.000000e+00> : vector<512xf32>
    %reduce_sum3A_380 = vector.multi_reduction <add>, %mul3A_378, %reduce_sum3A_379 [1] : vector<512x1024xf32> to vector<512xf32>
    %broadcast_in_dim3A_381 = vector.shape_cast %reduce_sum3A_380 : vector<512xf32> to vector<512x1xf32>
    %div3A_382 = arith.constant 1.024000e+03 : f32
    %div3A_383 = vector.broadcast %div3A_382 : f32 to vector<512x1xf32>
    %div3A_384 = arith.divf %broadcast_in_dim3A_381, %div3A_383 : vector<512x1xf32>
    %add3A_385 = arith.constant 9.99999974E-6 : f32
    %add3A_386 = vector.broadcast %add3A_385 : f32 to vector<512x1xf32>
    %add3A_387 = arith.addf %div3A_384, %add3A_386 : vector<512x1xf32>
    %rsqrt3A_388 = math.rsqrt %add3A_387 : vector<512x1xf32>
    %mul3A_389 = vector.broadcast %rsqrt3A_388 : vector<512x1xf32> to vector<512x1024xf32>
    %mul3A_390 = arith.mulf %sub3A_377, %mul3A_389 : vector<512x1024xf32>
    %mul3A_391 = vector.broadcast %get3A_9 : vector<1x1024xf32> to vector<512x1024xf32>
    %mul3A_392 = arith.mulf %mul3A_390, %mul3A_391 : vector<512x1024xf32>
    %add3A_393 = vector.broadcast %get3A_12 : vector<1x1024xf32> to vector<512x1024xf32>
    %add3A_394 = arith.addf %mul3A_392, %add3A_393 : vector<512x1024xf32>
    %add3A_395 = vector.broadcast %get3A_15 : vector<1x1024xf32> to vector<512x1024xf32>
    %add3A_396 = arith.addf %concatenate3A_365, %add3A_395 : vector<512x1024xf32>
    %reduce_sum3A_397 = arith.constant dense<0.000000e+00> : vector<512xf32>
    %reduce_sum3A_398 = vector.multi_reduction <add>, %add3A_396, %reduce_sum3A_397 [1] : vector<512x1024xf32> to vector<512xf32>
    %broadcast_in_dim3A_399 = vector.shape_cast %reduce_sum3A_398 : vector<512xf32> to vector<512x1xf32>
    %div3A_400 = arith.constant 1.024000e+03 : f32
    %div3A_401 = vector.broadcast %div3A_400 : f32 to vector<512x1xf32>
    %div3A_402 = arith.divf %broadcast_in_dim3A_399, %div3A_401 : vector<512x1xf32>
    %sub3A_403 = vector.broadcast %div3A_402 : vector<512x1xf32> to vector<512x1024xf32>
    %sub3A_404 = arith.subf %add3A_396, %sub3A_403 : vector<512x1024xf32>
    %mul3A_405 = arith.mulf %sub3A_404, %sub3A_404 : vector<512x1024xf32>
    %reduce_sum3A_406 = arith.constant dense<0.000000e+00> : vector<512xf32>
    %reduce_sum3A_407 = vector.multi_reduction <add>, %mul3A_405, %reduce_sum3A_406 [1] : vector<512x1024xf32> to vector<512xf32>
    %broadcast_in_dim3A_408 = vector.shape_cast %reduce_sum3A_407 : vector<512xf32> to vector<512x1xf32>
    %div3A_409 = arith.constant 1.024000e+03 : f32
    %div3A_410 = vector.broadcast %div3A_409 : f32 to vector<512x1xf32>
    %div3A_411 = arith.divf %broadcast_in_dim3A_408, %div3A_410 : vector<512x1xf32>
    %add3A_412 = arith.constant 9.99999974E-6 : f32
    %add3A_413 = vector.broadcast %add3A_412 : f32 to vector<512x1xf32>
    %add3A_414 = arith.addf %div3A_411, %add3A_413 : vector<512x1xf32>
    %rsqrt3A_415 = math.rsqrt %add3A_414 : vector<512x1xf32>
    %mul3A_416 = vector.broadcast %rsqrt3A_415 : vector<512x1xf32> to vector<512x1024xf32>
    %mul3A_417 = arith.mulf %sub3A_404, %mul3A_416 : vector<512x1024xf32>
    %mul3A_418 = vector.broadcast %get3A_18 : vector<1x1024xf32> to vector<512x1024xf32>
    %mul3A_419 = arith.mulf %mul3A_417, %mul3A_418 : vector<512x1024xf32>
    %add3A_420 = vector.broadcast %get3A_21 : vector<1x1024xf32> to vector<512x1024xf32>
    %add3A_421 = arith.addf %mul3A_419, %add3A_420 : vector<512x1024xf32>
    %add3A_422 = arith.addf %add3A_394, %add3A_421 : vector<512x1024xf32>
    %max3A_423 = arith.constant 0.000000e+00 : f32
    %max3A_424 = vector.broadcast %max3A_423 : f32 to vector<512x1024xf32>
    %max3A_425 = arith.maximumf %add3A_422, %max3A_424 : vector<512x1024xf32>
    %dot_general3A_426 = arith.constant dense<0.000000e+00> : vector<512x16xf32>
    %dot_general3A_427 = tpu.matmul %max3A_425, %get3A_24, %dot_general3A_426 {dimension_numbers = #tpu.dot_dimension_numbers<[1], [0], [0], [1], [0, 0, 1, 1], [], []>, transpose_lhs_hint = false} : vector<512x1024xf32>, vector<1024x16xf32>, vector<512x16xf32> -> vector<512x16xf32>
    %add3A_428 = vector.broadcast %get3A_27 : vector<1x16xf32> to vector<512x16xf32>
    %add3A_429 = arith.addf %dot_general3A_427, %add3A_428 : vector<512x16xf32>
    %concatenate3A_430 = tpu.concatenate %add3A_126, %add3A_227, %add3A_328, %add3A_429 in 0 : vector<512x16xf32>, vector<512x16xf32>, vector<512x16xf32>, vector<512x16xf32> -> vector<2048x16xf32>
    %swap3A = arith.constant 0 : index
    %swap3A_431 = arith.constant 0 : index
    %swap3A_432 = vector.load %arg15[%swap3A, %swap3A_431] : memref<2048x16xf32, #tpu.memory_space<vmem>>, vector<2048x16xf32>
    tpu.vector_store %arg15[%swap3A, %swap3A_431], %concatenate3A_430 {strides = array<i32>} : memref<2048x16xf32, #tpu.memory_space<vmem>>, vector<2048x16xf32>,
    return
  }
  func.func @transform_0(%arg0: i32) -> (i32, i32, i32) {
    %c0_i32 = arith.constant 0 : i32
    %c0_i32_0 = arith.constant 0 : i32
    %c0_i32_1 = arith.constant 0 : i32
    return %arg0, %c0_i32, %c0_i32_0 : i32, i32, i32
  }
  func.func @transform_1(%arg0: i32) -> (i32, i32) {
    %c0_i32 = arith.constant 0 : i32
    %c0_i32_0 = arith.constant 0 : i32
    %c0_i32_1 = arith.constant 0 : i32
    return %c0_i32, %c0_i32_0 : i32, i32
  }
  func.func @transform_2(%arg0: i32) -> (i32, i32) {
    %c0_i32 = arith.constant 0 : i32
    %c0_i32_0 = arith.constant 0 : i32
    %c0_i32_1 = arith.constant 0 : i32
    return %c0_i32, %c0_i32_0 : i32, i32
  }
  func.func @transform_3(%arg0: i32) -> (i32, i32) {
    %c0_i32 = arith.constant 0 : i32
    %c0_i32_0 = arith.constant 0 : i32
    %c0_i32_1 = arith.constant 0 : i32
    return %c0_i32, %c0_i32_0 : i32, i32
  }
  func.func @transform_4(%arg0: i32) -> (i32, i32) {
    %c0_i32 = arith.constant 0 : i32
    %c0_i32_0 = arith.constant 0 : i32
    %c0_i32_1 = arith.constant 0 : i32
    return %c0_i32, %c0_i32_0 : i32, i32
  }
  func.func @transform_5(%arg0: i32) -> (i32, i32) {
    %c0_i32 = arith.constant 0 : i32
    %c0_i32_0 = arith.constant 0 : i32
    %c0_i32_1 = arith.constant 0 : i32
    return %c0_i32, %c0_i32_0 : i32, i32
  }
  func.func @transform_6(%arg0: i32) -> (i32, i32) {
    %c0_i32 = arith.constant 0 : i32
    %c0_i32_0 = arith.constant 0 : i32
    %c0_i32_1 = arith.constant 0 : i32
    return %c0_i32, %c0_i32_0 : i32, i32
  }
  func.func @transform_7(%arg0: i32) -> (i32, i32) {
    %c0_i32 = arith.constant 0 : i32
    %c0_i32_0 = arith.constant 0 : i32
    %c0_i32_1 = arith.constant 0 : i32
    return %c0_i32, %c0_i32_0 : i32, i32
  }
  func.func @transform_8(%arg0: i32) -> (i32, i32) {
    %c0_i32 = arith.constant 0 : i32
    %c0_i32_0 = arith.constant 0 : i32
    %c0_i32_1 = arith.constant 0 : i32
    return %c0_i32, %c0_i32_0 : i32, i32
  }
  func.func @transform_9(%arg0: i32) -> (i32, i32) {
    %c0_i32 = arith.constant 0 : i32
    %c0_i32_0 = arith.constant 0 : i32
    %c0_i32_1 = arith.constant 0 : i32
    return %c0_i32, %c0_i32_0 : i32, i32
  }
  func.func @transform_10(%arg0: i32) -> (i32, i32) {
    %c0_i32 = arith.constant 0 : i32
    %c0_i32_0 = arith.constant 0 : i32
    %c0_i32_1 = arith.constant 0 : i32
    return %c0_i32, %c0_i32_0 : i32, i32
  }
  func.func @transform_11(%arg0: i32) -> (i32, i32) {
    %c0_i32 = arith.constant 0 : i32
    %c0_i32_0 = arith.constant 0 : i32
    %c0_i32_1 = arith.constant 0 : i32
    return %c0_i32, %c0_i32_0 : i32, i32
  }
  func.func @transform_12(%arg0: i32) -> (i32, i32) {
    %c0_i32 = arith.constant 0 : i32
    %c0_i32_0 = arith.constant 0 : i32
    %c0_i32_1 = arith.constant 0 : i32
    return %c0_i32, %c0_i32_0 : i32, i32
  }
  func.func @transform_13(%arg0: i32) -> (i32, i32) {
    %c0_i32 = arith.constant 0 : i32
    %c0_i32_0 = arith.constant 0 : i32
    %c0_i32_1 = arith.constant 0 : i32
    return %c0_i32, %c0_i32_0 : i32, i32
  }
  func.func @transform_14(%arg0: i32) -> (i32, i32) {
    %c0_i32 = arith.constant 0 : i32
    %c0_i32_0 = arith.constant 0 : i32
    return %arg0, %c0_i32 : i32, i32
  }
}

</mosaic_0001>

<sc_bundles>
// kernel: kernel.4.cloned.1.call-start
scs
__scs_entry_jumppad:
0x0: {  	(pc) =	sbr.rel $0x88, $3  }
0x1: {  	(tag) =	ssettag $0x0;
	lr =	simm.s32 $0x1  }
0x2: {  	[smem:$0x3F96] =	sst lr;
	_ =	strace $0xD0000000  }
0x3: {  	_ = 	snop  }
0x4: {  	_ = 	snop  }
0x5: {  	_ = 	snop  }
0x6: {  	_ = 	snop  }
0x7: {  	_ = 	snop  }
__scs_overlays_trampoline_lowered:
0x8: {  	[smem:$0x3FA5] =	sst s0  }
0x9: {  	[smem:$0x3FA6] =	sst s1  }
0xa: {  	[smem:$0x3FA7] =	sst s2  }
0xb: {  	[smem:$0x3FA8] =	sst s3  }
0xc: {  	[smem:$0x3FA9] =	sst s4  }
0xd: {  	[smem:$0x3FAA] =	sst s5  }
0xe: {  	[smem:$0x3FAB] =	sst s6  }
0xf: {  	[smem:$0x3FAC] =	sst s7  }
0x10: {  	[smem:$0x3FAD] =	sst s8  }
0x11: {  	[smem:$0x3FAE] =	sst s9;
	s0 =	simm.s32 @!p0 $0x0  }
0x12: {  	s1 =	sld [smem:$0x3F94];
	s0 =	simm.s32 @p0 $0x1  }
0x13: {  	[smem:$0x3FAF] =	sst s0;
	s0 =	simm.s32 @!p1 $0x0  }
0x14: {  	s2 =	sld [smem:$0x3F93];
	s0 =	simm.s32 @p1 $0x1  }
0x15: {  	[smem:$0x3FB0] =	sst s0;
	s0 =	simm.s32 @!p2 $0x0  }
0x16: {  	s3 =	sld [smem:$0x3FDB];
	s0 =	simm.s32 @p2 $0x1  }
0x17: {  	s4 =	simm.s32 $0x1BF5;
	[smem:$0x3FB2] =	sst s0  }
0x18: {  	s0 =	sld [smem:$0x3F95];
	_ =	swait.ge [sflag:s4], $0x0  }
0x19: {  	s7 =	sld [smem:$0x3F96]  }
0x1a: {  	s8 =	sadd.s32 $0xFFFFE003, lr  }
0x1b: {  	s9 =	sadd.s32 $0xFFFFFEF7, lr;
	s5 =	simm.s32 $0xFFFFFFFF;
	p2 =	slt.u32 s8, $0xFFFFF086  }
0x1c: {  	p1 =	slt.u32 s9, $0xF7A;
	s5 =	simm.s32 @!p2 $0x0  }
0x1d: {  	s5 =	simm.s32 @p1 $0x1;
	p0 =	seq.s32 s7, s2  }
0x1e: {  	s7 =	smul.u32 @!p0 $0xF7A, s2;
	p2 =	seq.s32 @!p0 s5, $0x0  }
0x1f: {  	s9 =	smul.u32 $0xF7A, s1;
	s8 =	simm.s32 @!p0 $0x1BF5;
	p2 =	por !p2, p0  }
0x20: {  	[sflag:s8] =	ssyncset.s32 @!p0 $0xFFFFF086;
	s6 =	sadd.s32 @!p0 s3, s7;
	s7 =	simm.s32 @!p0 $0x108  }
0x21: {  	s3 =	sadd.s32 s3, s9;
	s6 =	sadd.s32 @!p0 $0x88, s6;
	s7 =	simm.s32 @p2 $0x1082  }
0x22: {  	[simem:s7], [sflag:s8] =	dma.local @!p0 [hbm:s6], $0xF7A  }
0x23: {  	s9 =	sor.u32 $0xD0000000, s2;
	s6 =	simm.s32 $0x108;
	_ =	swait.ge @!p0 [sflag:s8], $0x0  }
0x24: {  	s3 =	sadd.s32 $0x88, s3;
	s6 =	simm.s32 @!p1 $0x1082;
	[sflag:s4] =	ssyncset.s32 $0xFFFFF086  }
0x25: {  	[simem:s6], [sflag:s4] =	dma.local [hbm:s3], $0xF7A  }
0x26: {  	[smem:$0x3F96] =	sst s1;
	(tag) =	ssettag s2;
	_ =	strace s9  }
0x27: {  	s1 =	sld [smem:$0x3FA6]  }
0x28: {  	s2 =	sld [smem:$0x3FA7]  }
0x29: {  	s4 =	sld [smem:$0x3FA9]  }
0x2a: {  	p0 =	seq.s32 s5, $0x0;
	s5 =	sld [smem:$0x3FAA]  }
0x2b: {  	s6 =	sld [smem:$0x3FAB]  }
0x2c: {  	s7 =	sld [smem:$0x3FAC]  }
0x2d: {  	s3 =	simm.s32 $0x108;
	s8 =	sld [smem:$0x3FAD]  }
0x2e: {  	s3 =	simm.s32 @!p0 $0x1082;
	s9 =	sld [smem:$0x3FAE]  }
0x2f: {  	lr =	sadd.s32 s0, s3;
	s0 =	sld [smem:$0x3FA5]  }
0x30: {  	s3 =	sld [smem:$0x3FA8]  }
0x31: {  	[smem:$0x3FB1] =	sst s10  }
0x32: {  	s10 =	sld [smem:$0x3FAF];
	_ =	sdelay $0x3  }
0x33: {  	p0 =	seq.s32 s10, $0x1;
	s10 =	sld [smem:$0x3FB1];
	_ =	sdelay $0x3  }
0x34: {  	[smem:$0x3FB1] =	sst s10  }
0x35: {  	s10 =	sld [smem:$0x3FB0];
	_ =	sdelay $0x3  }
0x36: {  	p1 =	seq.s32 s10, $0x1;
	s10 =	sld [smem:$0x3FB1];
	_ =	sdelay $0x3  }
0x37: {  	[smem:$0x3FB1] =	sst s10  }
0x38: {  	s10 =	sld [smem:$0x3FB2]  }
0x39: {  	_ = 	snop;
	(pc) =	sbr.ind lr, $3  }
0x3a: {  	_ = 	snop  }
0x3b: {  	_ = 	snop  }
0x3c: {  	p2 =	seq.s32 s10, $0x1;
	s10 =	sld [smem:$0x3FB1]  }
0x3d: {  	_ =	shalt  }
0x3e: {  	_ =	shalt  }
0x3f: {  	_ =	shalt  }
0x40: {  	_ =	shalt  }
0x41: {  	_ =	shalt  }
0x42: {  	_ =	shalt  }
0x43: {  	_ =	shalt  }
0x44: {  	_ =	shalt  }
0x45: {  	_ =	shalt  }
0x46: {  	_ =	shalt  }
0x47: {  	_ =	shalt  }
0x48: {  	_ =	shalt  }
0x49: {  	_ =	shalt  }
0x4a: {  	_ =	shalt  }
0x4b: {  	_ =	shalt  }
0x4c: {  	_ =	shalt  }
0x4d: {  	_ =	shalt  }
0x4e: {  	_ =	shalt  }
0x4f: {  	_ =	shalt  }
0x50: {  	_ =	shalt  }
0x51: {  	_ =	shalt  }
0x52: {  	_ =	shalt  }
0x53: {  	_ =	shalt  }
0x54: {  	_ =	shalt  }
0x55: {  	_ =	shalt  }
0x56: {  	_ =	shalt  }
0x57: {  	_ =	shalt  }
0x58: {  	_ =	shalt  }
0x59: {  	_ =	shalt  }
0x5a: {  	_ =	shalt  }
0x5b: {  	_ =	shalt  }
0x5c: {  	_ =	shalt  }
0x5d: {  	_ =	shalt  }
0x5e: {  	_ =	shalt  }
0x5f: {  	_ =	shalt  }
0x60: {  	_ =	shalt  }
0x61: {  	_ =	shalt  }
0x62: {  	_ =	shalt  }
0x63: {  	_ =	shalt  }
0x64: {  	_ =	shalt  }
0x65: {  	_ =	shalt  }
0x66: {  	_ =	shalt  }
0x67: {  	_ =	shalt  }
0x68: {  	_ =	shalt  }
0x69: {  	_ =	shalt  }
0x6a: {  	_ =	shalt  }
0x6b: {  	_ =	shalt  }
0x6c: {  	_ =	shalt  }
0x6d: {  	_ =	shalt  }
0x6e: {  	_ =	shalt  }
0x6f: {  	_ =	shalt  }
0x70: {  	_ =	shalt  }
0x71: {  	_ =	shalt  }
0x72: {  	_ =	shalt  }
0x73: {  	_ =	shalt  }
0x74: {  	_ =	shalt  }
0x75: {  	_ =	shalt  }
0x76: {  	_ =	shalt  }
0x77: {  	_ =	shalt  }
0x78: {  	_ =	shalt  }
0x79: {  	_ =	shalt  }
0x7a: {  	_ =	shalt  }
0x7b: {  	_ =	shalt  }
0x7c: {  	_ =	shalt  }
0x7d: {  	_ =	shalt  }
0x7e: {  	_ =	shalt  }
0x7f: {  	_ =	shalt  }
0x80: {  	_ =	shalt  }
0x81: {  	_ =	shalt  }
0x82: {  	_ =	shalt  }
0x83: {  	_ =	shalt  }
0x84: {  	_ =	shalt  }
0x85: {  	_ =	shalt  }
0x86: {  	_ =	shalt  }
0x87: {  	_ =	shalt  }
.Lfunc_end0:
.L_simem_size_0:
called_computation_lowered:
.L_overlay_start_0:
0x88: {  	s0 =	sld [smem:$0x3FD9]  }
0x89: {  	s1 =	sld [smem:$0x3FFE];
	_ =	sdelay $0x3  }
0x8a: {  	s0 =	sadd.s32 s1, s0  }
0x8b: {  	[smem:$0x3FBD] =	sst s0  }
0x8c: {  	_ = 	snop  }
0x8d: {  	(tm) =	ssettm $0x1  }
0x8e: {  	s15 =	sld [smem:$0x3FFB];
	_ =	sdelay $0x3  }
0x8f: {  	_ =	strace s15  }
0x90: {  	s0 =	sld [smem:$0x3FFC];
	_ =	sdelay $0x3  }
0x91: {  	_ =	strace s0  }
0x92: {  	s0 =	sld [smem:$0x3FFD];
	_ =	sdelay $0x3  }
0x93: {  	_ =	strace s0  }
0x94: {  	_ =	strace $0x8FFFFFFF  }
0x95: {  	s16 =	sld [smem:$0x3FDB];
	_ =	sdelay $0x1  }
0x96: {  	s17 =	simm.s32 $_scs_section_size  }
0x97: {  	s2 =	simm.s32 $_size__tile_overlayer_lowered;
	s3 =	simm.s32 $_tile_overlayer_lowered  }
0x98: {  	s20 =	simm.s32 $0x1BFF;
	s19 =	sshll.u32 s3, $0x1;
	s0 =	sadd.s32 s17, s16  }
0x99: {  	s4 =	simm.s32 $0x0;
	s18 =	sshll.u32 s2, $0x1;
	s2 =	sadd.s32 s19, s0  }
0x9a: {  	[timem:s4], [sflag:s20] =	dma.local [hbm:s2], s18  }
0x9b: {  	_ =	swait.ge [sflag:s20], s18  }
0x9c: {  	s1 =	ssub.s32 $0x0, s18;
	[sflag:s20] =	ssyncset.done $0x0  }
0x9d: {  	[sflag:s20] =	ssyncadd.s32 s1;
	_ =	sdelay $0x1  }
0x9e: {  	s21 =	simm.s32 $0x1B8B  }
0x9f: {  	_ =	swait.ge [sflag:s21], $0x1  }
0xa0: {  	[sflag:s21] =	ssyncset.done $0x0  }
0xa1: {  	s23 =	simm.s32 $0x1B8E;
	s22 =	sld [smem:$0x3FFE];
	[sflag:s21] =	ssyncadd.s32 $0xFFFFFFFF  }
0xa2: {  	s24 =	simm.s32 $execute0_lowered;
	[smem:$0x3FD2] =	sst s23  }
0xa3: {  	s2 =	sshll.u32 s24, $0x1;
	_ =	strace $0x80000046;
	[dreg:$0x1] =	wrdreg $0xFFFFFFFF  }
0xa4: {  	s25 =	simm.s32 $_size_execute0_lowered;
	s0 =	sadd.s32 s0, s2;
	[dreg:$0x0] =	wrdreg $0x0  }
0xa5: {  	s2 =	sshll.u32 s25, $0x1;
	[dreg:$0x2] =	wrdreg s0  }
0xa6: {  	[dreg:$0x3] =	wrdreg s2  }
0xa7: {  	[dreg:$0x4] =	wrdreg $0xC0  }
0xa8: {  	_ =	task [dreg:s4], $0x5FFFF  }
0xa9: {  	[dreg:$0x1] =	wrdreg $0xFFFFFFFF  }
0xaa: {  	[dreg:$0x0] =	wrdreg $0x60  }
0xab: {  	[dreg:$0x2] =	wrdreg s22  }
0xac: {  	[dreg:$0x3] =	wrdreg $0x169000  }
0xad: {  	[dreg:$0x4] =	wrdreg $0x9  }
0xae: {  	_ =	task.clear_ibuf [dreg:s4], $0x5FFFF;
	_ =	strace $0x90000046  }
0xaf: {  	s26 =	simm.s32 $0x9;
	_ =	strace $0x80000048  }
0xb0: {  	_ =	swait.ge [sflag:s26], $0x1  }
0xb1: {  	[sflag:s26] =	ssyncadd.s32 $0xFFFFFFFF  }
0xb2: {  	_ =	strace $0x90000048  }
0xb3: {  	_ =	sfence  }
0xb4: {  	s28 =	sld [smem:$0x0];
	_ =	sdelay $0x1  }
0xb5: {  	s29 =	srdreg.scid  }
0xb6: {  	s30 =	sshll.u32 s29, $0xD;
	s31 =	sshrl.u32 s29, $0x2  }
0xb7: {  	s1 =	sand.u32 $0x1, s29;
	s2 =	sand.u32 $0x4000, s30;
	s0 =	sadd.s32 s31, s28  }
0xb8: {  	s1 =	sor.u32 s2, s1;
	s0 =	sshll.u32 s0, $0x11  }
0xb9: {  	s0 =	sor.u32 s0, s1  }
0xba: {  	s0 =	sadd.s32 $0x8F2B, s0  }
0xbb: {  	[sflag:s0] =	ssyncadd.remote.s32 $0x1  }
0xbc: {  	_ =	sfence.sel $0xFFFF  }
0xbd: {  	[dreg:$0x0] =	wrdreg $0xFFFFFFFF;
	(pc) =	sbr.abs _section_cstart, $3  }
0xbe: {  	[dreg:$0x1] =	wrdreg $0xFFFFFFFF  }
0xbf: {  	_ =	task.clear_ibuf [dreg:s4], $0x2FFFF;
	_ =	strace $0x9FFFFFFF  }
0xc0: {  	(tm) =	ssettm $0x7FFFFFFF  }
0xc1: {  	_ =	shalt  }
tec
execute0_lowered:
.L_overlay_start_1:
0x0: {  	(tag) =	ssettag $0x1  }
0x1: {  	s1 =	rddreg [dreg:$0x0]  }
0x2: {  	s5 =	rddreg [dreg:$0x1]  }
0x3: {  	s0 =	rddreg [dreg:$0x2];
	s3 =	simm.s32 $0x0;
	s6 =	stileid.u32  }
0x4: {  	[smem:$0x7FF] =	sst s3;
	s4 =	sadd.s32 $0x1C00, s1;
	s2 =	sshll.u32 s6, $0xD  }
0x5: {  	s29 =	simm.s32 $0x1;
	_ =	strace $0x80000047;
	s7 =	sadd.s32 s4, s2  }
0x6: {  	[tilespmem:s3], [sflag:$0x1] =	stream.linear.gather [hbm4b:s7+s3], $0x10000, $0x38;
	[tilespmem:$0x16920] =	vst v63  }
0x7: {  	_ =	swait.ge [sflag:s29], $0x10000  }
0x8: {  	[sflag:s29] =	ssyncset.done $0x0  }
0x9: {  	s30 =	simm.s32 $0x100;
	[sflag:s29] =	ssyncadd.s32 $0xFFFF0000  }
0xa: {  	v2 =	vld [tilespmem:s30+$0xFFFFFF00]  }
0xb: {  	v9 =	vld [tilespmem:s30+$0xFFFFFF80]  }
0xc: {  	v4 =	vld [tilespmem:s30+$0x0]  }
0xd: {  	v7 =	vld [tilespmem:s30+$0x80];
	_ =	sdelay $0x1  }
0xe: {  	(xrf0) =	vmax.scan.msk.f32 $0xffff, v2  }
0xf: {  	(xrf0) =	vmax.scan.msk.f32 $0xffff, v9  }
0x10: {  	(xrf0) =	vmax.scan.msk.f32 $0xffff, v4  }
0x11: {  	(xrf0) =	vmax.scan.msk.f32 $0xffff, v7  }
0x12: {  	s31 =	simm.s32 $0x300  }
0x13: {  	v1 =	vld [tilespmem:s31+$0xFFFFFF00]  }
0x14: {  	v3 =	vld [tilespmem:s31+$0xFFFFFF80];
	v0, _, _ =	vpop (xrf0)  }
0x15: {  	v5 =	vld [tilespmem:s31+$0x0];
	v8, _, _ =	vpop (xrf0)  }
0x16: {  	v6 =	vld [tilespmem:s31+$0x80];
	v10, _, _ =	vpop (xrf0)  }
0x17: {  	v10 =	vbroadcast v10, $0xF;
	v11, _, _ =	vpop (xrf0)  }
0x18: {  	(xrf0) =	vmax.scan.msk.f32 $0xffff, v1;
	v11 =	vbroadcast v11, $0xF  }
0x19: {  	v8 =	vbroadcast v8, $0xF;
	(xrf0) =	vmax.scan.msk.f32 $0xffff, v3;
	vm0 =	veq.f32 v4, v10  }
0x1a: {  	(xrf0) =	vmax.scan.msk.f32 $0xffff, v5;
	v10 =	vbroadcast v0, $0xF;
	vm1 =	veq.f32 v7, v11;
	v11 =	vmctz.xlane vm0  }
0x1b: {  	v0 =	vlaneseq.u32;
	(xrf0) =	vmax.scan.msk.f32 $0xffff, v6;
	vm0 =	veq.f32 v9, v8;
	v8 =	vmctz.xlane vm1  }
0x1c: {  	vm1 =	veq.f32 v2, v10;
	v10 =	vmctz.xlane vm0;
	vm2 =	veq.s32 v11, v0  }
0x1d: {  	v11 =	vmctz.xlane vm1;
	vm3 =	veq.s32 v8, v0;
	v8 =	vsel vm2, $0xFF7FC99E, v4  }
0x1e: {  	v12, _, _ =	vpop (xrf0);
	vm0 =	veq.s32 v10, v0;
	v7 =	vsel vm3, $0xFF7FC99E, v7;
	(xrf0) =	vmax.scan.msk.f32 $0xffff, v8  }
0x1f: {  	v4 =	vimm.f32 $0.0e+00;
	v13, _, _ =	vpop (xrf0);
	vm1 =	veq.s32 v11, v0;
	v10 =	vsel vm0, $0xFF7FC99E, v9;
	(xrf0) =	vmax.scan.msk.f32 $0xffff, v7  }
0x20: {  	v11 =	vbroadcast v12, $0xF;
	v14, _, _ =	vpop (xrf0);
	v12 =	vbroadcast v13, $0xF;
	v9 =	vsel vm1, $0xFF7FC99E, v2;
	(xrf0) =	vmax.scan.msk.f32 $0xffff, v10  }
0x21: {  	s1 =	sadd.s32 $0x21C00, s1;
	s3 =	simm.s32 $0x4;
	s7 =	simm.s32 $0x500;
	vm6 =	vmor vm3, vm2;
	v13 =	vbroadcast v14, $0xF;
	v14, _, _ =	vpop (xrf0);
	v2 =	vimm.f32 $0.0e+00;
	(xrf0) =	vmax.scan.msk.f32 $0xffff, v9  }
.LBB2_1:
0x22: {  	v18 =	vbroadcast v14, $0xF;
	vm0 =	vmor vm6, vm0;
	v15 =	vmovc v1;
	v1 =	vld [tilespmem:s7+$0xFFFFFF00];
	v16 =	vmovc v3;
	v17 =	vmov v6  }
0x23: {  	v3 =	vld [tilespmem:s7+$0xFFFFFF80];
	vm2 =	veq.f32 v15, v11;
	vm3 =	veq.f32 v16, v12;
	vm4 =	veq.f32 v5, v13  }
0x24: {  	v11 =	vld [tilespmem:s7+$0x0];
	v12 =	vmctz.xlane vm2;
	v13 =	vmctz.xlane vm3;
	vm2 =	veq.f32 v17, v18;
	v14, _, _ =	vpop (xrf0)  }
0x25: {  	vm0 =	vmor vm0, vm1;
	v22 =	vmctz.xlane vm4;
	v6 =	vld [tilespmem:s7+$0x80];
	v19 =	vmctz.xlane vm2;
	v20, _, _ =	vpop (xrf0)  }
0x26: {  	v4 =	vsel vm0, $0x3F800000, v4;
	v14 =	vbroadcast v14, $0xF;
	v20 =	vbroadcast v20, $0xF;
	v21, _, _ =	vpop (xrf0)  }
0x27: {  	vm0 =	veq.s32 v13, v0;
	vm2 =	veq.s32 v22, v0;
	(xrf0) =	vmax.scan.msk.f32 $0xffff, v1;
	v13 =	vbroadcast v21, $0xF;
	v18, _, _ =	vpop (xrf0)  }
0x28: {  	vm1 =	veq.f32 v8, v14;
	(xrf0) =	vmax.scan.msk.f32 $0xffff, v3;
	v18 =	vbroadcast v18, $0xF;
	vm3 =	veq.f32 v7, v20  }
0x29: {  	v7 =	vmctz.xlane vm1;
	(xrf0) =	vmax.scan.msk.f32 $0xffff, v11;
	vm4 =	veq.f32 v10, v13;
	v8 =	vmctz.xlane vm3  }
0x2a: {  	s3 =	sadd.s32 $0x4, s3;
	vm3 =	veq.s32 v19, v0;
	(xrf0) =	vmax.scan.msk.f32 $0xffff, v6;
	vm1 =	veq.f32 v9, v18;
	v13 =	vmctz.xlane vm4  }
0x2b: {  	p0 =	slt.u32 s3, $0x1FC;
	v10 =	vmctz.xlane vm1;
	vm1 =	veq.s32 v7, v0;
	vm4 =	veq.s32 v8, v0  }
.Ltmp0:
0x2c: {  	v8 =	vsel vm2, $0xFF7FC99E, v5;
	v5 =	vmovc v11;
	vm5 =	veq.s32 v13, v0;
	vm1 =	vmor vm4, vm1;
	(pc) =	sbr.rel @p0 .LBB2_1-.Ltmp0, $4  }
0x2d: {  	v7 =	vsel vm3, $0xFF7FC99E, v17;
	v9, _, _ =	vpop (xrf0);
	(xrf0) =	vmax.scan.msk.f32 $0xffff, v8;
	vm4 =	veq.s32 v10, v0;
	vm5 =	vmor vm1, vm5  }
0x2e: {  	vm1 =	veq.s32 v12, v0;
	v10 =	vsel vm0, $0xFF7FC99E, v16;
	v13, _, _ =	vpop (xrf0);
	(xrf0) =	vmax.scan.msk.f32 $0xffff, v7;
	vm4 =	vmor vm5, vm4  }
0x2f: {  	v11 =	vbroadcast v9, $0xF;
	v9 =	vsel vm1, $0xFF7FC99E, v15;
	v14, _, _ =	vpop (xrf0);
	(xrf0) =	vmax.scan.msk.f32 $0xffff, v10;
	v2 =	vsel vm4, $0x3F800000, v2  }
0x30: {  	s7 =	sadd.s32 $0x200, s7;
	vm6 =	vmor vm3, vm2;
	v12 =	vbroadcast v13, $0xF;
	v13 =	vbroadcast v14, $0xF;
	v14, _, _ =	vpop (xrf0);
	(xrf0) =	vmax.scan.msk.f32 $0xffff, v9  }
0x31: {  	v14 =	vbroadcast v14, $0xF  }
0x32: {  	vm2 =	veq.f32 v5, v13  }
0x33: {  	vm4 =	veq.f32 v6, v14;
	v48 =	vmctz.xlane vm2  }
0x34: {  	vm3 =	veq.f32 v1, v11;
	vm12 =	veq.f32 v3, v12;
	v14 =	vmctz.xlane vm4  }
0x35: {  	v49 =	vmctz.xlane vm3;
	v15 =	vmctz.xlane vm12;
	vm3 =	veq.s32 v48, v0  }
0x36: {  	vm0 =	vmor vm6, vm0;
	v50, _, _ =	vpop (xrf0);
	vm5 =	veq.s32 v14, v0;
	v52 =	vsel vm3, $0xFF7FC99E, v5  }
0x37: {  	v16, _, _ =	vpop (xrf0);
	v13 =	vbroadcast v50, $0xF;
	vm2 =	veq.s32 v15, v0;
	v54 =	vsel vm5, $0xFF7FC99E, v6;
	(xrf0) =	vmax.scan.msk.f32 $0xffff, v52  }
0x38: {  	vm4 =	veq.s32 v49, v0;
	v51 =	vbroadcast v16, $0xF;
	v53, _, _ =	vpop (xrf0);
	v3 =	vsel vm2, $0xFF7FC99E, v3;
	(xrf0) =	vmax.scan.msk.f32 $0xffff, v54  }
0x39: {  	v1 =	vsel vm4, $0xFF7FC99E, v1;
	vm7 =	veq.f32 v8, v13;
	v8 =	vbroadcast v53, $0xF;
	v55, _, _ =	vpop (xrf0);
	(xrf0) =	vmax.scan.msk.f32 $0xffff, v3  }
0x3a: {  	vm0 =	vmor vm0, vm1;
	vm8 =	veq.f32 v7, v51;
	v56 =	vmctz.xlane vm7;
	(xrf0) =	vmax.scan.msk.f32 $0xffff, v1  }
0x3b: {  	v7 =	vbroadcast v55, $0xF;
	vm13 =	veq.f32 v10, v8;
	v57 =	vmctz.xlane vm8  }
0x3c: {  	v4 =	vsel vm0, $0x3F800000, v4;
	v10 =	vmctz.xlane vm13  }
0x3d: {  	vm14 =	veq.f32 v9, v7;
	vm15 =	veq.s32 v56, v0;
	vm8 =	veq.s32 v57, v0;
	v58, _, _ =	vpop (xrf0)  }
0x3e: {  	vm3 =	vmor vm5, vm3;
	v7 =	vmctz.xlane vm14;
	vm10 =	vmor vm8, vm15;
	v59, _, _ =	vpop (xrf0)  }
0x3f: {  	vm11 =	veq.s32 v10, v0;
	v60 =	vbroadcast v58, $0xF;
	v61 =	vbroadcast v59, $0xF;
	v62, _, _ =	vpop (xrf0)  }
0x40: {  	vm12 =	vmor vm10, vm11;
	vm13 =	veq.s32 v7, v0;
	v9 =	vbroadcast v62, $0xF;
	v63, _, _ =	vpop (xrf0)  }
0x41: {  	vm14 =	veq.f32 v52, v60;
	v10 =	vbroadcast v63, $0xF;
	vm15 =	veq.f32 v54, v61  }
0x42: {  	v5 =	vmctz.xlane vm14;
	v6 =	vmctz.xlane vm15;
	vm9 =	veq.f32 v3, v9  }
0x43: {  	vm0 =	vmor vm12, vm13;
	vm10 =	veq.f32 v1, v10;
	v1 =	vmctz.xlane vm9  }
0x44: {  	vm11 =	veq.s32 v5, v0;
	v3 =	vmctz.xlane vm10;
	vm12 =	veq.s32 v6, v0  }
0x45: {  	vm2 =	vmor vm3, vm2;
	vm13 =	veq.s32 v1, v0;
	vm1 =	vmor vm12, vm11  }
0x46: {  	vm2 =	vmor vm2, vm4;
	vm14 =	veq.s32 v3, v0;
	vm1 =	vmor vm1, vm13  }
0x47: {  	v1 =	vsel vm2, $0x3F800000, v4;
	v0 =	vsel vm0, $0x3F800000, v2;
	vm15 =	vmor vm1, vm14  }
0x48: {  	s3 =	sshll.u32 s6, $0x8;
	[tilespmem:$0x10000] =	vst v1;
	v0 =	vsel vm15, $0x3F800000, v0  }
0x49: {  	s7 =	simm.s32 $0x10000;
	s31 =	simm.s32 $0x1;
	s3 =	sadd.s32 s3, s5;
	[tilespmem:$0x10080] =	vst v0  }
0x4a: {  	[spmem:s3] =	stream.linear.scatter [tilespmem:s7], [sflag:$0x1], $0x100, $0x38;
	[tilespmem:$0x16920] =	vst v63  }
0x4b: {  	_ =	swait.ge [sflag:s31], $0x100  }
0x4c: {  	[sflag:s31] =	ssyncset.done $0x0  }
0x4d: {  	v0 =	vimm.f32 $0.0e+00;
	s3 =	simm.s32 $0x12B00;
	[sflag:s31] =	ssyncadd.s32 $0xFFFFFF00  }
0x4e: {  	[tilespmem:s3+$0xFFFFFE00] =	vst v0  }
0x4f: {  	[tilespmem:s3+$0x180] =	vst v0  }
0x50: {  	[tilespmem:s3+$0x100] =	vst v0  }
0x51: {  	[tilespmem:s3+$0x80] =	vst v0  }
0x52: {  	[tilespmem:s3+$0x0] =	vst v0  }
0x53: {  	[tilespmem:s3+$0xFFFFFF80] =	vst v0  }
0x54: {  	s7 =	simm.s32 $0x0;
	[tilespmem:s3+$0xFFFFFF00] =	vst v0  }
.LBB2_3:
0x55: {  	s7 =	sadd.s32 $0x8, s7;
	[tilespmem:s3+$0xFFFFFE80] =	vst v0;
	s3 =	sadd.s32 $0x400, s3  }
0x56: {  	[tilespmem:s3+$0xFFFFFE00] =	vst v0;
	p0 =	slt.u32 s7, $0x78  }
0x57: {  	[tilespmem:s3+$0x180] =	vst v0  }
.Ltmp1:
0x58: {  	[tilespmem:s3+$0x100] =	vst v0;
	(pc) =	sbr.rel @p0 .LBB2_3-.Ltmp1, $4  }
0x59: {  	[tilespmem:s3+$0x80] =	vst v0  }
0x5a: {  	[tilespmem:s3+$0x0] =	vst v0  }
0x5b: {  	[tilespmem:s3+$0xFFFFFF80] =	vst v0  }
0x5c: {  	[tilespmem:s3+$0xFFFFFF00] =	vst v0  }
0x5d: {  	s7 =	sadd.s32 s1, s2  }
0x5e: {  	[tilespmem:s3+$0xFFFFFE80] =	vst v0;
	s2 =	simm.s32 $0x0;
	s8 =	simm.s32 $0x12900;
	s3 =	simm.s32 $0x1  }
0x5f: {  	[hbm4b:s7+s2] =	stream.linear.scatter [tilespmem:s8], [sflag:$0x1], $0x4000, $0x38;
	[tilespmem:$0x16920] =	vst v63  }
0x60: {  	_ =	swait.ge [sflag:s3], $0x4000  }
0x61: {  	[sflag:s3] =	ssyncset.done $0x0  }
0x62: {  	s9 =	sadd.s32 $0x800, s7;
	[sflag:s3] =	ssyncadd.s32 $0xFFFFC000  }
0x63: {  	[hbm4b:s9+s2] =	stream.linear.scatter [tilespmem:s8], [sflag:$0x1], $0x4000, $0x38;
	[tilespmem:$0x16920] =	vst v63  }
0x64: {  	_ =	swait.ge [sflag:s3], $0x4000  }
0x65: {  	[sflag:s3] =	ssyncset.done $0x0  }
0x66: {  	s31 =	sadd.s32 $0x1000, s7;
	[sflag:s3] =	ssyncadd.s32 $0xFFFFC000  }
0x67: {  	[hbm4b:s31+s2] =	stream.linear.scatter [tilespmem:s8], [sflag:$0x1], $0x4000, $0x38;
	[tilespmem:$0x16920] =	vst v63  }
0x68: {  	_ =	swait.ge [sflag:s3], $0x4000  }
0x69: {  	[sflag:s3] =	ssyncset.done $0x0  }
0x6a: {  	s7 =	sadd.s32 $0x1800, s7;
	[sflag:s3] =	ssyncadd.s32 $0xFFFFC000  }
0x6b: {  	[hbm4b:s7+s2] =	stream.linear.scatter [tilespmem:s8], [sflag:$0x1], $0x4000, $0x38;
	[tilespmem:$0x16920] =	vst v63  }
0x6c: {  	_ =	swait.ge [sflag:s3], $0x4000  }
0x6d: {  	[sflag:s3] =	ssyncset.done $0x0  }
0x6e: {  	[sflag:s3] =	ssyncadd.s32 $0xFFFFC000  }
0x6f: {  	p0 =	sne.s32 s6, $0x0;
	[bflag:$0x0] =	sbarrier.arrive $0xFFFF  }
0x70: {  	_ =	sfence.sel @p0 $0x180000  }
0x71: {  	[bflag:$0x0] =	sbarrier.arrive @p0 $0xFFFF  }
0x72: {  	_ =	strace @p0 $0x90000047  }
0x73: {  	[bflag:$0x2] =	sbarrier.arrive @p0 $0xFFFF  }
0x74: {  	_ =	shalt @p0  }
.LBB2_5:
0x75: {  	s6 =	simm.s32 $0x10100  }
0x76: {  	[tilespmem:s6], [sflag:$0x1] =	stream.linear.gather [spmem:s5], $0x1000, $0x38;
	[tilespmem:$0x16920] =	vst v63  }
0x77: {  	_ =	swait.ge [sflag:s3], $0x1000  }
0x78: {  	[sflag:s3] =	ssyncset.done $0x0  }
0x79: {  	[sflag:s3] =	ssyncadd.s32 $0xFFFFF000  }
0x7a: {  	v0 =	vld [tilespmem:$0x10180]  }
0x7b: {  	v58 =	vld [tilespmem:$0x10280]  }
0x7c: {  	v59 =	vld [tilespmem:$0x10380]  }
0x7d: {  	v60 =	vld [tilespmem:$0x10480]  }
0x7e: {  	v61 =	vld [tilespmem:$0x10100]  }
0x7f: {  	v7 =	vld [tilespmem:$0x10200]  }
0x80: {  	s23 =	simm.s32 $0x11100;
	v62 =	vld [tilespmem:$0x10300]  }
0x81: {  	v63 =	vld [tilespmem:$0x10400];
	[tilespmem:s23], [sflag:$0x1] =	stream.linear.gather [hbm4b:s4+s2], $0x800, $0x38  }
0x82: {  	[tilespmem:$0x1FFA0] =	vst v0  }
0x83: {  	[tilespmem:$0x1FFB0] =	vst v58  }
0x84: {  	[tilespmem:$0x1FFD0] =	vst v59  }
0x85: {  	[tilespmem:$0x1FFF0] =	vst v60  }
0x86: {  	[tilespmem:$0x1FF90] =	vst v61  }
0x87: {  	[tilespmem:$0x1FFC0] =	vst v62  }
0x88: {  	[tilespmem:$0x1FFE0] =	vst v63  }
0x89: {  	_ =	swait.ge [sflag:s3], $0x800  }
0x8a: {  	[sflag:s3] =	ssyncset.done $0x0  }
0x8b: {  	[sflag:s3] =	ssyncadd.s32 $0xFFFFF800  }
0x8c: {  	v8 =	vld [tilespmem:$0x11100];
	_ =	sdelay $0x4  }
0x8d: {  	(xrf0) =	vmax.scan.msk.f32 $0xffff, v8;
	_ =	sdelay $0x5  }
0x8e: {  	v9, _, _ =	vpop (xrf0)  }
0x8f: {  	v9 =	vbroadcast v9, $0xF;
	_ =	sdelay $0x1  }
0x90: {  	v8 =	vsub.f32 v8, v9;
	_ =	sdelay $0x1  }
0x91: {  	v8 =	vmul.f32 $1.442695020e+00, v8;
	_ =	sdelay $0x1  }
0x92: {  	(erf) = vpow2.f32 v8;
	_ =	sdelay $0x5  }
0x93: {  	v2 =	vld [tilespmem:$0x11180];
	_ =	sdelay $0x2  }
0x94: {  	v8 =	vpop (erf)  }
0x95: {  	(xrf2) =	vadd.scan.msk.f32 $0xffff, v8  }
0x96: {  	(xrf0) =	vmax.scan.msk.f32 $0xffff, v2;
	_ =	sdelay $0x5  }
0x97: {  	v10, _, _ =	vpop (xrf0)  }
0x98: {  	v10 =	vbroadcast v10, $0xF;
	_ =	sdelay $0x1  }
0x99: {  	v9 =	vsub.f32 v2, v10;
	v11, _, _ =	vpop (xrf2)  }
0x9a: {  	v3 =	vbroadcast v11, $0xF  }
0x9b: {  	v9 =	vmul.f32 $1.442695020e+00, v9  }
0x9c: {  	(erf) = vrcp.f32 v3  }
0x9d: {  	(erf) = vpow2.f32 v9;
	_ =	sdelay $0x5  }
0x9e: {  	v4 =	vld [tilespmem:$0x11200];
	_ =	sdelay $0x1  }
0x9f: {  	v6 =	vpop (erf)  }
0xa0: {  	v5 =	vpop (erf)  }
0xa1: {  	(xrf2) =	vadd.scan.msk.f32 $0xffff, v5  }
0xa2: {  	(xrf0) =	vmax.scan.msk.f32 $0xffff, v4;
	_ =	sdelay $0x5  }
0xa3: {  	v12, _, _ =	vpop (xrf0)  }
0xa4: {  	v12 =	vbroadcast v12, $0xF;
	_ =	sdelay $0x1  }
0xa5: {  	v11 =	vsub.f32 v4, v12;
	v13, _, _ =	vpop (xrf2)  }
0xa6: {  	v32 =	vbroadcast v13, $0xF  }
0xa7: {  	v11 =	vmul.f32 $1.442695020e+00, v11  }
0xa8: {  	(erf) = vrcp.f32 v32  }
0xa9: {  	(erf) = vpow2.f32 v11;
	_ =	sdelay $0x5  }
0xaa: {  	v33 =	vld [tilespmem:$0x11280];
	_ =	sdelay $0x1  }
0xab: {  	v12 =	vpop (erf)  }
0xac: {  	v11 =	vpop (erf)  }
0xad: {  	(xrf2) =	vadd.scan.msk.f32 $0xffff, v11  }
0xae: {  	(xrf0) =	vmax.scan.msk.f32 $0xffff, v33;
	_ =	sdelay $0x5  }
0xaf: {  	v14, _, _ =	vpop (xrf0)  }
0xb0: {  	v14 =	vbroadcast v14, $0xF;
	_ =	sdelay $0x1  }
0xb1: {  	v13 =	vsub.f32 v33, v14;
	v15, _, _ =	vpop (xrf2)  }
0xb2: {  	v34 =	vbroadcast v15, $0xF  }
0xb3: {  	v13 =	vmul.f32 $1.442695020e+00, v13  }
0xb4: {  	(erf) = vrcp.f32 v34  }
0xb5: {  	(erf) = vpow2.f32 v13;
	_ =	sdelay $0x5  }
0xb6: {  	v35 =	vld [tilespmem:$0x11300];
	_ =	sdelay $0x1  }
0xb7: {  	v14 =	vpop (erf)  }
0xb8: {  	v13 =	vpop (erf)  }
0xb9: {  	(xrf2) =	vadd.scan.msk.f32 $0xffff, v13  }
0xba: {  	(xrf0) =	vmax.scan.msk.f32 $0xffff, v35;
	_ =	sdelay $0x5  }
0xbb: {  	v16, _, _ =	vpop (xrf0)  }
0xbc: {  	v16 =	vbroadcast v16, $0xF;
	_ =	sdelay $0x1  }
0xbd: {  	v15 =	vsub.f32 v35, v16;
	v17, _, _ =	vpop (xrf2)  }
0xbe: {  	v36 =	vbroadcast v17, $0xF  }
0xbf: {  	v15 =	vmul.f32 $1.442695020e+00, v15  }
0xc0: {  	(erf) = vrcp.f32 v36  }
0xc1: {  	(erf) = vpow2.f32 v15;
	_ =	sdelay $0x5  }
0xc2: {  	v37 =	vld [tilespmem:$0x11380];
	_ =	sdelay $0x1  }
0xc3: {  	v16 =	vpop (erf)  }
0xc4: {  	v15 =	vpop (erf)  }
0xc5: {  	(xrf2) =	vadd.scan.msk.f32 $0xffff, v15  }
0xc6: {  	(xrf0) =	vmax.scan.msk.f32 $0xffff, v37;
	_ =	sdelay $0x5  }
0xc7: {  	v18, _, _ =	vpop (xrf0)  }
0xc8: {  	v18 =	vbroadcast v18, $0xF;
	_ =	sdelay $0x1  }
0xc9: {  	v17 =	vsub.f32 v37, v18;
	v19, _, _ =	vpop (xrf2)  }
0xca: {  	v38 =	vbroadcast v19, $0xF  }
0xcb: {  	v17 =	vmul.f32 $1.442695020e+00, v17  }
0xcc: {  	(erf) = vrcp.f32 v38  }
0xcd: {  	(erf) = vpow2.f32 v17;
	_ =	sdelay $0x5  }
0xce: {  	v39 =	vld [tilespmem:$0x11400];
	_ =	sdelay $0x1  }
0xcf: {  	v18 =	vpop (erf)  }
0xd0: {  	v17 =	vpop (erf)  }
0xd1: {  	(xrf2) =	vadd.scan.msk.f32 $0xffff, v17  }
0xd2: {  	(xrf0) =	vmax.scan.msk.f32 $0xffff, v39;
	_ =	sdelay $0x5  }
0xd3: {  	v20, _, _ =	vpop (xrf0)  }
0xd4: {  	v20 =	vbroadcast v20, $0xF;
	_ =	sdelay $0x1  }
0xd5: {  	v19 =	vsub.f32 v39, v20;
	v21, _, _ =	vpop (xrf2)  }
0xd6: {  	v40 =	vbroadcast v21, $0xF  }
0xd7: {  	v19 =	vmul.f32 $1.442695020e+00, v19  }
0xd8: {  	(erf) = vrcp.f32 v40  }
0xd9: {  	(erf) = vpow2.f32 v19;
	_ =	sdelay $0x5  }
0xda: {  	v41 =	vld [tilespmem:$0x11480];
	_ =	sdelay $0x1  }
0xdb: {  	v20 =	vpop (erf)  }
0xdc: {  	v19 =	vpop (erf)  }
0xdd: {  	(xrf2) =	vadd.scan.msk.f32 $0xffff, v19  }
0xde: {  	(xrf0) =	vmax.scan.msk.f32 $0xffff, v41;
	_ =	sdelay $0x5  }
0xdf: {  	v22, _, _ =	vpop (xrf0)  }
0xe0: {  	v22 =	vbroadcast v22, $0xF;
	_ =	sdelay $0x1  }
0xe1: {  	v21 =	vsub.f32 v41, v22;
	v23, _, _ =	vpop (xrf2)  }
0xe2: {  	v42 =	vbroadcast v23, $0xF  }
0xe3: {  	v21 =	vmul.f32 $1.442695020e+00, v21  }
0xe4: {  	(erf) = vrcp.f32 v42  }
0xe5: {  	(erf) = vpow2.f32 v21;
	_ =	sdelay $0x5  }
0xe6: {  	v43 =	vld [tilespmem:$0x11500];
	_ =	sdelay $0x1  }
0xe7: {  	v22 =	vpop (erf)  }
0xe8: {  	v44 =	vpop (erf)  }
0xe9: {  	(xrf2) =	vadd.scan.msk.f32 $0xffff, v44  }
0xea: {  	(xrf0) =	vmax.scan.msk.f32 $0xffff, v43;
	_ =	sdelay $0x5  }
0xeb: {  	v24, _, _ =	vpop (xrf0)  }
0xec: {  	v24 =	vbroadcast v24, $0xF;
	_ =	sdelay $0x1  }
0xed: {  	v21 =	vsub.f32 v43, v24;
	v25, _, _ =	vpop (xrf2)  }
0xee: {  	v45 =	vbroadcast v25, $0xF  }
0xef: {  	v21 =	vmul.f32 $1.442695020e+00, v21  }
0xf0: {  	(erf) = vrcp.f32 v45  }
0xf1: {  	(erf) = vpow2.f32 v21;
	_ =	sdelay $0x5  }
0xf2: {  	v46 =	vld [tilespmem:$0x11580];
	_ =	sdelay $0x1  }
0xf3: {  	v24 =	vpop (erf)  }
0xf4: {  	v47 =	vpop (erf)  }
0xf5: {  	(xrf2) =	vadd.scan.msk.f32 $0xffff, v47  }
0xf6: {  	(xrf0) =	vmax.scan.msk.f32 $0xffff, v46;
	_ =	sdelay $0x5  }
0xf7: {  	v26, _, _ =	vpop (xrf0)  }
0xf8: {  	v26 =	vbroadcast v26, $0xF;
	_ =	sdelay $0x1  }
0xf9: {  	v21 =	vsub.f32 v46, v26;
	v27, _, _ =	vpop (xrf2)  }
0xfa: {  	v48 =	vbroadcast v27, $0xF  }
0xfb: {  	v21 =	vmul.f32 $1.442695020e+00, v21  }
0xfc: {  	(erf) = vrcp.f32 v48  }
0xfd: {  	(erf) = vpow2.f32 v21;
	_ =	sdelay $0x5  }
0xfe: {  	v49 =	vld [tilespmem:$0x11600];
	_ =	sdelay $0x1  }
0xff: {  	v26 =	vpop (erf)  }
0x100: {  	v50 =	vpop (erf)  }
0x101: {  	(xrf2) =	vadd.scan.msk.f32 $0xffff, v50  }
0x102: {  	(xrf0) =	vmax.scan.msk.f32 $0xffff, v49;
	_ =	sdelay $0x5  }
0x103: {  	v28, _, _ =	vpop (xrf0)  }
0x104: {  	v28 =	vbroadcast v28, $0xF;
	_ =	sdelay $0x1  }
0x105: {  	v21 =	vsub.f32 v49, v28;
	v29, _, _ =	vpop (xrf2)  }
0x106: {  	v51 =	vbroadcast v29, $0xF  }
0x107: {  	v21 =	vmul.f32 $1.442695020e+00, v21  }
0x108: {  	(erf) = vrcp.f32 v51  }
0x109: {  	(erf) = vpow2.f32 v21;
	_ =	sdelay $0x5  }
0x10a: {  	v52 =	vld [tilespmem:$0x11680];
	_ =	sdelay $0x1  }
0x10b: {  	v28 =	vpop (erf)  }
0x10c: {  	v53 =	vpop (erf)  }
0x10d: {  	(xrf2) =	vadd.scan.msk.f32 $0xffff, v53  }
0x10e: {  	(xrf0) =	vmax.scan.msk.f32 $0xffff, v52;
	_ =	sdelay $0x5  }
0x10f: {  	v30, _, _ =	vpop (xrf0)  }
0x110: {  	v30 =	vbroadcast v30, $0xF;
	_ =	sdelay $0x1  }
0x111: {  	v21 =	vsub.f32 v52, v30;
	v31, _, _ =	vpop (xrf2)  }
0x112: {  	v54 =	vbroadcast v31, $0xF  }
0x113: {  	v21 =	vmul.f32 $1.442695020e+00, v21  }
0x114: {  	(erf) = vrcp.f32 v54  }
0x115: {  	(erf) = vpow2.f32 v21;
	_ =	sdelay $0x5  }
0x116: {  	v55 =	vld [tilespmem:$0x11700];
	_ =	sdelay $0x1  }
0x117: {  	v30 =	vpop (erf)  }
0x118: {  	v56 =	vpop (erf)  }
0x119: {  	(xrf2) =	vadd.scan.msk.f32 $0xffff, v56  }
0x11a: {  	(xrf0) =	vmax.scan.msk.f32 $0xffff, v55;
	_ =	sdelay $0x5  }
0x11b: {  	v32, _, _ =	vpop (xrf0)  }
0x11c: {  	v32 =	vbroadcast v32, $0xF;
	_ =	sdelay $0x1  }
0x11d: {  	v21 =	vsub.f32 v55, v32;
	v33, _, _ =	vpop (xrf2)  }
0x11e: {  	v57 =	vbroadcast v33, $0xF  }
0x11f: {  	v21 =	vmul.f32 $1.442695020e+00, v21  }
0x120: {  	(erf) = vrcp.f32 v57  }
0x121: {  	(erf) = vpow2.f32 v21;
	_ =	sdelay $0x5  }
0x122: {  	v58 =	vld [tilespmem:$0x11780];
	_ =	sdelay $0x1  }
0x123: {  	v32 =	vpop (erf)  }
0x124: {  	v59 =	vpop (erf)  }
0x125: {  	(xrf2) =	vadd.scan.msk.f32 $0xffff, v59  }
0x126: {  	(xrf0) =	vmax.scan.msk.f32 $0xffff, v58;
	_ =	sdelay $0x5  }
0x127: {  	v34, _, _ =	vpop (xrf0)  }
0x128: {  	v34 =	vbroadcast v34, $0xF;
	_ =	sdelay $0x1  }
0x129: {  	v21 =	vsub.f32 v58, v34;
	v35, _, _ =	vpop (xrf2)  }
0x12a: {  	v60 =	vbroadcast v35, $0xF  }
0x12b: {  	v21 =	vmul.f32 $1.442695020e+00, v21  }
0x12c: {  	(erf) = vrcp.f32 v60  }
0x12d: {  	(erf) = vpow2.f32 v21;
	_ =	sdelay $0x5  }
0x12e: {  	v61 =	vld [tilespmem:$0x11800];
	_ =	sdelay $0x1  }
0x12f: {  	v34 =	vpop (erf)  }
0x130: {  	v62 =	vpop (erf)  }
0x131: {  	(xrf2) =	vadd.scan.msk.f32 $0xffff, v62  }
0x132: {  	(xrf0) =	vmax.scan.msk.f32 $0xffff, v61;
	_ =	sdelay $0x5  }
0x133: {  	v36, _, _ =	vpop (xrf0)  }
0x134: {  	v36 =	vbroadcast v36, $0xF;
	_ =	sdelay $0x1  }
0x135: {  	v21 =	vsub.f32 v61, v36;
	v37, _, _ =	vpop (xrf2)  }
0x136: {  	v63 =	vbroadcast v37, $0xF  }
0x137: {  	v21 =	vmul.f32 $1.442695020e+00, v21  }
0x138: {  	(erf) = vrcp.f32 v63  }
0x139: {  	(erf) = vpow2.f32 v21;
	_ =	sdelay $0x5  }
0x13a: {  	v0 =	vld [tilespmem:$0x11880];
	_ =	sdelay $0x1  }
0x13b: {  	v36 =	vpop (erf)  }
0x13c: {  	v1 =	vpop (erf)  }
0x13d: {  	(xrf2) =	vadd.scan.msk.f32 $0xffff, v1  }
0x13e: {  	(xrf0) =	vmax.scan.msk.f32 $0xffff, v0;
	_ =	sdelay $0x5  }
0x13f: {  	v38, _, _ =	vpop (xrf0)  }
0x140: {  	v38 =	vbroadcast v38, $0xF;
	_ =	sdelay $0x1  }
0x141: {  	v21 =	vsub.f32 v0, v38;
	v39, _, _ =	vpop (xrf2)  }
0x142: {  	v2 =	vbroadcast v39, $0xF  }
0x143: {  	v21 =	vmul.f32 $1.442695020e+00, v21  }
0x144: {  	(erf) = vrcp.f32 v2  }
0x145: {  	(erf) = vpow2.f32 v21;
	_ =	sdelay $0x7  }
0x146: {  	v3 =	vpop (erf)  }
0x147: {  	v4 =	vpop (erf)  }
0x148: {  	(xrf2) =	vadd.scan.msk.f32 $0xffff, v4;
	_ =	sdelay $0x7  }
0x149: {  	v8 =	vmul.f32 v6, v8  }
0x14a: {  	v5 =	vmul.f32 v12, v5  }
0x14b: {  	[tilespmem:$0x11900] =	vst v8;
	v12 =	vmul.f32 v14, v11;
	v14, _, _ =	vpop (xrf2)  }
0x14c: {  	[tilespmem:$0x11980] =	vst v5;
	v16 =	vmul.f32 v16, v13;
	v10 =	vbroadcast v14, $0xF  }
0x14d: {  	[tilespmem:$0x11A00] =	vst v12;
	v18 =	vmul.f32 v18, v15  }
0x14e: {  	[tilespmem:$0x11A80] =	vst v16;
	v20 =	vmul.f32 v20, v17;
	(erf) = vrcp.f32 v10  }
0x14f: {  	[tilespmem:$0x11B00] =	vst v18;
	v22 =	vmul.f32 v22, v19  }
0x150: {  	[tilespmem:$0x11B80] =	vst v20;
	v24 =	vmul.f32 v24, v44  }
0x151: {  	[tilespmem:$0x11C00] =	vst v22;
	v26 =	vmul.f32 v26, v47  }
0x152: {  	[tilespmem:$0x11C80] =	vst v24;
	v27 =	vmul.f32 v28, v50  }
0x153: {  	v11 =	vld [tilespmem:$0x10780];
	[tilespmem:$0x11D00] =	vst v26;
	v28 =	vmul.f32 v30, v53  }
0x154: {  	v12 =	vld [tilespmem:$0x10800];
	[tilespmem:$0x11D80] =	vst v27;
	v30 =	vlaneseq.u32;
	v29 =	vmul.f32 v32, v56  }
0x155: {  	v13 =	vld [tilespmem:$0x10580];
	v8 =	vmul.u32 $0x80, v30;
	[tilespmem:$0x11E00] =	vst v28;
	v31 =	vmul.f32 v34, v59  }
0x156: {  	v15 =	vld [tilespmem:$0x10680];
	[tilespmem:$0x11E80] =	vst v29;
	v32 =	vmul.f32 v36, v62  }
0x157: {  	v17 =	vld [tilespmem:$0x10500];
	v9 =	vor.u32 $0x1, v8;
	[tilespmem:$0x11F00] =	vst v31;
	v33 =	vmul.f32 v3, v1;
	v34 =	vpop (erf)  }
0x158: {  	v19 =	vld [tilespmem:$0x10600];
	[tilespmem:$0x11F80] =	vst v32;
	v35 =	vmul.f32 v34, v4  }
0x159: {  	[tilespmem:$0x12000] =	vst v33;
	v14 =	vld [tilespmem:$0x10700]  }
0x15a: {  	s24 =	simm.s32 $0x11900;
	v10 =	vld [tilespmem:$0x10880];
	[tilespmem:$0x12080] =	vst v35  }
0x15b: {  	s7 =	sadd.s32 $0x8000, s4;
	v18 =	vld.idx.msk [tilespmem:v8+s24+$0x0], $0xffff  }
0x15c: {  	v16 =	vld.idx.msk [tilespmem:v9+s24+$0x0], $0xffff;
	[tilespmem:s23], [sflag:$0x1] =	stream.linear.gather [hbm4b:s7+s2], $0x800, $0x38  }
0x15d: {  	_ =	swait.ge [sflag:s3], $0x800  }
0x15e: {  	[sflag:s3] =	ssyncset.done $0x0  }
0x15f: {  	[sflag:s3] =	ssyncadd.s32 $0xFFFFF800  }
0x160: {  	v36 =	vld [tilespmem:$0x11100];
	_ =	sdelay $0x4  }
0x161: {  	(xrf0) =	vmax.scan.msk.f32 $0xffff, v36;
	_ =	sdelay $0x5  }
0x162: {  	v37, _, _ =	vpop (xrf0)  }
0x163: {  	v21 =	vbroadcast v37, $0xF;
	_ =	sdelay $0x1  }
0x164: {  	v20 =	vsub.f32 v36, v21;
	_ =	sdelay $0x1  }
0x165: {  	v20 =	vmul.f32 $1.442695020e+00, v20;
	_ =	sdelay $0x1  }
0x166: {  	(erf) = vpow2.f32 v20;
	_ =	sdelay $0x5  }
0x167: {  	v38 =	vld [tilespmem:$0x11180];
	_ =	sdelay $0x2  }
0x168: {  	v21 =	vpop (erf)  }
0x169: {  	(xrf2) =	vadd.scan.msk.f32 $0xffff, v21  }
0x16a: {  	(xrf0) =	vmax.scan.msk.f32 $0xffff, v38;
	_ =	sdelay $0x5  }
0x16b: {  	v39, _, _ =	vpop (xrf0)  }
0x16c: {  	v22 =	vbroadcast v39, $0xF;
	_ =	sdelay $0x1  }
0x16d: {  	v20 =	vsub.f32 v38, v22;
	v40, _, _ =	vpop (xrf2)  }
0x16e: {  	v41 =	vbroadcast v40, $0xF  }
0x16f: {  	v20 =	vmul.f32 $1.442695020e+00, v20  }
0x170: {  	(erf) = vrcp.f32 v41  }
0x171: {  	(erf) = vpow2.f32 v20;
	_ =	sdelay $0x5  }
0x172: {  	v42 =	vld [tilespmem:$0x11200];
	_ =	sdelay $0x1  }
0x173: {  	v22 =	vpop (erf)  }
0x174: {  	v23 =	vpop (erf)  }
0x175: {  	(xrf2) =	vadd.scan.msk.f32 $0xffff, v23  }
0x176: {  	(xrf0) =	vmax.scan.msk.f32 $0xffff, v42;
	_ =	sdelay $0x5  }
0x177: {  	v43, _, _ =	vpop (xrf0)  }
0x178: {  	v24 =	vbroadcast v43, $0xF;
	_ =	sdelay $0x1  }
0x179: {  	v20 =	vsub.f32 v42, v24;
	v44, _, _ =	vpop (xrf2)  }
0x17a: {  	v45 =	vbroadcast v44, $0xF  }
0x17b: {  	v20 =	vmul.f32 $1.442695020e+00, v20  }
0x17c: {  	(erf) = vrcp.f32 v45  }
0x17d: {  	(erf) = vpow2.f32 v20;
	_ =	sdelay $0x5  }
0x17e: {  	v46 =	vld [tilespmem:$0x11280];
	_ =	sdelay $0x1  }
0x17f: {  	v24 =	vpop (erf)  }
0x180: {  	v25 =	vpop (erf)  }
0x181: {  	(xrf2) =	vadd.scan.msk.f32 $0xffff, v25  }
0x182: {  	(xrf0) =	vmax.scan.msk.f32 $0xffff, v46;
	_ =	sdelay $0x5  }
0x183: {  	v47, _, _ =	vpop (xrf0)  }
0x184: {  	v26 =	vbroadcast v47, $0xF;
	_ =	sdelay $0x1  }
0x185: {  	v20 =	vsub.f32 v46, v26;
	v48, _, _ =	vpop (xrf2)  }
0x186: {  	v49 =	vbroadcast v48, $0xF  }
0x187: {  	v20 =	vmul.f32 $1.442695020e+00, v20  }
0x188: {  	(erf) = vrcp.f32 v49  }
0x189: {  	(erf) = vpow2.f32 v20;
	_ =	sdelay $0x5  }
0x18a: {  	v50 =	vld [tilespmem:$0x11300];
	_ =	sdelay $0x1  }
0x18b: {  	v26 =	vpop (erf)  }
0x18c: {  	v27 =	vpop (erf)  }
0x18d: {  	(xrf2) =	vadd.scan.msk.f32 $0xffff, v27  }
0x18e: {  	(xrf0) =	vmax.scan.msk.f32 $0xffff, v50;
	_ =	sdelay $0x5  }
0x18f: {  	v51, _, _ =	vpop (xrf0)  }
0x190: {  	v28 =	vbroadcast v51, $0xF;
	_ =	sdelay $0x1  }
0x191: {  	v20 =	vsub.f32 v50, v28;
	v52, _, _ =	vpop (xrf2)  }
0x192: {  	v53 =	vbroadcast v52, $0xF  }
0x193: {  	v20 =	vmul.f32 $1.442695020e+00, v20  }
0x194: {  	(erf) = vrcp.f32 v53  }
0x195: {  	(erf) = vpow2.f32 v20;
	_ =	sdelay $0x5  }
0x196: {  	v54 =	vld [tilespmem:$0x11380];
	_ =	sdelay $0x1  }
0x197: {  	v28 =	vpop (erf)  }
0x198: {  	v55 =	vpop (erf)  }
0x199: {  	(xrf2) =	vadd.scan.msk.f32 $0xffff, v55  }
0x19a: {  	(xrf0) =	vmax.scan.msk.f32 $0xffff, v54;
	_ =	sdelay $0x5  }
0x19b: {  	v56, _, _ =	vpop (xrf0)  }
0x19c: {  	v30 =	vbroadcast v56, $0xF;
	_ =	sdelay $0x1  }
0x19d: {  	v20 =	vsub.f32 v54, v30;
	v57, _, _ =	vpop (xrf2)  }
0x19e: {  	v58 =	vbroadcast v57, $0xF  }
0x19f: {  	v20 =	vmul.f32 $1.442695020e+00, v20  }
0x1a0: {  	(erf) = vrcp.f32 v58  }
0x1a1: {  	(erf) = vpow2.f32 v20;
	_ =	sdelay $0x5  }
0x1a2: {  	v59 =	vld [tilespmem:$0x11400];
	_ =	sdelay $0x1  }
0x1a3: {  	v30 =	vpop (erf)  }
0x1a4: {  	v60 =	vpop (erf)  }
0x1a5: {  	(xrf2) =	vadd.scan.msk.f32 $0xffff, v60  }
0x1a6: {  	(xrf0) =	vmax.scan.msk.f32 $0xffff, v59;
	_ =	sdelay $0x5  }
0x1a7: {  	v61, _, _ =	vpop (xrf0)  }
0x1a8: {  	v32 =	vbroadcast v61, $0xF;
	_ =	sdelay $0x1  }
0x1a9: {  	v20 =	vsub.f32 v59, v32;
	v62, _, _ =	vpop (xrf2)  }
0x1aa: {  	v63 =	vbroadcast v62, $0xF  }
0x1ab: {  	v20 =	vmul.f32 $1.442695020e+00, v20  }
0x1ac: {  	(erf) = vrcp.f32 v63  }
0x1ad: {  	(erf) = vpow2.f32 v20;
	_ =	sdelay $0x5  }
0x1ae: {  	v0 =	vld [tilespmem:$0x11480];
	_ =	sdelay $0x1  }
0x1af: {  	v32 =	vpop (erf)  }
0x1b0: {  	v1 =	vpop (erf)  }
0x1b1: {  	(xrf2) =	vadd.scan.msk.f32 $0xffff, v1  }
0x1b2: {  	(xrf0) =	vmax.scan.msk.f32 $0xffff, v0;
	_ =	sdelay $0x5  }
0x1b3: {  	v2, _, _ =	vpop (xrf0)  }
0x1b4: {  	v34 =	vbroadcast v2, $0xF;
	_ =	sdelay $0x1  }
0x1b5: {  	v20 =	vsub.f32 v0, v34;
	v3, _, _ =	vpop (xrf2)  }
0x1b6: {  	v4 =	vbroadcast v3, $0xF  }
0x1b7: {  	v20 =	vmul.f32 $1.442695020e+00, v20  }
0x1b8: {  	(erf) = vrcp.f32 v4  }
0x1b9: {  	(erf) = vpow2.f32 v20;
	_ =	sdelay $0x5  }
0x1ba: {  	v5 =	vld [tilespmem:$0x11500];
	_ =	sdelay $0x1  }
0x1bb: {  	v34 =	vpop (erf)  }
0x1bc: {  	v6 =	vpop (erf)  }
0x1bd: {  	(xrf2) =	vadd.scan.msk.f32 $0xffff, v6  }
0x1be: {  	(xrf0) =	vmax.scan.msk.f32 $0xffff, v5;
	_ =	sdelay $0x5  }
0x1bf: {  	v40, _, _ =	vpop (xrf0)  }
0x1c0: {  	v36 =	vbroadcast v40, $0xF;
	_ =	sdelay $0x1  }
0x1c1: {  	v20 =	vsub.f32 v5, v36;
	v41, _, _ =	vpop (xrf2)  }
0x1c2: {  	v42 =	vbroadcast v41, $0xF  }
0x1c3: {  	v20 =	vmul.f32 $1.442695020e+00, v20  }
0x1c4: {  	(erf) = vrcp.f32 v42  }
0x1c5: {  	(erf) = vpow2.f32 v20;
	_ =	sdelay $0x5  }
0x1c6: {  	v43 =	vld [tilespmem:$0x11580];
	_ =	sdelay $0x1  }
0x1c7: {  	v36 =	vpop (erf)  }
0x1c8: {  	v44 =	vpop (erf)  }
0x1c9: {  	(xrf2) =	vadd.scan.msk.f32 $0xffff, v44  }
0x1ca: {  	(xrf0) =	vmax.scan.msk.f32 $0xffff, v43;
	_ =	sdelay $0x5  }
0x1cb: {  	v45, _, _ =	vpop (xrf0)  }
0x1cc: {  	v38 =	vbroadcast v45, $0xF;
	_ =	sdelay $0x1  }
0x1cd: {  	v20 =	vsub.f32 v43, v38;
	v46, _, _ =	vpop (xrf2)  }
0x1ce: {  	v47 =	vbroadcast v46, $0xF  }
0x1cf: {  	v20 =	vmul.f32 $1.442695020e+00, v20  }
0x1d0: {  	(erf) = vrcp.f32 v47  }
0x1d1: {  	(erf) = vpow2.f32 v20;
	_ =	sdelay $0x7  }
0x1d2: {  	v48 =	vpop (erf)  }
0x1d3: {  	v38 =	vpop (erf)  }
0x1d4: {  	(xrf2) =	vadd.scan.msk.f32 $0xffff, v38  }
0x1d5: {  	v57 =	vld [tilespmem:$0x11600];
	_ =	sdelay $0x4  }
0x1d6: {  	(xrf0) =	vmax.scan.msk.f32 $0xffff, v57;
	_ =	sdelay $0x2  }
0x1d7: {  	v21 =	vmul.f32 v22, v21  }
0x1d8: {  	v56, _, _ =	vpop (xrf2)  }
0x1d9: {  	[tilespmem:$0x11900] =	vst v21;
	v21 =	vbroadcast v56, $0xF  }
0x1da: {  	v58, _, _ =	vpop (xrf0);
	v20 =	vmul.f32 v48, v44  }
0x1db: {  	(erf) = vrcp.f32 v21;
	v21 =	vbroadcast v58, $0xF;
	_ =	sdelay $0x1  }
0x1dc: {  	[tilespmem:$0x11D00] =	vst v20;
	v20 =	vsub.f32 v57, v21;
	_ =	sdelay $0x1  }
0x1dd: {  	v20 =	vmul.f32 $1.442695020e+00, v20;
	_ =	sdelay $0x1  }
0x1de: {  	v49 =	vmul.f32 v24, v23;
	(erf) = vpow2.f32 v20  }
0x1df: {  	v50 =	vmul.f32 v26, v25  }
0x1e0: {  	[tilespmem:$0x11980] =	vst v49;
	v51 =	vmul.f32 v28, v27  }
0x1e1: {  	[tilespmem:$0x11A00] =	vst v50;
	v52 =	vmul.f32 v30, v55  }
0x1e2: {  	[tilespmem:$0x11A80] =	vst v51;
	v53 =	vmul.f32 v32, v60  }
0x1e3: {  	[tilespmem:$0x11B00] =	vst v52;
	v54 =	vmul.f32 v34, v1  }
0x1e4: {  	v59 =	vld [tilespmem:$0x11680];
	[tilespmem:$0x11B80] =	vst v53;
	v55 =	vmul.f32 v36, v6  }
0x1e5: {  	[tilespmem:$0x11C00] =	vst v54  }
0x1e6: {  	[tilespmem:$0x11C80] =	vst v55;
	v60 =	vpop (erf)  }
0x1e7: {  	v22 =	vpop (erf)  }
0x1e8: {  	(xrf2) =	vadd.scan.msk.f32 $0xffff, v22  }
0x1e9: {  	(xrf0) =	vmax.scan.msk.f32 $0xffff, v59;
	_ =	sdelay $0x5  }
0x1ea: {  	v61, _, _ =	vpop (xrf0)  }
0x1eb: {  	v23 =	vbroadcast v61, $0xF;
	_ =	sdelay $0x1  }
0x1ec: {  	v20 =	vsub.f32 v59, v23;
	v62, _, _ =	vpop (xrf2)  }
0x1ed: {  	v63 =	vbroadcast v62, $0xF  }
0x1ee: {  	v20 =	vmul.f32 $1.442695020e+00, v20  }
0x1ef: {  	(erf) = vrcp.f32 v63  }
0x1f0: {  	(erf) = vpow2.f32 v20;
	_ =	sdelay $0x5  }
0x1f1: {  	v0 =	vld [tilespmem:$0x11700];
	_ =	sdelay $0x1  }
0x1f2: {  	v23 =	vpop (erf)  }
0x1f3: {  	v1 =	vpop (erf)  }
0x1f4: {  	(xrf2) =	vadd.scan.msk.f32 $0xffff, v1  }
0x1f5: {  	(xrf0) =	vmax.scan.msk.f32 $0xffff, v0;
	_ =	sdelay $0x5  }
0x1f6: {  	v2, _, _ =	vpop (xrf0)  }
0x1f7: {  	v25 =	vbroadcast v2, $0xF;
	_ =	sdelay $0x1  }
0x1f8: {  	v20 =	vsub.f32 v0, v25;
	v3, _, _ =	vpop (xrf2)  }
0x1f9: {  	v4 =	vbroadcast v3, $0xF  }
0x1fa: {  	v20 =	vmul.f32 $1.442695020e+00, v20  }
0x1fb: {  	(erf) = vrcp.f32 v4  }
0x1fc: {  	(erf) = vpow2.f32 v20;
	_ =	sdelay $0x5  }
0x1fd: {  	v5 =	vld [tilespmem:$0x11780];
	_ =	sdelay $0x1  }
0x1fe: {  	v25 =	vpop (erf)  }
0x1ff: {  	v6 =	vpop (erf)  }
0x200: {  	(xrf2) =	vadd.scan.msk.f32 $0xffff, v6  }
0x201: {  	(xrf0) =	vmax.scan.msk.f32 $0xffff, v5;
	_ =	sdelay $0x5  }
0x202: {  	v34, _, _ =	vpop (xrf0)  }
0x203: {  	v27 =	vbroadcast v34, $0xF;
	_ =	sdelay $0x1  }
0x204: {  	v20 =	vsub.f32 v5, v27;
	v35, _, _ =	vpop (xrf2)  }
0x205: {  	v36 =	vbroadcast v35, $0xF  }
0x206: {  	v20 =	vmul.f32 $1.442695020e+00, v20  }
0x207: {  	(erf) = vrcp.f32 v36  }
0x208: {  	(erf) = vpow2.f32 v20;
	_ =	sdelay $0x5  }
0x209: {  	v37 =	vld [tilespmem:$0x11800];
	_ =	sdelay $0x1  }
0x20a: {  	v27 =	vpop (erf)  }
0x20b: {  	v39 =	vpop (erf)  }
0x20c: {  	(xrf2) =	vadd.scan.msk.f32 $0xffff, v39  }
0x20d: {  	(xrf0) =	vmax.scan.msk.f32 $0xffff, v37;
	_ =	sdelay $0x5  }
0x20e: {  	v40, _, _ =	vpop (xrf0)  }
0x20f: {  	v29 =	vbroadcast v40, $0xF;
	_ =	sdelay $0x1  }
0x210: {  	v20 =	vsub.f32 v37, v29;
	v41, _, _ =	vpop (xrf2)  }
0x211: {  	v42 =	vbroadcast v41, $0xF  }
0x212: {  	v20 =	vmul.f32 $1.442695020e+00, v20  }
0x213: {  	(erf) = vrcp.f32 v42  }
0x214: {  	(erf) = vpow2.f32 v20;
	_ =	sdelay $0x5  }
0x215: {  	v43 =	vld [tilespmem:$0x11880];
	_ =	sdelay $0x1  }
0x216: {  	v29 =	vpop (erf)  }
0x217: {  	v44 =	vpop (erf)  }
0x218: {  	(xrf2) =	vadd.scan.msk.f32 $0xffff, v44  }
0x219: {  	(xrf0) =	vmax.scan.msk.f32 $0xffff, v43;
	_ =	sdelay $0x5  }
0x21a: {  	v45, _, _ =	vpop (xrf0)  }
0x21b: {  	v31 =	vbroadcast v45, $0xF;
	_ =	sdelay $0x1  }
0x21c: {  	v20 =	vsub.f32 v43, v31;
	v46, _, _ =	vpop (xrf2)  }
0x21d: {  	v47 =	vbroadcast v46, $0xF  }
0x21e: {  	v20 =	vmul.f32 $1.442695020e+00, v20  }
0x21f: {  	(erf) = vrcp.f32 v47  }
0x220: {  	(erf) = vpow2.f32 v20;
	_ =	sdelay $0x7  }
0x221: {  	v48 =	vpop (erf)  }
0x222: {  	v49 =	vpop (erf)  }
0x223: {  	(xrf2) =	vadd.scan.msk.f32 $0xffff, v49;
	_ =	sdelay $0x9  }
0x224: {  	v50, _, _ =	vpop (xrf2)  }
0x225: {  	v32 =	vbroadcast v50, $0xF;
	_ =	sdelay $0x1  }
0x226: {  	(erf) = vrcp.f32 v32;
	_ =	sdelay $0x3  }
0x227: {  	v21 =	vmul.f32 v60, v38  }
0x228: {  	v24 =	vld [tilespmem:$0x10980];
	v22 =	vmul.f32 v23, v22  }
0x229: {  	[tilespmem:$0x11D80] =	vst v21;
	v21 =	vld [tilespmem:$0x10C80];
	v51 =	vmul.f32 v25, v1  }
0x22a: {  	v28 =	vld [tilespmem:$0x10900];
	[tilespmem:$0x11E00] =	vst v22;
	v52 =	vmul.f32 v27, v6  }
0x22b: {  	v26 =	vld [tilespmem:$0x10C00];
	[tilespmem:$0x11E80] =	vst v51;
	v53 =	vmul.f32 v29, v39  }
0x22c: {  	v22 =	vld [tilespmem:$0x10B80];
	[tilespmem:$0x11F00] =	vst v52;
	v20 =	vmul.f32 v48, v44;
	v54 =	vpop (erf)  }
0x22d: {  	v25 =	vld [tilespmem:$0x10A80];
	[tilespmem:$0x11F80] =	vst v53;
	v55 =	vmul.f32 v54, v49  }
0x22e: {  	v27 =	vld [tilespmem:$0x10B00];
	[tilespmem:$0x12000] =	vst v20  }
0x22f: {  	v29 =	vld [tilespmem:$0x10A00];
	[tilespmem:$0x12080] =	vst v55  }
0x230: {  	s25 =	sadd.s32 $0x10000, s4;
	v23 =	vld.idx.msk [tilespmem:v8+s24+$0x0], $0xffff  }
0x231: {  	v20 =	vld.idx.msk [tilespmem:v9+s24+$0x0], $0xffff;
	[tilespmem:s23], [sflag:$0x1] =	stream.linear.gather [hbm4b:s25+s2], $0x800, $0x38  }
0x232: {  	_ =	swait.ge [sflag:s3], $0x800  }
0x233: {  	[sflag:s3] =	ssyncset.done $0x0  }
0x234: {  	[sflag:s3] =	ssyncadd.s32 $0xFFFFF800  }
0x235: {  	v56 =	vld [tilespmem:$0x11100];
	_ =	sdelay $0x4  }
0x236: {  	(xrf0) =	vmax.scan.msk.f32 $0xffff, v56;
	_ =	sdelay $0x5  }
0x237: {  	v57, _, _ =	vpop (xrf0)  }
0x238: {  	v31 =	vbroadcast v57, $0xF;
	_ =	sdelay $0x1  }
0x239: {  	v30 =	vsub.f32 v56, v31;
	_ =	sdelay $0x1  }
0x23a: {  	v30 =	vmul.f32 $1.442695020e+00, v30;
	_ =	sdelay $0x1  }
0x23b: {  	(erf) = vpow2.f32 v30;
	_ =	sdelay $0x5  }
0x23c: {  	v58 =	vld [tilespmem:$0x11180];
	_ =	sdelay $0x2  }
0x23d: {  	v30 =	vpop (erf)  }
0x23e: {  	(xrf2) =	vadd.scan.msk.f32 $0xffff, v30  }
0x23f: {  	(xrf0) =	vmax.scan.msk.f32 $0xffff, v58;
	_ =	sdelay $0x5  }
0x240: {  	v59, _, _ =	vpop (xrf0)  }
0x241: {  	v32 =	vbroadcast v59, $0xF;
	_ =	sdelay $0x1  }
0x242: {  	v31 =	vsub.f32 v58, v32;
	v60, _, _ =	vpop (xrf2)  }
0x243: {  	v61 =	vbroadcast v60, $0xF  }
0x244: {  	v31 =	vmul.f32 $1.442695020e+00, v31  }
0x245: {  	(erf) = vrcp.f32 v61  }
0x246: {  	(erf) = vpow2.f32 v31;
	_ =	sdelay $0x5  }
0x247: {  	v62 =	vld [tilespmem:$0x11200];
	_ =	sdelay $0x1  }
0x248: {  	v31 =	vpop (erf)  }
0x249: {  	v32 =	vpop (erf)  }
0x24a: {  	(xrf2) =	vadd.scan.msk.f32 $0xffff, v32  }
0x24b: {  	(xrf0) =	vmax.scan.msk.f32 $0xffff, v62;
	_ =	sdelay $0x5  }
0x24c: {  	v63, _, _ =	vpop (xrf0)  }
0x24d: {  	v34 =	vbroadcast v63, $0xF;
	_ =	sdelay $0x1  }
0x24e: {  	v33 =	vsub.f32 v62, v34;
	v0, _, _ =	vpop (xrf2)  }
0x24f: {  	v1 =	vbroadcast v0, $0xF  }
0x250: {  	v33 =	vmul.f32 $1.442695020e+00, v33  }
0x251: {  	(erf) = vrcp.f32 v1  }
0x252: {  	(erf) = vpow2.f32 v33;
	_ =	sdelay $0x5  }
0x253: {  	v2 =	vld [tilespmem:$0x11280];
	_ =	sdelay $0x1  }
0x254: {  	v34 =	vpop (erf)  }
0x255: {  	v33 =	vpop (erf)  }
0x256: {  	(xrf2) =	vadd.scan.msk.f32 $0xffff, v33  }
0x257: {  	(xrf0) =	vmax.scan.msk.f32 $0xffff, v2;
	_ =	sdelay $0x5  }
0x258: {  	v3, _, _ =	vpop (xrf0)  }
0x259: {  	v36 =	vbroadcast v3, $0xF;
	_ =	sdelay $0x1  }
0x25a: {  	v35 =	vsub.f32 v2, v36;
	v4, _, _ =	vpop (xrf2)  }
0x25b: {  	v5 =	vbroadcast v4, $0xF  }
0x25c: {  	v35 =	vmul.f32 $1.442695020e+00, v35  }
0x25d: {  	(erf) = vrcp.f32 v5  }
0x25e: {  	(erf) = vpow2.f32 v35;
	_ =	sdelay $0x5  }
0x25f: {  	v6 =	vld [tilespmem:$0x11300];
	_ =	sdelay $0x1  }
0x260: {  	v36 =	vpop (erf)  }
0x261: {  	v35 =	vpop (erf)  }
0x262: {  	(xrf2) =	vadd.scan.msk.f32 $0xffff, v35  }
0x263: {  	(xrf0) =	vmax.scan.msk.f32 $0xffff, v6;
	_ =	sdelay $0x5  }
0x264: {  	v41, _, _ =	vpop (xrf0)  }
0x265: {  	v38 =	vbroadcast v41, $0xF;
	_ =	sdelay $0x1  }
0x266: {  	v37 =	vsub.f32 v6, v38;
	v42, _, _ =	vpop (xrf2)  }
0x267: {  	v43 =	vbroadcast v42, $0xF  }
0x268: {  	v37 =	vmul.f32 $1.442695020e+00, v37  }
0x269: {  	(erf) = vrcp.f32 v43  }
0x26a: {  	(erf) = vpow2.f32 v37;
	_ =	sdelay $0x5  }
0x26b: {  	v44 =	vld [tilespmem:$0x11380];
	_ =	sdelay $0x1  }
0x26c: {  	v38 =	vpop (erf)  }
0x26d: {  	v37 =	vpop (erf)  }
0x26e: {  	(xrf2) =	vadd.scan.msk.f32 $0xffff, v37  }
0x26f: {  	(xrf0) =	vmax.scan.msk.f32 $0xffff, v44;
	_ =	sdelay $0x5  }
0x270: {  	v40, _, _ =	vpop (xrf0)  }
0x271: {  	v40 =	vbroadcast v40, $0xF;
	_ =	sdelay $0x1  }
0x272: {  	v39 =	vsub.f32 v44, v40;
	v41, _, _ =	vpop (xrf2)  }
0x273: {  	v45 =	vbroadcast v41, $0xF  }
0x274: {  	v39 =	vmul.f32 $1.442695020e+00, v39  }
0x275: {  	(erf) = vrcp.f32 v45  }
0x276: {  	(erf) = vpow2.f32 v39;
	_ =	sdelay $0x5  }
0x277: {  	v46 =	vld [tilespmem:$0x11400];
	_ =	sdelay $0x1  }
0x278: {  	v40 =	vpop (erf)  }
0x279: {  	v39 =	vpop (erf)  }
0x27a: {  	(xrf2) =	vadd.scan.msk.f32 $0xffff, v39  }
0x27b: {  	(xrf0) =	vmax.scan.msk.f32 $0xffff, v46;
	_ =	sdelay $0x5  }
0x27c: {  	v42, _, _ =	vpop (xrf0)  }
0x27d: {  	v42 =	vbroadcast v42, $0xF;
	_ =	sdelay $0x1  }
0x27e: {  	v41 =	vsub.f32 v46, v42;
	v43, _, _ =	vpop (xrf2)  }
0x27f: {  	v47 =	vbroadcast v43, $0xF  }
0x280: {  	v41 =	vmul.f32 $1.442695020e+00, v41  }
0x281: {  	(erf) = vrcp.f32 v47  }
0x282: {  	(erf) = vpow2.f32 v41;
	_ =	sdelay $0x5  }
0x283: {  	v48 =	vld [tilespmem:$0x11480];
	_ =	sdelay $0x1  }
0x284: {  	v42 =	vpop (erf)  }
0x285: {  	v41 =	vpop (erf)  }
0x286: {  	(xrf2) =	vadd.scan.msk.f32 $0xffff, v41  }
0x287: {  	(xrf0) =	vmax.scan.msk.f32 $0xffff, v48;
	_ =	sdelay $0x5  }
0x288: {  	v44, _, _ =	vpop (xrf0)  }
0x289: {  	v44 =	vbroadcast v44, $0xF;
	_ =	sdelay $0x1  }
0x28a: {  	v43 =	vsub.f32 v48, v44;
	v45, _, _ =	vpop (xrf2)  }
0x28b: {  	v49 =	vbroadcast v45, $0xF  }
0x28c: {  	v43 =	vmul.f32 $1.442695020e+00, v43  }
0x28d: {  	(erf) = vrcp.f32 v49  }
0x28e: {  	(erf) = vpow2.f32 v43;
	_ =	sdelay $0x5  }
0x28f: {  	v50 =	vld [tilespmem:$0x11500];
	_ =	sdelay $0x1  }
0x290: {  	v44 =	vpop (erf)  }
0x291: {  	v45 =	vpop (erf)  }
0x292: {  	(xrf2) =	vadd.scan.msk.f32 $0xffff, v45  }
0x293: {  	(xrf0) =	vmax.scan.msk.f32 $0xffff, v50;
	_ =	sdelay $0x5  }
0x294: {  	v46, _, _ =	vpop (xrf0)  }
0x295: {  	v46 =	vbroadcast v46, $0xF;
	_ =	sdelay $0x1  }
0x296: {  	v43 =	vsub.f32 v50, v46;
	v47, _, _ =	vpop (xrf2)  }
0x297: {  	v51 =	vbroadcast v47, $0xF  }
0x298: {  	v43 =	vmul.f32 $1.442695020e+00, v43  }
0x299: {  	(erf) = vrcp.f32 v51  }
0x29a: {  	(erf) = vpow2.f32 v43;
	_ =	sdelay $0x5  }
0x29b: {  	v52 =	vld [tilespmem:$0x11580];
	_ =	sdelay $0x1  }
0x29c: {  	v46 =	vpop (erf)  }
0x29d: {  	v47 =	vpop (erf)  }
0x29e: {  	(xrf2) =	vadd.scan.msk.f32 $0xffff, v47  }
0x29f: {  	(xrf0) =	vmax.scan.msk.f32 $0xffff, v52;
	_ =	sdelay $0x5  }
0x2a0: {  	v48, _, _ =	vpop (xrf0)  }
0x2a1: {  	v48 =	vbroadcast v48, $0xF;
	_ =	sdelay $0x1  }
0x2a2: {  	v43 =	vsub.f32 v52, v48;
	v49, _, _ =	vpop (xrf2)  }
0x2a3: {  	v53 =	vbroadcast v49, $0xF  }
0x2a4: {  	v43 =	vmul.f32 $1.442695020e+00, v43  }
0x2a5: {  	(erf) = vrcp.f32 v53  }
0x2a6: {  	(erf) = vpow2.f32 v43;
	_ =	sdelay $0x5  }
0x2a7: {  	v54 =	vld [tilespmem:$0x11600];
	_ =	sdelay $0x1  }
0x2a8: {  	v48 =	vpop (erf)  }
0x2a9: {  	v49 =	vpop (erf)  }
0x2aa: {  	(xrf2) =	vadd.scan.msk.f32 $0xffff, v49  }
0x2ab: {  	(xrf0) =	vmax.scan.msk.f32 $0xffff, v54;
	_ =	sdelay $0x5  }
0x2ac: {  	v50, _, _ =	vpop (xrf0)  }
0x2ad: {  	v50 =	vbroadcast v50, $0xF;
	_ =	sdelay $0x1  }
0x2ae: {  	v43 =	vsub.f32 v54, v50;
	v51, _, _ =	vpop (xrf2)  }
0x2af: {  	v55 =	vbroadcast v51, $0xF  }
0x2b0: {  	v43 =	vmul.f32 $1.442695020e+00, v43  }
0x2b1: {  	(erf) = vrcp.f32 v55  }
0x2b2: {  	(erf) = vpow2.f32 v43;
	_ =	sdelay $0x5  }
0x2b3: {  	v56 =	vld [tilespmem:$0x11680];
	_ =	sdelay $0x1  }
0x2b4: {  	v50 =	vpop (erf)  }
0x2b5: {  	v51 =	vpop (erf)  }
0x2b6: {  	(xrf2) =	vadd.scan.msk.f32 $0xffff, v51  }
0x2b7: {  	(xrf0) =	vmax.scan.msk.f32 $0xffff, v56;
	_ =	sdelay $0x5  }
0x2b8: {  	v52, _, _ =	vpop (xrf0)  }
0x2b9: {  	v52 =	vbroadcast v52, $0xF;
	_ =	sdelay $0x1  }
0x2ba: {  	v43 =	vsub.f32 v56, v52;
	v53, _, _ =	vpop (xrf2)  }
0x2bb: {  	v57 =	vbroadcast v53, $0xF  }
0x2bc: {  	v43 =	vmul.f32 $1.442695020e+00, v43  }
0x2bd: {  	(erf) = vrcp.f32 v57  }
0x2be: {  	(erf) = vpow2.f32 v43;
	_ =	sdelay $0x5  }
0x2bf: {  	v58 =	vld [tilespmem:$0x11700];
	_ =	sdelay $0x1  }
0x2c0: {  	v52 =	vpop (erf)  }
0x2c1: {  	v53 =	vpop (erf)  }
0x2c2: {  	(xrf2) =	vadd.scan.msk.f32 $0xffff, v53  }
0x2c3: {  	(xrf0) =	vmax.scan.msk.f32 $0xffff, v58;
	_ =	sdelay $0x5  }
0x2c4: {  	v54, _, _ =	vpop (xrf0)  }
0x2c5: {  	v54 =	vbroadcast v54, $0xF;
	_ =	sdelay $0x1  }
0x2c6: {  	v43 =	vsub.f32 v58, v54;
	v55, _, _ =	vpop (xrf2)  }
0x2c7: {  	v59 =	vbroadcast v55, $0xF  }
0x2c8: {  	v43 =	vmul.f32 $1.442695020e+00, v43  }
0x2c9: {  	(erf) = vrcp.f32 v59  }
0x2ca: {  	(erf) = vpow2.f32 v43;
	_ =	sdelay $0x5  }
0x2cb: {  	v60 =	vld [tilespmem:$0x11780];
	_ =	sdelay $0x1  }
0x2cc: {  	v54 =	vpop (erf)  }
0x2cd: {  	v55 =	vpop (erf)  }
0x2ce: {  	(xrf2) =	vadd.scan.msk.f32 $0xffff, v55  }
0x2cf: {  	(xrf0) =	vmax.scan.msk.f32 $0xffff, v60;
	_ =	sdelay $0x5  }
0x2d0: {  	v56, _, _ =	vpop (xrf0)  }
0x2d1: {  	v56 =	vbroadcast v56, $0xF;
	_ =	sdelay $0x1  }
0x2d2: {  	v43 =	vsub.f32 v60, v56;
	v57, _, _ =	vpop (xrf2)  }
0x2d3: {  	v61 =	vbroadcast v57, $0xF  }
0x2d4: {  	v43 =	vmul.f32 $1.442695020e+00, v43  }
0x2d5: {  	(erf) = vrcp.f32 v61  }
0x2d6: {  	(erf) = vpow2.f32 v43;
	_ =	sdelay $0x5  }
0x2d7: {  	v62 =	vld [tilespmem:$0x11800];
	_ =	sdelay $0x1  }
0x2d8: {  	v56 =	vpop (erf)  }
0x2d9: {  	v57 =	vpop (erf)  }
0x2da: {  	(xrf2) =	vadd.scan.msk.f32 $0xffff, v57  }
0x2db: {  	(xrf0) =	vmax.scan.msk.f32 $0xffff, v62;
	_ =	sdelay $0x5  }
0x2dc: {  	v58, _, _ =	vpop (xrf0)  }
0x2dd: {  	v58 =	vbroadcast v58, $0xF;
	_ =	sdelay $0x1  }
0x2de: {  	v43 =	vsub.f32 v62, v58;
	v59, _, _ =	vpop (xrf2)  }
0x2df: {  	v63 =	vbroadcast v59, $0xF  }
0x2e0: {  	v43 =	vmul.f32 $1.442695020e+00, v43  }
0x2e1: {  	(erf) = vrcp.f32 v63  }
0x2e2: {  	(erf) = vpow2.f32 v43;
	_ =	sdelay $0x5  }
0x2e3: {  	v0 =	vld [tilespmem:$0x11880];
	_ =	sdelay $0x1  }
0x2e4: {  	v58 =	vpop (erf)  }
0x2e5: {  	v1 =	vpop (erf)  }
0x2e6: {  	(xrf2) =	vadd.scan.msk.f32 $0xffff, v1  }
0x2e7: {  	(xrf0) =	vmax.scan.msk.f32 $0xffff, v0;
	_ =	sdelay $0x5  }
0x2e8: {  	v60, _, _ =	vpop (xrf0)  }
0x2e9: {  	v60 =	vbroadcast v60, $0xF;
	_ =	sdelay $0x1  }
0x2ea: {  	v43 =	vsub.f32 v0, v60;
	v61, _, _ =	vpop (xrf2)  }
0x2eb: {  	v2 =	vbroadcast v61, $0xF  }
0x2ec: {  	v43 =	vmul.f32 $1.442695020e+00, v43  }
0x2ed: {  	(erf) = vrcp.f32 v2  }
0x2ee: {  	(erf) = vpow2.f32 v43;
	_ =	sdelay $0x7  }
0x2ef: {  	v3 =	vpop (erf)  }
0x2f0: {  	v4 =	vpop (erf)  }
0x2f1: {  	(xrf2) =	vadd.scan.msk.f32 $0xffff, v4;
	_ =	sdelay $0x7  }
0x2f2: {  	v30 =	vmul.f32 v31, v30  }
0x2f3: {  	v5 =	vmul.f32 v34, v32  }
0x2f4: {  	[tilespmem:$0x11900] =	vst v30;
	v6 =	vmul.f32 v36, v33;
	v36, _, _ =	vpop (xrf2)  }
0x2f5: {  	[tilespmem:$0x11980] =	vst v5;
	v38 =	vmul.f32 v38, v35;
	v32 =	vbroadcast v36, $0xF  }
0x2f6: {  	[tilespmem:$0x11A00] =	vst v6;
	v40 =	vmul.f32 v40, v37  }
0x2f7: {  	[tilespmem:$0x11A80] =	vst v38;
	v42 =	vmul.f32 v42, v39;
	(erf) = vrcp.f32 v32  }
0x2f8: {  	[tilespmem:$0x11B00] =	vst v40;
	v44 =	vmul.f32 v44, v41  }
0x2f9: {  	[tilespmem:$0x11B80] =	vst v42;
	v46 =	vmul.f32 v46, v45  }
0x2fa: {  	[tilespmem:$0x11C00] =	vst v44;
	v48 =	vmul.f32 v48, v47  }
0x2fb: {  	[tilespmem:$0x11C80] =	vst v46;
	v49 =	vmul.f32 v50, v49  }
0x2fc: {  	v31 =	vld [tilespmem:$0x10F80];
	[tilespmem:$0x11D00] =	vst v48;
	v50 =	vmul.f32 v52, v51  }
0x2fd: {  	v30 =	vld [tilespmem:$0x11080];
	[tilespmem:$0x11D80] =	vst v49;
	v51 =	vmul.f32 v54, v53  }
0x2fe: {  	v33 =	vld [tilespmem:$0x10E80];
	[tilespmem:$0x11E00] =	vst v50;
	v52 =	vmul.f32 v56, v55  }
0x2ff: {  	v38 =	vld [tilespmem:$0x10D00];
	[tilespmem:$0x11E80] =	vst v51;
	v53 =	vmul.f32 v58, v57  }
0x300: {  	v37 =	vld [tilespmem:$0x10F00];
	[tilespmem:$0x11F00] =	vst v52;
	v54 =	vmul.f32 v3, v1;
	v32 =	vpop (erf)  }
0x301: {  	v39 =	vld [tilespmem:$0x10E00];
	[tilespmem:$0x11F80] =	vst v53;
	v55 =	vmul.f32 v32, v4  }
0x302: {  	[tilespmem:$0x12000] =	vst v54;
	v36 =	vld [tilespmem:$0x11000]  }
0x303: {  	v32 =	vld [tilespmem:$0x10D80];
	[tilespmem:$0x12080] =	vst v55  }
0x304: {  	s26 =	sadd.s32 $0x18000, s4;
	v35 =	vld.idx.msk [tilespmem:v8+s24+$0x0], $0xffff  }
0x305: {  	v34 =	vld.idx.msk [tilespmem:v9+s24+$0x0], $0xffff;
	[tilespmem:s23], [sflag:$0x1] =	stream.linear.gather [hbm4b:s26+s2], $0x800, $0x38  }
0x306: {  	_ =	swait.ge [sflag:s3], $0x800  }
0x307: {  	[sflag:s3] =	ssyncset.done $0x0  }
0x308: {  	[sflag:s3] =	ssyncadd.s32 $0xFFFFF800  }
0x309: {  	v56 =	vld [tilespmem:$0x11100];
	_ =	sdelay $0x4  }
0x30a: {  	(xrf0) =	vmax.scan.msk.f32 $0xffff, v56;
	_ =	sdelay $0x5  }
0x30b: {  	v57, _, _ =	vpop (xrf0)  }
0x30c: {  	v41 =	vbroadcast v57, $0xF;
	_ =	sdelay $0x1  }
0x30d: {  	v40 =	vsub.f32 v56, v41;
	_ =	sdelay $0x1  }
0x30e: {  	v40 =	vmul.f32 $1.442695020e+00, v40;
	_ =	sdelay $0x1  }
0x30f: {  	(erf) = vpow2.f32 v40;
	_ =	sdelay $0x5  }
0x310: {  	v58 =	vld [tilespmem:$0x11180];
	_ =	sdelay $0x2  }
0x311: {  	v40 =	vpop (erf)  }
0x312: {  	(xrf2) =	vadd.scan.msk.f32 $0xffff, v40  }
0x313: {  	(xrf0) =	vmax.scan.msk.f32 $0xffff, v58;
	_ =	sdelay $0x5  }
0x314: {  	v59, _, _ =	vpop (xrf0)  }
0x315: {  	v42 =	vbroadcast v59, $0xF;
	_ =	sdelay $0x1  }
0x316: {  	v41 =	vsub.f32 v58, v42;
	v60, _, _ =	vpop (xrf2)  }
0x317: {  	v61 =	vbroadcast v60, $0xF  }
0x318: {  	v41 =	vmul.f32 $1.442695020e+00, v41  }
0x319: {  	(erf) = vrcp.f32 v61  }
0x31a: {  	(erf) = vpow2.f32 v41;
	_ =	sdelay $0x5  }
0x31b: {  	v62 =	vld [tilespmem:$0x11200];
	_ =	sdelay $0x1  }
0x31c: {  	v41 =	vpop (erf)  }
0x31d: {  	v42 =	vpop (erf)  }
0x31e: {  	(xrf2) =	vadd.scan.msk.f32 $0xffff, v42  }
0x31f: {  	(xrf0) =	vmax.scan.msk.f32 $0xffff, v62;
	_ =	sdelay $0x5  }
0x320: {  	v63, _, _ =	vpop (xrf0)  }
0x321: {  	v44 =	vbroadcast v63, $0xF;
	_ =	sdelay $0x1  }
0x322: {  	v43 =	vsub.f32 v62, v44;
	v0, _, _ =	vpop (xrf2)  }
0x323: {  	v1 =	vbroadcast v0, $0xF  }
0x324: {  	v43 =	vmul.f32 $1.442695020e+00, v43  }
0x325: {  	(erf) = vrcp.f32 v1  }
0x326: {  	(erf) = vpow2.f32 v43;
	_ =	sdelay $0x5  }
0x327: {  	v2 =	vld [tilespmem:$0x11280];
	_ =	sdelay $0x1  }
0x328: {  	v44 =	vpop (erf)  }
0x329: {  	v43 =	vpop (erf)  }
0x32a: {  	(xrf2) =	vadd.scan.msk.f32 $0xffff, v43  }
0x32b: {  	(xrf0) =	vmax.scan.msk.f32 $0xffff, v2;
	_ =	sdelay $0x5  }
0x32c: {  	v3, _, _ =	vpop (xrf0)  }
0x32d: {  	v46 =	vbroadcast v3, $0xF;
	_ =	sdelay $0x1  }
0x32e: {  	v45 =	vsub.f32 v2, v46;
	v4, _, _ =	vpop (xrf2)  }
0x32f: {  	v5 =	vbroadcast v4, $0xF  }
0x330: {  	v45 =	vmul.f32 $1.442695020e+00, v45  }
0x331: {  	(erf) = vrcp.f32 v5  }
0x332: {  	(erf) = vpow2.f32 v45;
	_ =	sdelay $0x5  }
0x333: {  	v6 =	vld [tilespmem:$0x11300];
	_ =	sdelay $0x1  }
0x334: {  	v46 =	vpop (erf)  }
0x335: {  	v45 =	vpop (erf)  }
0x336: {  	(xrf2) =	vadd.scan.msk.f32 $0xffff, v45  }
0x337: {  	(xrf0) =	vmax.scan.msk.f32 $0xffff, v6;
	_ =	sdelay $0x5  }
0x338: {  	v52, _, _ =	vpop (xrf0)  }
0x339: {  	v48 =	vbroadcast v52, $0xF;
	_ =	sdelay $0x1  }
0x33a: {  	v47 =	vsub.f32 v6, v48;
	v53, _, _ =	vpop (xrf2)  }
0x33b: {  	v54 =	vbroadcast v53, $0xF  }
0x33c: {  	v47 =	vmul.f32 $1.442695020e+00, v47  }
0x33d: {  	(erf) = vrcp.f32 v54  }
0x33e: {  	(erf) = vpow2.f32 v47;
	_ =	sdelay $0x5  }
0x33f: {  	v55 =	vld [tilespmem:$0x11380];
	_ =	sdelay $0x1  }
0x340: {  	v48 =	vpop (erf)  }
0x341: {  	v47 =	vpop (erf)  }
0x342: {  	(xrf2) =	vadd.scan.msk.f32 $0xffff, v47  }
0x343: {  	(xrf0) =	vmax.scan.msk.f32 $0xffff, v55;
	_ =	sdelay $0x5  }
0x344: {  	v56, _, _ =	vpop (xrf0)  }
0x345: {  	v50 =	vbroadcast v56, $0xF;
	_ =	sdelay $0x1  }
0x346: {  	v49 =	vsub.f32 v55, v50;
	v57, _, _ =	vpop (xrf2)  }
0x347: {  	v58 =	vbroadcast v57, $0xF  }
0x348: {  	v49 =	vmul.f32 $1.442695020e+00, v49  }
0x349: {  	(erf) = vrcp.f32 v58  }
0x34a: {  	(erf) = vpow2.f32 v49;
	_ =	sdelay $0x5  }
0x34b: {  	v59 =	vld [tilespmem:$0x11400];
	_ =	sdelay $0x1  }
0x34c: {  	v50 =	vpop (erf)  }
0x34d: {  	v49 =	vpop (erf)  }
0x34e: {  	(xrf2) =	vadd.scan.msk.f32 $0xffff, v49  }
0x34f: {  	(xrf0) =	vmax.scan.msk.f32 $0xffff, v59;
	_ =	sdelay $0x5  }
0x350: {  	v60, _, _ =	vpop (xrf0)  }
0x351: {  	v52 =	vbroadcast v60, $0xF;
	_ =	sdelay $0x1  }
0x352: {  	v51 =	vsub.f32 v59, v52;
	v61, _, _ =	vpop (xrf2)  }
0x353: {  	v62 =	vbroadcast v61, $0xF  }
0x354: {  	v51 =	vmul.f32 $1.442695020e+00, v51  }
0x355: {  	(erf) = vrcp.f32 v62  }
0x356: {  	(erf) = vpow2.f32 v51;
	_ =	sdelay $0x5  }
0x357: {  	v63 =	vld [tilespmem:$0x11480];
	_ =	sdelay $0x1  }
0x358: {  	v52 =	vpop (erf)  }
0x359: {  	v51 =	vpop (erf)  }
0x35a: {  	(xrf2) =	vadd.scan.msk.f32 $0xffff, v51  }
0x35b: {  	(xrf0) =	vmax.scan.msk.f32 $0xffff, v63;
	_ =	sdelay $0x5  }
0x35c: {  	v0, _, _ =	vpop (xrf0)  }
0x35d: {  	v54 =	vbroadcast v0, $0xF;
	_ =	sdelay $0x1  }
0x35e: {  	v53 =	vsub.f32 v63, v54;
	v1, _, _ =	vpop (xrf2)  }
0x35f: {  	v2 =	vbroadcast v1, $0xF  }
0x360: {  	v53 =	vmul.f32 $1.442695020e+00, v53  }
0x361: {  	(erf) = vrcp.f32 v2  }
0x362: {  	(erf) = vpow2.f32 v53;
	_ =	sdelay $0x5  }
0x363: {  	v3 =	vld [tilespmem:$0x11500];
	_ =	sdelay $0x1  }
0x364: {  	v54 =	vpop (erf)  }
0x365: {  	v55 =	vpop (erf)  }
0x366: {  	(xrf2) =	vadd.scan.msk.f32 $0xffff, v55  }
0x367: {  	(xrf0) =	vmax.scan.msk.f32 $0xffff, v3;
	_ =	sdelay $0x5  }
0x368: {  	v4, _, _ =	vpop (xrf0)  }
0x369: {  	v56 =	vbroadcast v4, $0xF;
	_ =	sdelay $0x1  }
0x36a: {  	v53 =	vsub.f32 v3, v56;
	v5, _, _ =	vpop (xrf2)  }
0x36b: {  	v6 =	vbroadcast v5, $0xF  }
0x36c: {  	v53 =	vmul.f32 $1.442695020e+00, v53  }
0x36d: {  	(erf) = vrcp.f32 v6  }
0x36e: {  	(erf) = vpow2.f32 v53;
	_ =	sdelay $0x5  }
0x36f: {  	v60 =	vld [tilespmem:$0x11580];
	_ =	sdelay $0x1  }
0x370: {  	v56 =	vpop (erf)  }
0x371: {  	v57 =	vpop (erf)  }
0x372: {  	(xrf2) =	vadd.scan.msk.f32 $0xffff, v57  }
0x373: {  	(xrf0) =	vmax.scan.msk.f32 $0xffff, v60;
	_ =	sdelay $0x5  }
0x374: {  	v61, _, _ =	vpop (xrf0)  }
0x375: {  	v58 =	vbroadcast v61, $0xF;
	_ =	sdelay $0x1  }
0x376: {  	v53 =	vsub.f32 v60, v58;
	v62, _, _ =	vpop (xrf2)  }
0x377: {  	v63 =	vbroadcast v62, $0xF  }
0x378: {  	v53 =	vmul.f32 $1.442695020e+00, v53  }
0x379: {  	(erf) = vrcp.f32 v63  }
0x37a: {  	(erf) = vpow2.f32 v53;
	_ =	sdelay $0x5  }
0x37b: {  	v0 =	vld [tilespmem:$0x11600];
	_ =	sdelay $0x1  }
0x37c: {  	v58 =	vpop (erf)  }
0x37d: {  	v59 =	vpop (erf)  }
0x37e: {  	(xrf2) =	vadd.scan.msk.f32 $0xffff, v59  }
0x37f: {  	(xrf0) =	vmax.scan.msk.f32 $0xffff, v0;
	_ =	sdelay $0x5  }
0x380: {  	v1, _, _ =	vpop (xrf0)  }
0x381: {  	v60 =	vbroadcast v1, $0xF;
	_ =	sdelay $0x1  }
0x382: {  	v53 =	vsub.f32 v0, v60;
	v2, _, _ =	vpop (xrf2)  }
0x383: {  	v3 =	vbroadcast v2, $0xF  }
0x384: {  	v53 =	vmul.f32 $1.442695020e+00, v53  }
0x385: {  	(erf) = vrcp.f32 v3  }
0x386: {  	(erf) = vpow2.f32 v53;
	_ =	sdelay $0x5  }
0x387: {  	v4 =	vld [tilespmem:$0x11680];
	_ =	sdelay $0x1  }
0x388: {  	v60 =	vpop (erf)  }
0x389: {  	v61 =	vpop (erf)  }
0x38a: {  	(xrf2) =	vadd.scan.msk.f32 $0xffff, v61  }
0x38b: {  	(xrf0) =	vmax.scan.msk.f32 $0xffff, v4;
	_ =	sdelay $0x5  }
0x38c: {  	v62, _, _ =	vpop (xrf0)  }
0x38d: {  	v62 =	vbroadcast v62, $0xF;
	_ =	sdelay $0x1  }
0x38e: {  	v53 =	vsub.f32 v4, v62;
	v63, _, _ =	vpop (xrf2)  }
0x38f: {  	v5 =	vbroadcast v63, $0xF  }
0x390: {  	v53 =	vmul.f32 $1.442695020e+00, v53  }
0x391: {  	(erf) = vrcp.f32 v5  }
0x392: {  	(erf) = vpow2.f32 v53;
	_ =	sdelay $0x5  }
0x393: {  	v6 =	vld [tilespmem:$0x11700];
	_ =	sdelay $0x1  }
0x394: {  	v62 =	vpop (erf)  }
0x395: {  	v63 =	vpop (erf)  }
0x396: {  	(xrf2) =	vadd.scan.msk.f32 $0xffff, v63  }
0x397: {  	(xrf0) =	vmax.scan.msk.f32 $0xffff, v6;
	_ =	sdelay $0x5  }
0x398: {  	v4, _, _ =	vpop (xrf0)  }
0x399: {  	v0 =	vbroadcast v4, $0xF;
	_ =	sdelay $0x1  }
0x39a: {  	v0 =	vsub.f32 v6, v0;
	v5, _, _ =	vpop (xrf2)  }
0x39b: {  	v53 =	vbroadcast v5, $0xF  }
0x39c: {  	v0 =	vmul.f32 $1.442695020e+00, v0  }
0x39d: {  	(erf) = vrcp.f32 v53  }
0x39e: {  	(erf) = vpow2.f32 v0;
	_ =	sdelay $0x5  }
0x39f: {  	v6 =	vld [tilespmem:$0x11780];
	_ =	sdelay $0x1  }
0x3a0: {  	v53 =	vpop (erf)  }
0x3a1: {  	v3 =	vpop (erf)  }
0x3a2: {  	(xrf2) =	vadd.scan.msk.f32 $0xffff, v3  }
0x3a3: {  	(xrf0) =	vmax.scan.msk.f32 $0xffff, v6;
	_ =	sdelay $0x5  }
0x3a4: {  	v2, _, _ =	vpop (xrf0)  }
0x3a5: {  	v2 =	vbroadcast v2, $0xF;
	_ =	sdelay $0x1  }
0x3a6: {  	v0 =	vsub.f32 v6, v2;
	v6, _, _ =	vpop (xrf2)  }
0x3a7: {  	v2 =	vbroadcast v6, $0xF  }
0x3a8: {  	v0 =	vmul.f32 $1.442695020e+00, v0  }
0x3a9: {  	(erf) = vrcp.f32 v2  }
0x3aa: {  	(erf) = vpow2.f32 v0;
	_ =	sdelay $0x5  }
0x3ab: {  	v0 =	vld [tilespmem:$0x11800];
	_ =	sdelay $0x1  }
0x3ac: {  	v5 =	vpop (erf)  }
0x3ad: {  	v2 =	vpop (erf)  }
0x3ae: {  	(xrf2) =	vadd.scan.msk.f32 $0xffff, v2  }
0x3af: {  	(xrf0) =	vmax.scan.msk.f32 $0xffff, v0;
	_ =	sdelay $0x5  }
0x3b0: {  	v4, _, _ =	vpop (xrf0)  }
0x3b1: {  	v4 =	vbroadcast v4, $0xF;
	_ =	sdelay $0x1  }
0x3b2: {  	v0 =	vsub.f32 v0, v4;
	v1, _, _ =	vpop (xrf2)  }
0x3b3: {  	v4 =	vbroadcast v1, $0xF  }
0x3b4: {  	v0 =	vmul.f32 $1.442695020e+00, v0  }
0x3b5: {  	(erf) = vrcp.f32 v4  }
0x3b6: {  	(erf) = vpow2.f32 v0;
	_ =	sdelay $0x3  }
0x3b7: {  	v0 =	vld [tilespmem:$0x11880];
	_ =	sdelay $0x3  }
0x3b8: {  	v4 =	vpop (erf)  }
0x3b9: {  	(xrf0) =	vmax.scan.msk.f32 $0xffff, v0;
	v1 =	vpop (erf)  }
0x3ba: {  	(xrf2) =	vadd.scan.msk.f32 $0xffff, v1;
	_ =	sdelay $0x4  }
0x3bb: {  	v6, _, _ =	vpop (xrf0)  }
0x3bc: {  	v6 =	vbroadcast v6, $0xF;
	_ =	sdelay $0x3  }
0x3bd: {  	v0 =	vsub.f32 v0, v6;
	v6, _, _ =	vpop (xrf2)  }
0x3be: {  	v6 =	vbroadcast v6, $0xF  }
0x3bf: {  	v0 =	vmul.f32 $1.442695020e+00, v0  }
0x3c0: {  	(erf) = vrcp.f32 v6  }
0x3c1: {  	(erf) = vpow2.f32 v0;
	_ =	sdelay $0x7  }
0x3c2: {  	v0 =	vpop (erf)  }
0x3c3: {  	v6 =	vpop (erf)  }
0x3c4: {  	(xrf2) =	vadd.scan.msk.f32 $0xffff, v6;
	_ =	sdelay $0x7  }
0x3c5: {  	v40 =	vmul.f32 v41, v40  }
0x3c6: {  	v41 =	vmul.f32 v44, v42  }
0x3c7: {  	[tilespmem:$0x11900] =	vst v40;
	v40 =	vmul.f32 v46, v43;
	v42, _, _ =	vpop (xrf2)  }
0x3c8: {  	[tilespmem:$0x11980] =	vst v41;
	v46 =	vmul.f32 v48, v45;
	v42 =	vbroadcast v42, $0xF  }
0x3c9: {  	[tilespmem:$0x11A00] =	vst v40;
	v48 =	vmul.f32 v50, v47  }
0x3ca: {  	[tilespmem:$0x11A80] =	vst v46;
	v49 =	vmul.f32 v52, v49;
	(erf) = vrcp.f32 v42  }
0x3cb: {  	[tilespmem:$0x11B00] =	vst v48;
	v50 =	vmul.f32 v54, v51;
	v54 =	vld [tilespmem:$0x1FF90]  }
0x3cc: {  	[tilespmem:$0x11B80] =	vst v49;
	v51 =	vmul.f32 v56, v55;
	v56 =	vld [tilespmem:$0x1FFA0]  }
0x3cd: {  	[tilespmem:$0x11C00] =	vst v50;
	v52 =	vmul.f32 v58, v57;
	v58 =	vld [tilespmem:$0x1FFC0]  }
0x3ce: {  	v40 =	vmax.f32 v17, v19;
	[tilespmem:$0x11C80] =	vst v51;
	v55 =	vmul.f32 v60, v59;
	v59 =	vmul.f32 v62, v61;
	v61 =	vld [tilespmem:$0x1FFE0]  }
0x3cf: {  	v43 =	vmax.f32 v40, v14;
	v57 =	vld [tilespmem:$0x1FFB0];
	[tilespmem:$0x11D00] =	vst v52  }
0x3d0: {  	v45 =	vmax.f32 v43, v12;
	v46 =	vmax.f32 v28, v29;
	v60 =	vld [tilespmem:$0x1FFD0];
	[tilespmem:$0x11D80] =	vst v55;
	v62 =	vmul.f32 v53, v63  }
0x3d1: {  	v47 =	vmul.f32 v23, v45;
	v7 =	vmax.f32 v54, v7;
	[tilespmem:$0x11E00] =	vst v59;
	v63 =	vld [tilespmem:$0x1FFF0];
	v3 =	vmul.f32 v5, v3  }
0x3d2: {  	v48 =	vmax.f32 v24, v25;
	v7 =	vmax.f32 v7, v58;
	[tilespmem:$0x11E80] =	vst v62;
	v2 =	vmul.f32 v4, v2  }
0x3d3: {  	v50 =	vmax.f32 v48, v22;
	v7 =	vmax.f32 v7, v61;
	[tilespmem:$0x11F00] =	vst v3;
	v0 =	vmul.f32 v0, v1;
	v41 =	vpop (erf)  }
0x3d4: {  	v7 =	vmul.f32 v18, v7;
	[tilespmem:$0x11F80] =	vst v2;
	v42 =	vmax.f32 v56, v57;
	v1 =	vmul.f32 v41, v6  }
0x3d5: {  	v55 =	vmax.f32 v38, v39;
	v18 =	vmax.f32 v13, v15;
	[tilespmem:$0x12000] =	vst v0;
	v42 =	vmax.f32 v42, v60  }
0x3d6: {  	v53 =	vadd.f32 $9.999999740e-05, v7;
	v4 =	vmax.f32 v46, v27;
	v42 =	vmax.f32 v42, v63;
	[tilespmem:$0x12080] =	vst v1  }
0x3d7: {  	v51 =	vmax.f32 v4, v26;
	v16 =	vmul.f32 v16, v42;
	v42 =	vmax.f32 v18, v11;
	v52 =	vld.idx.msk [tilespmem:v8+s24+$0x0], $0xffff  }
0x3d8: {  	v2 =	vmax.f32 v50, v21;
	v3 =	vmul.f32 v35, v51;
	v44 =	vmax.f32 v42, v10;
	v54 =	vld.idx.msk [tilespmem:v9+s24+$0x0], $0xffff  }
0x3d9: {  	v2 =	vmul.f32 v34, v2;
	v49 =	vmul.f32 v20, v44;
	v56 =	vadd.f32 $9.999999740e-05, v16  }
0x3da: {  	v57 =	vmax.f32 v32, v33;
	v11 =	vmax.f32 v55, v37;
	v6 =	vadd.f32 v47, v53  }
0x3db: {  	v13 =	vmax.f32 v57, v31;
	v11 =	vmax.f32 v11, v36;
	v12 =	vadd.f32 v49, v56  }
0x3dc: {  	v13 =	vmax.f32 v13, v30;
	v6 =	vadd.f32 v3, v6;
	v4 =	vmul.f32 v52, v11  }
0x3dd: {  	v59 =	vimm.f32 $0.0e+00;
	v58 =	vadd.f32 v2, v12;
	v10 =	vmul.f32 v54, v13  }
0x3de: {  	[tilespmem:$0x12100] =	vst v59;
	v6 =	vadd.f32 v4, v6  }
0x3df: {  	[tilespmem:$0x12180] =	vst v59;
	v11 =	vadd.f32 v10, v58  }
0x3e0: {  	[tilespmem:$0x12200] =	vst v59;
	(erf) = vrcp.f32 v6  }
0x3e1: {  	[tilespmem:$0x12280] =	vst v59;
	(erf) = vrcp.f32 v11  }
0x3e2: {  	[tilespmem:$0x12300] =	vst v59  }
0x3e3: {  	[tilespmem:$0x12380] =	vst v59  }
0x3e4: {  	[tilespmem:$0x12400] =	vst v59  }
0x3e5: {  	[tilespmem:$0x12480] =	vst v59  }
0x3e6: {  	[tilespmem:$0x12500] =	vst v59  }
0x3e7: {  	[tilespmem:$0x12580] =	vst v59  }
0x3e8: {  	[tilespmem:$0x12600] =	vst v59  }
0x3e9: {  	[tilespmem:$0x12680] =	vst v59;
	v6 =	vpop (erf)  }
0x3ea: {  	[tilespmem:$0x12700] =	vst v59;
	v7 =	vmul.f32 v6, v7;
	v11 =	vpop (erf)  }
0x3eb: {  	[tilespmem:$0x12780] =	vst v59;
	v5 =	vmul.f32 v11, v16  }
0x3ec: {  	[tilespmem:$0x12800] =	vst v59;
	v7 =	vmul.f32 $8.000000000e+00, v7  }
0x3ed: {  	s28 =	simm.s32 $0x12100;
	[tilespmem:$0x12880] =	vst v59;
	v5 =	vmul.f32 $8.000000000e+00, v5  }
0x3ee: {  	[tilespmem:v8+s28+$0x0] =	vst.idx.msk $0xffff, v7  }
0x3ef: {  	[tilespmem:v9+s28+$0x0] =	vst.idx.msk $0xffff, v5  }
0x3f0: {  	[hbm4b:s1+s2] =	stream.linear.scatter [tilespmem:s28], [sflag:$0x1], $0x800, $0x38;
	[tilespmem:$0x16920] =	vst v63  }
0x3f1: {  	_ =	swait.ge [sflag:s3], $0x800  }
0x3f2: {  	[sflag:s3] =	ssyncset.done $0x0  }
0x3f3: {  	[sflag:s3] =	ssyncadd.s32 $0xFFFFF800  }
0x3f4: {  	[tilespmem:$0x12100] =	vst v59  }
0x3f5: {  	[tilespmem:$0x12180] =	vst v59  }
0x3f6: {  	[tilespmem:$0x12200] =	vst v59  }
0x3f7: {  	[tilespmem:$0x12280] =	vst v59  }
0x3f8: {  	[tilespmem:$0x12300] =	vst v59  }
0x3f9: {  	[tilespmem:$0x12380] =	vst v59  }
0x3fa: {  	[tilespmem:$0x12400] =	vst v59  }
0x3fb: {  	[tilespmem:$0x12480] =	vst v59  }
0x3fc: {  	[tilespmem:$0x12500] =	vst v59  }
0x3fd: {  	[tilespmem:$0x12580] =	vst v59  }
0x3fe: {  	[tilespmem:$0x12600] =	vst v59  }
0x3ff: {  	[tilespmem:$0x12680] =	vst v59  }
0x400: {  	v0 =	vmul.f32 v6, v47;
	[tilespmem:$0x12700] =	vst v59  }
0x401: {  	v1 =	vmul.f32 v11, v49;
	[tilespmem:$0x12780] =	vst v59  }
0x402: {  	v0 =	vmul.f32 $8.000000000e+00, v0;
	[tilespmem:$0x12800] =	vst v59  }
0x403: {  	v1 =	vmul.f32 $8.000000000e+00, v1;
	[tilespmem:$0x12880] =	vst v59  }
0x404: {  	[tilespmem:v8+s28+$0x0] =	vst.idx.msk $0xffff, v0  }
0x405: {  	s29 =	sadd.s32 $0x8000, s1;
	[tilespmem:v9+s28+$0x0] =	vst.idx.msk $0xffff, v1  }
0x406: {  	[hbm4b:s29+s2] =	stream.linear.scatter [tilespmem:s28], [sflag:$0x1], $0x800, $0x38;
	[tilespmem:$0x16920] =	vst v63  }
0x407: {  	_ =	swait.ge [sflag:s3], $0x800  }
0x408: {  	[sflag:s3] =	ssyncset.done $0x0  }
0x409: {  	[sflag:s3] =	ssyncadd.s32 $0xFFFFF800  }
0x40a: {  	[tilespmem:$0x12100] =	vst v59  }
0x40b: {  	[tilespmem:$0x12180] =	vst v59  }
0x40c: {  	[tilespmem:$0x12200] =	vst v59  }
0x40d: {  	[tilespmem:$0x12280] =	vst v59  }
0x40e: {  	[tilespmem:$0x12300] =	vst v59  }
0x40f: {  	[tilespmem:$0x12380] =	vst v59  }
0x410: {  	[tilespmem:$0x12400] =	vst v59  }
0x411: {  	[tilespmem:$0x12480] =	vst v59  }
0x412: {  	[tilespmem:$0x12500] =	vst v59  }
0x413: {  	[tilespmem:$0x12580] =	vst v59  }
0x414: {  	[tilespmem:$0x12600] =	vst v59  }
0x415: {  	[tilespmem:$0x12680] =	vst v59  }
0x416: {  	v60 =	vmul.f32 v6, v3;
	[tilespmem:$0x12700] =	vst v59  }
0x417: {  	v61 =	vmul.f32 v11, v2;
	[tilespmem:$0x12780] =	vst v59  }
0x418: {  	v0 =	vmul.f32 $8.000000000e+00, v60;
	[tilespmem:$0x12800] =	vst v59  }
0x419: {  	v1 =	vmul.f32 $8.000000000e+00, v61;
	[tilespmem:$0x12880] =	vst v59  }
0x41a: {  	[tilespmem:v8+s28+$0x0] =	vst.idx.msk $0xffff, v0  }
0x41b: {  	s30 =	sadd.s32 $0x10000, s1;
	[tilespmem:v9+s28+$0x0] =	vst.idx.msk $0xffff, v1  }
0x41c: {  	[hbm4b:s30+s2] =	stream.linear.scatter [tilespmem:s28], [sflag:$0x1], $0x800, $0x38;
	[tilespmem:$0x16920] =	vst v63  }
0x41d: {  	_ =	swait.ge [sflag:s3], $0x800  }
0x41e: {  	[sflag:s3] =	ssyncset.done $0x0  }
0x41f: {  	[sflag:s3] =	ssyncadd.s32 $0xFFFFF800  }
0x420: {  	[tilespmem:$0x12100] =	vst v59  }
0x421: {  	[tilespmem:$0x12180] =	vst v59  }
0x422: {  	[tilespmem:$0x12200] =	vst v59  }
0x423: {  	[tilespmem:$0x12280] =	vst v59  }
0x424: {  	[tilespmem:$0x12300] =	vst v59  }
0x425: {  	[tilespmem:$0x12380] =	vst v59  }
0x426: {  	[tilespmem:$0x12400] =	vst v59  }
0x427: {  	[tilespmem:$0x12480] =	vst v59  }
0x428: {  	[tilespmem:$0x12500] =	vst v59  }
0x429: {  	[tilespmem:$0x12580] =	vst v59  }
0x42a: {  	[tilespmem:$0x12600] =	vst v59  }
0x42b: {  	[tilespmem:$0x12680] =	vst v59  }
0x42c: {  	v62 =	vmul.f32 v6, v4;
	[tilespmem:$0x12700] =	vst v59  }
0x42d: {  	v63 =	vmul.f32 v11, v10;
	[tilespmem:$0x12780] =	vst v59  }
0x42e: {  	v0 =	vmul.f32 $8.000000000e+00, v62;
	[tilespmem:$0x12800] =	vst v59  }
0x42f: {  	v1 =	vmul.f32 $8.000000000e+00, v63;
	[tilespmem:$0x12880] =	vst v59  }
0x430: {  	[tilespmem:v8+s28+$0x0] =	vst.idx.msk $0xffff, v0  }
0x431: {  	s31 =	sadd.s32 $0x18000, s1;
	[tilespmem:v9+s28+$0x0] =	vst.idx.msk $0xffff, v1  }
0x432: {  	[hbm4b:s31+s2] =	stream.linear.scatter [tilespmem:s28], [sflag:$0x1], $0x800, $0x38;
	[tilespmem:$0x16920] =	vst v63  }
0x433: {  	_ =	swait.ge [sflag:s3], $0x800  }
0x434: {  	[sflag:s3] =	ssyncset.done $0x0  }
0x435: {  	[sflag:s3] =	ssyncadd.s32 $0xFFFFF800  }
0x436: {  	_ =	sfence.sel $0x180000  }
0x437: {  	[bflag:$0x0] =	sbarrier.arrive $0xFFFF  }
0x438: {  	_ =	strace $0x90000047  }
0x439: {  	s0 =	sadd.s32 $0x100000, s0;
	[bflag:$0x2] =	sbarrier.arrive $0xFFFF  }
0x43a: {  	[sflag:s0] =	ssyncadd.tile.s32 $0x1;
	_ =	shalt  }
.Lfunc_end2:
_tile_overlayer_lowered:
.L_overlay_start_2:
0x43b: {  	(tag) =	ssettag $0x2  }
0x43c: {  	s0 =	rddreg [dreg:$0x0];
	s2 =	stileid.u32  }
0x43d: {  	s1 =	rddreg [dreg:$0x1];
	p0 =	sne.s32 s2, $0x0  }
0x43e: {  	s3 =	rddreg [dreg:$0x2];
	[bflag:$0x3] =	sbarrier.arrive $0xFFFF;
	s2 =	simm.s32 @!p0 $0x1C01  }
0x43f: {  	[timem:s3], [sflag:s2] =	dma.local @!p0 [hbm:s0], s1  }
0x440: {  	s0 =	simm.s32 @!p0 $0x1  }
0x441: {  	_ =	swait.ge @!p0 [sflag:s0], s1  }
0x442: {  	s1 =	ssub.s32 @!p0 $0x0, s1;
	[sflag:s0] =	ssyncset.done @!p0 $0x0  }
0x443: {  	[sflag:s0] =	ssyncadd.s32 @!p0 s1  }
0x444: {  	[bflag:$0x3] =	sbarrier.arrive $0xFFFF  }
0x445: {  	_ =	shalt  }

</sc_bundles>
